<compile_context>
chip_gen: v7x
topology: tpu7x:2x2x1
jax: 0.10.2.dev20260603
libtpu: 0.0.44.dev20260713+nightly
codegen_flags: <defaults>
</compile_context>

<pallas_src>
import functools

import jax
import jax.numpy as jnp
from jax import lax
from jax.experimental import pallas as pl
from jax.experimental.pallas import tpu as pltpu
from jax.experimental.pallas import tpu_sc as plsc

N = 100000
E = 1600000
G = 64

NC = 2
NS = 16
CHUNK = 128
K = -(-E // (NS * CHUNK))
E_PAD = K * NS * CHUNK
KSEG = 2
KS = K // KSEG
HN = N // NC
H = 50048
DUMMY = H - 1
RPT = H // NS
RB = 5000
NB = N // RB
RBH = 2000
NBH = N // RBH
NF = 100096
RPTF = NF // NS
KD = K // NC
NBUF = 5

_MESH = plsc.VectorSubcoreMesh(
    core_axis_name="c", subcore_axis_name="s", num_cores=NC, num_subcores=NS)
_SC_PARAMS = pltpu.CompilerParams(use_tc_tiling_on_sc=False)


def _make_deg_pass():
  @functools.partial(
      pl.kernel,
      out_type=jax.ShapeDtypeStruct((NC, NF), jnp.float32),
      mesh=_MESH,
      compiler_params=_SC_PARAMS,
      scratch_types=[
          pltpu.VMEM((KD, CHUNK), jnp.int32),
          pltpu.VMEM((CHUNK,), jnp.float32),
          pltpu.VMEM_SHARED((NF,), jnp.float32),
          [pltpu.SemaphoreType.DMA] * NBUF,
      ],
  )
  def deg_kernel(dst_hbm, ones_hbm, zeros_hbm, out_hbm,
                 dst_v, ones_v, acc, ssem):
    cid = lax.axis_index("c")
    sid = lax.axis_index("s")
    r0 = sid * RPTF
    pltpu.sync_copy(zeros_hbm, acc.at[pl.ds(r0, RPTF)])
    pltpu.sync_copy(ones_hbm, ones_v)
    pltpu.sync_copy(dst_hbm.at[cid, sid], dst_v)
    plsc.subcore_barrier()

    kd_main = (KD // NBUF) * NBUF

    def body(jj, carry):
      j0 = jj * NBUF
      for b in range(NBUF):
        pltpu.async_copy(ones_v, acc.at[dst_v.at[j0 + b]], ssem[b], add=True)
      for b in range(NBUF):
        pltpu.make_async_copy(
            ones_v, acc.at[dst_v.at[j0 + b]], ssem[b]).wait()
      return carry

    lax.fori_loop(0, kd_main // NBUF, body, 0)
    for j in range(kd_main, KD):
      pltpu.sync_copy(ones_v, acc.at[dst_v.at[j]], add=True)
    plsc.subcore_barrier()
    pltpu.sync_copy(acc.at[pl.ds(r0, RPTF)], out_hbm.at[cid, pl.ds(r0, RPTF)])

  return deg_kernel


def _make_agg_pass(D):
  @functools.partial(
      pl.kernel,
      out_type=jax.ShapeDtypeStruct((NC, H, D), jnp.float32),
      mesh=_MESH,
      compiler_params=_SC_PARAMS,
      scratch_types=[
          pltpu.VMEM((KS, CHUNK), jnp.int32),
          pltpu.VMEM((KS, CHUNK), jnp.int32),
          pltpu.VMEM((NBUF, CHUNK, D), jnp.float32),
          pltpu.VMEM_SHARED((H, D), jnp.float32),
          [pltpu.SemaphoreType.DMA] * NBUF,
          [pltpu.SemaphoreType.DMA] * NBUF,
      ],
  )
  def agg_kernel(g_hbm, src_hbm, dst_hbm, zeros_hbm, out_hbm,
                 src_v, dst_v, rows_v, acc, gsem, ssem):
    cid = lax.axis_index("c")
    sid = lax.axis_index("s")
    r0 = sid * RPT
    pltpu.sync_copy(zeros_hbm, acc.at[pl.ds(r0, RPT), :])
    plsc.subcore_barrier()

    ks_main = (KS // NBUF) * NBUF

    for seg in range(KSEG):
      pltpu.sync_copy(src_hbm.at[sid, pl.ds(seg * KS, KS)], src_v)
      pltpu.sync_copy(dst_hbm.at[cid, sid, pl.ds(seg * KS, KS)], dst_v)

      for b in range(NBUF):
        pltpu.async_copy(g_hbm.at[src_v.at[b]], rows_v.at[b], gsem[b])

      def body(jj, carry):
        j0 = jj * NBUF
        for b in range(NBUF):
          pltpu.make_async_copy(
              g_hbm.at[src_v.at[j0 + b]], rows_v.at[b], gsem[b]).wait()
          pltpu.async_copy(
              rows_v.at[b], acc.at[dst_v.at[j0 + b]], ssem[b], add=True)
        for b in range(NBUF):
          pltpu.make_async_copy(
              rows_v.at[b], acc.at[dst_v.at[j0 + b]], ssem[b]).wait()

          @pl.when(j0 + NBUF + b < KS)
          def _(b=b, j0=j0):
            pltpu.async_copy(
                g_hbm.at[src_v.at[j0 + NBUF + b]], rows_v.at[b], gsem[b])

        return carry

      lax.fori_loop(0, ks_main // NBUF, body, 0)
      for j in range(ks_main, KS):
        b = j - ks_main
        pltpu.make_async_copy(
            g_hbm.at[src_v.at[j]], rows_v.at[b], gsem[b]).wait()
        pltpu.sync_copy(rows_v.at[b], acc.at[dst_v.at[j]], add=True)

    plsc.subcore_barrier()
    pltpu.sync_copy(acc.at[pl.ds(r0, RPT), :],
                    out_hbm.at[cid, pl.ds(r0, RPT), :])

  return agg_kernel


def _tc_scale_kernel(deg0, deg1, x, dinv_o, g1_o):
  dinv = lax.rsqrt(deg0[...] + deg1[...] + 1.0)
  dinv_o[...] = dinv
  g1_o[...] = jnp.concatenate(
      [x[...] * dinv, jnp.zeros((RB, 5), jnp.float32)], axis=1)


def _tc_layer1_kernel(a1, g1, dinv, w1, b1, g2a_o, g2b_o):
  s = (a1[0] + g1[...]) * dinv[...]
  h = jnp.dot(s, w1[...], preferred_element_type=jnp.float32) + b1[...]
  g2 = jnp.maximum(h, 0.0) * dinv[...]
  g2a_o[...] = g2[:, :8]
  g2b_o[...] = g2[:, 8:]


def _tc_head_kernel(a2a, a2b, g2a, g2b, dinv, bat, w2, b2, f1w, f1b, f2w, f2b,
                    out, pool_acc, cnt_acc):
  i = pl.program_id(0)

  @pl.when(i == 0)
  def _():
    pool_acc[...] = jnp.zeros_like(pool_acc)
    cnt_acc[...] = jnp.zeros_like(cnt_acc)

  s = jnp.concatenate(
      [a2a[0] + g2a[...], a2b[0] + g2b[...]], axis=1) * dinv[...]
  h = jnp.maximum(
      jnp.dot(s, w2[...], preferred_element_type=jnp.float32) + b2[...], 0.0)
  gids = lax.broadcasted_iota(jnp.int32, (RBH, G), 1)
  oh = (bat[...] == gids).astype(jnp.float32)
  pool_acc[...] += lax.dot_general(
      oh, h, (((0,), (0,)), ((), ())), preferred_element_type=jnp.float32)
  cnt_acc[...] += lax.dot_general(
      oh, jnp.ones((RBH, 1), jnp.float32), (((0,), (0,)), ((), ())),
      preferred_element_type=jnp.float32)

  @pl.when(i == NBH - 1)
  def _():
    pooled = pool_acc[...] / jnp.maximum(cnt_acc[...], 1.0)
    o = jnp.dot(pooled, f1w[...], preferred_element_type=jnp.float32) + f1b[...]
    o = jnp.dot(o, f2w[...], preferred_element_type=jnp.float32) + f2b[...]
    out[...] = o


_deg_pass = _make_deg_pass()
_agg8_pass = _make_agg_pass(8)


def _row_spec(w):
  return pl.BlockSpec((RB, w), lambda i: (i, 0))


def _hrow_spec(w):
  return pl.BlockSpec((RBH, w), lambda i: (i, 0))


def _full_spec(shape):
  return pl.BlockSpec(shape, lambda i: tuple(0 for _ in shape))


def _agg_spec(rb):
  per = HN // rb
  return pl.BlockSpec((1, rb, 8), lambda i, per=per: (i // per, i % per, 0))


def kernel(x, edge_index, batch, W1, b1, W2, b2, fc1_w, fc1_b, fc2_w, fc2_b):
  src = edge_index[0].astype(jnp.int32)
  dst = edge_index[1].astype(jnp.int32)
  src_r = jnp.pad(src, (0, E_PAD - E)).reshape(NS, K, CHUNK)
  dst_p = jnp.pad(dst, (0, E_PAD - E), constant_values=N)
  dst0 = jnp.where(dst_p < HN, dst_p, DUMMY)
  dst1 = jnp.where((dst_p >= HN) & (dst_p < N), dst_p - HN, DUMMY)
  dst_r = jnp.stack([dst0, dst1]).reshape(NC, NS, K, CHUNK)

  bat_n = batch.astype(jnp.int32).reshape(N, 1)

  dst_full_r = dst_p.reshape(NC, NS, KD, CHUNK)

  ones_c = jnp.ones((CHUNK,), jnp.float32)
  z1 = jnp.zeros((RPTF,), jnp.float32)
  z8 = jnp.zeros((RPT, 8), jnp.float32)

  deg_p = _deg_pass(dst_full_r, ones_c, z1)

  dinv, g1 = pl.pallas_call(
      _tc_scale_kernel,
      grid=(NB,),
      in_specs=[_row_spec(1), _row_spec(1), _row_spec(3)],
      out_specs=[_row_spec(1), _row_spec(8)],
      out_shape=[jax.ShapeDtypeStruct((N, 1), jnp.float32),
                 jax.ShapeDtypeStruct((N, 8), jnp.float32)],
  )(deg_p[0, :N].reshape(N, 1), deg_p[1, :N].reshape(N, 1), x)

  a1 = _agg8_pass(g1, src_r, dst_r, z8)

  w1p = jnp.pad(W1, ((0, 5), (0, 0)))
  g2a, g2b = pl.pallas_call(
      _tc_layer1_kernel,
      grid=(NB,),
      in_specs=[_agg_spec(RB), _row_spec(8), _row_spec(1),
                _full_spec((8, 16)), _full_spec((1, 16))],
      out_specs=[_row_spec(8), _row_spec(8)],
      out_shape=[jax.ShapeDtypeStruct((N, 8), jnp.float32),
                 jax.ShapeDtypeStruct((N, 8), jnp.float32)],
  )(a1, g1, dinv, w1p, b1.reshape(1, 16))

  a2a = _agg8_pass(g2a, src_r, dst_r, z8)
  z8b = z8 + a2a[0, 0, :1] * 0.0
  a2b = _agg8_pass(g2b, src_r, dst_r, z8b)

  out = pl.pallas_call(
      _tc_head_kernel,
      grid=(NBH,),
      in_specs=[_agg_spec(RBH), _agg_spec(RBH), _hrow_spec(8), _hrow_spec(8),
                _hrow_spec(1), _hrow_spec(1),
                _full_spec((16, 64)), _full_spec((1, 64)),
                _full_spec((64, 32)), _full_spec((1, 32)),
                _full_spec((32, 2)), _full_spec((1, 2))],
      out_specs=_full_spec((G, 2)),
      out_shape=jax.ShapeDtypeStruct((G, 2), jnp.float32),
      scratch_shapes=[pltpu.VMEM((G, G), jnp.float32),
                      pltpu.VMEM((G, 1), jnp.float32)],
  )(a2a, a2b, g2a, g2b, dinv, bat_n,
    W2, b2.reshape(1, 64), fc1_w, fc1_b.reshape(1, 32),
    fc2_w, fc2_b.reshape(1, 2))

  return out

# --- scband reference (transcript-rebuilt; emitter-appended) ---
"""Pipeline reference for scband-gcnclassifier-76347338653853 (READ-ONLY COPY).

The authoritative reference and input builder live on the scoring server;
editing this copy changes nothing except your own understanding.
"""

import jax, jax.numpy as jnp
import numpy as np

N = 100000
E = 1600000
G = 64


def setup_inputs(seed: int = 0) -> dict:
    key = jax.random.key(seed)
    ks = jax.random.split(key, 12)
    x = jax.random.normal(ks[0], (N, 3), dtype=jnp.float32)
    edge_index = jax.random.randint(ks[1], (2, E), 0, N, dtype=jnp.int64)
    batch = jnp.sort(jax.random.randint(ks[2], (N,), 0, G, dtype=jnp.int64))
    W1 = jax.random.normal(ks[3], (3, 16), dtype=jnp.float32) * 0.3
    b1 = jnp.zeros((16,), dtype=jnp.float32)
    W2 = jax.random.normal(ks[4], (16, 64), dtype=jnp.float32) * 0.15
    b2 = jnp.zeros((64,), dtype=jnp.float32)
    fc1_w = jax.random.normal(ks[5], (64, 32), dtype=jnp.float32) * 0.1
    fc1_b = jnp.zeros((32,), dtype=jnp.float32)
    fc2_w = jax.random.normal(ks[6], (32, 2), dtype=jnp.float32) * 0.1
    fc2_b = jnp.zeros((2,), dtype=jnp.float32)
    return {"x": x, "edge_index": edge_index, "batch": batch,
            "W1": W1, "b1": b1, "W2": W2, "b2": b2,
            "fc1_w": fc1_w, "fc1_b": fc1_b, "fc2_w": fc2_w, "fc2_b": fc2_b}


def gcn_conv(x, edge_index, W, b, n):
    # PyG-style GCNConv: linear transform, add self-loops, sym-normalized scatter-add
    h = x @ W
    loop = jnp.arange(n, dtype=edge_index.dtype)
    src = jnp.concatenate([edge_index[0], loop])
    dst = jnp.concatenate([edge_index[1], loop])
    deg = jax.ops.segment_sum(jnp.ones_like(dst, dtype=h.dtype), dst, num_segments=n)
    dinv = jax.lax.rsqrt(jnp.clip(deg, 1.0, None))
    norm = dinv[src] * dinv[dst]
    msg = h[src] * norm[:, None]
    out = jax.ops.segment_sum(msg, dst, num_segments=n)
    return out + b


def reference(x, edge_index, batch, W1, b1, W2, b2, fc1_w, fc1_b, fc2_w, fc2_b):
    n = x.shape[0]
    h = jax.nn.relu(gcn_conv(x, edge_index, W1, b1, n))
    h = jax.nn.relu(gcn_conv(h, edge_index, W2, b2, n))
    # global_mean_pool over graphs
    sums = jax.ops.segment_sum(h, batch, num_segments=G)
    cnt = jax.ops.segment_sum(jnp.ones((n,), h.dtype), batch, num_segments=G)
    pooled = sums / jnp.clip(cnt, 1.0, None)[:, None]
    out = pooled @ fc1_w + fc1_b
    out = out @ fc2_w + fc2_b
    return out

if __name__ == "__main__":
    import jax
    _d = setup_inputs()
    print(jax.jit(kernel)(*tuple(_d.values())))

</pallas_src>

<mosaic_0001>
#map = affine_map<(d0, d1) -> (0, 0)>
#map1 = affine_map<(d0, d1) -> (0, 0, 0)>
#map2 = affine_map<(d0, d1) -> (0, 0, 0, 0)>
module attributes {stable_mosaic.version = 14 : i64} {
  func.func @agg_kernel(%arg0: i32, %arg1: i32, %arg2: memref<100000x8xf32, #tpu.memory_space<hbm>>, %arg3: memref<16x782x128xi32, #tpu.memory_space<hbm>>, %arg4: memref<2x16x782x128xi32, #tpu.memory_space<hbm>>, %arg5: memref<3128x8xf32, #tpu.memory_space<hbm>>, %arg6: memref<2x50048x8xf32, #tpu.memory_space<hbm>>, %arg7: memref<391x128xi32, #tpu.memory_space<vmem>>, %arg8: memref<391x128xi32, #tpu.memory_space<vmem>>, %arg9: memref<5x128x8xf32, #tpu.memory_space<vmem>>, %arg10: memref<50048x8xf32, #tpu.memory_space<vmem_shared>>, %arg11: memref<!tpu.dma_semaphore, #tpu.memory_space<semaphore_mem>>, %arg12: memref<!tpu.dma_semaphore, #tpu.memory_space<semaphore_mem>>, %arg13: memref<!tpu.dma_semaphore, #tpu.memory_space<semaphore_mem>>, %arg14: memref<!tpu.dma_semaphore, #tpu.memory_space<semaphore_mem>>, %arg15: memref<!tpu.dma_semaphore, #tpu.memory_space<semaphore_mem>>, %arg16: memref<!tpu.dma_semaphore, #tpu.memory_space<semaphore_mem>>, %arg17: memref<!tpu.dma_semaphore, #tpu.memory_space<semaphore_mem>>, %arg18: memref<!tpu.dma_semaphore, #tpu.memory_space<semaphore_mem>>, %arg19: memref<!tpu.dma_semaphore, #tpu.memory_space<semaphore_mem>>, %arg20: memref<!tpu.dma_semaphore, #tpu.memory_space<semaphore_mem>>) attributes {dimension_semantics = [#tpu.dimension_semantics<core_parallel>, #tpu.dimension_semantics<subcore_parallel>], iteration_bounds = array<i64: 2, 16>, scalar_prefetch = 0 : i64, scratch_operands = 14 : i64, tpu.core_type = #tpu.core_type<sc_vector_subcore>, window_params = [{transform_indices = #map}, {transform_indices = #map1}, {transform_indices = #map2}, {transform_indices = #map}, {transform_indices = #map1}]} {
    %mul3A = arith.constant 3128 : i32
    %mul3A_0 = arith.muli %arg1, %mul3A : i32
    "tpu.region"() ({
      %run_scoped3A_158 = tpu.sem_alloc : memref<!tpu.dma_semaphore, #tpu.memory_space<semaphore_mem>>
      %dma_start3A_159 = arith.constant 0 : i32
      %dma_start3A_160 = tpu.memref_slice %arg10[%mul3A_0, %dma_start3A_159] : memref<50048x8xf32, #tpu.memory_space<vmem_shared>> -> memref<3128x8xf32, #tpu.memory_space<vmem_shared>>
      tpu.enqueue_dma source(%arg5 : memref<3128x8xf32, #tpu.memory_space<hbm>>) target(%dma_start3A_160 : memref<3128x8xf32, #tpu.memory_space<vmem_shared>>) target_semaphore(%run_scoped3A_158 : memref<!tpu.dma_semaphore, #tpu.memory_space<semaphore_mem>>)
      %dma_wait3A_161 = arith.constant 0 : i32
      %dma_wait3A_162 = tpu.memref_slice %arg10[%mul3A_0, %dma_wait3A_161] : memref<50048x8xf32, #tpu.memory_space<vmem_shared>> -> memref<3128x8xf32, #tpu.memory_space<vmem_shared>>
      tpu.wait_dma2 semaphore(%run_scoped3A_158 : memref<!tpu.dma_semaphore, #tpu.memory_space<semaphore_mem>>) src(%arg5 : memref<3128x8xf32, #tpu.memory_space<hbm>>) dst(%dma_wait3A_162 : memref<3128x8xf32, #tpu.memory_space<vmem_shared>>)
      tpu.yield
    }) : () -> ()
    %barrier3A = arith.constant 0 : index
    tpu.barrier barrier_id(%barrier3A)
    "tpu.region"() ({
      %run_scoped3A_158 = tpu.sem_alloc : memref<!tpu.dma_semaphore, #tpu.memory_space<semaphore_mem>>
      %dma_start3A_159 = arith.constant 0 : i32
      %dma_start3A_160 = arith.constant 0 : i32
      %dma_start3A_161 = tpu.memref_slice %arg3[%arg1, %dma_start3A_159, %dma_start3A_160] : memref<16x782x128xi32, #tpu.memory_space<hbm>> -> memref<1x391x128xi32, #tpu.memory_space<hbm>>
      %dma_start3A_162 = tpu.memref_squeeze %dma_start3A_161 : memref<1x391x128xi32, #tpu.memory_space<hbm>> -> memref<391x128xi32, #tpu.memory_space<hbm>>
      %dma_start3A_163 = arith.constant 0 : i32
      %dma_start3A_164 = arith.constant 0 : i32
      %dma_start3A_165 = tpu.memref_slice %arg3[%arg1, %dma_start3A_163, %dma_start3A_164] : memref<16x782x128xi32, #tpu.memory_space<hbm>> -> memref<1x391x128xi32, #tpu.memory_space<hbm>>
      %dma_start3A_166 = tpu.memref_squeeze %dma_start3A_165 : memref<1x391x128xi32, #tpu.memory_space<hbm>> -> memref<391x128xi32, #tpu.memory_space<hbm>>
      tpu.enqueue_dma source(%dma_start3A_166 : memref<391x128xi32, #tpu.memory_space<hbm>>) target(%arg7 : memref<391x128xi32, #tpu.memory_space<vmem>>) target_semaphore(%run_scoped3A_158 : memref<!tpu.dma_semaphore, #tpu.memory_space<semaphore_mem>>)
      %dma_wait3A_167 = arith.constant 0 : i32
      %dma_wait3A_168 = arith.constant 0 : i32
      %dma_wait3A_169 = tpu.memref_slice %arg3[%arg1, %dma_wait3A_167, %dma_wait3A_168] : memref<16x782x128xi32, #tpu.memory_space<hbm>> -> memref<1x391x128xi32, #tpu.memory_space<hbm>>
      %dma_wait3A_170 = tpu.memref_squeeze %dma_wait3A_169 : memref<1x391x128xi32, #tpu.memory_space<hbm>> -> memref<391x128xi32, #tpu.memory_space<hbm>>
      %dma_wait3A_171 = arith.constant 0 : i32
      %dma_wait3A_172 = arith.constant 0 : i32
      %dma_wait3A_173 = tpu.memref_slice %arg3[%arg1, %dma_wait3A_171, %dma_wait3A_172] : memref<16x782x128xi32, #tpu.memory_space<hbm>> -> memref<1x391x128xi32, #tpu.memory_space<hbm>>
      %dma_wait3A_174 = tpu.memref_squeeze %dma_wait3A_173 : memref<1x391x128xi32, #tpu.memory_space<hbm>> -> memref<391x128xi32, #tpu.memory_space<hbm>>
      tpu.wait_dma2 semaphore(%run_scoped3A_158 : memref<!tpu.dma_semaphore, #tpu.memory_space<semaphore_mem>>) src(%dma_wait3A_174 : memref<391x128xi32, #tpu.memory_space<hbm>>) dst(%arg7 : memref<391x128xi32, #tpu.memory_space<vmem>>)
      tpu.yield
    }) : () -> ()
    "tpu.region"() ({
      %run_scoped3A_158 = tpu.sem_alloc : memref<!tpu.dma_semaphore, #tpu.memory_space<semaphore_mem>>
      %dma_start3A_159 = arith.constant 0 : i32
      %dma_start3A_160 = arith.constant 0 : i32
      %dma_start3A_161 = tpu.memref_slice %arg4[%arg0, %arg1, %dma_start3A_159, %dma_start3A_160] : memref<2x16x782x128xi32, #tpu.memory_space<hbm>> -> memref<1x1x391x128xi32, #tpu.memory_space<hbm>>
      %dma_start3A_162 = tpu.memref_squeeze %dma_start3A_161 : memref<1x1x391x128xi32, #tpu.memory_space<hbm>> -> memref<391x128xi32, #tpu.memory_space<hbm>>
      %dma_start3A_163 = arith.constant 0 : i32
      %dma_start3A_164 = arith.constant 0 : i32
      %dma_start3A_165 = tpu.memref_slice %arg4[%arg0, %arg1, %dma_start3A_163, %dma_start3A_164] : memref<2x16x782x128xi32, #tpu.memory_space<hbm>> -> memref<1x1x391x128xi32, #tpu.memory_space<hbm>>
      %dma_start3A_166 = tpu.memref_squeeze %dma_start3A_165 : memref<1x1x391x128xi32, #tpu.memory_space<hbm>> -> memref<391x128xi32, #tpu.memory_space<hbm>>
      tpu.enqueue_dma source(%dma_start3A_166 : memref<391x128xi32, #tpu.memory_space<hbm>>) target(%arg8 : memref<391x128xi32, #tpu.memory_space<vmem>>) target_semaphore(%run_scoped3A_158 : memref<!tpu.dma_semaphore, #tpu.memory_space<semaphore_mem>>)
      %dma_wait3A_167 = arith.constant 0 : i32
      %dma_wait3A_168 = arith.constant 0 : i32
      %dma_wait3A_169 = tpu.memref_slice %arg4[%arg0, %arg1, %dma_wait3A_167, %dma_wait3A_168] : memref<2x16x782x128xi32, #tpu.memory_space<hbm>> -> memref<1x1x391x128xi32, #tpu.memory_space<hbm>>
      %dma_wait3A_170 = tpu.memref_squeeze %dma_wait3A_169 : memref<1x1x391x128xi32, #tpu.memory_space<hbm>> -> memref<391x128xi32, #tpu.memory_space<hbm>>
      %dma_wait3A_171 = arith.constant 0 : i32
      %dma_wait3A_172 = arith.constant 0 : i32
      %dma_wait3A_173 = tpu.memref_slice %arg4[%arg0, %arg1, %dma_wait3A_171, %dma_wait3A_172] : memref<2x16x782x128xi32, #tpu.memory_space<hbm>> -> memref<1x1x391x128xi32, #tpu.memory_space<hbm>>
      %dma_wait3A_174 = tpu.memref_squeeze %dma_wait3A_173 : memref<1x1x391x128xi32, #tpu.memory_space<hbm>> -> memref<391x128xi32, #tpu.memory_space<hbm>>
      tpu.wait_dma2 semaphore(%run_scoped3A_158 : memref<!tpu.dma_semaphore, #tpu.memory_space<semaphore_mem>>) src(%dma_wait3A_174 : memref<391x128xi32, #tpu.memory_space<hbm>>) dst(%arg8 : memref<391x128xi32, #tpu.memory_space<vmem>>)
      tpu.yield
    }) : () -> ()
    %dma_start3A = arith.constant 0 : i32
    %dma_start3A_1 = arith.constant 0 : i32
    %dma_start3A_2 = arith.constant 0 : i32
    %dma_start3A_3 = arith.constant 0 : i32
    %dma_start3A_4 = tpu.memref_slice %arg9[%dma_start3A_1, %dma_start3A_2, %dma_start3A_3] : memref<5x128x8xf32, #tpu.memory_space<vmem>> -> memref<1x128x8xf32, #tpu.memory_space<vmem>>
    %dma_start3A_5 = tpu.memref_squeeze %dma_start3A_4 : memref<1x128x8xf32, #tpu.memory_space<vmem>> -> memref<128x8xf32, #tpu.memory_space<vmem>>
    %dma_start3A_6 = arith.constant 0 : i32
    %dma_start3A_7 = tpu.memref_slice %arg7[%dma_start3A, %dma_start3A_6] : memref<391x128xi32, #tpu.memory_space<vmem>> -> memref<1x128xi32, #tpu.memory_space<vmem>>
    %dma_start3A_8 = tpu.memref_squeeze %dma_start3A_7 : memref<1x128xi32, #tpu.memory_space<vmem>> -> memref<128xi32, #tpu.memory_space<vmem>>
    %dma_start3A_9 = arith.constant 0 : i32
    %dma_start3A_10 = arith.constant 0 : i32
    %dma_start3A_11 = tpu.memref_slice %arg2[%dma_start3A_9, %dma_start3A_10] : memref<100000x8xf32, #tpu.memory_space<hbm>> -> memref<100000x8xf32, #tpu.memory_space<hbm>>
    tpu.enqueue_indirect_dma source(%dma_start3A_11 : memref<100000x8xf32, #tpu.memory_space<hbm>>) target(%dma_start3A_5 : memref<128x8xf32, #tpu.memory_space<vmem>>) offsets(%dma_start3A_8 : memref<128xi32, #tpu.memory_space<vmem>>) semaphore(%arg11 : memref<!tpu.dma_semaphore, #tpu.memory_space<semaphore_mem>>)
    %dma_start3A_12 = arith.constant 1 : i32
    %dma_start3A_13 = arith.constant 1 : i32
    %dma_start3A_14 = arith.constant 0 : i32
    %dma_start3A_15 = arith.constant 0 : i32
    %dma_start3A_16 = tpu.memref_slice %arg9[%dma_start3A_13, %dma_start3A_14, %dma_start3A_15] : memref<5x128x8xf32, #tpu.memory_space<vmem>> -> memref<1x128x8xf32, #tpu.memory_space<vmem>>
    %dma_start3A_17 = tpu.memref_squeeze %dma_start3A_16 : memref<1x128x8xf32, #tpu.memory_space<vmem>> -> memref<128x8xf32, #tpu.memory_space<vmem>>
    %dma_start3A_18 = arith.constant 0 : i32
    %dma_start3A_19 = tpu.memref_slice %arg7[%dma_start3A_12, %dma_start3A_18] : memref<391x128xi32, #tpu.memory_space<vmem>> -> memref<1x128xi32, #tpu.memory_space<vmem>>
    %dma_start3A_20 = tpu.memref_squeeze %dma_start3A_19 : memref<1x128xi32, #tpu.memory_space<vmem>> -> memref<128xi32, #tpu.memory_space<vmem>>
    %dma_start3A_21 = arith.constant 0 : i32
    %dma_start3A_22 = arith.constant 0 : i32
    %dma_start3A_23 = tpu.memref_slice %arg2[%dma_start3A_21, %dma_start3A_22] : memref<100000x8xf32, #tpu.memory_space<hbm>> -> memref<100000x8xf32, #tpu.memory_space<hbm>>
    tpu.enqueue_indirect_dma source(%dma_start3A_23 : memref<100000x8xf32, #tpu.memory_space<hbm>>) target(%dma_start3A_17 : memref<128x8xf32, #tpu.memory_space<vmem>>) offsets(%dma_start3A_20 : memref<128xi32, #tpu.memory_space<vmem>>) semaphore(%arg12 : memref<!tpu.dma_semaphore, #tpu.memory_space<semaphore_mem>>)
    %dma_start3A_24 = arith.constant 2 : i32
    %dma_start3A_25 = arith.constant 2 : i32
    %dma_start3A_26 = arith.constant 0 : i32
    %dma_start3A_27 = arith.constant 0 : i32
    %dma_start3A_28 = tpu.memref_slice %arg9[%dma_start3A_25, %dma_start3A_26, %dma_start3A_27] : memref<5x128x8xf32, #tpu.memory_space<vmem>> -> memref<1x128x8xf32, #tpu.memory_space<vmem>>
    %dma_start3A_29 = tpu.memref_squeeze %dma_start3A_28 : memref<1x128x8xf32, #tpu.memory_space<vmem>> -> memref<128x8xf32, #tpu.memory_space<vmem>>
    %dma_start3A_30 = arith.constant 0 : i32
    %dma_start3A_31 = tpu.memref_slice %arg7[%dma_start3A_24, %dma_start3A_30] : memref<391x128xi32, #tpu.memory_space<vmem>> -> memref<1x128xi32, #tpu.memory_space<vmem>>
    %dma_start3A_32 = tpu.memref_squeeze %dma_start3A_31 : memref<1x128xi32, #tpu.memory_space<vmem>> -> memref<128xi32, #tpu.memory_space<vmem>>
    %dma_start3A_33 = arith.constant 0 : i32
    %dma_start3A_34 = arith.constant 0 : i32
    %dma_start3A_35 = tpu.memref_slice %arg2[%dma_start3A_33, %dma_start3A_34] : memref<100000x8xf32, #tpu.memory_space<hbm>> -> memref<100000x8xf32, #tpu.memory_space<hbm>>
    tpu.enqueue_indirect_dma source(%dma_start3A_35 : memref<100000x8xf32, #tpu.memory_space<hbm>>) target(%dma_start3A_29 : memref<128x8xf32, #tpu.memory_space<vmem>>) offsets(%dma_start3A_32 : memref<128xi32, #tpu.memory_space<vmem>>) semaphore(%arg13 : memref<!tpu.dma_semaphore, #tpu.memory_space<semaphore_mem>>)
    %dma_start3A_36 = arith.constant 3 : i32
    %dma_start3A_37 = arith.constant 3 : i32
    %dma_start3A_38 = arith.constant 0 : i32
    %dma_start3A_39 = arith.constant 0 : i32
    %dma_start3A_40 = tpu.memref_slice %arg9[%dma_start3A_37, %dma_start3A_38, %dma_start3A_39] : memref<5x128x8xf32, #tpu.memory_space<vmem>> -> memref<1x128x8xf32, #tpu.memory_space<vmem>>
    %dma_start3A_41 = tpu.memref_squeeze %dma_start3A_40 : memref<1x128x8xf32, #tpu.memory_space<vmem>> -> memref<128x8xf32, #tpu.memory_space<vmem>>
    %dma_start3A_42 = arith.constant 0 : i32
    %dma_start3A_43 = tpu.memref_slice %arg7[%dma_start3A_36, %dma_start3A_42] : memref<391x128xi32, #tpu.memory_space<vmem>> -> memref<1x128xi32, #tpu.memory_space<vmem>>
    %dma_start3A_44 = tpu.memref_squeeze %dma_start3A_43 : memref<1x128xi32, #tpu.memory_space<vmem>> -> memref<128xi32, #tpu.memory_space<vmem>>
    %dma_start3A_45 = arith.constant 0 : i32
    %dma_start3A_46 = arith.constant 0 : i32
    %dma_start3A_47 = tpu.memref_slice %arg2[%dma_start3A_45, %dma_start3A_46] : memref<100000x8xf32, #tpu.memory_space<hbm>> -> memref<100000x8xf32, #tpu.memory_space<hbm>>
    tpu.enqueue_indirect_dma source(%dma_start3A_47 : memref<100000x8xf32, #tpu.memory_space<hbm>>) target(%dma_start3A_41 : memref<128x8xf32, #tpu.memory_space<vmem>>) offsets(%dma_start3A_44 : memref<128xi32, #tpu.memory_space<vmem>>) semaphore(%arg14 : memref<!tpu.dma_semaphore, #tpu.memory_space<semaphore_mem>>)
    %dma_start3A_48 = arith.constant 4 : i32
    %dma_start3A_49 = arith.constant 4 : i32
    %dma_start3A_50 = arith.constant 0 : i32
    %dma_start3A_51 = arith.constant 0 : i32
    %dma_start3A_52 = tpu.memref_slice %arg9[%dma_start3A_49, %dma_start3A_50, %dma_start3A_51] : memref<5x128x8xf32, #tpu.memory_space<vmem>> -> memref<1x128x8xf32, #tpu.memory_space<vmem>>
    %dma_start3A_53 = tpu.memref_squeeze %dma_start3A_52 : memref<1x128x8xf32, #tpu.memory_space<vmem>> -> memref<128x8xf32, #tpu.memory_space<vmem>>
    %dma_start3A_54 = arith.constant 0 : i32
    %dma_start3A_55 = tpu.memref_slice %arg7[%dma_start3A_48, %dma_start3A_54] : memref<391x128xi32, #tpu.memory_space<vmem>> -> memref<1x128xi32, #tpu.memory_space<vmem>>
    %dma_start3A_56 = tpu.memref_squeeze %dma_start3A_55 : memref<1x128xi32, #tpu.memory_space<vmem>> -> memref<128xi32, #tpu.memory_space<vmem>>
    %dma_start3A_57 = arith.constant 0 : i32
    %dma_start3A_58 = arith.constant 0 : i32
    %dma_start3A_59 = tpu.memref_slice %arg2[%dma_start3A_57, %dma_start3A_58] : memref<100000x8xf32, #tpu.memory_space<hbm>> -> memref<100000x8xf32, #tpu.memory_space<hbm>>
    tpu.enqueue_indirect_dma source(%dma_start3A_59 : memref<100000x8xf32, #tpu.memory_space<hbm>>) target(%dma_start3A_53 : memref<128x8xf32, #tpu.memory_space<vmem>>) offsets(%dma_start3A_56 : memref<128xi32, #tpu.memory_space<vmem>>) semaphore(%arg15 : memref<!tpu.dma_semaphore, #tpu.memory_space<semaphore_mem>>)
    %scan3A = arith.constant 0 : i32
    %scan3A_60 = arith.constant 0 : i32
    %scan3A_61 = arith.constant 78 : i32
    %scan3A_62 = arith.addi %scan3A_60, %scan3A_61 : i32
    %scan3A_63 = arith.constant 1 : i32
    scf.for %scan3A_158 = %scan3A_60 to %scan3A_62 step %scan3A_63  : i32 {
      %mul3A_159 = arith.constant 5 : i32
      %mul3A_160 = arith.muli %scan3A_158, %mul3A_159 : i32
      %add3A = arith.constant 0 : i32
      %add3A_161 = arith.addi %mul3A_160, %add3A : i32
      %dma_wait3A_162 = arith.constant 0 : i32
      %dma_wait3A_163 = arith.constant 0 : i32
      %dma_wait3A_164 = arith.constant 0 : i32
      %dma_wait3A_165 = tpu.memref_slice %arg9[%dma_wait3A_162, %dma_wait3A_163, %dma_wait3A_164] : memref<5x128x8xf32, #tpu.memory_space<vmem>> -> memref<1x128x8xf32, #tpu.memory_space<vmem>>
      %dma_wait3A_166 = tpu.memref_squeeze %dma_wait3A_165 : memref<1x128x8xf32, #tpu.memory_space<vmem>> -> memref<128x8xf32, #tpu.memory_space<vmem>>
      %dma_wait3A_167 = arith.constant 0 : i32
      %dma_wait3A_168 = tpu.memref_slice %arg7[%add3A_161, %dma_wait3A_167] : memref<391x128xi32, #tpu.memory_space<vmem>> -> memref<1x128xi32, #tpu.memory_space<vmem>>
      %dma_wait3A_169 = tpu.memref_squeeze %dma_wait3A_168 : memref<1x128xi32, #tpu.memory_space<vmem>> -> memref<128xi32, #tpu.memory_space<vmem>>
      %dma_wait3A_170 = arith.constant 0 : i32
      %dma_wait3A_171 = arith.constant 0 : i32
      %dma_wait3A_172 = tpu.memref_slice %arg2[%dma_wait3A_170, %dma_wait3A_171] : memref<100000x8xf32, #tpu.memory_space<hbm>> -> memref<100000x8xf32, #tpu.memory_space<hbm>>
      tpu.wait_indirect_dma semaphore(%arg11 : memref<!tpu.dma_semaphore, #tpu.memory_space<semaphore_mem>>) src(%dma_wait3A_172 : memref<100000x8xf32, #tpu.memory_space<hbm>>) dst(%dma_wait3A_166 : memref<128x8xf32, #tpu.memory_space<vmem>>)
      %add3A_173 = arith.constant 0 : i32
      %add3A_174 = arith.addi %mul3A_160, %add3A_173 : i32
      %dma_start3A_175 = arith.constant 0 : i32
      %dma_start3A_176 = arith.constant 0 : i32
      %dma_start3A_177 = arith.constant 0 : i32
      %dma_start3A_178 = tpu.memref_slice %arg9[%dma_start3A_175, %dma_start3A_176, %dma_start3A_177] : memref<5x128x8xf32, #tpu.memory_space<vmem>> -> memref<1x128x8xf32, #tpu.memory_space<vmem>>
      %dma_start3A_179 = tpu.memref_squeeze %dma_start3A_178 : memref<1x128x8xf32, #tpu.memory_space<vmem>> -> memref<128x8xf32, #tpu.memory_space<vmem>>
      %dma_start3A_180 = arith.constant 0 : i32
      %dma_start3A_181 = tpu.memref_slice %arg8[%add3A_174, %dma_start3A_180] : memref<391x128xi32, #tpu.memory_space<vmem>> -> memref<1x128xi32, #tpu.memory_space<vmem>>
      %dma_start3A_182 = tpu.memref_squeeze %dma_start3A_181 : memref<1x128xi32, #tpu.memory_space<vmem>> -> memref<128xi32, #tpu.memory_space<vmem>>
      %dma_start3A_183 = arith.constant 0 : i32
      %dma_start3A_184 = arith.constant 0 : i32
      %dma_start3A_185 = tpu.memref_slice %arg10[%dma_start3A_183, %dma_start3A_184] : memref<50048x8xf32, #tpu.memory_space<vmem_shared>> -> memref<50048x8xf32, #tpu.memory_space<vmem_shared>>
      tpu.enqueue_indirect_dma source(%dma_start3A_179 : memref<128x8xf32, #tpu.memory_space<vmem>>) target(%dma_start3A_185 : memref<50048x8xf32, #tpu.memory_space<vmem_shared>>) offsets(%dma_start3A_182 : memref<128xi32, #tpu.memory_space<vmem>>) semaphore(%arg16 : memref<!tpu.dma_semaphore, #tpu.memory_space<semaphore_mem>>) {add = true}
      %add3A_186 = arith.constant 1 : i32
      %add3A_187 = arith.addi %mul3A_160, %add3A_186 : i32
      %dma_wait3A_188 = arith.constant 1 : i32
      %dma_wait3A_189 = arith.constant 0 : i32
      %dma_wait3A_190 = arith.constant 0 : i32
      %dma_wait3A_191 = tpu.memref_slice %arg9[%dma_wait3A_188, %dma_wait3A_189, %dma_wait3A_190] : memref<5x128x8xf32, #tpu.memory_space<vmem>> -> memref<1x128x8xf32, #tpu.memory_space<vmem>>
      %dma_wait3A_192 = tpu.memref_squeeze %dma_wait3A_191 : memref<1x128x8xf32, #tpu.memory_space<vmem>> -> memref<128x8xf32, #tpu.memory_space<vmem>>
      %dma_wait3A_193 = arith.constant 0 : i32
      %dma_wait3A_194 = tpu.memref_slice %arg7[%add3A_187, %dma_wait3A_193] : memref<391x128xi32, #tpu.memory_space<vmem>> -> memref<1x128xi32, #tpu.memory_space<vmem>>
      %dma_wait3A_195 = tpu.memref_squeeze %dma_wait3A_194 : memref<1x128xi32, #tpu.memory_space<vmem>> -> memref<128xi32, #tpu.memory_space<vmem>>
      %dma_wait3A_196 = arith.constant 0 : i32
      %dma_wait3A_197 = arith.constant 0 : i32
      %dma_wait3A_198 = tpu.memref_slice %arg2[%dma_wait3A_196, %dma_wait3A_197] : memref<100000x8xf32, #tpu.memory_space<hbm>> -> memref<100000x8xf32, #tpu.memory_space<hbm>>
      tpu.wait_indirect_dma semaphore(%arg12 : memref<!tpu.dma_semaphore, #tpu.memory_space<semaphore_mem>>) src(%dma_wait3A_198 : memref<100000x8xf32, #tpu.memory_space<hbm>>) dst(%dma_wait3A_192 : memref<128x8xf32, #tpu.memory_space<vmem>>)
      %add3A_199 = arith.constant 1 : i32
      %add3A_200 = arith.addi %mul3A_160, %add3A_199 : i32
      %dma_start3A_201 = arith.constant 1 : i32
      %dma_start3A_202 = arith.constant 0 : i32
      %dma_start3A_203 = arith.constant 0 : i32
      %dma_start3A_204 = tpu.memref_slice %arg9[%dma_start3A_201, %dma_start3A_202, %dma_start3A_203] : memref<5x128x8xf32, #tpu.memory_space<vmem>> -> memref<1x128x8xf32, #tpu.memory_space<vmem>>
      %dma_start3A_205 = tpu.memref_squeeze %dma_start3A_204 : memref<1x128x8xf32, #tpu.memory_space<vmem>> -> memref<128x8xf32, #tpu.memory_space<vmem>>
      %dma_start3A_206 = arith.constant 0 : i32
      %dma_start3A_207 = tpu.memref_slice %arg8[%add3A_200, %dma_start3A_206] : memref<391x128xi32, #tpu.memory_space<vmem>> -> memref<1x128xi32, #tpu.memory_space<vmem>>
      %dma_start3A_208 = tpu.memref_squeeze %dma_start3A_207 : memref<1x128xi32, #tpu.memory_space<vmem>> -> memref<128xi32, #tpu.memory_space<vmem>>
      %dma_start3A_209 = arith.constant 0 : i32
      %dma_start3A_210 = arith.constant 0 : i32
      %dma_start3A_211 = tpu.memref_slice %arg10[%dma_start3A_209, %dma_start3A_210] : memref<50048x8xf32, #tpu.memory_space<vmem_shared>> -> memref<50048x8xf32, #tpu.memory_space<vmem_shared>>
      tpu.enqueue_indirect_dma source(%dma_start3A_205 : memref<128x8xf32, #tpu.memory_space<vmem>>) target(%dma_start3A_211 : memref<50048x8xf32, #tpu.memory_space<vmem_shared>>) offsets(%dma_start3A_208 : memref<128xi32, #tpu.memory_space<vmem>>) semaphore(%arg17 : memref<!tpu.dma_semaphore, #tpu.memory_space<semaphore_mem>>) {add = true}
      %add3A_212 = arith.constant 2 : i32
      %add3A_213 = arith.addi %mul3A_160, %add3A_212 : i32
      %dma_wait3A_214 = arith.constant 2 : i32
      %dma_wait3A_215 = arith.constant 0 : i32
      %dma_wait3A_216 = arith.constant 0 : i32
      %dma_wait3A_217 = tpu.memref_slice %arg9[%dma_wait3A_214, %dma_wait3A_215, %dma_wait3A_216] : memref<5x128x8xf32, #tpu.memory_space<vmem>> -> memref<1x128x8xf32, #tpu.memory_space<vmem>>
      %dma_wait3A_218 = tpu.memref_squeeze %dma_wait3A_217 : memref<1x128x8xf32, #tpu.memory_space<vmem>> -> memref<128x8xf32, #tpu.memory_space<vmem>>
      %dma_wait3A_219 = arith.constant 0 : i32
      %dma_wait3A_220 = tpu.memref_slice %arg7[%add3A_213, %dma_wait3A_219] : memref<391x128xi32, #tpu.memory_space<vmem>> -> memref<1x128xi32, #tpu.memory_space<vmem>>
      %dma_wait3A_221 = tpu.memref_squeeze %dma_wait3A_220 : memref<1x128xi32, #tpu.memory_space<vmem>> -> memref<128xi32, #tpu.memory_space<vmem>>
      %dma_wait3A_222 = arith.constant 0 : i32
      %dma_wait3A_223 = arith.constant 0 : i32
      %dma_wait3A_224 = tpu.memref_slice %arg2[%dma_wait3A_222, %dma_wait3A_223] : memref<100000x8xf32, #tpu.memory_space<hbm>> -> memref<100000x8xf32, #tpu.memory_space<hbm>>
      tpu.wait_indirect_dma semaphore(%arg13 : memref<!tpu.dma_semaphore, #tpu.memory_space<semaphore_mem>>) src(%dma_wait3A_224 : memref<100000x8xf32, #tpu.memory_space<hbm>>) dst(%dma_wait3A_218 : memref<128x8xf32, #tpu.memory_space<vmem>>)
      %add3A_225 = arith.constant 2 : i32
      %add3A_226 = arith.addi %mul3A_160, %add3A_225 : i32
      %dma_start3A_227 = arith.constant 2 : i32
      %dma_start3A_228 = arith.constant 0 : i32
      %dma_start3A_229 = arith.constant 0 : i32
      %dma_start3A_230 = tpu.memref_slice %arg9[%dma_start3A_227, %dma_start3A_228, %dma_start3A_229] : memref<5x128x8xf32, #tpu.memory_space<vmem>> -> memref<1x128x8xf32, #tpu.memory_space<vmem>>
      %dma_start3A_231 = tpu.memref_squeeze %dma_start3A_230 : memref<1x128x8xf32, #tpu.memory_space<vmem>> -> memref<128x8xf32, #tpu.memory_space<vmem>>
      %dma_start3A_232 = arith.constant 0 : i32
      %dma_start3A_233 = tpu.memref_slice %arg8[%add3A_226, %dma_start3A_232] : memref<391x128xi32, #tpu.memory_space<vmem>> -> memref<1x128xi32, #tpu.memory_space<vmem>>
      %dma_start3A_234 = tpu.memref_squeeze %dma_start3A_233 : memref<1x128xi32, #tpu.memory_space<vmem>> -> memref<128xi32, #tpu.memory_space<vmem>>
      %dma_start3A_235 = arith.constant 0 : i32
      %dma_start3A_236 = arith.constant 0 : i32
      %dma_start3A_237 = tpu.memref_slice %arg10[%dma_start3A_235, %dma_start3A_236] : memref<50048x8xf32, #tpu.memory_space<vmem_shared>> -> memref<50048x8xf32, #tpu.memory_space<vmem_shared>>
      tpu.enqueue_indirect_dma source(%dma_start3A_231 : memref<128x8xf32, #tpu.memory_space<vmem>>) target(%dma_start3A_237 : memref<50048x8xf32, #tpu.memory_space<vmem_shared>>) offsets(%dma_start3A_234 : memref<128xi32, #tpu.memory_space<vmem>>) semaphore(%arg18 : memref<!tpu.dma_semaphore, #tpu.memory_space<semaphore_mem>>) {add = true}
      %add3A_238 = arith.constant 3 : i32
      %add3A_239 = arith.addi %mul3A_160, %add3A_238 : i32
      %dma_wait3A_240 = arith.constant 3 : i32
      %dma_wait3A_241 = arith.constant 0 : i32
      %dma_wait3A_242 = arith.constant 0 : i32
      %dma_wait3A_243 = tpu.memref_slice %arg9[%dma_wait3A_240, %dma_wait3A_241, %dma_wait3A_242] : memref<5x128x8xf32, #tpu.memory_space<vmem>> -> memref<1x128x8xf32, #tpu.memory_space<vmem>>
      %dma_wait3A_244 = tpu.memref_squeeze %dma_wait3A_243 : memref<1x128x8xf32, #tpu.memory_space<vmem>> -> memref<128x8xf32, #tpu.memory_space<vmem>>
      %dma_wait3A_245 = arith.constant 0 : i32
      %dma_wait3A_246 = tpu.memref_slice %arg7[%add3A_239, %dma_wait3A_245] : memref<391x128xi32, #tpu.memory_space<vmem>> -> memref<1x128xi32, #tpu.memory_space<vmem>>
      %dma_wait3A_247 = tpu.memref_squeeze %dma_wait3A_246 : memref<1x128xi32, #tpu.memory_space<vmem>> -> memref<128xi32, #tpu.memory_space<vmem>>
      %dma_wait3A_248 = arith.constant 0 : i32
      %dma_wait3A_249 = arith.constant 0 : i32
      %dma_wait3A_250 = tpu.memref_slice %arg2[%dma_wait3A_248, %dma_wait3A_249] : memref<100000x8xf32, #tpu.memory_space<hbm>> -> memref<100000x8xf32, #tpu.memory_space<hbm>>
      tpu.wait_indirect_dma semaphore(%arg14 : memref<!tpu.dma_semaphore, #tpu.memory_space<semaphore_mem>>) src(%dma_wait3A_250 : memref<100000x8xf32, #tpu.memory_space<hbm>>) dst(%dma_wait3A_244 : memref<128x8xf32, #tpu.memory_space<vmem>>)
      %add3A_251 = arith.constant 3 : i32
      %add3A_252 = arith.addi %mul3A_160, %add3A_251 : i32
      %dma_start3A_253 = arith.constant 3 : i32
      %dma_start3A_254 = arith.constant 0 : i32
      %dma_start3A_255 = arith.constant 0 : i32
      %dma_start3A_256 = tpu.memref_slice %arg9[%dma_start3A_253, %dma_start3A_254, %dma_start3A_255] : memref<5x128x8xf32, #tpu.memory_space<vmem>> -> memref<1x128x8xf32, #tpu.memory_space<vmem>>
      %dma_start3A_257 = tpu.memref_squeeze %dma_start3A_256 : memref<1x128x8xf32, #tpu.memory_space<vmem>> -> memref<128x8xf32, #tpu.memory_space<vmem>>
      %dma_start3A_258 = arith.constant 0 : i32
      %dma_start3A_259 = tpu.memref_slice %arg8[%add3A_252, %dma_start3A_258] : memref<391x128xi32, #tpu.memory_space<vmem>> -> memref<1x128xi32, #tpu.memory_space<vmem>>
      %dma_start3A_260 = tpu.memref_squeeze %dma_start3A_259 : memref<1x128xi32, #tpu.memory_space<vmem>> -> memref<128xi32, #tpu.memory_space<vmem>>
      %dma_start3A_261 = arith.constant 0 : i32
      %dma_start3A_262 = arith.constant 0 : i32
      %dma_start3A_263 = tpu.memref_slice %arg10[%dma_start3A_261, %dma_start3A_262] : memref<50048x8xf32, #tpu.memory_space<vmem_shared>> -> memref<50048x8xf32, #tpu.memory_space<vmem_shared>>
      tpu.enqueue_indirect_dma source(%dma_start3A_257 : memref<128x8xf32, #tpu.memory_space<vmem>>) target(%dma_start3A_263 : memref<50048x8xf32, #tpu.memory_space<vmem_shared>>) offsets(%dma_start3A_260 : memref<128xi32, #tpu.memory_space<vmem>>) semaphore(%arg19 : memref<!tpu.dma_semaphore, #tpu.memory_space<semaphore_mem>>) {add = true}
      %add3A_264 = arith.constant 4 : i32
      %add3A_265 = arith.addi %mul3A_160, %add3A_264 : i32
      %dma_wait3A_266 = arith.constant 4 : i32
      %dma_wait3A_267 = arith.constant 0 : i32
      %dma_wait3A_268 = arith.constant 0 : i32
      %dma_wait3A_269 = tpu.memref_slice %arg9[%dma_wait3A_266, %dma_wait3A_267, %dma_wait3A_268] : memref<5x128x8xf32, #tpu.memory_space<vmem>> -> memref<1x128x8xf32, #tpu.memory_space<vmem>>
      %dma_wait3A_270 = tpu.memref_squeeze %dma_wait3A_269 : memref<1x128x8xf32, #tpu.memory_space<vmem>> -> memref<128x8xf32, #tpu.memory_space<vmem>>
      %dma_wait3A_271 = arith.constant 0 : i32
      %dma_wait3A_272 = tpu.memref_slice %arg7[%add3A_265, %dma_wait3A_271] : memref<391x128xi32, #tpu.memory_space<vmem>> -> memref<1x128xi32, #tpu.memory_space<vmem>>
      %dma_wait3A_273 = tpu.memref_squeeze %dma_wait3A_272 : memref<1x128xi32, #tpu.memory_space<vmem>> -> memref<128xi32, #tpu.memory_space<vmem>>
      %dma_wait3A_274 = arith.constant 0 : i32
      %dma_wait3A_275 = arith.constant 0 : i32
      %dma_wait3A_276 = tpu.memref_slice %arg2[%dma_wait3A_274, %dma_wait3A_275] : memref<100000x8xf32, #tpu.memory_space<hbm>> -> memref<100000x8xf32, #tpu.memory_space<hbm>>
      tpu.wait_indirect_dma semaphore(%arg15 : memref<!tpu.dma_semaphore, #tpu.memory_space<semaphore_mem>>) src(%dma_wait3A_276 : memref<100000x8xf32, #tpu.memory_space<hbm>>) dst(%dma_wait3A_270 : memref<128x8xf32, #tpu.memory_space<vmem>>)
      %add3A_277 = arith.constant 4 : i32
      %add3A_278 = arith.addi %mul3A_160, %add3A_277 : i32
      %dma_start3A_279 = arith.constant 4 : i32
      %dma_start3A_280 = arith.constant 0 : i32
      %dma_start3A_281 = arith.constant 0 : i32
      %dma_start3A_282 = tpu.memref_slice %arg9[%dma_start3A_279, %dma_start3A_280, %dma_start3A_281] : memref<5x128x8xf32, #tpu.memory_space<vmem>> -> memref<1x128x8xf32, #tpu.memory_space<vmem>>
      %dma_start3A_283 = tpu.memref_squeeze %dma_start3A_282 : memref<1x128x8xf32, #tpu.memory_space<vmem>> -> memref<128x8xf32, #tpu.memory_space<vmem>>
      %dma_start3A_284 = arith.constant 0 : i32
      %dma_start3A_285 = tpu.memref_slice %arg8[%add3A_278, %dma_start3A_284] : memref<391x128xi32, #tpu.memory_space<vmem>> -> memref<1x128xi32, #tpu.memory_space<vmem>>
      %dma_start3A_286 = tpu.memref_squeeze %dma_start3A_285 : memref<1x128xi32, #tpu.memory_space<vmem>> -> memref<128xi32, #tpu.memory_space<vmem>>
      %dma_start3A_287 = arith.constant 0 : i32
      %dma_start3A_288 = arith.constant 0 : i32
      %dma_start3A_289 = tpu.memref_slice %arg10[%dma_start3A_287, %dma_start3A_288] : memref<50048x8xf32, #tpu.memory_space<vmem_shared>> -> memref<50048x8xf32, #tpu.memory_space<vmem_shared>>
      tpu.enqueue_indirect_dma source(%dma_start3A_283 : memref<128x8xf32, #tpu.memory_space<vmem>>) target(%dma_start3A_289 : memref<50048x8xf32, #tpu.memory_space<vmem_shared>>) offsets(%dma_start3A_286 : memref<128xi32, #tpu.memory_space<vmem>>) semaphore(%arg20 : memref<!tpu.dma_semaphore, #tpu.memory_space<semaphore_mem>>) {add = true}
      %add3A_290 = arith.constant 0 : i32
      %add3A_291 = arith.addi %mul3A_160, %add3A_290 : i32
      %dma_wait3A_292 = arith.constant 0 : i32
      %dma_wait3A_293 = arith.constant 0 : i32
      %dma_wait3A_294 = arith.constant 0 : i32
      %dma_wait3A_295 = tpu.memref_slice %arg9[%dma_wait3A_292, %dma_wait3A_293, %dma_wait3A_294] : memref<5x128x8xf32, #tpu.memory_space<vmem>> -> memref<1x128x8xf32, #tpu.memory_space<vmem>>
      %dma_wait3A_296 = tpu.memref_squeeze %dma_wait3A_295 : memref<1x128x8xf32, #tpu.memory_space<vmem>> -> memref<128x8xf32, #tpu.memory_space<vmem>>
      %dma_wait3A_297 = arith.constant 0 : i32
      %dma_wait3A_298 = tpu.memref_slice %arg8[%add3A_291, %dma_wait3A_297] : memref<391x128xi32, #tpu.memory_space<vmem>> -> memref<1x128xi32, #tpu.memory_space<vmem>>
      %dma_wait3A_299 = tpu.memref_squeeze %dma_wait3A_298 : memref<1x128xi32, #tpu.memory_space<vmem>> -> memref<128xi32, #tpu.memory_space<vmem>>
      %dma_wait3A_300 = arith.constant 0 : i32
      %dma_wait3A_301 = arith.constant 0 : i32
      %dma_wait3A_302 = tpu.memref_slice %arg10[%dma_wait3A_300, %dma_wait3A_301] : memref<50048x8xf32, #tpu.memory_space<vmem_shared>> -> memref<50048x8xf32, #tpu.memory_space<vmem_shared>>
      tpu.wait_indirect_dma semaphore(%arg16 : memref<!tpu.dma_semaphore, #tpu.memory_space<semaphore_mem>>) src(%dma_wait3A_296 : memref<128x8xf32, #tpu.memory_space<vmem>>) dst(%dma_wait3A_302 : memref<50048x8xf32, #tpu.memory_space<vmem_shared>>)
      %add3A_303 = arith.constant 5 : i32
      %add3A_304 = arith.addi %mul3A_160, %add3A_303 : i32
      %add3A_305 = arith.constant 0 : i32
      %add3A_306 = arith.addi %add3A_304, %add3A_305 : i32
      %lt3A = arith.constant 391 : i32
      %lt3A_307 = arith.cmpi slt, %add3A_306, %lt3A : i32
      %convert_element_type3A = arith.extui %lt3A_307 : i1 to i32
      %cond3A = arith.constant 0 : i32
      %cond3A_308 = arith.cmpi ne, %convert_element_type3A, %cond3A : i32
      scf.if %cond3A_308 {
        %add3A_397 = arith.constant 5 : i32
        %add3A_398 = arith.addi %mul3A_160, %add3A_397 : i32
        %add3A_399 = arith.constant 0 : i32
        %add3A_400 = arith.addi %add3A_398, %add3A_399 : i32
        %dma_start3A_401 = arith.constant 0 : i32
        %dma_start3A_402 = arith.constant 0 : i32
        %dma_start3A_403 = arith.constant 0 : i32
        %dma_start3A_404 = tpu.memref_slice %arg9[%dma_start3A_401, %dma_start3A_402, %dma_start3A_403] : memref<5x128x8xf32, #tpu.memory_space<vmem>> -> memref<1x128x8xf32, #tpu.memory_space<vmem>>
        %dma_start3A_405 = tpu.memref_squeeze %dma_start3A_404 : memref<1x128x8xf32, #tpu.memory_space<vmem>> -> memref<128x8xf32, #tpu.memory_space<vmem>>
        %dma_start3A_406 = arith.constant 0 : i32
        %dma_start3A_407 = tpu.memref_slice %arg7[%add3A_400, %dma_start3A_406] : memref<391x128xi32, #tpu.memory_space<vmem>> -> memref<1x128xi32, #tpu.memory_space<vmem>>
        %dma_start3A_408 = tpu.memref_squeeze %dma_start3A_407 : memref<1x128xi32, #tpu.memory_space<vmem>> -> memref<128xi32, #tpu.memory_space<vmem>>
        %dma_start3A_409 = arith.constant 0 : i32
        %dma_start3A_410 = arith.constant 0 : i32
        %dma_start3A_411 = tpu.memref_slice %arg2[%dma_start3A_409, %dma_start3A_410] : memref<100000x8xf32, #tpu.memory_space<hbm>> -> memref<100000x8xf32, #tpu.memory_space<hbm>>
        tpu.enqueue_indirect_dma source(%dma_start3A_411 : memref<100000x8xf32, #tpu.memory_space<hbm>>) target(%dma_start3A_405 : memref<128x8xf32, #tpu.memory_space<vmem>>) offsets(%dma_start3A_408 : memref<128xi32, #tpu.memory_space<vmem>>) semaphore(%arg11 : memref<!tpu.dma_semaphore, #tpu.memory_space<semaphore_mem>>)
      } else {
      }
      %add3A_309 = arith.constant 1 : i32
      %add3A_310 = arith.addi %mul3A_160, %add3A_309 : i32
      %dma_wait3A_311 = arith.constant 1 : i32
      %dma_wait3A_312 = arith.constant 0 : i32
      %dma_wait3A_313 = arith.constant 0 : i32
      %dma_wait3A_314 = tpu.memref_slice %arg9[%dma_wait3A_311, %dma_wait3A_312, %dma_wait3A_313] : memref<5x128x8xf32, #tpu.memory_space<vmem>> -> memref<1x128x8xf32, #tpu.memory_space<vmem>>
      %dma_wait3A_315 = tpu.memref_squeeze %dma_wait3A_314 : memref<1x128x8xf32, #tpu.memory_space<vmem>> -> memref<128x8xf32, #tpu.memory_space<vmem>>
      %dma_wait3A_316 = arith.constant 0 : i32
      %dma_wait3A_317 = tpu.memref_slice %arg8[%add3A_310, %dma_wait3A_316] : memref<391x128xi32, #tpu.memory_space<vmem>> -> memref<1x128xi32, #tpu.memory_space<vmem>>
      %dma_wait3A_318 = tpu.memref_squeeze %dma_wait3A_317 : memref<1x128xi32, #tpu.memory_space<vmem>> -> memref<128xi32, #tpu.memory_space<vmem>>
      %dma_wait3A_319 = arith.constant 0 : i32
      %dma_wait3A_320 = arith.constant 0 : i32
      %dma_wait3A_321 = tpu.memref_slice %arg10[%dma_wait3A_319, %dma_wait3A_320] : memref<50048x8xf32, #tpu.memory_space<vmem_shared>> -> memref<50048x8xf32, #tpu.memory_space<vmem_shared>>
      tpu.wait_indirect_dma semaphore(%arg17 : memref<!tpu.dma_semaphore, #tpu.memory_space<semaphore_mem>>) src(%dma_wait3A_315 : memref<128x8xf32, #tpu.memory_space<vmem>>) dst(%dma_wait3A_321 : memref<50048x8xf32, #tpu.memory_space<vmem_shared>>)
      %add3A_322 = arith.constant 5 : i32
      %add3A_323 = arith.addi %mul3A_160, %add3A_322 : i32
      %add3A_324 = arith.constant 1 : i32
      %add3A_325 = arith.addi %add3A_323, %add3A_324 : i32
      %lt3A_326 = arith.constant 391 : i32
      %lt3A_327 = arith.cmpi slt, %add3A_325, %lt3A_326 : i32
      %convert_element_type3A_328 = arith.extui %lt3A_327 : i1 to i32
      %cond3A_329 = arith.constant 0 : i32
      %cond3A_330 = arith.cmpi ne, %convert_element_type3A_328, %cond3A_329 : i32
      scf.if %cond3A_330 {
        %add3A_397 = arith.constant 5 : i32
        %add3A_398 = arith.addi %mul3A_160, %add3A_397 : i32
        %add3A_399 = arith.constant 1 : i32
        %add3A_400 = arith.addi %add3A_398, %add3A_399 : i32
        %dma_start3A_401 = arith.constant 1 : i32
        %dma_start3A_402 = arith.constant 0 : i32
        %dma_start3A_403 = arith.constant 0 : i32
        %dma_start3A_404 = tpu.memref_slice %arg9[%dma_start3A_401, %dma_start3A_402, %dma_start3A_403] : memref<5x128x8xf32, #tpu.memory_space<vmem>> -> memref<1x128x8xf32, #tpu.memory_space<vmem>>
        %dma_start3A_405 = tpu.memref_squeeze %dma_start3A_404 : memref<1x128x8xf32, #tpu.memory_space<vmem>> -> memref<128x8xf32, #tpu.memory_space<vmem>>
        %dma_start3A_406 = arith.constant 0 : i32
        %dma_start3A_407 = tpu.memref_slice %arg7[%add3A_400, %dma_start3A_406] : memref<391x128xi32, #tpu.memory_space<vmem>> -> memref<1x128xi32, #tpu.memory_space<vmem>>
        %dma_start3A_408 = tpu.memref_squeeze %dma_start3A_407 : memref<1x128xi32, #tpu.memory_space<vmem>> -> memref<128xi32, #tpu.memory_space<vmem>>
        %dma_start3A_409 = arith.constant 0 : i32
        %dma_start3A_410 = arith.constant 0 : i32
        %dma_start3A_411 = tpu.memref_slice %arg2[%dma_start3A_409, %dma_start3A_410] : memref<100000x8xf32, #tpu.memory_space<hbm>> -> memref<100000x8xf32, #tpu.memory_space<hbm>>
        tpu.enqueue_indirect_dma source(%dma_start3A_411 : memref<100000x8xf32, #tpu.memory_space<hbm>>) target(%dma_start3A_405 : memref<128x8xf32, #tpu.memory_space<vmem>>) offsets(%dma_start3A_408 : memref<128xi32, #tpu.memory_space<vmem>>) semaphore(%arg12 : memref<!tpu.dma_semaphore, #tpu.memory_space<semaphore_mem>>)
      } else {
      }
      %add3A_331 = arith.constant 2 : i32
      %add3A_332 = arith.addi %mul3A_160, %add3A_331 : i32
      %dma_wait3A_333 = arith.constant 2 : i32
      %dma_wait3A_334 = arith.constant 0 : i32
      %dma_wait3A_335 = arith.constant 0 : i32
      %dma_wait3A_336 = tpu.memref_slice %arg9[%dma_wait3A_333, %dma_wait3A_334, %dma_wait3A_335] : memref<5x128x8xf32, #tpu.memory_space<vmem>> -> memref<1x128x8xf32, #tpu.memory_space<vmem>>
      %dma_wait3A_337 = tpu.memref_squeeze %dma_wait3A_336 : memref<1x128x8xf32, #tpu.memory_space<vmem>> -> memref<128x8xf32, #tpu.memory_space<vmem>>
      %dma_wait3A_338 = arith.constant 0 : i32
      %dma_wait3A_339 = tpu.memref_slice %arg8[%add3A_332, %dma_wait3A_338] : memref<391x128xi32, #tpu.memory_space<vmem>> -> memref<1x128xi32, #tpu.memory_space<vmem>>
      %dma_wait3A_340 = tpu.memref_squeeze %dma_wait3A_339 : memref<1x128xi32, #tpu.memory_space<vmem>> -> memref<128xi32, #tpu.memory_space<vmem>>
      %dma_wait3A_341 = arith.constant 0 : i32
      %dma_wait3A_342 = arith.constant 0 : i32
      %dma_wait3A_343 = tpu.memref_slice %arg10[%dma_wait3A_341, %dma_wait3A_342] : memref<50048x8xf32, #tpu.memory_space<vmem_shared>> -> memref<50048x8xf32, #tpu.memory_space<vmem_shared>>
      tpu.wait_indirect_dma semaphore(%arg18 : memref<!tpu.dma_semaphore, #tpu.memory_space<semaphore_mem>>) src(%dma_wait3A_337 : memref<128x8xf32, #tpu.memory_space<vmem>>) dst(%dma_wait3A_343 : memref<50048x8xf32, #tpu.memory_space<vmem_shared>>)
      %add3A_344 = arith.constant 5 : i32
      %add3A_345 = arith.addi %mul3A_160, %add3A_344 : i32
      %add3A_346 = arith.constant 2 : i32
      %add3A_347 = arith.addi %add3A_345, %add3A_346 : i32
      %lt3A_348 = arith.constant 391 : i32
      %lt3A_349 = arith.cmpi slt, %add3A_347, %lt3A_348 : i32
      %convert_element_type3A_350 = arith.extui %lt3A_349 : i1 to i32
      %cond3A_351 = arith.constant 0 : i32
      %cond3A_352 = arith.cmpi ne, %convert_element_type3A_350, %cond3A_351 : i32
      scf.if %cond3A_352 {
        %add3A_397 = arith.constant 5 : i32
        %add3A_398 = arith.addi %mul3A_160, %add3A_397 : i32
        %add3A_399 = arith.constant 2 : i32
        %add3A_400 = arith.addi %add3A_398, %add3A_399 : i32
        %dma_start3A_401 = arith.constant 2 : i32
        %dma_start3A_402 = arith.constant 0 : i32
        %dma_start3A_403 = arith.constant 0 : i32
        %dma_start3A_404 = tpu.memref_slice %arg9[%dma_start3A_401, %dma_start3A_402, %dma_start3A_403] : memref<5x128x8xf32, #tpu.memory_space<vmem>> -> memref<1x128x8xf32, #tpu.memory_space<vmem>>
        %dma_start3A_405 = tpu.memref_squeeze %dma_start3A_404 : memref<1x128x8xf32, #tpu.memory_space<vmem>> -> memref<128x8xf32, #tpu.memory_space<vmem>>
        %dma_start3A_406 = arith.constant 0 : i32
        %dma_start3A_407 = tpu.memref_slice %arg7[%add3A_400, %dma_start3A_406] : memref<391x128xi32, #tpu.memory_space<vmem>> -> memref<1x128xi32, #tpu.memory_space<vmem>>
        %dma_start3A_408 = tpu.memref_squeeze %dma_start3A_407 : memref<1x128xi32, #tpu.memory_space<vmem>> -> memref<128xi32, #tpu.memory_space<vmem>>
        %dma_start3A_409 = arith.constant 0 : i32
        %dma_start3A_410 = arith.constant 0 : i32
        %dma_start3A_411 = tpu.memref_slice %arg2[%dma_start3A_409, %dma_start3A_410] : memref<100000x8xf32, #tpu.memory_space<hbm>> -> memref<100000x8xf32, #tpu.memory_space<hbm>>
        tpu.enqueue_indirect_dma source(%dma_start3A_411 : memref<100000x8xf32, #tpu.memory_space<hbm>>) target(%dma_start3A_405 : memref<128x8xf32, #tpu.memory_space<vmem>>) offsets(%dma_start3A_408 : memref<128xi32, #tpu.memory_space<vmem>>) semaphore(%arg13 : memref<!tpu.dma_semaphore, #tpu.memory_space<semaphore_mem>>)
      } else {
      }
      %add3A_353 = arith.constant 3 : i32
      %add3A_354 = arith.addi %mul3A_160, %add3A_353 : i32
      %dma_wait3A_355 = arith.constant 3 : i32
      %dma_wait3A_356 = arith.constant 0 : i32
      %dma_wait3A_357 = arith.constant 0 : i32
      %dma_wait3A_358 = tpu.memref_slice %arg9[%dma_wait3A_355, %dma_wait3A_356, %dma_wait3A_357] : memref<5x128x8xf32, #tpu.memory_space<vmem>> -> memref<1x128x8xf32, #tpu.memory_space<vmem>>
      %dma_wait3A_359 = tpu.memref_squeeze %dma_wait3A_358 : memref<1x128x8xf32, #tpu.memory_space<vmem>> -> memref<128x8xf32, #tpu.memory_space<vmem>>
      %dma_wait3A_360 = arith.constant 0 : i32
      %dma_wait3A_361 = tpu.memref_slice %arg8[%add3A_354, %dma_wait3A_360] : memref<391x128xi32, #tpu.memory_space<vmem>> -> memref<1x128xi32, #tpu.memory_space<vmem>>
      %dma_wait3A_362 = tpu.memref_squeeze %dma_wait3A_361 : memref<1x128xi32, #tpu.memory_space<vmem>> -> memref<128xi32, #tpu.memory_space<vmem>>
      %dma_wait3A_363 = arith.constant 0 : i32
      %dma_wait3A_364 = arith.constant 0 : i32
      %dma_wait3A_365 = tpu.memref_slice %arg10[%dma_wait3A_363, %dma_wait3A_364] : memref<50048x8xf32, #tpu.memory_space<vmem_shared>> -> memref<50048x8xf32, #tpu.memory_space<vmem_shared>>
      tpu.wait_indirect_dma semaphore(%arg19 : memref<!tpu.dma_semaphore, #tpu.memory_space<semaphore_mem>>) src(%dma_wait3A_359 : memref<128x8xf32, #tpu.memory_space<vmem>>) dst(%dma_wait3A_365 : memref<50048x8xf32, #tpu.memory_space<vmem_shared>>)
      %add3A_366 = arith.constant 5 : i32
      %add3A_367 = arith.addi %mul3A_160, %add3A_366 : i32
      %add3A_368 = arith.constant 3 : i32
      %add3A_369 = arith.addi %add3A_367, %add3A_368 : i32
      %lt3A_370 = arith.constant 391 : i32
      %lt3A_371 = arith.cmpi slt, %add3A_369, %lt3A_370 : i32
      %convert_element_type3A_372 = arith.extui %lt3A_371 : i1 to i32
      %cond3A_373 = arith.constant 0 : i32
      %cond3A_374 = arith.cmpi ne, %convert_element_type3A_372, %cond3A_373 : i32
      scf.if %cond3A_374 {
        %add3A_397 = arith.constant 5 : i32
        %add3A_398 = arith.addi %mul3A_160, %add3A_397 : i32
        %add3A_399 = arith.constant 3 : i32
        %add3A_400 = arith.addi %add3A_398, %add3A_399 : i32
        %dma_start3A_401 = arith.constant 3 : i32
        %dma_start3A_402 = arith.constant 0 : i32
        %dma_start3A_403 = arith.constant 0 : i32
        %dma_start3A_404 = tpu.memref_slice %arg9[%dma_start3A_401, %dma_start3A_402, %dma_start3A_403] : memref<5x128x8xf32, #tpu.memory_space<vmem>> -> memref<1x128x8xf32, #tpu.memory_space<vmem>>
        %dma_start3A_405 = tpu.memref_squeeze %dma_start3A_404 : memref<1x128x8xf32, #tpu.memory_space<vmem>> -> memref<128x8xf32, #tpu.memory_space<vmem>>
        %dma_start3A_406 = arith.constant 0 : i32
        %dma_start3A_407 = tpu.memref_slice %arg7[%add3A_400, %dma_start3A_406] : memref<391x128xi32, #tpu.memory_space<vmem>> -> memref<1x128xi32, #tpu.memory_space<vmem>>
        %dma_start3A_408 = tpu.memref_squeeze %dma_start3A_407 : memref<1x128xi32, #tpu.memory_space<vmem>> -> memref<128xi32, #tpu.memory_space<vmem>>
        %dma_start3A_409 = arith.constant 0 : i32
        %dma_start3A_410 = arith.constant 0 : i32
        %dma_start3A_411 = tpu.memref_slice %arg2[%dma_start3A_409, %dma_start3A_410] : memref<100000x8xf32, #tpu.memory_space<hbm>> -> memref<100000x8xf32, #tpu.memory_space<hbm>>
        tpu.enqueue_indirect_dma source(%dma_start3A_411 : memref<100000x8xf32, #tpu.memory_space<hbm>>) target(%dma_start3A_405 : memref<128x8xf32, #tpu.memory_space<vmem>>) offsets(%dma_start3A_408 : memref<128xi32, #tpu.memory_space<vmem>>) semaphore(%arg14 : memref<!tpu.dma_semaphore, #tpu.memory_space<semaphore_mem>>)
      } else {
      }
      %add3A_375 = arith.constant 4 : i32
      %add3A_376 = arith.addi %mul3A_160, %add3A_375 : i32
      %dma_wait3A_377 = arith.constant 4 : i32
      %dma_wait3A_378 = arith.constant 0 : i32
      %dma_wait3A_379 = arith.constant 0 : i32
      %dma_wait3A_380 = tpu.memref_slice %arg9[%dma_wait3A_377, %dma_wait3A_378, %dma_wait3A_379] : memref<5x128x8xf32, #tpu.memory_space<vmem>> -> memref<1x128x8xf32, #tpu.memory_space<vmem>>
      %dma_wait3A_381 = tpu.memref_squeeze %dma_wait3A_380 : memref<1x128x8xf32, #tpu.memory_space<vmem>> -> memref<128x8xf32, #tpu.memory_space<vmem>>
      %dma_wait3A_382 = arith.constant 0 : i32
      %dma_wait3A_383 = tpu.memref_slice %arg8[%add3A_376, %dma_wait3A_382] : memref<391x128xi32, #tpu.memory_space<vmem>> -> memref<1x128xi32, #tpu.memory_space<vmem>>
      %dma_wait3A_384 = tpu.memref_squeeze %dma_wait3A_383 : memref<1x128xi32, #tpu.memory_space<vmem>> -> memref<128xi32, #tpu.memory_space<vmem>>
      %dma_wait3A_385 = arith.constant 0 : i32
      %dma_wait3A_386 = arith.constant 0 : i32
      %dma_wait3A_387 = tpu.memref_slice %arg10[%dma_wait3A_385, %dma_wait3A_386] : memref<50048x8xf32, #tpu.memory_space<vmem_shared>> -> memref<50048x8xf32, #tpu.memory_space<vmem_shared>>
      tpu.wait_indirect_dma semaphore(%arg20 : memref<!tpu.dma_semaphore, #tpu.memory_space<semaphore_mem>>) src(%dma_wait3A_381 : memref<128x8xf32, #tpu.memory_space<vmem>>) dst(%dma_wait3A_387 : memref<50048x8xf32, #tpu.memory_space<vmem_shared>>)
      %add3A_388 = arith.constant 5 : i32
      %add3A_389 = arith.addi %mul3A_160, %add3A_388 : i32
      %add3A_390 = arith.constant 4 : i32
      %add3A_391 = arith.addi %add3A_389, %add3A_390 : i32
      %lt3A_392 = arith.constant 391 : i32
      %lt3A_393 = arith.cmpi slt, %add3A_391, %lt3A_392 : i32
      %convert_element_type3A_394 = arith.extui %lt3A_393 : i1 to i32
      %cond3A_395 = arith.constant 0 : i32
      %cond3A_396 = arith.cmpi ne, %convert_element_type3A_394, %cond3A_395 : i32
      scf.if %cond3A_396 {
        %add3A_397 = arith.constant 5 : i32
        %add3A_398 = arith.addi %mul3A_160, %add3A_397 : i32
        %add3A_399 = arith.constant 4 : i32
        %add3A_400 = arith.addi %add3A_398, %add3A_399 : i32
        %dma_start3A_401 = arith.constant 4 : i32
        %dma_start3A_402 = arith.constant 0 : i32
        %dma_start3A_403 = arith.constant 0 : i32
        %dma_start3A_404 = tpu.memref_slice %arg9[%dma_start3A_401, %dma_start3A_402, %dma_start3A_403] : memref<5x128x8xf32, #tpu.memory_space<vmem>> -> memref<1x128x8xf32, #tpu.memory_space<vmem>>
        %dma_start3A_405 = tpu.memref_squeeze %dma_start3A_404 : memref<1x128x8xf32, #tpu.memory_space<vmem>> -> memref<128x8xf32, #tpu.memory_space<vmem>>
        %dma_start3A_406 = arith.constant 0 : i32
        %dma_start3A_407 = tpu.memref_slice %arg7[%add3A_400, %dma_start3A_406] : memref<391x128xi32, #tpu.memory_space<vmem>> -> memref<1x128xi32, #tpu.memory_space<vmem>>
        %dma_start3A_408 = tpu.memref_squeeze %dma_start3A_407 : memref<1x128xi32, #tpu.memory_space<vmem>> -> memref<128xi32, #tpu.memory_space<vmem>>
        %dma_start3A_409 = arith.constant 0 : i32
        %dma_start3A_410 = arith.constant 0 : i32
        %dma_start3A_411 = tpu.memref_slice %arg2[%dma_start3A_409, %dma_start3A_410] : memref<100000x8xf32, #tpu.memory_space<hbm>> -> memref<100000x8xf32, #tpu.memory_space<hbm>>
        tpu.enqueue_indirect_dma source(%dma_start3A_411 : memref<100000x8xf32, #tpu.memory_space<hbm>>) target(%dma_start3A_405 : memref<128x8xf32, #tpu.memory_space<vmem>>) offsets(%dma_start3A_408 : memref<128xi32, #tpu.memory_space<vmem>>) semaphore(%arg15 : memref<!tpu.dma_semaphore, #tpu.memory_space<semaphore_mem>>)
      } else {
      }
    }
    %scan3A_64 = arith.constant 78 : i32
    %dma_wait3A = arith.constant 390 : i32
    %dma_wait3A_65 = arith.constant 0 : i32
    %dma_wait3A_66 = arith.constant 0 : i32
    %dma_wait3A_67 = arith.constant 0 : i32
    %dma_wait3A_68 = tpu.memref_slice %arg9[%dma_wait3A_65, %dma_wait3A_66, %dma_wait3A_67] : memref<5x128x8xf32, #tpu.memory_space<vmem>> -> memref<1x128x8xf32, #tpu.memory_space<vmem>>
    %dma_wait3A_69 = tpu.memref_squeeze %dma_wait3A_68 : memref<1x128x8xf32, #tpu.memory_space<vmem>> -> memref<128x8xf32, #tpu.memory_space<vmem>>
    %dma_wait3A_70 = arith.constant 0 : i32
    %dma_wait3A_71 = tpu.memref_slice %arg7[%dma_wait3A, %dma_wait3A_70] : memref<391x128xi32, #tpu.memory_space<vmem>> -> memref<1x128xi32, #tpu.memory_space<vmem>>
    %dma_wait3A_72 = tpu.memref_squeeze %dma_wait3A_71 : memref<1x128xi32, #tpu.memory_space<vmem>> -> memref<128xi32, #tpu.memory_space<vmem>>
    %dma_wait3A_73 = arith.constant 0 : i32
    %dma_wait3A_74 = arith.constant 0 : i32
    %dma_wait3A_75 = tpu.memref_slice %arg2[%dma_wait3A_73, %dma_wait3A_74] : memref<100000x8xf32, #tpu.memory_space<hbm>> -> memref<100000x8xf32, #tpu.memory_space<hbm>>
    tpu.wait_indirect_dma semaphore(%arg11 : memref<!tpu.dma_semaphore, #tpu.memory_space<semaphore_mem>>) src(%dma_wait3A_75 : memref<100000x8xf32, #tpu.memory_space<hbm>>) dst(%dma_wait3A_69 : memref<128x8xf32, #tpu.memory_space<vmem>>)
    %run_scoped3A = arith.constant 0 : i32
    %run_scoped3A_76 = arith.constant 390 : i32
    "tpu.region"() ({
      %run_scoped3A_158 = tpu.sem_alloc : memref<!tpu.dma_semaphore, #tpu.memory_space<semaphore_mem>>
      %dma_start3A_159 = arith.constant 0 : i32
      %dma_start3A_160 = arith.constant 0 : i32
      %dma_start3A_161 = tpu.memref_slice %arg9[%run_scoped3A, %dma_start3A_159, %dma_start3A_160] : memref<5x128x8xf32, #tpu.memory_space<vmem>> -> memref<1x128x8xf32, #tpu.memory_space<vmem>>
      %dma_start3A_162 = tpu.memref_squeeze %dma_start3A_161 : memref<1x128x8xf32, #tpu.memory_space<vmem>> -> memref<128x8xf32, #tpu.memory_space<vmem>>
      %dma_start3A_163 = arith.constant 0 : i32
      %dma_start3A_164 = tpu.memref_slice %arg8[%run_scoped3A_76, %dma_start3A_163] : memref<391x128xi32, #tpu.memory_space<vmem>> -> memref<1x128xi32, #tpu.memory_space<vmem>>
      %dma_start3A_165 = tpu.memref_squeeze %dma_start3A_164 : memref<1x128xi32, #tpu.memory_space<vmem>> -> memref<128xi32, #tpu.memory_space<vmem>>
      %dma_start3A_166 = arith.constant 0 : i32
      %dma_start3A_167 = arith.constant 0 : i32
      %dma_start3A_168 = tpu.memref_slice %arg10[%dma_start3A_166, %dma_start3A_167] : memref<50048x8xf32, #tpu.memory_space<vmem_shared>> -> memref<50048x8xf32, #tpu.memory_space<vmem_shared>>
      tpu.enqueue_indirect_dma source(%dma_start3A_162 : memref<128x8xf32, #tpu.memory_space<vmem>>) target(%dma_start3A_168 : memref<50048x8xf32, #tpu.memory_space<vmem_shared>>) offsets(%dma_start3A_165 : memref<128xi32, #tpu.memory_space<vmem>>) semaphore(%run_scoped3A_158 : memref<!tpu.dma_semaphore, #tpu.memory_space<semaphore_mem>>) {add = true}
      %dma_wait3A_169 = arith.constant 0 : i32
      %dma_wait3A_170 = arith.constant 0 : i32
      %dma_wait3A_171 = tpu.memref_slice %arg9[%run_scoped3A, %dma_wait3A_169, %dma_wait3A_170] : memref<5x128x8xf32, #tpu.memory_space<vmem>> -> memref<1x128x8xf32, #tpu.memory_space<vmem>>
      %dma_wait3A_172 = tpu.memref_squeeze %dma_wait3A_171 : memref<1x128x8xf32, #tpu.memory_space<vmem>> -> memref<128x8xf32, #tpu.memory_space<vmem>>
      %dma_wait3A_173 = arith.constant 0 : i32
      %dma_wait3A_174 = tpu.memref_slice %arg8[%run_scoped3A_76, %dma_wait3A_173] : memref<391x128xi32, #tpu.memory_space<vmem>> -> memref<1x128xi32, #tpu.memory_space<vmem>>
      %dma_wait3A_175 = tpu.memref_squeeze %dma_wait3A_174 : memref<1x128xi32, #tpu.memory_space<vmem>> -> memref<128xi32, #tpu.memory_space<vmem>>
      %dma_wait3A_176 = arith.constant 0 : i32
      %dma_wait3A_177 = arith.constant 0 : i32
      %dma_wait3A_178 = tpu.memref_slice %arg10[%dma_wait3A_176, %dma_wait3A_177] : memref<50048x8xf32, #tpu.memory_space<vmem_shared>> -> memref<50048x8xf32, #tpu.memory_space<vmem_shared>>
      tpu.wait_indirect_dma semaphore(%run_scoped3A_158 : memref<!tpu.dma_semaphore, #tpu.memory_space<semaphore_mem>>) src(%dma_wait3A_172 : memref<128x8xf32, #tpu.memory_space<vmem>>) dst(%dma_wait3A_178 : memref<50048x8xf32, #tpu.memory_space<vmem_shared>>)
      tpu.yield
    }) : () -> ()
    "tpu.region"() ({
      %run_scoped3A_158 = tpu.sem_alloc : memref<!tpu.dma_semaphore, #tpu.memory_space<semaphore_mem>>
      %dma_start3A_159 = arith.constant 391 : i32
      %dma_start3A_160 = arith.constant 0 : i32
      %dma_start3A_161 = tpu.memref_slice %arg3[%arg1, %dma_start3A_159, %dma_start3A_160] : memref<16x782x128xi32, #tpu.memory_space<hbm>> -> memref<1x391x128xi32, #tpu.memory_space<hbm>>
      %dma_start3A_162 = tpu.memref_squeeze %dma_start3A_161 : memref<1x391x128xi32, #tpu.memory_space<hbm>> -> memref<391x128xi32, #tpu.memory_space<hbm>>
      %dma_start3A_163 = arith.constant 391 : i32
      %dma_start3A_164 = arith.constant 0 : i32
      %dma_start3A_165 = tpu.memref_slice %arg3[%arg1, %dma_start3A_163, %dma_start3A_164] : memref<16x782x128xi32, #tpu.memory_space<hbm>> -> memref<1x391x128xi32, #tpu.memory_space<hbm>>
      %dma_start3A_166 = tpu.memref_squeeze %dma_start3A_165 : memref<1x391x128xi32, #tpu.memory_space<hbm>> -> memref<391x128xi32, #tpu.memory_space<hbm>>
      tpu.enqueue_dma source(%dma_start3A_166 : memref<391x128xi32, #tpu.memory_space<hbm>>) target(%arg7 : memref<391x128xi32, #tpu.memory_space<vmem>>) target_semaphore(%run_scoped3A_158 : memref<!tpu.dma_semaphore, #tpu.memory_space<semaphore_mem>>)
      %dma_wait3A_167 = arith.constant 391 : i32
      %dma_wait3A_168 = arith.constant 0 : i32
      %dma_wait3A_169 = tpu.memref_slice %arg3[%arg1, %dma_wait3A_167, %dma_wait3A_168] : memref<16x782x128xi32, #tpu.memory_space<hbm>> -> memref<1x391x128xi32, #tpu.memory_space<hbm>>
      %dma_wait3A_170 = tpu.memref_squeeze %dma_wait3A_169 : memref<1x391x128xi32, #tpu.memory_space<hbm>> -> memref<391x128xi32, #tpu.memory_space<hbm>>
      %dma_wait3A_171 = arith.constant 391 : i32
      %dma_wait3A_172 = arith.constant 0 : i32
      %dma_wait3A_173 = tpu.memref_slice %arg3[%arg1, %dma_wait3A_171, %dma_wait3A_172] : memref<16x782x128xi32, #tpu.memory_space<hbm>> -> memref<1x391x128xi32, #tpu.memory_space<hbm>>
      %dma_wait3A_174 = tpu.memref_squeeze %dma_wait3A_173 : memref<1x391x128xi32, #tpu.memory_space<hbm>> -> memref<391x128xi32, #tpu.memory_space<hbm>>
      tpu.wait_dma2 semaphore(%run_scoped3A_158 : memref<!tpu.dma_semaphore, #tpu.memory_space<semaphore_mem>>) src(%dma_wait3A_174 : memref<391x128xi32, #tpu.memory_space<hbm>>) dst(%arg7 : memref<391x128xi32, #tpu.memory_space<vmem>>)
      tpu.yield
    }) : () -> ()
    "tpu.region"() ({
      %run_scoped3A_158 = tpu.sem_alloc : memref<!tpu.dma_semaphore, #tpu.memory_space<semaphore_mem>>
      %dma_start3A_159 = arith.constant 391 : i32
      %dma_start3A_160 = arith.constant 0 : i32
      %dma_start3A_161 = tpu.memref_slice %arg4[%arg0, %arg1, %dma_start3A_159, %dma_start3A_160] : memref<2x16x782x128xi32, #tpu.memory_space<hbm>> -> memref<1x1x391x128xi32, #tpu.memory_space<hbm>>
      %dma_start3A_162 = tpu.memref_squeeze %dma_start3A_161 : memref<1x1x391x128xi32, #tpu.memory_space<hbm>> -> memref<391x128xi32, #tpu.memory_space<hbm>>
      %dma_start3A_163 = arith.constant 391 : i32
      %dma_start3A_164 = arith.constant 0 : i32
      %dma_start3A_165 = tpu.memref_slice %arg4[%arg0, %arg1, %dma_start3A_163, %dma_start3A_164] : memref<2x16x782x128xi32, #tpu.memory_space<hbm>> -> memref<1x1x391x128xi32, #tpu.memory_space<hbm>>
      %dma_start3A_166 = tpu.memref_squeeze %dma_start3A_165 : memref<1x1x391x128xi32, #tpu.memory_space<hbm>> -> memref<391x128xi32, #tpu.memory_space<hbm>>
      tpu.enqueue_dma source(%dma_start3A_166 : memref<391x128xi32, #tpu.memory_space<hbm>>) target(%arg8 : memref<391x128xi32, #tpu.memory_space<vmem>>) target_semaphore(%run_scoped3A_158 : memref<!tpu.dma_semaphore, #tpu.memory_space<semaphore_mem>>)
      %dma_wait3A_167 = arith.constant 391 : i32
      %dma_wait3A_168 = arith.constant 0 : i32
      %dma_wait3A_169 = tpu.memref_slice %arg4[%arg0, %arg1, %dma_wait3A_167, %dma_wait3A_168] : memref<2x16x782x128xi32, #tpu.memory_space<hbm>> -> memref<1x1x391x128xi32, #tpu.memory_space<hbm>>
      %dma_wait3A_170 = tpu.memref_squeeze %dma_wait3A_169 : memref<1x1x391x128xi32, #tpu.memory_space<hbm>> -> memref<391x128xi32, #tpu.memory_space<hbm>>
      %dma_wait3A_171 = arith.constant 391 : i32
      %dma_wait3A_172 = arith.constant 0 : i32
      %dma_wait3A_173 = tpu.memref_slice %arg4[%arg0, %arg1, %dma_wait3A_171, %dma_wait3A_172] : memref<2x16x782x128xi32, #tpu.memory_space<hbm>> -> memref<1x1x391x128xi32, #tpu.memory_space<hbm>>
      %dma_wait3A_174 = tpu.memref_squeeze %dma_wait3A_173 : memref<1x1x391x128xi32, #tpu.memory_space<hbm>> -> memref<391x128xi32, #tpu.memory_space<hbm>>
      tpu.wait_dma2 semaphore(%run_scoped3A_158 : memref<!tpu.dma_semaphore, #tpu.memory_space<semaphore_mem>>) src(%dma_wait3A_174 : memref<391x128xi32, #tpu.memory_space<hbm>>) dst(%arg8 : memref<391x128xi32, #tpu.memory_space<vmem>>)
      tpu.yield
    }) : () -> ()
    %dma_start3A_77 = arith.constant 0 : i32
    %dma_start3A_78 = arith.constant 0 : i32
    %dma_start3A_79 = arith.constant 0 : i32
    %dma_start3A_80 = arith.constant 0 : i32
    %dma_start3A_81 = tpu.memref_slice %arg9[%dma_start3A_78, %dma_start3A_79, %dma_start3A_80] : memref<5x128x8xf32, #tpu.memory_space<vmem>> -> memref<1x128x8xf32, #tpu.memory_space<vmem>>
    %dma_start3A_82 = tpu.memref_squeeze %dma_start3A_81 : memref<1x128x8xf32, #tpu.memory_space<vmem>> -> memref<128x8xf32, #tpu.memory_space<vmem>>
    %dma_start3A_83 = arith.constant 0 : i32
    %dma_start3A_84 = tpu.memref_slice %arg7[%dma_start3A_77, %dma_start3A_83] : memref<391x128xi32, #tpu.memory_space<vmem>> -> memref<1x128xi32, #tpu.memory_space<vmem>>
    %dma_start3A_85 = tpu.memref_squeeze %dma_start3A_84 : memref<1x128xi32, #tpu.memory_space<vmem>> -> memref<128xi32, #tpu.memory_space<vmem>>
    %dma_start3A_86 = arith.constant 0 : i32
    %dma_start3A_87 = arith.constant 0 : i32
    %dma_start3A_88 = tpu.memref_slice %arg2[%dma_start3A_86, %dma_start3A_87] : memref<100000x8xf32, #tpu.memory_space<hbm>> -> memref<100000x8xf32, #tpu.memory_space<hbm>>
    tpu.enqueue_indirect_dma source(%dma_start3A_88 : memref<100000x8xf32, #tpu.memory_space<hbm>>) target(%dma_start3A_82 : memref<128x8xf32, #tpu.memory_space<vmem>>) offsets(%dma_start3A_85 : memref<128xi32, #tpu.memory_space<vmem>>) semaphore(%arg11 : memref<!tpu.dma_semaphore, #tpu.memory_space<semaphore_mem>>)
    %dma_start3A_89 = arith.constant 1 : i32
    %dma_start3A_90 = arith.constant 1 : i32
    %dma_start3A_91 = arith.constant 0 : i32
    %dma_start3A_92 = arith.constant 0 : i32
    %dma_start3A_93 = tpu.memref_slice %arg9[%dma_start3A_90, %dma_start3A_91, %dma_start3A_92] : memref<5x128x8xf32, #tpu.memory_space<vmem>> -> memref<1x128x8xf32, #tpu.memory_space<vmem>>
    %dma_start3A_94 = tpu.memref_squeeze %dma_start3A_93 : memref<1x128x8xf32, #tpu.memory_space<vmem>> -> memref<128x8xf32, #tpu.memory_space<vmem>>
    %dma_start3A_95 = arith.constant 0 : i32
    %dma_start3A_96 = tpu.memref_slice %arg7[%dma_start3A_89, %dma_start3A_95] : memref<391x128xi32, #tpu.memory_space<vmem>> -> memref<1x128xi32, #tpu.memory_space<vmem>>
    %dma_start3A_97 = tpu.memref_squeeze %dma_start3A_96 : memref<1x128xi32, #tpu.memory_space<vmem>> -> memref<128xi32, #tpu.memory_space<vmem>>
    %dma_start3A_98 = arith.constant 0 : i32
    %dma_start3A_99 = arith.constant 0 : i32
    %dma_start3A_100 = tpu.memref_slice %arg2[%dma_start3A_98, %dma_start3A_99] : memref<100000x8xf32, #tpu.memory_space<hbm>> -> memref<100000x8xf32, #tpu.memory_space<hbm>>
    tpu.enqueue_indirect_dma source(%dma_start3A_100 : memref<100000x8xf32, #tpu.memory_space<hbm>>) target(%dma_start3A_94 : memref<128x8xf32, #tpu.memory_space<vmem>>) offsets(%dma_start3A_97 : memref<128xi32, #tpu.memory_space<vmem>>) semaphore(%arg12 : memref<!tpu.dma_semaphore, #tpu.memory_space<semaphore_mem>>)
    %dma_start3A_101 = arith.constant 2 : i32
    %dma_start3A_102 = arith.constant 2 : i32
    %dma_start3A_103 = arith.constant 0 : i32
    %dma_start3A_104 = arith.constant 0 : i32
    %dma_start3A_105 = tpu.memref_slice %arg9[%dma_start3A_102, %dma_start3A_103, %dma_start3A_104] : memref<5x128x8xf32, #tpu.memory_space<vmem>> -> memref<1x128x8xf32, #tpu.memory_space<vmem>>
    %dma_start3A_106 = tpu.memref_squeeze %dma_start3A_105 : memref<1x128x8xf32, #tpu.memory_space<vmem>> -> memref<128x8xf32, #tpu.memory_space<vmem>>
    %dma_start3A_107 = arith.constant 0 : i32
    %dma_start3A_108 = tpu.memref_slice %arg7[%dma_start3A_101, %dma_start3A_107] : memref<391x128xi32, #tpu.memory_space<vmem>> -> memref<1x128xi32, #tpu.memory_space<vmem>>
    %dma_start3A_109 = tpu.memref_squeeze %dma_start3A_108 : memref<1x128xi32, #tpu.memory_space<vmem>> -> memref<128xi32, #tpu.memory_space<vmem>>
    %dma_start3A_110 = arith.constant 0 : i32
    %dma_start3A_111 = arith.constant 0 : i32
    %dma_start3A_112 = tpu.memref_slice %arg2[%dma_start3A_110, %dma_start3A_111] : memref<100000x8xf32, #tpu.memory_space<hbm>> -> memref<100000x8xf32, #tpu.memory_space<hbm>>
    tpu.enqueue_indirect_dma source(%dma_start3A_112 : memref<100000x8xf32, #tpu.memory_space<hbm>>) target(%dma_start3A_106 : memref<128x8xf32, #tpu.memory_space<vmem>>) offsets(%dma_start3A_109 : memref<128xi32, #tpu.memory_space<vmem>>) semaphore(%arg13 : memref<!tpu.dma_semaphore, #tpu.memory_space<semaphore_mem>>)
    %dma_start3A_113 = arith.constant 3 : i32
    %dma_start3A_114 = arith.constant 3 : i32
    %dma_start3A_115 = arith.constant 0 : i32
    %dma_start3A_116 = arith.constant 0 : i32
    %dma_start3A_117 = tpu.memref_slice %arg9[%dma_start3A_114, %dma_start3A_115, %dma_start3A_116] : memref<5x128x8xf32, #tpu.memory_space<vmem>> -> memref<1x128x8xf32, #tpu.memory_space<vmem>>
    %dma_start3A_118 = tpu.memref_squeeze %dma_start3A_117 : memref<1x128x8xf32, #tpu.memory_space<vmem>> -> memref<128x8xf32, #tpu.memory_space<vmem>>
    %dma_start3A_119 = arith.constant 0 : i32
    %dma_start3A_120 = tpu.memref_slice %arg7[%dma_start3A_113, %dma_start3A_119] : memref<391x128xi32, #tpu.memory_space<vmem>> -> memref<1x128xi32, #tpu.memory_space<vmem>>
    %dma_start3A_121 = tpu.memref_squeeze %dma_start3A_120 : memref<1x128xi32, #tpu.memory_space<vmem>> -> memref<128xi32, #tpu.memory_space<vmem>>
    %dma_start3A_122 = arith.constant 0 : i32
    %dma_start3A_123 = arith.constant 0 : i32
    %dma_start3A_124 = tpu.memref_slice %arg2[%dma_start3A_122, %dma_start3A_123] : memref<100000x8xf32, #tpu.memory_space<hbm>> -> memref<100000x8xf32, #tpu.memory_space<hbm>>
    tpu.enqueue_indirect_dma source(%dma_start3A_124 : memref<100000x8xf32, #tpu.memory_space<hbm>>) target(%dma_start3A_118 : memref<128x8xf32, #tpu.memory_space<vmem>>) offsets(%dma_start3A_121 : memref<128xi32, #tpu.memory_space<vmem>>) semaphore(%arg14 : memref<!tpu.dma_semaphore, #tpu.memory_space<semaphore_mem>>)
    %dma_start3A_125 = arith.constant 4 : i32
    %dma_start3A_126 = arith.constant 4 : i32
    %dma_start3A_127 = arith.constant 0 : i32
    %dma_start3A_128 = arith.constant 0 : i32
    %dma_start3A_129 = tpu.memref_slice %arg9[%dma_start3A_126, %dma_start3A_127, %dma_start3A_128] : memref<5x128x8xf32, #tpu.memory_space<vmem>> -> memref<1x128x8xf32, #tpu.memory_space<vmem>>
    %dma_start3A_130 = tpu.memref_squeeze %dma_start3A_129 : memref<1x128x8xf32, #tpu.memory_space<vmem>> -> memref<128x8xf32, #tpu.memory_space<vmem>>
    %dma_start3A_131 = arith.constant 0 : i32
    %dma_start3A_132 = tpu.memref_slice %arg7[%dma_start3A_125, %dma_start3A_131] : memref<391x128xi32, #tpu.memory_space<vmem>> -> memref<1x128xi32, #tpu.memory_space<vmem>>
    %dma_start3A_133 = tpu.memref_squeeze %dma_start3A_132 : memref<1x128xi32, #tpu.memory_space<vmem>> -> memref<128xi32, #tpu.memory_space<vmem>>
    %dma_start3A_134 = arith.constant 0 : i32
    %dma_start3A_135 = arith.constant 0 : i32
    %dma_start3A_136 = tpu.memref_slice %arg2[%dma_start3A_134, %dma_start3A_135] : memref<100000x8xf32, #tpu.memory_space<hbm>> -> memref<100000x8xf32, #tpu.memory_space<hbm>>
    tpu.enqueue_indirect_dma source(%dma_start3A_136 : memref<100000x8xf32, #tpu.memory_space<hbm>>) target(%dma_start3A_130 : memref<128x8xf32, #tpu.memory_space<vmem>>) offsets(%dma_start3A_133 : memref<128xi32, #tpu.memory_space<vmem>>) semaphore(%arg15 : memref<!tpu.dma_semaphore, #tpu.memory_space<semaphore_mem>>)
    %scan3A_137 = arith.constant 0 : i32
    %scan3A_138 = arith.constant 0 : i32
    %scan3A_139 = arith.constant 78 : i32
    %scan3A_140 = arith.addi %scan3A_138, %scan3A_139 : i32
    %scan3A_141 = arith.constant 1 : i32
    scf.for %scan3A_158 = %scan3A_138 to %scan3A_140 step %scan3A_141  : i32 {
      %mul3A_159 = arith.constant 5 : i32
      %mul3A_160 = arith.muli %scan3A_158, %mul3A_159 : i32
      %add3A = arith.constant 0 : i32
      %add3A_161 = arith.addi %mul3A_160, %add3A : i32
      %dma_wait3A_162 = arith.constant 0 : i32
      %dma_wait3A_163 = arith.constant 0 : i32
      %dma_wait3A_164 = arith.constant 0 : i32
      %dma_wait3A_165 = tpu.memref_slice %arg9[%dma_wait3A_162, %dma_wait3A_163, %dma_wait3A_164] : memref<5x128x8xf32, #tpu.memory_space<vmem>> -> memref<1x128x8xf32, #tpu.memory_space<vmem>>
      %dma_wait3A_166 = tpu.memref_squeeze %dma_wait3A_165 : memref<1x128x8xf32, #tpu.memory_space<vmem>> -> memref<128x8xf32, #tpu.memory_space<vmem>>
      %dma_wait3A_167 = arith.constant 0 : i32
      %dma_wait3A_168 = tpu.memref_slice %arg7[%add3A_161, %dma_wait3A_167] : memref<391x128xi32, #tpu.memory_space<vmem>> -> memref<1x128xi32, #tpu.memory_space<vmem>>
      %dma_wait3A_169 = tpu.memref_squeeze %dma_wait3A_168 : memref<1x128xi32, #tpu.memory_space<vmem>> -> memref<128xi32, #tpu.memory_space<vmem>>
      %dma_wait3A_170 = arith.constant 0 : i32
      %dma_wait3A_171 = arith.constant 0 : i32
      %dma_wait3A_172 = tpu.memref_slice %arg2[%dma_wait3A_170, %dma_wait3A_171] : memref<100000x8xf32, #tpu.memory_space<hbm>> -> memref<100000x8xf32, #tpu.memory_space<hbm>>
      tpu.wait_indirect_dma semaphore(%arg11 : memref<!tpu.dma_semaphore, #tpu.memory_space<semaphore_mem>>) src(%dma_wait3A_172 : memref<100000x8xf32, #tpu.memory_space<hbm>>) dst(%dma_wait3A_166 : memref<128x8xf32, #tpu.memory_space<vmem>>)
      %add3A_173 = arith.constant 0 : i32
      %add3A_174 = arith.addi %mul3A_160, %add3A_173 : i32
      %dma_start3A_175 = arith.constant 0 : i32
      %dma_start3A_176 = arith.constant 0 : i32
      %dma_start3A_177 = arith.constant 0 : i32
      %dma_start3A_178 = tpu.memref_slice %arg9[%dma_start3A_175, %dma_start3A_176, %dma_start3A_177] : memref<5x128x8xf32, #tpu.memory_space<vmem>> -> memref<1x128x8xf32, #tpu.memory_space<vmem>>
      %dma_start3A_179 = tpu.memref_squeeze %dma_start3A_178 : memref<1x128x8xf32, #tpu.memory_space<vmem>> -> memref<128x8xf32, #tpu.memory_space<vmem>>
      %dma_start3A_180 = arith.constant 0 : i32
      %dma_start3A_181 = tpu.memref_slice %arg8[%add3A_174, %dma_start3A_180] : memref<391x128xi32, #tpu.memory_space<vmem>> -> memref<1x128xi32, #tpu.memory_space<vmem>>
      %dma_start3A_182 = tpu.memref_squeeze %dma_start3A_181 : memref<1x128xi32, #tpu.memory_space<vmem>> -> memref<128xi32, #tpu.memory_space<vmem>>
      %dma_start3A_183 = arith.constant 0 : i32
      %dma_start3A_184 = arith.constant 0 : i32
      %dma_start3A_185 = tpu.memref_slice %arg10[%dma_start3A_183, %dma_start3A_184] : memref<50048x8xf32, #tpu.memory_space<vmem_shared>> -> memref<50048x8xf32, #tpu.memory_space<vmem_shared>>
      tpu.enqueue_indirect_dma source(%dma_start3A_179 : memref<128x8xf32, #tpu.memory_space<vmem>>) target(%dma_start3A_185 : memref<50048x8xf32, #tpu.memory_space<vmem_shared>>) offsets(%dma_start3A_182 : memref<128xi32, #tpu.memory_space<vmem>>) semaphore(%arg16 : memref<!tpu.dma_semaphore, #tpu.memory_space<semaphore_mem>>) {add = true}
      %add3A_186 = arith.constant 1 : i32
      %add3A_187 = arith.addi %mul3A_160, %add3A_186 : i32
      %dma_wait3A_188 = arith.constant 1 : i32
      %dma_wait3A_189 = arith.constant 0 : i32
      %dma_wait3A_190 = arith.constant 0 : i32
      %dma_wait3A_191 = tpu.memref_slice %arg9[%dma_wait3A_188, %dma_wait3A_189, %dma_wait3A_190] : memref<5x128x8xf32, #tpu.memory_space<vmem>> -> memref<1x128x8xf32, #tpu.memory_space<vmem>>
      %dma_wait3A_192 = tpu.memref_squeeze %dma_wait3A_191 : memref<1x128x8xf32, #tpu.memory_space<vmem>> -> memref<128x8xf32, #tpu.memory_space<vmem>>
      %dma_wait3A_193 = arith.constant 0 : i32
      %dma_wait3A_194 = tpu.memref_slice %arg7[%add3A_187, %dma_wait3A_193] : memref<391x128xi32, #tpu.memory_space<vmem>> -> memref<1x128xi32, #tpu.memory_space<vmem>>
      %dma_wait3A_195 = tpu.memref_squeeze %dma_wait3A_194 : memref<1x128xi32, #tpu.memory_space<vmem>> -> memref<128xi32, #tpu.memory_space<vmem>>
      %dma_wait3A_196 = arith.constant 0 : i32
      %dma_wait3A_197 = arith.constant 0 : i32
      %dma_wait3A_198 = tpu.memref_slice %arg2[%dma_wait3A_196, %dma_wait3A_197] : memref<100000x8xf32, #tpu.memory_space<hbm>> -> memref<100000x8xf32, #tpu.memory_space<hbm>>
      tpu.wait_indirect_dma semaphore(%arg12 : memref<!tpu.dma_semaphore, #tpu.memory_space<semaphore_mem>>) src(%dma_wait3A_198 : memref<100000x8xf32, #tpu.memory_space<hbm>>) dst(%dma_wait3A_192 : memref<128x8xf32, #tpu.memory_space<vmem>>)
      %add3A_199 = arith.constant 1 : i32
      %add3A_200 = arith.addi %mul3A_160, %add3A_199 : i32
      %dma_start3A_201 = arith.constant 1 : i32
      %dma_start3A_202 = arith.constant 0 : i32
      %dma_start3A_203 = arith.constant 0 : i32
      %dma_start3A_204 = tpu.memref_slice %arg9[%dma_start3A_201, %dma_start3A_202, %dma_start3A_203] : memref<5x128x8xf32, #tpu.memory_space<vmem>> -> memref<1x128x8xf32, #tpu.memory_space<vmem>>
      %dma_start3A_205 = tpu.memref_squeeze %dma_start3A_204 : memref<1x128x8xf32, #tpu.memory_space<vmem>> -> memref<128x8xf32, #tpu.memory_space<vmem>>
      %dma_start3A_206 = arith.constant 0 : i32
      %dma_start3A_207 = tpu.memref_slice %arg8[%add3A_200, %dma_start3A_206] : memref<391x128xi32, #tpu.memory_space<vmem>> -> memref<1x128xi32, #tpu.memory_space<vmem>>
      %dma_start3A_208 = tpu.memref_squeeze %dma_start3A_207 : memref<1x128xi32, #tpu.memory_space<vmem>> -> memref<128xi32, #tpu.memory_space<vmem>>
      %dma_start3A_209 = arith.constant 0 : i32
      %dma_start3A_210 = arith.constant 0 : i32
      %dma_start3A_211 = tpu.memref_slice %arg10[%dma_start3A_209, %dma_start3A_210] : memref<50048x8xf32, #tpu.memory_space<vmem_shared>> -> memref<50048x8xf32, #tpu.memory_space<vmem_shared>>
      tpu.enqueue_indirect_dma source(%dma_start3A_205 : memref<128x8xf32, #tpu.memory_space<vmem>>) target(%dma_start3A_211 : memref<50048x8xf32, #tpu.memory_space<vmem_shared>>) offsets(%dma_start3A_208 : memref<128xi32, #tpu.memory_space<vmem>>) semaphore(%arg17 : memref<!tpu.dma_semaphore, #tpu.memory_space<semaphore_mem>>) {add = true}
      %add3A_212 = arith.constant 2 : i32
      %add3A_213 = arith.addi %mul3A_160, %add3A_212 : i32
      %dma_wait3A_214 = arith.constant 2 : i32
      %dma_wait3A_215 = arith.constant 0 : i32
      %dma_wait3A_216 = arith.constant 0 : i32
      %dma_wait3A_217 = tpu.memref_slice %arg9[%dma_wait3A_214, %dma_wait3A_215, %dma_wait3A_216] : memref<5x128x8xf32, #tpu.memory_space<vmem>> -> memref<1x128x8xf32, #tpu.memory_space<vmem>>
      %dma_wait3A_218 = tpu.memref_squeeze %dma_wait3A_217 : memref<1x128x8xf32, #tpu.memory_space<vmem>> -> memref<128x8xf32, #tpu.memory_space<vmem>>
      %dma_wait3A_219 = arith.constant 0 : i32
      %dma_wait3A_220 = tpu.memref_slice %arg7[%add3A_213, %dma_wait3A_219] : memref<391x128xi32, #tpu.memory_space<vmem>> -> memref<1x128xi32, #tpu.memory_space<vmem>>
      %dma_wait3A_221 = tpu.memref_squeeze %dma_wait3A_220 : memref<1x128xi32, #tpu.memory_space<vmem>> -> memref<128xi32, #tpu.memory_space<vmem>>
      %dma_wait3A_222 = arith.constant 0 : i32
      %dma_wait3A_223 = arith.constant 0 : i32
      %dma_wait3A_224 = tpu.memref_slice %arg2[%dma_wait3A_222, %dma_wait3A_223] : memref<100000x8xf32, #tpu.memory_space<hbm>> -> memref<100000x8xf32, #tpu.memory_space<hbm>>
      tpu.wait_indirect_dma semaphore(%arg13 : memref<!tpu.dma_semaphore, #tpu.memory_space<semaphore_mem>>) src(%dma_wait3A_224 : memref<100000x8xf32, #tpu.memory_space<hbm>>) dst(%dma_wait3A_218 : memref<128x8xf32, #tpu.memory_space<vmem>>)
      %add3A_225 = arith.constant 2 : i32
      %add3A_226 = arith.addi %mul3A_160, %add3A_225 : i32
      %dma_start3A_227 = arith.constant 2 : i32
      %dma_start3A_228 = arith.constant 0 : i32
      %dma_start3A_229 = arith.constant 0 : i32
      %dma_start3A_230 = tpu.memref_slice %arg9[%dma_start3A_227, %dma_start3A_228, %dma_start3A_229] : memref<5x128x8xf32, #tpu.memory_space<vmem>> -> memref<1x128x8xf32, #tpu.memory_space<vmem>>
      %dma_start3A_231 = tpu.memref_squeeze %dma_start3A_230 : memref<1x128x8xf32, #tpu.memory_space<vmem>> -> memref<128x8xf32, #tpu.memory_space<vmem>>
      %dma_start3A_232 = arith.constant 0 : i32
      %dma_start3A_233 = tpu.memref_slice %arg8[%add3A_226, %dma_start3A_232] : memref<391x128xi32, #tpu.memory_space<vmem>> -> memref<1x128xi32, #tpu.memory_space<vmem>>
      %dma_start3A_234 = tpu.memref_squeeze %dma_start3A_233 : memref<1x128xi32, #tpu.memory_space<vmem>> -> memref<128xi32, #tpu.memory_space<vmem>>
      %dma_start3A_235 = arith.constant 0 : i32
      %dma_start3A_236 = arith.constant 0 : i32
      %dma_start3A_237 = tpu.memref_slice %arg10[%dma_start3A_235, %dma_start3A_236] : memref<50048x8xf32, #tpu.memory_space<vmem_shared>> -> memref<50048x8xf32, #tpu.memory_space<vmem_shared>>
      tpu.enqueue_indirect_dma source(%dma_start3A_231 : memref<128x8xf32, #tpu.memory_space<vmem>>) target(%dma_start3A_237 : memref<50048x8xf32, #tpu.memory_space<vmem_shared>>) offsets(%dma_start3A_234 : memref<128xi32, #tpu.memory_space<vmem>>) semaphore(%arg18 : memref<!tpu.dma_semaphore, #tpu.memory_space<semaphore_mem>>) {add = true}
      %add3A_238 = arith.constant 3 : i32
      %add3A_239 = arith.addi %mul3A_160, %add3A_238 : i32
      %dma_wait3A_240 = arith.constant 3 : i32
      %dma_wait3A_241 = arith.constant 0 : i32
      %dma_wait3A_242 = arith.constant 0 : i32
      %dma_wait3A_243 = tpu.memref_slice %arg9[%dma_wait3A_240, %dma_wait3A_241, %dma_wait3A_242] : memref<5x128x8xf32, #tpu.memory_space<vmem>> -> memref<1x128x8xf32, #tpu.memory_space<vmem>>
      %dma_wait3A_244 = tpu.memref_squeeze %dma_wait3A_243 : memref<1x128x8xf32, #tpu.memory_space<vmem>> -> memref<128x8xf32, #tpu.memory_space<vmem>>
      %dma_wait3A_245 = arith.constant 0 : i32
      %dma_wait3A_246 = tpu.memref_slice %arg7[%add3A_239, %dma_wait3A_245] : memref<391x128xi32, #tpu.memory_space<vmem>> -> memref<1x128xi32, #tpu.memory_space<vmem>>
      %dma_wait3A_247 = tpu.memref_squeeze %dma_wait3A_246 : memref<1x128xi32, #tpu.memory_space<vmem>> -> memref<128xi32, #tpu.memory_space<vmem>>
      %dma_wait3A_248 = arith.constant 0 : i32
      %dma_wait3A_249 = arith.constant 0 : i32
      %dma_wait3A_250 = tpu.memref_slice %arg2[%dma_wait3A_248, %dma_wait3A_249] : memref<100000x8xf32, #tpu.memory_space<hbm>> -> memref<100000x8xf32, #tpu.memory_space<hbm>>
      tpu.wait_indirect_dma semaphore(%arg14 : memref<!tpu.dma_semaphore, #tpu.memory_space<semaphore_mem>>) src(%dma_wait3A_250 : memref<100000x8xf32, #tpu.memory_space<hbm>>) dst(%dma_wait3A_244 : memref<128x8xf32, #tpu.memory_space<vmem>>)
      %add3A_251 = arith.constant 3 : i32
      %add3A_252 = arith.addi %mul3A_160, %add3A_251 : i32
      %dma_start3A_253 = arith.constant 3 : i32
      %dma_start3A_254 = arith.constant 0 : i32
      %dma_start3A_255 = arith.constant 0 : i32
      %dma_start3A_256 = tpu.memref_slice %arg9[%dma_start3A_253, %dma_start3A_254, %dma_start3A_255] : memref<5x128x8xf32, #tpu.memory_space<vmem>> -> memref<1x128x8xf32, #tpu.memory_space<vmem>>
      %dma_start3A_257 = tpu.memref_squeeze %dma_start3A_256 : memref<1x128x8xf32, #tpu.memory_space<vmem>> -> memref<128x8xf32, #tpu.memory_space<vmem>>
      %dma_start3A_258 = arith.constant 0 : i32
      %dma_start3A_259 = tpu.memref_slice %arg8[%add3A_252, %dma_start3A_258] : memref<391x128xi32, #tpu.memory_space<vmem>> -> memref<1x128xi32, #tpu.memory_space<vmem>>
      %dma_start3A_260 = tpu.memref_squeeze %dma_start3A_259 : memref<1x128xi32, #tpu.memory_space<vmem>> -> memref<128xi32, #tpu.memory_space<vmem>>
      %dma_start3A_261 = arith.constant 0 : i32
      %dma_start3A_262 = arith.constant 0 : i32
      %dma_start3A_263 = tpu.memref_slice %arg10[%dma_start3A_261, %dma_start3A_262] : memref<50048x8xf32, #tpu.memory_space<vmem_shared>> -> memref<50048x8xf32, #tpu.memory_space<vmem_shared>>
      tpu.enqueue_indirect_dma source(%dma_start3A_257 : memref<128x8xf32, #tpu.memory_space<vmem>>) target(%dma_start3A_263 : memref<50048x8xf32, #tpu.memory_space<vmem_shared>>) offsets(%dma_start3A_260 : memref<128xi32, #tpu.memory_space<vmem>>) semaphore(%arg19 : memref<!tpu.dma_semaphore, #tpu.memory_space<semaphore_mem>>) {add = true}
      %add3A_264 = arith.constant 4 : i32
      %add3A_265 = arith.addi %mul3A_160, %add3A_264 : i32
      %dma_wait3A_266 = arith.constant 4 : i32
      %dma_wait3A_267 = arith.constant 0 : i32
      %dma_wait3A_268 = arith.constant 0 : i32
      %dma_wait3A_269 = tpu.memref_slice %arg9[%dma_wait3A_266, %dma_wait3A_267, %dma_wait3A_268] : memref<5x128x8xf32, #tpu.memory_space<vmem>> -> memref<1x128x8xf32, #tpu.memory_space<vmem>>
      %dma_wait3A_270 = tpu.memref_squeeze %dma_wait3A_269 : memref<1x128x8xf32, #tpu.memory_space<vmem>> -> memref<128x8xf32, #tpu.memory_space<vmem>>
      %dma_wait3A_271 = arith.constant 0 : i32
      %dma_wait3A_272 = tpu.memref_slice %arg7[%add3A_265, %dma_wait3A_271] : memref<391x128xi32, #tpu.memory_space<vmem>> -> memref<1x128xi32, #tpu.memory_space<vmem>>
      %dma_wait3A_273 = tpu.memref_squeeze %dma_wait3A_272 : memref<1x128xi32, #tpu.memory_space<vmem>> -> memref<128xi32, #tpu.memory_space<vmem>>
      %dma_wait3A_274 = arith.constant 0 : i32
      %dma_wait3A_275 = arith.constant 0 : i32
      %dma_wait3A_276 = tpu.memref_slice %arg2[%dma_wait3A_274, %dma_wait3A_275] : memref<100000x8xf32, #tpu.memory_space<hbm>> -> memref<100000x8xf32, #tpu.memory_space<hbm>>
      tpu.wait_indirect_dma semaphore(%arg15 : memref<!tpu.dma_semaphore, #tpu.memory_space<semaphore_mem>>) src(%dma_wait3A_276 : memref<100000x8xf32, #tpu.memory_space<hbm>>) dst(%dma_wait3A_270 : memref<128x8xf32, #tpu.memory_space<vmem>>)
      %add3A_277 = arith.constant 4 : i32
      %add3A_278 = arith.addi %mul3A_160, %add3A_277 : i32
      %dma_start3A_279 = arith.constant 4 : i32
      %dma_start3A_280 = arith.constant 0 : i32
      %dma_start3A_281 = arith.constant 0 : i32
      %dma_start3A_282 = tpu.memref_slice %arg9[%dma_start3A_279, %dma_start3A_280, %dma_start3A_281] : memref<5x128x8xf32, #tpu.memory_space<vmem>> -> memref<1x128x8xf32, #tpu.memory_space<vmem>>
      %dma_start3A_283 = tpu.memref_squeeze %dma_start3A_282 : memref<1x128x8xf32, #tpu.memory_space<vmem>> -> memref<128x8xf32, #tpu.memory_space<vmem>>
      %dma_start3A_284 = arith.constant 0 : i32
      %dma_start3A_285 = tpu.memref_slice %arg8[%add3A_278, %dma_start3A_284] : memref<391x128xi32, #tpu.memory_space<vmem>> -> memref<1x128xi32, #tpu.memory_space<vmem>>
      %dma_start3A_286 = tpu.memref_squeeze %dma_start3A_285 : memref<1x128xi32, #tpu.memory_space<vmem>> -> memref<128xi32, #tpu.memory_space<vmem>>
      %dma_start3A_287 = arith.constant 0 : i32
      %dma_start3A_288 = arith.constant 0 : i32
      %dma_start3A_289 = tpu.memref_slice %arg10[%dma_start3A_287, %dma_start3A_288] : memref<50048x8xf32, #tpu.memory_space<vmem_shared>> -> memref<50048x8xf32, #tpu.memory_space<vmem_shared>>
      tpu.enqueue_indirect_dma source(%dma_start3A_283 : memref<128x8xf32, #tpu.memory_space<vmem>>) target(%dma_start3A_289 : memref<50048x8xf32, #tpu.memory_space<vmem_shared>>) offsets(%dma_start3A_286 : memref<128xi32, #tpu.memory_space<vmem>>) semaphore(%arg20 : memref<!tpu.dma_semaphore, #tpu.memory_space<semaphore_mem>>) {add = true}
      %add3A_290 = arith.constant 0 : i32
      %add3A_291 = arith.addi %mul3A_160, %add3A_290 : i32
      %dma_wait3A_292 = arith.constant 0 : i32
      %dma_wait3A_293 = arith.constant 0 : i32
      %dma_wait3A_294 = arith.constant 0 : i32
      %dma_wait3A_295 = tpu.memref_slice %arg9[%dma_wait3A_292, %dma_wait3A_293, %dma_wait3A_294] : memref<5x128x8xf32, #tpu.memory_space<vmem>> -> memref<1x128x8xf32, #tpu.memory_space<vmem>>
      %dma_wait3A_296 = tpu.memref_squeeze %dma_wait3A_295 : memref<1x128x8xf32, #tpu.memory_space<vmem>> -> memref<128x8xf32, #tpu.memory_space<vmem>>
      %dma_wait3A_297 = arith.constant 0 : i32
      %dma_wait3A_298 = tpu.memref_slice %arg8[%add3A_291, %dma_wait3A_297] : memref<391x128xi32, #tpu.memory_space<vmem>> -> memref<1x128xi32, #tpu.memory_space<vmem>>
      %dma_wait3A_299 = tpu.memref_squeeze %dma_wait3A_298 : memref<1x128xi32, #tpu.memory_space<vmem>> -> memref<128xi32, #tpu.memory_space<vmem>>
      %dma_wait3A_300 = arith.constant 0 : i32
      %dma_wait3A_301 = arith.constant 0 : i32
      %dma_wait3A_302 = tpu.memref_slice %arg10[%dma_wait3A_300, %dma_wait3A_301] : memref<50048x8xf32, #tpu.memory_space<vmem_shared>> -> memref<50048x8xf32, #tpu.memory_space<vmem_shared>>
      tpu.wait_indirect_dma semaphore(%arg16 : memref<!tpu.dma_semaphore, #tpu.memory_space<semaphore_mem>>) src(%dma_wait3A_296 : memref<128x8xf32, #tpu.memory_space<vmem>>) dst(%dma_wait3A_302 : memref<50048x8xf32, #tpu.memory_space<vmem_shared>>)
      %add3A_303 = arith.constant 5 : i32
      %add3A_304 = arith.addi %mul3A_160, %add3A_303 : i32
      %add3A_305 = arith.constant 0 : i32
      %add3A_306 = arith.addi %add3A_304, %add3A_305 : i32
      %lt3A = arith.constant 391 : i32
      %lt3A_307 = arith.cmpi slt, %add3A_306, %lt3A : i32
      %convert_element_type3A = arith.extui %lt3A_307 : i1 to i32
      %cond3A = arith.constant 0 : i32
      %cond3A_308 = arith.cmpi ne, %convert_element_type3A, %cond3A : i32
      scf.if %cond3A_308 {
        %add3A_397 = arith.constant 5 : i32
        %add3A_398 = arith.addi %mul3A_160, %add3A_397 : i32
        %add3A_399 = arith.constant 0 : i32
        %add3A_400 = arith.addi %add3A_398, %add3A_399 : i32
        %dma_start3A_401 = arith.constant 0 : i32
        %dma_start3A_402 = arith.constant 0 : i32
        %dma_start3A_403 = arith.constant 0 : i32
        %dma_start3A_404 = tpu.memref_slice %arg9[%dma_start3A_401, %dma_start3A_402, %dma_start3A_403] : memref<5x128x8xf32, #tpu.memory_space<vmem>> -> memref<1x128x8xf32, #tpu.memory_space<vmem>>
        %dma_start3A_405 = tpu.memref_squeeze %dma_start3A_404 : memref<1x128x8xf32, #tpu.memory_space<vmem>> -> memref<128x8xf32, #tpu.memory_space<vmem>>
        %dma_start3A_406 = arith.constant 0 : i32
        %dma_start3A_407 = tpu.memref_slice %arg7[%add3A_400, %dma_start3A_406] : memref<391x128xi32, #tpu.memory_space<vmem>> -> memref<1x128xi32, #tpu.memory_space<vmem>>
        %dma_start3A_408 = tpu.memref_squeeze %dma_start3A_407 : memref<1x128xi32, #tpu.memory_space<vmem>> -> memref<128xi32, #tpu.memory_space<vmem>>
        %dma_start3A_409 = arith.constant 0 : i32
        %dma_start3A_410 = arith.constant 0 : i32
        %dma_start3A_411 = tpu.memref_slice %arg2[%dma_start3A_409, %dma_start3A_410] : memref<100000x8xf32, #tpu.memory_space<hbm>> -> memref<100000x8xf32, #tpu.memory_space<hbm>>
        tpu.enqueue_indirect_dma source(%dma_start3A_411 : memref<100000x8xf32, #tpu.memory_space<hbm>>) target(%dma_start3A_405 : memref<128x8xf32, #tpu.memory_space<vmem>>) offsets(%dma_start3A_408 : memref<128xi32, #tpu.memory_space<vmem>>) semaphore(%arg11 : memref<!tpu.dma_semaphore, #tpu.memory_space<semaphore_mem>>)
      } else {
      }
      %add3A_309 = arith.constant 1 : i32
      %add3A_310 = arith.addi %mul3A_160, %add3A_309 : i32
      %dma_wait3A_311 = arith.constant 1 : i32
      %dma_wait3A_312 = arith.constant 0 : i32
      %dma_wait3A_313 = arith.constant 0 : i32
      %dma_wait3A_314 = tpu.memref_slice %arg9[%dma_wait3A_311, %dma_wait3A_312, %dma_wait3A_313] : memref<5x128x8xf32, #tpu.memory_space<vmem>> -> memref<1x128x8xf32, #tpu.memory_space<vmem>>
      %dma_wait3A_315 = tpu.memref_squeeze %dma_wait3A_314 : memref<1x128x8xf32, #tpu.memory_space<vmem>> -> memref<128x8xf32, #tpu.memory_space<vmem>>
      %dma_wait3A_316 = arith.constant 0 : i32
      %dma_wait3A_317 = tpu.memref_slice %arg8[%add3A_310, %dma_wait3A_316] : memref<391x128xi32, #tpu.memory_space<vmem>> -> memref<1x128xi32, #tpu.memory_space<vmem>>
      %dma_wait3A_318 = tpu.memref_squeeze %dma_wait3A_317 : memref<1x128xi32, #tpu.memory_space<vmem>> -> memref<128xi32, #tpu.memory_space<vmem>>
      %dma_wait3A_319 = arith.constant 0 : i32
      %dma_wait3A_320 = arith.constant 0 : i32
      %dma_wait3A_321 = tpu.memref_slice %arg10[%dma_wait3A_319, %dma_wait3A_320] : memref<50048x8xf32, #tpu.memory_space<vmem_shared>> -> memref<50048x8xf32, #tpu.memory_space<vmem_shared>>
      tpu.wait_indirect_dma semaphore(%arg17 : memref<!tpu.dma_semaphore, #tpu.memory_space<semaphore_mem>>) src(%dma_wait3A_315 : memref<128x8xf32, #tpu.memory_space<vmem>>) dst(%dma_wait3A_321 : memref<50048x8xf32, #tpu.memory_space<vmem_shared>>)
      %add3A_322 = arith.constant 5 : i32
      %add3A_323 = arith.addi %mul3A_160, %add3A_322 : i32
      %add3A_324 = arith.constant 1 : i32
      %add3A_325 = arith.addi %add3A_323, %add3A_324 : i32
      %lt3A_326 = arith.constant 391 : i32
      %lt3A_327 = arith.cmpi slt, %add3A_325, %lt3A_326 : i32
      %convert_element_type3A_328 = arith.extui %lt3A_327 : i1 to i32
      %cond3A_329 = arith.constant 0 : i32
      %cond3A_330 = arith.cmpi ne, %convert_element_type3A_328, %cond3A_329 : i32
      scf.if %cond3A_330 {
        %add3A_397 = arith.constant 5 : i32
        %add3A_398 = arith.addi %mul3A_160, %add3A_397 : i32
        %add3A_399 = arith.constant 1 : i32
        %add3A_400 = arith.addi %add3A_398, %add3A_399 : i32
        %dma_start3A_401 = arith.constant 1 : i32
        %dma_start3A_402 = arith.constant 0 : i32
        %dma_start3A_403 = arith.constant 0 : i32
        %dma_start3A_404 = tpu.memref_slice %arg9[%dma_start3A_401, %dma_start3A_402, %dma_start3A_403] : memref<5x128x8xf32, #tpu.memory_space<vmem>> -> memref<1x128x8xf32, #tpu.memory_space<vmem>>
        %dma_start3A_405 = tpu.memref_squeeze %dma_start3A_404 : memref<1x128x8xf32, #tpu.memory_space<vmem>> -> memref<128x8xf32, #tpu.memory_space<vmem>>
        %dma_start3A_406 = arith.constant 0 : i32
        %dma_start3A_407 = tpu.memref_slice %arg7[%add3A_400, %dma_start3A_406] : memref<391x128xi32, #tpu.memory_space<vmem>> -> memref<1x128xi32, #tpu.memory_space<vmem>>
        %dma_start3A_408 = tpu.memref_squeeze %dma_start3A_407 : memref<1x128xi32, #tpu.memory_space<vmem>> -> memref<128xi32, #tpu.memory_space<vmem>>
        %dma_start3A_409 = arith.constant 0 : i32
        %dma_start3A_410 = arith.constant 0 : i32
        %dma_start3A_411 = tpu.memref_slice %arg2[%dma_start3A_409, %dma_start3A_410] : memref<100000x8xf32, #tpu.memory_space<hbm>> -> memref<100000x8xf32, #tpu.memory_space<hbm>>
        tpu.enqueue_indirect_dma source(%dma_start3A_411 : memref<100000x8xf32, #tpu.memory_space<hbm>>) target(%dma_start3A_405 : memref<128x8xf32, #tpu.memory_space<vmem>>) offsets(%dma_start3A_408 : memref<128xi32, #tpu.memory_space<vmem>>) semaphore(%arg12 : memref<!tpu.dma_semaphore, #tpu.memory_space<semaphore_mem>>)
      } else {
      }
      %add3A_331 = arith.constant 2 : i32
      %add3A_332 = arith.addi %mul3A_160, %add3A_331 : i32
      %dma_wait3A_333 = arith.constant 2 : i32
      %dma_wait3A_334 = arith.constant 0 : i32
      %dma_wait3A_335 = arith.constant 0 : i32
      %dma_wait3A_336 = tpu.memref_slice %arg9[%dma_wait3A_333, %dma_wait3A_334, %dma_wait3A_335] : memref<5x128x8xf32, #tpu.memory_space<vmem>> -> memref<1x128x8xf32, #tpu.memory_space<vmem>>
      %dma_wait3A_337 = tpu.memref_squeeze %dma_wait3A_336 : memref<1x128x8xf32, #tpu.memory_space<vmem>> -> memref<128x8xf32, #tpu.memory_space<vmem>>
      %dma_wait3A_338 = arith.constant 0 : i32
      %dma_wait3A_339 = tpu.memref_slice %arg8[%add3A_332, %dma_wait3A_338] : memref<391x128xi32, #tpu.memory_space<vmem>> -> memref<1x128xi32, #tpu.memory_space<vmem>>
      %dma_wait3A_340 = tpu.memref_squeeze %dma_wait3A_339 : memref<1x128xi32, #tpu.memory_space<vmem>> -> memref<128xi32, #tpu.memory_space<vmem>>
      %dma_wait3A_341 = arith.constant 0 : i32
      %dma_wait3A_342 = arith.constant 0 : i32
      %dma_wait3A_343 = tpu.memref_slice %arg10[%dma_wait3A_341, %dma_wait3A_342] : memref<50048x8xf32, #tpu.memory_space<vmem_shared>> -> memref<50048x8xf32, #tpu.memory_space<vmem_shared>>
      tpu.wait_indirect_dma semaphore(%arg18 : memref<!tpu.dma_semaphore, #tpu.memory_space<semaphore_mem>>) src(%dma_wait3A_337 : memref<128x8xf32, #tpu.memory_space<vmem>>) dst(%dma_wait3A_343 : memref<50048x8xf32, #tpu.memory_space<vmem_shared>>)
      %add3A_344 = arith.constant 5 : i32
      %add3A_345 = arith.addi %mul3A_160, %add3A_344 : i32
      %add3A_346 = arith.constant 2 : i32
      %add3A_347 = arith.addi %add3A_345, %add3A_346 : i32
      %lt3A_348 = arith.constant 391 : i32
      %lt3A_349 = arith.cmpi slt, %add3A_347, %lt3A_348 : i32
      %convert_element_type3A_350 = arith.extui %lt3A_349 : i1 to i32
      %cond3A_351 = arith.constant 0 : i32
      %cond3A_352 = arith.cmpi ne, %convert_element_type3A_350, %cond3A_351 : i32
      scf.if %cond3A_352 {
        %add3A_397 = arith.constant 5 : i32
        %add3A_398 = arith.addi %mul3A_160, %add3A_397 : i32
        %add3A_399 = arith.constant 2 : i32
        %add3A_400 = arith.addi %add3A_398, %add3A_399 : i32
        %dma_start3A_401 = arith.constant 2 : i32
        %dma_start3A_402 = arith.constant 0 : i32
        %dma_start3A_403 = arith.constant 0 : i32
        %dma_start3A_404 = tpu.memref_slice %arg9[%dma_start3A_401, %dma_start3A_402, %dma_start3A_403] : memref<5x128x8xf32, #tpu.memory_space<vmem>> -> memref<1x128x8xf32, #tpu.memory_space<vmem>>
        %dma_start3A_405 = tpu.memref_squeeze %dma_start3A_404 : memref<1x128x8xf32, #tpu.memory_space<vmem>> -> memref<128x8xf32, #tpu.memory_space<vmem>>
        %dma_start3A_406 = arith.constant 0 : i32
        %dma_start3A_407 = tpu.memref_slice %arg7[%add3A_400, %dma_start3A_406] : memref<391x128xi32, #tpu.memory_space<vmem>> -> memref<1x128xi32, #tpu.memory_space<vmem>>
        %dma_start3A_408 = tpu.memref_squeeze %dma_start3A_407 : memref<1x128xi32, #tpu.memory_space<vmem>> -> memref<128xi32, #tpu.memory_space<vmem>>
        %dma_start3A_409 = arith.constant 0 : i32
        %dma_start3A_410 = arith.constant 0 : i32
        %dma_start3A_411 = tpu.memref_slice %arg2[%dma_start3A_409, %dma_start3A_410] : memref<100000x8xf32, #tpu.memory_space<hbm>> -> memref<100000x8xf32, #tpu.memory_space<hbm>>
        tpu.enqueue_indirect_dma source(%dma_start3A_411 : memref<100000x8xf32, #tpu.memory_space<hbm>>) target(%dma_start3A_405 : memref<128x8xf32, #tpu.memory_space<vmem>>) offsets(%dma_start3A_408 : memref<128xi32, #tpu.memory_space<vmem>>) semaphore(%arg13 : memref<!tpu.dma_semaphore, #tpu.memory_space<semaphore_mem>>)
      } else {
      }
      %add3A_353 = arith.constant 3 : i32
      %add3A_354 = arith.addi %mul3A_160, %add3A_353 : i32
      %dma_wait3A_355 = arith.constant 3 : i32
      %dma_wait3A_356 = arith.constant 0 : i32
      %dma_wait3A_357 = arith.constant 0 : i32
      %dma_wait3A_358 = tpu.memref_slice %arg9[%dma_wait3A_355, %dma_wait3A_356, %dma_wait3A_357] : memref<5x128x8xf32, #tpu.memory_space<vmem>> -> memref<1x128x8xf32, #tpu.memory_space<vmem>>
      %dma_wait3A_359 = tpu.memref_squeeze %dma_wait3A_358 : memref<1x128x8xf32, #tpu.memory_space<vmem>> -> memref<128x8xf32, #tpu.memory_space<vmem>>
      %dma_wait3A_360 = arith.constant 0 : i32
      %dma_wait3A_361 = tpu.memref_slice %arg8[%add3A_354, %dma_wait3A_360] : memref<391x128xi32, #tpu.memory_space<vmem>> -> memref<1x128xi32, #tpu.memory_space<vmem>>
      %dma_wait3A_362 = tpu.memref_squeeze %dma_wait3A_361 : memref<1x128xi32, #tpu.memory_space<vmem>> -> memref<128xi32, #tpu.memory_space<vmem>>
      %dma_wait3A_363 = arith.constant 0 : i32
      %dma_wait3A_364 = arith.constant 0 : i32
      %dma_wait3A_365 = tpu.memref_slice %arg10[%dma_wait3A_363, %dma_wait3A_364] : memref<50048x8xf32, #tpu.memory_space<vmem_shared>> -> memref<50048x8xf32, #tpu.memory_space<vmem_shared>>
      tpu.wait_indirect_dma semaphore(%arg19 : memref<!tpu.dma_semaphore, #tpu.memory_space<semaphore_mem>>) src(%dma_wait3A_359 : memref<128x8xf32, #tpu.memory_space<vmem>>) dst(%dma_wait3A_365 : memref<50048x8xf32, #tpu.memory_space<vmem_shared>>)
      %add3A_366 = arith.constant 5 : i32
      %add3A_367 = arith.addi %mul3A_160, %add3A_366 : i32
      %add3A_368 = arith.constant 3 : i32
      %add3A_369 = arith.addi %add3A_367, %add3A_368 : i32
      %lt3A_370 = arith.constant 391 : i32
      %lt3A_371 = arith.cmpi slt, %add3A_369, %lt3A_370 : i32
      %convert_element_type3A_372 = arith.extui %lt3A_371 : i1 to i32
      %cond3A_373 = arith.constant 0 : i32
      %cond3A_374 = arith.cmpi ne, %convert_element_type3A_372, %cond3A_373 : i32
      scf.if %cond3A_374 {
        %add3A_397 = arith.constant 5 : i32
        %add3A_398 = arith.addi %mul3A_160, %add3A_397 : i32
        %add3A_399 = arith.constant 3 : i32
        %add3A_400 = arith.addi %add3A_398, %add3A_399 : i32
        %dma_start3A_401 = arith.constant 3 : i32
        %dma_start3A_402 = arith.constant 0 : i32
        %dma_start3A_403 = arith.constant 0 : i32
        %dma_start3A_404 = tpu.memref_slice %arg9[%dma_start3A_401, %dma_start3A_402, %dma_start3A_403] : memref<5x128x8xf32, #tpu.memory_space<vmem>> -> memref<1x128x8xf32, #tpu.memory_space<vmem>>
        %dma_start3A_405 = tpu.memref_squeeze %dma_start3A_404 : memref<1x128x8xf32, #tpu.memory_space<vmem>> -> memref<128x8xf32, #tpu.memory_space<vmem>>
        %dma_start3A_406 = arith.constant 0 : i32
        %dma_start3A_407 = tpu.memref_slice %arg7[%add3A_400, %dma_start3A_406] : memref<391x128xi32, #tpu.memory_space<vmem>> -> memref<1x128xi32, #tpu.memory_space<vmem>>
        %dma_start3A_408 = tpu.memref_squeeze %dma_start3A_407 : memref<1x128xi32, #tpu.memory_space<vmem>> -> memref<128xi32, #tpu.memory_space<vmem>>
        %dma_start3A_409 = arith.constant 0 : i32
        %dma_start3A_410 = arith.constant 0 : i32
        %dma_start3A_411 = tpu.memref_slice %arg2[%dma_start3A_409, %dma_start3A_410] : memref<100000x8xf32, #tpu.memory_space<hbm>> -> memref<100000x8xf32, #tpu.memory_space<hbm>>
        tpu.enqueue_indirect_dma source(%dma_start3A_411 : memref<100000x8xf32, #tpu.memory_space<hbm>>) target(%dma_start3A_405 : memref<128x8xf32, #tpu.memory_space<vmem>>) offsets(%dma_start3A_408 : memref<128xi32, #tpu.memory_space<vmem>>) semaphore(%arg14 : memref<!tpu.dma_semaphore, #tpu.memory_space<semaphore_mem>>)
      } else {
      }
      %add3A_375 = arith.constant 4 : i32
      %add3A_376 = arith.addi %mul3A_160, %add3A_375 : i32
      %dma_wait3A_377 = arith.constant 4 : i32
      %dma_wait3A_378 = arith.constant 0 : i32
      %dma_wait3A_379 = arith.constant 0 : i32
      %dma_wait3A_380 = tpu.memref_slice %arg9[%dma_wait3A_377, %dma_wait3A_378, %dma_wait3A_379] : memref<5x128x8xf32, #tpu.memory_space<vmem>> -> memref<1x128x8xf32, #tpu.memory_space<vmem>>
      %dma_wait3A_381 = tpu.memref_squeeze %dma_wait3A_380 : memref<1x128x8xf32, #tpu.memory_space<vmem>> -> memref<128x8xf32, #tpu.memory_space<vmem>>
      %dma_wait3A_382 = arith.constant 0 : i32
      %dma_wait3A_383 = tpu.memref_slice %arg8[%add3A_376, %dma_wait3A_382] : memref<391x128xi32, #tpu.memory_space<vmem>> -> memref<1x128xi32, #tpu.memory_space<vmem>>
      %dma_wait3A_384 = tpu.memref_squeeze %dma_wait3A_383 : memref<1x128xi32, #tpu.memory_space<vmem>> -> memref<128xi32, #tpu.memory_space<vmem>>
      %dma_wait3A_385 = arith.constant 0 : i32
      %dma_wait3A_386 = arith.constant 0 : i32
      %dma_wait3A_387 = tpu.memref_slice %arg10[%dma_wait3A_385, %dma_wait3A_386] : memref<50048x8xf32, #tpu.memory_space<vmem_shared>> -> memref<50048x8xf32, #tpu.memory_space<vmem_shared>>
      tpu.wait_indirect_dma semaphore(%arg20 : memref<!tpu.dma_semaphore, #tpu.memory_space<semaphore_mem>>) src(%dma_wait3A_381 : memref<128x8xf32, #tpu.memory_space<vmem>>) dst(%dma_wait3A_387 : memref<50048x8xf32, #tpu.memory_space<vmem_shared>>)
      %add3A_388 = arith.constant 5 : i32
      %add3A_389 = arith.addi %mul3A_160, %add3A_388 : i32
      %add3A_390 = arith.constant 4 : i32
      %add3A_391 = arith.addi %add3A_389, %add3A_390 : i32
      %lt3A_392 = arith.constant 391 : i32
      %lt3A_393 = arith.cmpi slt, %add3A_391, %lt3A_392 : i32
      %convert_element_type3A_394 = arith.extui %lt3A_393 : i1 to i32
      %cond3A_395 = arith.constant 0 : i32
      %cond3A_396 = arith.cmpi ne, %convert_element_type3A_394, %cond3A_395 : i32
      scf.if %cond3A_396 {
        %add3A_397 = arith.constant 5 : i32
        %add3A_398 = arith.addi %mul3A_160, %add3A_397 : i32
        %add3A_399 = arith.constant 4 : i32
        %add3A_400 = arith.addi %add3A_398, %add3A_399 : i32
        %dma_start3A_401 = arith.constant 4 : i32
        %dma_start3A_402 = arith.constant 0 : i32
        %dma_start3A_403 = arith.constant 0 : i32
        %dma_start3A_404 = tpu.memref_slice %arg9[%dma_start3A_401, %dma_start3A_402, %dma_start3A_403] : memref<5x128x8xf32, #tpu.memory_space<vmem>> -> memref<1x128x8xf32, #tpu.memory_space<vmem>>
        %dma_start3A_405 = tpu.memref_squeeze %dma_start3A_404 : memref<1x128x8xf32, #tpu.memory_space<vmem>> -> memref<128x8xf32, #tpu.memory_space<vmem>>
        %dma_start3A_406 = arith.constant 0 : i32
        %dma_start3A_407 = tpu.memref_slice %arg7[%add3A_400, %dma_start3A_406] : memref<391x128xi32, #tpu.memory_space<vmem>> -> memref<1x128xi32, #tpu.memory_space<vmem>>
        %dma_start3A_408 = tpu.memref_squeeze %dma_start3A_407 : memref<1x128xi32, #tpu.memory_space<vmem>> -> memref<128xi32, #tpu.memory_space<vmem>>
        %dma_start3A_409 = arith.constant 0 : i32
        %dma_start3A_410 = arith.constant 0 : i32
        %dma_start3A_411 = tpu.memref_slice %arg2[%dma_start3A_409, %dma_start3A_410] : memref<100000x8xf32, #tpu.memory_space<hbm>> -> memref<100000x8xf32, #tpu.memory_space<hbm>>
        tpu.enqueue_indirect_dma source(%dma_start3A_411 : memref<100000x8xf32, #tpu.memory_space<hbm>>) target(%dma_start3A_405 : memref<128x8xf32, #tpu.memory_space<vmem>>) offsets(%dma_start3A_408 : memref<128xi32, #tpu.memory_space<vmem>>) semaphore(%arg15 : memref<!tpu.dma_semaphore, #tpu.memory_space<semaphore_mem>>)
      } else {
      }
    }
    %scan3A_142 = arith.constant 78 : i32
    %dma_wait3A_143 = arith.constant 390 : i32
    %dma_wait3A_144 = arith.constant 0 : i32
    %dma_wait3A_145 = arith.constant 0 : i32
    %dma_wait3A_146 = arith.constant 0 : i32
    %dma_wait3A_147 = tpu.memref_slice %arg9[%dma_wait3A_144, %dma_wait3A_145, %dma_wait3A_146] : memref<5x128x8xf32, #tpu.memory_space<vmem>> -> memref<1x128x8xf32, #tpu.memory_space<vmem>>
    %dma_wait3A_148 = tpu.memref_squeeze %dma_wait3A_147 : memref<1x128x8xf32, #tpu.memory_space<vmem>> -> memref<128x8xf32, #tpu.memory_space<vmem>>
    %dma_wait3A_149 = arith.constant 0 : i32
    %dma_wait3A_150 = tpu.memref_slice %arg7[%dma_wait3A_143, %dma_wait3A_149] : memref<391x128xi32, #tpu.memory_space<vmem>> -> memref<1x128xi32, #tpu.memory_space<vmem>>
    %dma_wait3A_151 = tpu.memref_squeeze %dma_wait3A_150 : memref<1x128xi32, #tpu.memory_space<vmem>> -> memref<128xi32, #tpu.memory_space<vmem>>
    %dma_wait3A_152 = arith.constant 0 : i32
    %dma_wait3A_153 = arith.constant 0 : i32
    %dma_wait3A_154 = tpu.memref_slice %arg2[%dma_wait3A_152, %dma_wait3A_153] : memref<100000x8xf32, #tpu.memory_space<hbm>> -> memref<100000x8xf32, #tpu.memory_space<hbm>>
    tpu.wait_indirect_dma semaphore(%arg11 : memref<!tpu.dma_semaphore, #tpu.memory_space<semaphore_mem>>) src(%dma_wait3A_154 : memref<100000x8xf32, #tpu.memory_space<hbm>>) dst(%dma_wait3A_148 : memref<128x8xf32, #tpu.memory_space<vmem>>)
    %run_scoped3A_155 = arith.constant 0 : i32
    %run_scoped3A_156 = arith.constant 390 : i32
    "tpu.region"() ({
      %run_scoped3A_158 = tpu.sem_alloc : memref<!tpu.dma_semaphore, #tpu.memory_space<semaphore_mem>>
      %dma_start3A_159 = arith.constant 0 : i32
      %dma_start3A_160 = arith.constant 0 : i32
      %dma_start3A_161 = tpu.memref_slice %arg9[%run_scoped3A_155, %dma_start3A_159, %dma_start3A_160] : memref<5x128x8xf32, #tpu.memory_space<vmem>> -> memref<1x128x8xf32, #tpu.memory_space<vmem>>
      %dma_start3A_162 = tpu.memref_squeeze %dma_start3A_161 : memref<1x128x8xf32, #tpu.memory_space<vmem>> -> memref<128x8xf32, #tpu.memory_space<vmem>>
      %dma_start3A_163 = arith.constant 0 : i32
      %dma_start3A_164 = tpu.memref_slice %arg8[%run_scoped3A_156, %dma_start3A_163] : memref<391x128xi32, #tpu.memory_space<vmem>> -> memref<1x128xi32, #tpu.memory_space<vmem>>
      %dma_start3A_165 = tpu.memref_squeeze %dma_start3A_164 : memref<1x128xi32, #tpu.memory_space<vmem>> -> memref<128xi32, #tpu.memory_space<vmem>>
      %dma_start3A_166 = arith.constant 0 : i32
      %dma_start3A_167 = arith.constant 0 : i32
      %dma_start3A_168 = tpu.memref_slice %arg10[%dma_start3A_166, %dma_start3A_167] : memref<50048x8xf32, #tpu.memory_space<vmem_shared>> -> memref<50048x8xf32, #tpu.memory_space<vmem_shared>>
      tpu.enqueue_indirect_dma source(%dma_start3A_162 : memref<128x8xf32, #tpu.memory_space<vmem>>) target(%dma_start3A_168 : memref<50048x8xf32, #tpu.memory_space<vmem_shared>>) offsets(%dma_start3A_165 : memref<128xi32, #tpu.memory_space<vmem>>) semaphore(%run_scoped3A_158 : memref<!tpu.dma_semaphore, #tpu.memory_space<semaphore_mem>>) {add = true}
      %dma_wait3A_169 = arith.constant 0 : i32
      %dma_wait3A_170 = arith.constant 0 : i32
      %dma_wait3A_171 = tpu.memref_slice %arg9[%run_scoped3A_155, %dma_wait3A_169, %dma_wait3A_170] : memref<5x128x8xf32, #tpu.memory_space<vmem>> -> memref<1x128x8xf32, #tpu.memory_space<vmem>>
      %dma_wait3A_172 = tpu.memref_squeeze %dma_wait3A_171 : memref<1x128x8xf32, #tpu.memory_space<vmem>> -> memref<128x8xf32, #tpu.memory_space<vmem>>
      %dma_wait3A_173 = arith.constant 0 : i32
      %dma_wait3A_174 = tpu.memref_slice %arg8[%run_scoped3A_156, %dma_wait3A_173] : memref<391x128xi32, #tpu.memory_space<vmem>> -> memref<1x128xi32, #tpu.memory_space<vmem>>
      %dma_wait3A_175 = tpu.memref_squeeze %dma_wait3A_174 : memref<1x128xi32, #tpu.memory_space<vmem>> -> memref<128xi32, #tpu.memory_space<vmem>>
      %dma_wait3A_176 = arith.constant 0 : i32
      %dma_wait3A_177 = arith.constant 0 : i32
      %dma_wait3A_178 = tpu.memref_slice %arg10[%dma_wait3A_176, %dma_wait3A_177] : memref<50048x8xf32, #tpu.memory_space<vmem_shared>> -> memref<50048x8xf32, #tpu.memory_space<vmem_shared>>
      tpu.wait_indirect_dma semaphore(%run_scoped3A_158 : memref<!tpu.dma_semaphore, #tpu.memory_space<semaphore_mem>>) src(%dma_wait3A_172 : memref<128x8xf32, #tpu.memory_space<vmem>>) dst(%dma_wait3A_178 : memref<50048x8xf32, #tpu.memory_space<vmem_shared>>)
      tpu.yield
    }) : () -> ()
    %barrier3A_157 = arith.constant 0 : index
    tpu.barrier barrier_id(%barrier3A_157)
    "tpu.region"() ({
      %run_scoped3A_158 = tpu.sem_alloc : memref<!tpu.dma_semaphore, #tpu.memory_space<semaphore_mem>>
      %dma_start3A_159 = arith.constant 0 : i32
      %dma_start3A_160 = tpu.memref_slice %arg6[%arg0, %mul3A_0, %dma_start3A_159] : memref<2x50048x8xf32, #tpu.memory_space<hbm>> -> memref<1x3128x8xf32, #tpu.memory_space<hbm>>
      %dma_start3A_161 = tpu.memref_squeeze %dma_start3A_160 : memref<1x3128x8xf32, #tpu.memory_space<hbm>> -> memref<3128x8xf32, #tpu.memory_space<hbm>>
      %dma_start3A_162 = arith.constant 0 : i32
      %dma_start3A_163 = tpu.memref_slice %arg10[%mul3A_0, %dma_start3A_162] : memref<50048x8xf32, #tpu.memory_space<vmem_shared>> -> memref<3128x8xf32, #tpu.memory_space<vmem_shared>>
      tpu.enqueue_dma source(%dma_start3A_163 : memref<3128x8xf32, #tpu.memory_space<vmem_shared>>) target(%dma_start3A_161 : memref<3128x8xf32, #tpu.memory_space<hbm>>) target_semaphore(%run_scoped3A_158 : memref<!tpu.dma_semaphore, #tpu.memory_space<semaphore_mem>>)
      %dma_wait3A_164 = arith.constant 0 : i32
      %dma_wait3A_165 = tpu.memref_slice %arg6[%arg0, %mul3A_0, %dma_wait3A_164] : memref<2x50048x8xf32, #tpu.memory_space<hbm>> -> memref<1x3128x8xf32, #tpu.memory_space<hbm>>
      %dma_wait3A_166 = tpu.memref_squeeze %dma_wait3A_165 : memref<1x3128x8xf32, #tpu.memory_space<hbm>> -> memref<3128x8xf32, #tpu.memory_space<hbm>>
      %dma_wait3A_167 = arith.constant 0 : i32
      %dma_wait3A_168 = tpu.memref_slice %arg10[%mul3A_0, %dma_wait3A_167] : memref<50048x8xf32, #tpu.memory_space<vmem_shared>> -> memref<3128x8xf32, #tpu.memory_space<vmem_shared>>
      tpu.wait_dma2 semaphore(%run_scoped3A_158 : memref<!tpu.dma_semaphore, #tpu.memory_space<semaphore_mem>>) src(%dma_wait3A_168 : memref<3128x8xf32, #tpu.memory_space<vmem_shared>>) dst(%dma_wait3A_166 : memref<3128x8xf32, #tpu.memory_space<hbm>>)
      tpu.yield
    }) : () -> ()
    return
  }
}

#map = affine_map<(d0, d1) -> (0, 0)>
#map1 = affine_map<(d0, d1) -> (0, 0, 0)>
#map2 = affine_map<(d0, d1) -> (0, 0, 0, 0)>
module attributes {stable_mosaic.version = 14 : i64} {
  func.func @agg_kernel(%arg0: i32, %arg1: i32, %arg2: memref<100000x8xf32, #tpu.memory_space<hbm>>, %arg3: memref<16x782x128xi32, #tpu.memory_space<hbm>>, %arg4: memref<2x16x782x128xi32, #tpu.memory_space<hbm>>, %arg5: memref<3128x8xf32, #tpu.memory_space<hbm>>, %arg6: memref<2x50048x8xf32, #tpu.memory_space<hbm>>, %arg7: memref<391x128xi32, #tpu.memory_space<vmem>>, %arg8: memref<391x128xi32, #tpu.memory_space<vmem>>, %arg9: memref<5x128x8xf32, #tpu.memory_space<vmem>>, %arg10: memref<50048x8xf32, #tpu.memory_space<vmem_shared>>, %arg11: memref<!tpu.dma_semaphore, #tpu.memory_space<semaphore_mem>>, %arg12: memref<!tpu.dma_semaphore, #tpu.memory_space<semaphore_mem>>, %arg13: memref<!tpu.dma_semaphore, #tpu.memory_space<semaphore_mem>>, %arg14: memref<!tpu.dma_semaphore, #tpu.memory_space<semaphore_mem>>, %arg15: memref<!tpu.dma_semaphore, #tpu.memory_space<semaphore_mem>>, %arg16: memref<!tpu.dma_semaphore, #tpu.memory_space<semaphore_mem>>, %arg17: memref<!tpu.dma_semaphore, #tpu.memory_space<semaphore_mem>>, %arg18: memref<!tpu.dma_semaphore, #tpu.memory_space<semaphore_mem>>, %arg19: memref<!tpu.dma_semaphore, #tpu.memory_space<semaphore_mem>>, %arg20: memref<!tpu.dma_semaphore, #tpu.memory_space<semaphore_mem>>) attributes {dimension_semantics = [#tpu.dimension_semantics<core_parallel>, #tpu.dimension_semantics<subcore_parallel>], iteration_bounds = array<i64: 2, 16>, scalar_prefetch = 0 : i64, scratch_operands = 14 : i64, tpu.core_type = #tpu.core_type<sc_vector_subcore>, window_params = [{transform_indices = #map}, {transform_indices = #map1}, {transform_indices = #map2}, {transform_indices = #map}, {transform_indices = #map1}]} {
    %mul3A = arith.constant 3128 : i32
    %mul3A_0 = arith.muli %arg1, %mul3A : i32
    "tpu.region"() ({
      %run_scoped3A_158 = tpu.sem_alloc : memref<!tpu.dma_semaphore, #tpu.memory_space<semaphore_mem>>
      %dma_start3A_159 = arith.constant 0 : i32
      %dma_start3A_160 = tpu.memref_slice %arg10[%mul3A_0, %dma_start3A_159] : memref<50048x8xf32, #tpu.memory_space<vmem_shared>> -> memref<3128x8xf32, #tpu.memory_space<vmem_shared>>
      tpu.enqueue_dma source(%arg5 : memref<3128x8xf32, #tpu.memory_space<hbm>>) target(%dma_start3A_160 : memref<3128x8xf32, #tpu.memory_space<vmem_shared>>) target_semaphore(%run_scoped3A_158 : memref<!tpu.dma_semaphore, #tpu.memory_space<semaphore_mem>>)
      %dma_wait3A_161 = arith.constant 0 : i32
      %dma_wait3A_162 = tpu.memref_slice %arg10[%mul3A_0, %dma_wait3A_161] : memref<50048x8xf32, #tpu.memory_space<vmem_shared>> -> memref<3128x8xf32, #tpu.memory_space<vmem_shared>>
      tpu.wait_dma2 semaphore(%run_scoped3A_158 : memref<!tpu.dma_semaphore, #tpu.memory_space<semaphore_mem>>) src(%arg5 : memref<3128x8xf32, #tpu.memory_space<hbm>>) dst(%dma_wait3A_162 : memref<3128x8xf32, #tpu.memory_space<vmem_shared>>)
      tpu.yield
    }) : () -> ()
    %barrier3A = arith.constant 0 : index
    tpu.barrier barrier_id(%barrier3A)
    "tpu.region"() ({
      %run_scoped3A_158 = tpu.sem_alloc : memref<!tpu.dma_semaphore, #tpu.memory_space<semaphore_mem>>
      %dma_start3A_159 = arith.constant 0 : i32
      %dma_start3A_160 = arith.constant 0 : i32
      %dma_start3A_161 = tpu.memref_slice %arg3[%arg1, %dma_start3A_159, %dma_start3A_160] : memref<16x782x128xi32, #tpu.memory_space<hbm>> -> memref<1x391x128xi32, #tpu.memory_space<hbm>>
      %dma_start3A_162 = tpu.memref_squeeze %dma_start3A_161 : memref<1x391x128xi32, #tpu.memory_space<hbm>> -> memref<391x128xi32, #tpu.memory_space<hbm>>
      %dma_start3A_163 = arith.constant 0 : i32
      %dma_start3A_164 = arith.constant 0 : i32
      %dma_start3A_165 = tpu.memref_slice %arg3[%arg1, %dma_start3A_163, %dma_start3A_164] : memref<16x782x128xi32, #tpu.memory_space<hbm>> -> memref<1x391x128xi32, #tpu.memory_space<hbm>>
      %dma_start3A_166 = tpu.memref_squeeze %dma_start3A_165 : memref<1x391x128xi32, #tpu.memory_space<hbm>> -> memref<391x128xi32, #tpu.memory_space<hbm>>
      tpu.enqueue_dma source(%dma_start3A_166 : memref<391x128xi32, #tpu.memory_space<hbm>>) target(%arg7 : memref<391x128xi32, #tpu.memory_space<vmem>>) target_semaphore(%run_scoped3A_158 : memref<!tpu.dma_semaphore, #tpu.memory_space<semaphore_mem>>)
      %dma_wait3A_167 = arith.constant 0 : i32
      %dma_wait3A_168 = arith.constant 0 : i32
      %dma_wait3A_169 = tpu.memref_slice %arg3[%arg1, %dma_wait3A_167, %dma_wait3A_168] : memref<16x782x128xi32, #tpu.memory_space<hbm>> -> memref<1x391x128xi32, #tpu.memory_space<hbm>>
      %dma_wait3A_170 = tpu.memref_squeeze %dma_wait3A_169 : memref<1x391x128xi32, #tpu.memory_space<hbm>> -> memref<391x128xi32, #tpu.memory_space<hbm>>
      %dma_wait3A_171 = arith.constant 0 : i32
      %dma_wait3A_172 = arith.constant 0 : i32
      %dma_wait3A_173 = tpu.memref_slice %arg3[%arg1, %dma_wait3A_171, %dma_wait3A_172] : memref<16x782x128xi32, #tpu.memory_space<hbm>> -> memref<1x391x128xi32, #tpu.memory_space<hbm>>
      %dma_wait3A_174 = tpu.memref_squeeze %dma_wait3A_173 : memref<1x391x128xi32, #tpu.memory_space<hbm>> -> memref<391x128xi32, #tpu.memory_space<hbm>>
      tpu.wait_dma2 semaphore(%run_scoped3A_158 : memref<!tpu.dma_semaphore, #tpu.memory_space<semaphore_mem>>) src(%dma_wait3A_174 : memref<391x128xi32, #tpu.memory_space<hbm>>) dst(%arg7 : memref<391x128xi32, #tpu.memory_space<vmem>>)
      tpu.yield
    }) : () -> ()
    "tpu.region"() ({
      %run_scoped3A_158 = tpu.sem_alloc : memref<!tpu.dma_semaphore, #tpu.memory_space<semaphore_mem>>
      %dma_start3A_159 = arith.constant 0 : i32
      %dma_start3A_160 = arith.constant 0 : i32
      %dma_start3A_161 = tpu.memref_slice %arg4[%arg0, %arg1, %dma_start3A_159, %dma_start3A_160] : memref<2x16x782x128xi32, #tpu.memory_space<hbm>> -> memref<1x1x391x128xi32, #tpu.memory_space<hbm>>
      %dma_start3A_162 = tpu.memref_squeeze %dma_start3A_161 : memref<1x1x391x128xi32, #tpu.memory_space<hbm>> -> memref<391x128xi32, #tpu.memory_space<hbm>>
      %dma_start3A_163 = arith.constant 0 : i32
      %dma_start3A_164 = arith.constant 0 : i32
      %dma_start3A_165 = tpu.memref_slice %arg4[%arg0, %arg1, %dma_start3A_163, %dma_start3A_164] : memref<2x16x782x128xi32, #tpu.memory_space<hbm>> -> memref<1x1x391x128xi32, #tpu.memory_space<hbm>>
      %dma_start3A_166 = tpu.memref_squeeze %dma_start3A_165 : memref<1x1x391x128xi32, #tpu.memory_space<hbm>> -> memref<391x128xi32, #tpu.memory_space<hbm>>
      tpu.enqueue_dma source(%dma_start3A_166 : memref<391x128xi32, #tpu.memory_space<hbm>>) target(%arg8 : memref<391x128xi32, #tpu.memory_space<vmem>>) target_semaphore(%run_scoped3A_158 : memref<!tpu.dma_semaphore, #tpu.memory_space<semaphore_mem>>)
      %dma_wait3A_167 = arith.constant 0 : i32
      %dma_wait3A_168 = arith.constant 0 : i32
      %dma_wait3A_169 = tpu.memref_slice %arg4[%arg0, %arg1, %dma_wait3A_167, %dma_wait3A_168] : memref<2x16x782x128xi32, #tpu.memory_space<hbm>> -> memref<1x1x391x128xi32, #tpu.memory_space<hbm>>
      %dma_wait3A_170 = tpu.memref_squeeze %dma_wait3A_169 : memref<1x1x391x128xi32, #tpu.memory_space<hbm>> -> memref<391x128xi32, #tpu.memory_space<hbm>>
      %dma_wait3A_171 = arith.constant 0 : i32
      %dma_wait3A_172 = arith.constant 0 : i32
      %dma_wait3A_173 = tpu.memref_slice %arg4[%arg0, %arg1, %dma_wait3A_171, %dma_wait3A_172] : memref<2x16x782x128xi32, #tpu.memory_space<hbm>> -> memref<1x1x391x128xi32, #tpu.memory_space<hbm>>
      %dma_wait3A_174 = tpu.memref_squeeze %dma_wait3A_173 : memref<1x1x391x128xi32, #tpu.memory_space<hbm>> -> memref<391x128xi32, #tpu.memory_space<hbm>>
      tpu.wait_dma2 semaphore(%run_scoped3A_158 : memref<!tpu.dma_semaphore, #tpu.memory_space<semaphore_mem>>) src(%dma_wait3A_174 : memref<391x128xi32, #tpu.memory_space<hbm>>) dst(%arg8 : memref<391x128xi32, #tpu.memory_space<vmem>>)
      tpu.yield
    }) : () -> ()
    %dma_start3A = arith.constant 0 : i32
    %dma_start3A_1 = arith.constant 0 : i32
    %dma_start3A_2 = arith.constant 0 : i32
    %dma_start3A_3 = arith.constant 0 : i32
    %dma_start3A_4 = tpu.memref_slice %arg9[%dma_start3A_1, %dma_start3A_2, %dma_start3A_3] : memref<5x128x8xf32, #tpu.memory_space<vmem>> -> memref<1x128x8xf32, #tpu.memory_space<vmem>>
    %dma_start3A_5 = tpu.memref_squeeze %dma_start3A_4 : memref<1x128x8xf32, #tpu.memory_space<vmem>> -> memref<128x8xf32, #tpu.memory_space<vmem>>
    %dma_start3A_6 = arith.constant 0 : i32
    %dma_start3A_7 = tpu.memref_slice %arg7[%dma_start3A, %dma_start3A_6] : memref<391x128xi32, #tpu.memory_space<vmem>> -> memref<1x128xi32, #tpu.memory_space<vmem>>
    %dma_start3A_8 = tpu.memref_squeeze %dma_start3A_7 : memref<1x128xi32, #tpu.memory_space<vmem>> -> memref<128xi32, #tpu.memory_space<vmem>>
    %dma_start3A_9 = arith.constant 0 : i32
    %dma_start3A_10 = arith.constant 0 : i32
    %dma_start3A_11 = tpu.memref_slice %arg2[%dma_start3A_9, %dma_start3A_10] : memref<100000x8xf32, #tpu.memory_space<hbm>> -> memref<100000x8xf32, #tpu.memory_space<hbm>>
    tpu.enqueue_indirect_dma source(%dma_start3A_11 : memref<100000x8xf32, #tpu.memory_space<hbm>>) target(%dma_start3A_5 : memref<128x8xf32, #tpu.memory_space<vmem>>) offsets(%dma_start3A_8 : memref<128xi32, #tpu.memory_space<vmem>>) semaphore(%arg11 : memref<!tpu.dma_semaphore, #tpu.memory_space<semaphore_mem>>)
    %dma_start3A_12 = arith.constant 1 : i32
    %dma_start3A_13 = arith.constant 1 : i32
    %dma_start3A_14 = arith.constant 0 : i32
    %dma_start3A_15 = arith.constant 0 : i32
    %dma_start3A_16 = tpu.memref_slice %arg9[%dma_start3A_13, %dma_start3A_14, %dma_start3A_15] : memref<5x128x8xf32, #tpu.memory_space<vmem>> -> memref<1x128x8xf32, #tpu.memory_space<vmem>>
    %dma_start3A_17 = tpu.memref_squeeze %dma_start3A_16 : memref<1x128x8xf32, #tpu.memory_space<vmem>> -> memref<128x8xf32, #tpu.memory_space<vmem>>
    %dma_start3A_18 = arith.constant 0 : i32
    %dma_start3A_19 = tpu.memref_slice %arg7[%dma_start3A_12, %dma_start3A_18] : memref<391x128xi32, #tpu.memory_space<vmem>> -> memref<1x128xi32, #tpu.memory_space<vmem>>
    %dma_start3A_20 = tpu.memref_squeeze %dma_start3A_19 : memref<1x128xi32, #tpu.memory_space<vmem>> -> memref<128xi32, #tpu.memory_space<vmem>>
    %dma_start3A_21 = arith.constant 0 : i32
    %dma_start3A_22 = arith.constant 0 : i32
    %dma_start3A_23 = tpu.memref_slice %arg2[%dma_start3A_21, %dma_start3A_22] : memref<100000x8xf32, #tpu.memory_space<hbm>> -> memref<100000x8xf32, #tpu.memory_space<hbm>>
    tpu.enqueue_indirect_dma source(%dma_start3A_23 : memref<100000x8xf32, #tpu.memory_space<hbm>>) target(%dma_start3A_17 : memref<128x8xf32, #tpu.memory_space<vmem>>) offsets(%dma_start3A_20 : memref<128xi32, #tpu.memory_space<vmem>>) semaphore(%arg12 : memref<!tpu.dma_semaphore, #tpu.memory_space<semaphore_mem>>)
    %dma_start3A_24 = arith.constant 2 : i32
    %dma_start3A_25 = arith.constant 2 : i32
    %dma_start3A_26 = arith.constant 0 : i32
    %dma_start3A_27 = arith.constant 0 : i32
    %dma_start3A_28 = tpu.memref_slice %arg9[%dma_start3A_25, %dma_start3A_26, %dma_start3A_27] : memref<5x128x8xf32, #tpu.memory_space<vmem>> -> memref<1x128x8xf32, #tpu.memory_space<vmem>>
    %dma_start3A_29 = tpu.memref_squeeze %dma_start3A_28 : memref<1x128x8xf32, #tpu.memory_space<vmem>> -> memref<128x8xf32, #tpu.memory_space<vmem>>
    %dma_start3A_30 = arith.constant 0 : i32
    %dma_start3A_31 = tpu.memref_slice %arg7[%dma_start3A_24, %dma_start3A_30] : memref<391x128xi32, #tpu.memory_space<vmem>> -> memref<1x128xi32, #tpu.memory_space<vmem>>
    %dma_start3A_32 = tpu.memref_squeeze %dma_start3A_31 : memref<1x128xi32, #tpu.memory_space<vmem>> -> memref<128xi32, #tpu.memory_space<vmem>>
    %dma_start3A_33 = arith.constant 0 : i32
    %dma_start3A_34 = arith.constant 0 : i32
    %dma_start3A_35 = tpu.memref_slice %arg2[%dma_start3A_33, %dma_start3A_34] : memref<100000x8xf32, #tpu.memory_space<hbm>> -> memref<100000x8xf32, #tpu.memory_space<hbm>>
    tpu.enqueue_indirect_dma source(%dma_start3A_35 : memref<100000x8xf32, #tpu.memory_space<hbm>>) target(%dma_start3A_29 : memref<128x8xf32, #tpu.memory_space<vmem>>) offsets(%dma_start3A_32 : memref<128xi32, #tpu.memory_space<vmem>>) semaphore(%arg13 : memref<!tpu.dma_semaphore, #tpu.memory_space<semaphore_mem>>)
    %dma_start3A_36 = arith.constant 3 : i32
    %dma_start3A_37 = arith.constant 3 : i32
    %dma_start3A_38 = arith.constant 0 : i32
    %dma_start3A_39 = arith.constant 0 : i32
    %dma_start3A_40 = tpu.memref_slice %arg9[%dma_start3A_37, %dma_start3A_38, %dma_start3A_39] : memref<5x128x8xf32, #tpu.memory_space<vmem>> -> memref<1x128x8xf32, #tpu.memory_space<vmem>>
    %dma_start3A_41 = tpu.memref_squeeze %dma_start3A_40 : memref<1x128x8xf32, #tpu.memory_space<vmem>> -> memref<128x8xf32, #tpu.memory_space<vmem>>
    %dma_start3A_42 = arith.constant 0 : i32
    %dma_start3A_43 = tpu.memref_slice %arg7[%dma_start3A_36, %dma_start3A_42] : memref<391x128xi32, #tpu.memory_space<vmem>> -> memref<1x128xi32, #tpu.memory_space<vmem>>
    %dma_start3A_44 = tpu.memref_squeeze %dma_start3A_43 : memref<1x128xi32, #tpu.memory_space<vmem>> -> memref<128xi32, #tpu.memory_space<vmem>>
    %dma_start3A_45 = arith.constant 0 : i32
    %dma_start3A_46 = arith.constant 0 : i32
    %dma_start3A_47 = tpu.memref_slice %arg2[%dma_start3A_45, %dma_start3A_46] : memref<100000x8xf32, #tpu.memory_space<hbm>> -> memref<100000x8xf32, #tpu.memory_space<hbm>>
    tpu.enqueue_indirect_dma source(%dma_start3A_47 : memref<100000x8xf32, #tpu.memory_space<hbm>>) target(%dma_start3A_41 : memref<128x8xf32, #tpu.memory_space<vmem>>) offsets(%dma_start3A_44 : memref<128xi32, #tpu.memory_space<vmem>>) semaphore(%arg14 : memref<!tpu.dma_semaphore, #tpu.memory_space<semaphore_mem>>)
    %dma_start3A_48 = arith.constant 4 : i32
    %dma_start3A_49 = arith.constant 4 : i32
    %dma_start3A_50 = arith.constant 0 : i32
    %dma_start3A_51 = arith.constant 0 : i32
    %dma_start3A_52 = tpu.memref_slice %arg9[%dma_start3A_49, %dma_start3A_50, %dma_start3A_51] : memref<5x128x8xf32, #tpu.memory_space<vmem>> -> memref<1x128x8xf32, #tpu.memory_space<vmem>>
    %dma_start3A_53 = tpu.memref_squeeze %dma_start3A_52 : memref<1x128x8xf32, #tpu.memory_space<vmem>> -> memref<128x8xf32, #tpu.memory_space<vmem>>
    %dma_start3A_54 = arith.constant 0 : i32
    %dma_start3A_55 = tpu.memref_slice %arg7[%dma_start3A_48, %dma_start3A_54] : memref<391x128xi32, #tpu.memory_space<vmem>> -> memref<1x128xi32, #tpu.memory_space<vmem>>
    %dma_start3A_56 = tpu.memref_squeeze %dma_start3A_55 : memref<1x128xi32, #tpu.memory_space<vmem>> -> memref<128xi32, #tpu.memory_space<vmem>>
    %dma_start3A_57 = arith.constant 0 : i32
    %dma_start3A_58 = arith.constant 0 : i32
    %dma_start3A_59 = tpu.memref_slice %arg2[%dma_start3A_57, %dma_start3A_58] : memref<100000x8xf32, #tpu.memory_space<hbm>> -> memref<100000x8xf32, #tpu.memory_space<hbm>>
    tpu.enqueue_indirect_dma source(%dma_start3A_59 : memref<100000x8xf32, #tpu.memory_space<hbm>>) target(%dma_start3A_53 : memref<128x8xf32, #tpu.memory_space<vmem>>) offsets(%dma_start3A_56 : memref<128xi32, #tpu.memory_space<vmem>>) semaphore(%arg15 : memref<!tpu.dma_semaphore, #tpu.memory_space<semaphore_mem>>)
    %scan3A = arith.constant 0 : i32
    %scan3A_60 = arith.constant 0 : i32
    %scan3A_61 = arith.constant 78 : i32
    %scan3A_62 = arith.addi %scan3A_60, %scan3A_61 : i32
    %scan3A_63 = arith.constant 1 : i32
    scf.for %scan3A_158 = %scan3A_60 to %scan3A_62 step %scan3A_63  : i32 {
      %mul3A_159 = arith.constant 5 : i32
      %mul3A_160 = arith.muli %scan3A_158, %mul3A_159 : i32
      %add3A = arith.constant 0 : i32
      %add3A_161 = arith.addi %mul3A_160, %add3A : i32
      %dma_wait3A_162 = arith.constant 0 : i32
      %dma_wait3A_163 = arith.constant 0 : i32
      %dma_wait3A_164 = arith.constant 0 : i32
      %dma_wait3A_165 = tpu.memref_slice %arg9[%dma_wait3A_162, %dma_wait3A_163, %dma_wait3A_164] : memref<5x128x8xf32, #tpu.memory_space<vmem>> -> memref<1x128x8xf32, #tpu.memory_space<vmem>>
      %dma_wait3A_166 = tpu.memref_squeeze %dma_wait3A_165 : memref<1x128x8xf32, #tpu.memory_space<vmem>> -> memref<128x8xf32, #tpu.memory_space<vmem>>
      %dma_wait3A_167 = arith.constant 0 : i32
      %dma_wait3A_168 = tpu.memref_slice %arg7[%add3A_161, %dma_wait3A_167] : memref<391x128xi32, #tpu.memory_space<vmem>> -> memref<1x128xi32, #tpu.memory_space<vmem>>
      %dma_wait3A_169 = tpu.memref_squeeze %dma_wait3A_168 : memref<1x128xi32, #tpu.memory_space<vmem>> -> memref<128xi32, #tpu.memory_space<vmem>>
      %dma_wait3A_170 = arith.constant 0 : i32
      %dma_wait3A_171 = arith.constant 0 : i32
      %dma_wait3A_172 = tpu.memref_slice %arg2[%dma_wait3A_170, %dma_wait3A_171] : memref<100000x8xf32, #tpu.memory_space<hbm>> -> memref<100000x8xf32, #tpu.memory_space<hbm>>
      tpu.wait_indirect_dma semaphore(%arg11 : memref<!tpu.dma_semaphore, #tpu.memory_space<semaphore_mem>>) src(%dma_wait3A_172 : memref<100000x8xf32, #tpu.memory_space<hbm>>) dst(%dma_wait3A_166 : memref<128x8xf32, #tpu.memory_space<vmem>>)
      %add3A_173 = arith.constant 0 : i32
      %add3A_174 = arith.addi %mul3A_160, %add3A_173 : i32
      %dma_start3A_175 = arith.constant 0 : i32
      %dma_start3A_176 = arith.constant 0 : i32
      %dma_start3A_177 = arith.constant 0 : i32
      %dma_start3A_178 = tpu.memref_slice %arg9[%dma_start3A_175, %dma_start3A_176, %dma_start3A_177] : memref<5x128x8xf32, #tpu.memory_space<vmem>> -> memref<1x128x8xf32, #tpu.memory_space<vmem>>
      %dma_start3A_179 = tpu.memref_squeeze %dma_start3A_178 : memref<1x128x8xf32, #tpu.memory_space<vmem>> -> memref<128x8xf32, #tpu.memory_space<vmem>>
      %dma_start3A_180 = arith.constant 0 : i32
      %dma_start3A_181 = tpu.memref_slice %arg8[%add3A_174, %dma_start3A_180] : memref<391x128xi32, #tpu.memory_space<vmem>> -> memref<1x128xi32, #tpu.memory_space<vmem>>
      %dma_start3A_182 = tpu.memref_squeeze %dma_start3A_181 : memref<1x128xi32, #tpu.memory_space<vmem>> -> memref<128xi32, #tpu.memory_space<vmem>>
      %dma_start3A_183 = arith.constant 0 : i32
      %dma_start3A_184 = arith.constant 0 : i32
      %dma_start3A_185 = tpu.memref_slice %arg10[%dma_start3A_183, %dma_start3A_184] : memref<50048x8xf32, #tpu.memory_space<vmem_shared>> -> memref<50048x8xf32, #tpu.memory_space<vmem_shared>>
      tpu.enqueue_indirect_dma source(%dma_start3A_179 : memref<128x8xf32, #tpu.memory_space<vmem>>) target(%dma_start3A_185 : memref<50048x8xf32, #tpu.memory_space<vmem_shared>>) offsets(%dma_start3A_182 : memref<128xi32, #tpu.memory_space<vmem>>) semaphore(%arg16 : memref<!tpu.dma_semaphore, #tpu.memory_space<semaphore_mem>>) {add = true}
      %add3A_186 = arith.constant 1 : i32
      %add3A_187 = arith.addi %mul3A_160, %add3A_186 : i32
      %dma_wait3A_188 = arith.constant 1 : i32
      %dma_wait3A_189 = arith.constant 0 : i32
      %dma_wait3A_190 = arith.constant 0 : i32
      %dma_wait3A_191 = tpu.memref_slice %arg9[%dma_wait3A_188, %dma_wait3A_189, %dma_wait3A_190] : memref<5x128x8xf32, #tpu.memory_space<vmem>> -> memref<1x128x8xf32, #tpu.memory_space<vmem>>
      %dma_wait3A_192 = tpu.memref_squeeze %dma_wait3A_191 : memref<1x128x8xf32, #tpu.memory_space<vmem>> -> memref<128x8xf32, #tpu.memory_space<vmem>>
      %dma_wait3A_193 = arith.constant 0 : i32
      %dma_wait3A_194 = tpu.memref_slice %arg7[%add3A_187, %dma_wait3A_193] : memref<391x128xi32, #tpu.memory_space<vmem>> -> memref<1x128xi32, #tpu.memory_space<vmem>>
      %dma_wait3A_195 = tpu.memref_squeeze %dma_wait3A_194 : memref<1x128xi32, #tpu.memory_space<vmem>> -> memref<128xi32, #tpu.memory_space<vmem>>
      %dma_wait3A_196 = arith.constant 0 : i32
      %dma_wait3A_197 = arith.constant 0 : i32
      %dma_wait3A_198 = tpu.memref_slice %arg2[%dma_wait3A_196, %dma_wait3A_197] : memref<100000x8xf32, #tpu.memory_space<hbm>> -> memref<100000x8xf32, #tpu.memory_space<hbm>>
      tpu.wait_indirect_dma semaphore(%arg12 : memref<!tpu.dma_semaphore, #tpu.memory_space<semaphore_mem>>) src(%dma_wait3A_198 : memref<100000x8xf32, #tpu.memory_space<hbm>>) dst(%dma_wait3A_192 : memref<128x8xf32, #tpu.memory_space<vmem>>)
      %add3A_199 = arith.constant 1 : i32
      %add3A_200 = arith.addi %mul3A_160, %add3A_199 : i32
      %dma_start3A_201 = arith.constant 1 : i32
      %dma_start3A_202 = arith.constant 0 : i32
      %dma_start3A_203 = arith.constant 0 : i32
      %dma_start3A_204 = tpu.memref_slice %arg9[%dma_start3A_201, %dma_start3A_202, %dma_start3A_203] : memref<5x128x8xf32, #tpu.memory_space<vmem>> -> memref<1x128x8xf32, #tpu.memory_space<vmem>>
      %dma_start3A_205 = tpu.memref_squeeze %dma_start3A_204 : memref<1x128x8xf32, #tpu.memory_space<vmem>> -> memref<128x8xf32, #tpu.memory_space<vmem>>
      %dma_start3A_206 = arith.constant 0 : i32
      %dma_start3A_207 = tpu.memref_slice %arg8[%add3A_200, %dma_start3A_206] : memref<391x128xi32, #tpu.memory_space<vmem>> -> memref<1x128xi32, #tpu.memory_space<vmem>>
      %dma_start3A_208 = tpu.memref_squeeze %dma_start3A_207 : memref<1x128xi32, #tpu.memory_space<vmem>> -> memref<128xi32, #tpu.memory_space<vmem>>
      %dma_start3A_209 = arith.constant 0 : i32
      %dma_start3A_210 = arith.constant 0 : i32
      %dma_start3A_211 = tpu.memref_slice %arg10[%dma_start3A_209, %dma_start3A_210] : memref<50048x8xf32, #tpu.memory_space<vmem_shared>> -> memref<50048x8xf32, #tpu.memory_space<vmem_shared>>
      tpu.enqueue_indirect_dma source(%dma_start3A_205 : memref<128x8xf32, #tpu.memory_space<vmem>>) target(%dma_start3A_211 : memref<50048x8xf32, #tpu.memory_space<vmem_shared>>) offsets(%dma_start3A_208 : memref<128xi32, #tpu.memory_space<vmem>>) semaphore(%arg17 : memref<!tpu.dma_semaphore, #tpu.memory_space<semaphore_mem>>) {add = true}
      %add3A_212 = arith.constant 2 : i32
      %add3A_213 = arith.addi %mul3A_160, %add3A_212 : i32
      %dma_wait3A_214 = arith.constant 2 : i32
      %dma_wait3A_215 = arith.constant 0 : i32
      %dma_wait3A_216 = arith.constant 0 : i32
      %dma_wait3A_217 = tpu.memref_slice %arg9[%dma_wait3A_214, %dma_wait3A_215, %dma_wait3A_216] : memref<5x128x8xf32, #tpu.memory_space<vmem>> -> memref<1x128x8xf32, #tpu.memory_space<vmem>>
      %dma_wait3A_218 = tpu.memref_squeeze %dma_wait3A_217 : memref<1x128x8xf32, #tpu.memory_space<vmem>> -> memref<128x8xf32, #tpu.memory_space<vmem>>
      %dma_wait3A_219 = arith.constant 0 : i32
      %dma_wait3A_220 = tpu.memref_slice %arg7[%add3A_213, %dma_wait3A_219] : memref<391x128xi32, #tpu.memory_space<vmem>> -> memref<1x128xi32, #tpu.memory_space<vmem>>
      %dma_wait3A_221 = tpu.memref_squeeze %dma_wait3A_220 : memref<1x128xi32, #tpu.memory_space<vmem>> -> memref<128xi32, #tpu.memory_space<vmem>>
      %dma_wait3A_222 = arith.constant 0 : i32
      %dma_wait3A_223 = arith.constant 0 : i32
      %dma_wait3A_224 = tpu.memref_slice %arg2[%dma_wait3A_222, %dma_wait3A_223] : memref<100000x8xf32, #tpu.memory_space<hbm>> -> memref<100000x8xf32, #tpu.memory_space<hbm>>
      tpu.wait_indirect_dma semaphore(%arg13 : memref<!tpu.dma_semaphore, #tpu.memory_space<semaphore_mem>>) src(%dma_wait3A_224 : memref<100000x8xf32, #tpu.memory_space<hbm>>) dst(%dma_wait3A_218 : memref<128x8xf32, #tpu.memory_space<vmem>>)
      %add3A_225 = arith.constant 2 : i32
      %add3A_226 = arith.addi %mul3A_160, %add3A_225 : i32
      %dma_start3A_227 = arith.constant 2 : i32
      %dma_start3A_228 = arith.constant 0 : i32
      %dma_start3A_229 = arith.constant 0 : i32
      %dma_start3A_230 = tpu.memref_slice %arg9[%dma_start3A_227, %dma_start3A_228, %dma_start3A_229] : memref<5x128x8xf32, #tpu.memory_space<vmem>> -> memref<1x128x8xf32, #tpu.memory_space<vmem>>
      %dma_start3A_231 = tpu.memref_squeeze %dma_start3A_230 : memref<1x128x8xf32, #tpu.memory_space<vmem>> -> memref<128x8xf32, #tpu.memory_space<vmem>>
      %dma_start3A_232 = arith.constant 0 : i32
      %dma_start3A_233 = tpu.memref_slice %arg8[%add3A_226, %dma_start3A_232] : memref<391x128xi32, #tpu.memory_space<vmem>> -> memref<1x128xi32, #tpu.memory_space<vmem>>
      %dma_start3A_234 = tpu.memref_squeeze %dma_start3A_233 : memref<1x128xi32, #tpu.memory_space<vmem>> -> memref<128xi32, #tpu.memory_space<vmem>>
      %dma_start3A_235 = arith.constant 0 : i32
      %dma_start3A_236 = arith.constant 0 : i32
      %dma_start3A_237 = tpu.memref_slice %arg10[%dma_start3A_235, %dma_start3A_236] : memref<50048x8xf32, #tpu.memory_space<vmem_shared>> -> memref<50048x8xf32, #tpu.memory_space<vmem_shared>>
      tpu.enqueue_indirect_dma source(%dma_start3A_231 : memref<128x8xf32, #tpu.memory_space<vmem>>) target(%dma_start3A_237 : memref<50048x8xf32, #tpu.memory_space<vmem_shared>>) offsets(%dma_start3A_234 : memref<128xi32, #tpu.memory_space<vmem>>) semaphore(%arg18 : memref<!tpu.dma_semaphore, #tpu.memory_space<semaphore_mem>>) {add = true}
      %add3A_238 = arith.constant 3 : i32
      %add3A_239 = arith.addi %mul3A_160, %add3A_238 : i32
      %dma_wait3A_240 = arith.constant 3 : i32
      %dma_wait3A_241 = arith.constant 0 : i32
      %dma_wait3A_242 = arith.constant 0 : i32
      %dma_wait3A_243 = tpu.memref_slice %arg9[%dma_wait3A_240, %dma_wait3A_241, %dma_wait3A_242] : memref<5x128x8xf32, #tpu.memory_space<vmem>> -> memref<1x128x8xf32, #tpu.memory_space<vmem>>
      %dma_wait3A_244 = tpu.memref_squeeze %dma_wait3A_243 : memref<1x128x8xf32, #tpu.memory_space<vmem>> -> memref<128x8xf32, #tpu.memory_space<vmem>>
      %dma_wait3A_245 = arith.constant 0 : i32
      %dma_wait3A_246 = tpu.memref_slice %arg7[%add3A_239, %dma_wait3A_245] : memref<391x128xi32, #tpu.memory_space<vmem>> -> memref<1x128xi32, #tpu.memory_space<vmem>>
      %dma_wait3A_247 = tpu.memref_squeeze %dma_wait3A_246 : memref<1x128xi32, #tpu.memory_space<vmem>> -> memref<128xi32, #tpu.memory_space<vmem>>
      %dma_wait3A_248 = arith.constant 0 : i32
      %dma_wait3A_249 = arith.constant 0 : i32
      %dma_wait3A_250 = tpu.memref_slice %arg2[%dma_wait3A_248, %dma_wait3A_249] : memref<100000x8xf32, #tpu.memory_space<hbm>> -> memref<100000x8xf32, #tpu.memory_space<hbm>>
      tpu.wait_indirect_dma semaphore(%arg14 : memref<!tpu.dma_semaphore, #tpu.memory_space<semaphore_mem>>) src(%dma_wait3A_250 : memref<100000x8xf32, #tpu.memory_space<hbm>>) dst(%dma_wait3A_244 : memref<128x8xf32, #tpu.memory_space<vmem>>)
      %add3A_251 = arith.constant 3 : i32
      %add3A_252 = arith.addi %mul3A_160, %add3A_251 : i32
      %dma_start3A_253 = arith.constant 3 : i32
      %dma_start3A_254 = arith.constant 0 : i32
      %dma_start3A_255 = arith.constant 0 : i32
      %dma_start3A_256 = tpu.memref_slice %arg9[%dma_start3A_253, %dma_start3A_254, %dma_start3A_255] : memref<5x128x8xf32, #tpu.memory_space<vmem>> -> memref<1x128x8xf32, #tpu.memory_space<vmem>>
      %dma_start3A_257 = tpu.memref_squeeze %dma_start3A_256 : memref<1x128x8xf32, #tpu.memory_space<vmem>> -> memref<128x8xf32, #tpu.memory_space<vmem>>
      %dma_start3A_258 = arith.constant 0 : i32
      %dma_start3A_259 = tpu.memref_slice %arg8[%add3A_252, %dma_start3A_258] : memref<391x128xi32, #tpu.memory_space<vmem>> -> memref<1x128xi32, #tpu.memory_space<vmem>>
      %dma_start3A_260 = tpu.memref_squeeze %dma_start3A_259 : memref<1x128xi32, #tpu.memory_space<vmem>> -> memref<128xi32, #tpu.memory_space<vmem>>
      %dma_start3A_261 = arith.constant 0 : i32
      %dma_start3A_262 = arith.constant 0 : i32
      %dma_start3A_263 = tpu.memref_slice %arg10[%dma_start3A_261, %dma_start3A_262] : memref<50048x8xf32, #tpu.memory_space<vmem_shared>> -> memref<50048x8xf32, #tpu.memory_space<vmem_shared>>
      tpu.enqueue_indirect_dma source(%dma_start3A_257 : memref<128x8xf32, #tpu.memory_space<vmem>>) target(%dma_start3A_263 : memref<50048x8xf32, #tpu.memory_space<vmem_shared>>) offsets(%dma_start3A_260 : memref<128xi32, #tpu.memory_space<vmem>>) semaphore(%arg19 : memref<!tpu.dma_semaphore, #tpu.memory_space<semaphore_mem>>) {add = true}
      %add3A_264 = arith.constant 4 : i32
      %add3A_265 = arith.addi %mul3A_160, %add3A_264 : i32
      %dma_wait3A_266 = arith.constant 4 : i32
      %dma_wait3A_267 = arith.constant 0 : i32
      %dma_wait3A_268 = arith.constant 0 : i32
      %dma_wait3A_269 = tpu.memref_slice %arg9[%dma_wait3A_266, %dma_wait3A_267, %dma_wait3A_268] : memref<5x128x8xf32, #tpu.memory_space<vmem>> -> memref<1x128x8xf32, #tpu.memory_space<vmem>>
      %dma_wait3A_270 = tpu.memref_squeeze %dma_wait3A_269 : memref<1x128x8xf32, #tpu.memory_space<vmem>> -> memref<128x8xf32, #tpu.memory_space<vmem>>
      %dma_wait3A_271 = arith.constant 0 : i32
      %dma_wait3A_272 = tpu.memref_slice %arg7[%add3A_265, %dma_wait3A_271] : memref<391x128xi32, #tpu.memory_space<vmem>> -> memref<1x128xi32, #tpu.memory_space<vmem>>
      %dma_wait3A_273 = tpu.memref_squeeze %dma_wait3A_272 : memref<1x128xi32, #tpu.memory_space<vmem>> -> memref<128xi32, #tpu.memory_space<vmem>>
      %dma_wait3A_274 = arith.constant 0 : i32
      %dma_wait3A_275 = arith.constant 0 : i32
      %dma_wait3A_276 = tpu.memref_slice %arg2[%dma_wait3A_274, %dma_wait3A_275] : memref<100000x8xf32, #tpu.memory_space<hbm>> -> memref<100000x8xf32, #tpu.memory_space<hbm>>
      tpu.wait_indirect_dma semaphore(%arg15 : memref<!tpu.dma_semaphore, #tpu.memory_space<semaphore_mem>>) src(%dma_wait3A_276 : memref<100000x8xf32, #tpu.memory_space<hbm>>) dst(%dma_wait3A_270 : memref<128x8xf32, #tpu.memory_space<vmem>>)
      %add3A_277 = arith.constant 4 : i32
      %add3A_278 = arith.addi %mul3A_160, %add3A_277 : i32
      %dma_start3A_279 = arith.constant 4 : i32
      %dma_start3A_280 = arith.constant 0 : i32
      %dma_start3A_281 = arith.constant 0 : i32
      %dma_start3A_282 = tpu.memref_slice %arg9[%dma_start3A_279, %dma_start3A_280, %dma_start3A_281] : memref<5x128x8xf32, #tpu.memory_space<vmem>> -> memref<1x128x8xf32, #tpu.memory_space<vmem>>
      %dma_start3A_283 = tpu.memref_squeeze %dma_start3A_282 : memref<1x128x8xf32, #tpu.memory_space<vmem>> -> memref<128x8xf32, #tpu.memory_space<vmem>>
      %dma_start3A_284 = arith.constant 0 : i32
      %dma_start3A_285 = tpu.memref_slice %arg8[%add3A_278, %dma_start3A_284] : memref<391x128xi32, #tpu.memory_space<vmem>> -> memref<1x128xi32, #tpu.memory_space<vmem>>
      %dma_start3A_286 = tpu.memref_squeeze %dma_start3A_285 : memref<1x128xi32, #tpu.memory_space<vmem>> -> memref<128xi32, #tpu.memory_space<vmem>>
      %dma_start3A_287 = arith.constant 0 : i32
      %dma_start3A_288 = arith.constant 0 : i32
      %dma_start3A_289 = tpu.memref_slice %arg10[%dma_start3A_287, %dma_start3A_288] : memref<50048x8xf32, #tpu.memory_space<vmem_shared>> -> memref<50048x8xf32, #tpu.memory_space<vmem_shared>>
      tpu.enqueue_indirect_dma source(%dma_start3A_283 : memref<128x8xf32, #tpu.memory_space<vmem>>) target(%dma_start3A_289 : memref<50048x8xf32, #tpu.memory_space<vmem_shared>>) offsets(%dma_start3A_286 : memref<128xi32, #tpu.memory_space<vmem>>) semaphore(%arg20 : memref<!tpu.dma_semaphore, #tpu.memory_space<semaphore_mem>>) {add = true}
      %add3A_290 = arith.constant 0 : i32
      %add3A_291 = arith.addi %mul3A_160, %add3A_290 : i32
      %dma_wait3A_292 = arith.constant 0 : i32
      %dma_wait3A_293 = arith.constant 0 : i32
      %dma_wait3A_294 = arith.constant 0 : i32
      %dma_wait3A_295 = tpu.memref_slice %arg9[%dma_wait3A_292, %dma_wait3A_293, %dma_wait3A_294] : memref<5x128x8xf32, #tpu.memory_space<vmem>> -> memref<1x128x8xf32, #tpu.memory_space<vmem>>
      %dma_wait3A_296 = tpu.memref_squeeze %dma_wait3A_295 : memref<1x128x8xf32, #tpu.memory_space<vmem>> -> memref<128x8xf32, #tpu.memory_space<vmem>>
      %dma_wait3A_297 = arith.constant 0 : i32
      %dma_wait3A_298 = tpu.memref_slice %arg8[%add3A_291, %dma_wait3A_297] : memref<391x128xi32, #tpu.memory_space<vmem>> -> memref<1x128xi32, #tpu.memory_space<vmem>>
      %dma_wait3A_299 = tpu.memref_squeeze %dma_wait3A_298 : memref<1x128xi32, #tpu.memory_space<vmem>> -> memref<128xi32, #tpu.memory_space<vmem>>
      %dma_wait3A_300 = arith.constant 0 : i32
      %dma_wait3A_301 = arith.constant 0 : i32
      %dma_wait3A_302 = tpu.memref_slice %arg10[%dma_wait3A_300, %dma_wait3A_301] : memref<50048x8xf32, #tpu.memory_space<vmem_shared>> -> memref<50048x8xf32, #tpu.memory_space<vmem_shared>>
      tpu.wait_indirect_dma semaphore(%arg16 : memref<!tpu.dma_semaphore, #tpu.memory_space<semaphore_mem>>) src(%dma_wait3A_296 : memref<128x8xf32, #tpu.memory_space<vmem>>) dst(%dma_wait3A_302 : memref<50048x8xf32, #tpu.memory_space<vmem_shared>>)
      %add3A_303 = arith.constant 5 : i32
      %add3A_304 = arith.addi %mul3A_160, %add3A_303 : i32
      %add3A_305 = arith.constant 0 : i32
      %add3A_306 = arith.addi %add3A_304, %add3A_305 : i32
      %lt3A = arith.constant 391 : i32
      %lt3A_307 = arith.cmpi slt, %add3A_306, %lt3A : i32
      %convert_element_type3A = arith.extui %lt3A_307 : i1 to i32
      %cond3A = arith.constant 0 : i32
      %cond3A_308 = arith.cmpi ne, %convert_element_type3A, %cond3A : i32
      scf.if %cond3A_308 {
        %add3A_397 = arith.constant 5 : i32
        %add3A_398 = arith.addi %mul3A_160, %add3A_397 : i32
        %add3A_399 = arith.constant 0 : i32
        %add3A_400 = arith.addi %add3A_398, %add3A_399 : i32
        %dma_start3A_401 = arith.constant 0 : i32
        %dma_start3A_402 = arith.constant 0 : i32
        %dma_start3A_403 = arith.constant 0 : i32
        %dma_start3A_404 = tpu.memref_slice %arg9[%dma_start3A_401, %dma_start3A_402, %dma_start3A_403] : memref<5x128x8xf32, #tpu.memory_space<vmem>> -> memref<1x128x8xf32, #tpu.memory_space<vmem>>
        %dma_start3A_405 = tpu.memref_squeeze %dma_start3A_404 : memref<1x128x8xf32, #tpu.memory_space<vmem>> -> memref<128x8xf32, #tpu.memory_space<vmem>>
        %dma_start3A_406 = arith.constant 0 : i32
        %dma_start3A_407 = tpu.memref_slice %arg7[%add3A_400, %dma_start3A_406] : memref<391x128xi32, #tpu.memory_space<vmem>> -> memref<1x128xi32, #tpu.memory_space<vmem>>
        %dma_start3A_408 = tpu.memref_squeeze %dma_start3A_407 : memref<1x128xi32, #tpu.memory_space<vmem>> -> memref<128xi32, #tpu.memory_space<vmem>>
        %dma_start3A_409 = arith.constant 0 : i32
        %dma_start3A_410 = arith.constant 0 : i32
        %dma_start3A_411 = tpu.memref_slice %arg2[%dma_start3A_409, %dma_start3A_410] : memref<100000x8xf32, #tpu.memory_space<hbm>> -> memref<100000x8xf32, #tpu.memory_space<hbm>>
        tpu.enqueue_indirect_dma source(%dma_start3A_411 : memref<100000x8xf32, #tpu.memory_space<hbm>>) target(%dma_start3A_405 : memref<128x8xf32, #tpu.memory_space<vmem>>) offsets(%dma_start3A_408 : memref<128xi32, #tpu.memory_space<vmem>>) semaphore(%arg11 : memref<!tpu.dma_semaphore, #tpu.memory_space<semaphore_mem>>)
      } else {
      }
      %add3A_309 = arith.constant 1 : i32
      %add3A_310 = arith.addi %mul3A_160, %add3A_309 : i32
      %dma_wait3A_311 = arith.constant 1 : i32
      %dma_wait3A_312 = arith.constant 0 : i32
      %dma_wait3A_313 = arith.constant 0 : i32
      %dma_wait3A_314 = tpu.memref_slice %arg9[%dma_wait3A_311, %dma_wait3A_312, %dma_wait3A_313] : memref<5x128x8xf32, #tpu.memory_space<vmem>> -> memref<1x128x8xf32, #tpu.memory_space<vmem>>
      %dma_wait3A_315 = tpu.memref_squeeze %dma_wait3A_314 : memref<1x128x8xf32, #tpu.memory_space<vmem>> -> memref<128x8xf32, #tpu.memory_space<vmem>>
      %dma_wait3A_316 = arith.constant 0 : i32
      %dma_wait3A_317 = tpu.memref_slice %arg8[%add3A_310, %dma_wait3A_316] : memref<391x128xi32, #tpu.memory_space<vmem>> -> memref<1x128xi32, #tpu.memory_space<vmem>>
      %dma_wait3A_318 = tpu.memref_squeeze %dma_wait3A_317 : memref<1x128xi32, #tpu.memory_space<vmem>> -> memref<128xi32, #tpu.memory_space<vmem>>
      %dma_wait3A_319 = arith.constant 0 : i32
      %dma_wait3A_320 = arith.constant 0 : i32
      %dma_wait3A_321 = tpu.memref_slice %arg10[%dma_wait3A_319, %dma_wait3A_320] : memref<50048x8xf32, #tpu.memory_space<vmem_shared>> -> memref<50048x8xf32, #tpu.memory_space<vmem_shared>>
      tpu.wait_indirect_dma semaphore(%arg17 : memref<!tpu.dma_semaphore, #tpu.memory_space<semaphore_mem>>) src(%dma_wait3A_315 : memref<128x8xf32, #tpu.memory_space<vmem>>) dst(%dma_wait3A_321 : memref<50048x8xf32, #tpu.memory_space<vmem_shared>>)
      %add3A_322 = arith.constant 5 : i32
      %add3A_323 = arith.addi %mul3A_160, %add3A_322 : i32
      %add3A_324 = arith.constant 1 : i32
      %add3A_325 = arith.addi %add3A_323, %add3A_324 : i32
      %lt3A_326 = arith.constant 391 : i32
      %lt3A_327 = arith.cmpi slt, %add3A_325, %lt3A_326 : i32
      %convert_element_type3A_328 = arith.extui %lt3A_327 : i1 to i32
      %cond3A_329 = arith.constant 0 : i32
      %cond3A_330 = arith.cmpi ne, %convert_element_type3A_328, %cond3A_329 : i32
      scf.if %cond3A_330 {
        %add3A_397 = arith.constant 5 : i32
        %add3A_398 = arith.addi %mul3A_160, %add3A_397 : i32
        %add3A_399 = arith.constant 1 : i32
        %add3A_400 = arith.addi %add3A_398, %add3A_399 : i32
        %dma_start3A_401 = arith.constant 1 : i32
        %dma_start3A_402 = arith.constant 0 : i32
        %dma_start3A_403 = arith.constant 0 : i32
        %dma_start3A_404 = tpu.memref_slice %arg9[%dma_start3A_401, %dma_start3A_402, %dma_start3A_403] : memref<5x128x8xf32, #tpu.memory_space<vmem>> -> memref<1x128x8xf32, #tpu.memory_space<vmem>>
        %dma_start3A_405 = tpu.memref_squeeze %dma_start3A_404 : memref<1x128x8xf32, #tpu.memory_space<vmem>> -> memref<128x8xf32, #tpu.memory_space<vmem>>
        %dma_start3A_406 = arith.constant 0 : i32
        %dma_start3A_407 = tpu.memref_slice %arg7[%add3A_400, %dma_start3A_406] : memref<391x128xi32, #tpu.memory_space<vmem>> -> memref<1x128xi32, #tpu.memory_space<vmem>>
        %dma_start3A_408 = tpu.memref_squeeze %dma_start3A_407 : memref<1x128xi32, #tpu.memory_space<vmem>> -> memref<128xi32, #tpu.memory_space<vmem>>
        %dma_start3A_409 = arith.constant 0 : i32
        %dma_start3A_410 = arith.constant 0 : i32
        %dma_start3A_411 = tpu.memref_slice %arg2[%dma_start3A_409, %dma_start3A_410] : memref<100000x8xf32, #tpu.memory_space<hbm>> -> memref<100000x8xf32, #tpu.memory_space<hbm>>
        tpu.enqueue_indirect_dma source(%dma_start3A_411 : memref<100000x8xf32, #tpu.memory_space<hbm>>) target(%dma_start3A_405 : memref<128x8xf32, #tpu.memory_space<vmem>>) offsets(%dma_start3A_408 : memref<128xi32, #tpu.memory_space<vmem>>) semaphore(%arg12 : memref<!tpu.dma_semaphore, #tpu.memory_space<semaphore_mem>>)
      } else {
      }
      %add3A_331 = arith.constant 2 : i32
      %add3A_332 = arith.addi %mul3A_160, %add3A_331 : i32
      %dma_wait3A_333 = arith.constant 2 : i32
      %dma_wait3A_334 = arith.constant 0 : i32
      %dma_wait3A_335 = arith.constant 0 : i32
      %dma_wait3A_336 = tpu.memref_slice %arg9[%dma_wait3A_333, %dma_wait3A_334, %dma_wait3A_335] : memref<5x128x8xf32, #tpu.memory_space<vmem>> -> memref<1x128x8xf32, #tpu.memory_space<vmem>>
      %dma_wait3A_337 = tpu.memref_squeeze %dma_wait3A_336 : memref<1x128x8xf32, #tpu.memory_space<vmem>> -> memref<128x8xf32, #tpu.memory_space<vmem>>
      %dma_wait3A_338 = arith.constant 0 : i32
      %dma_wait3A_339 = tpu.memref_slice %arg8[%add3A_332, %dma_wait3A_338] : memref<391x128xi32, #tpu.memory_space<vmem>> -> memref<1x128xi32, #tpu.memory_space<vmem>>
      %dma_wait3A_340 = tpu.memref_squeeze %dma_wait3A_339 : memref<1x128xi32, #tpu.memory_space<vmem>> -> memref<128xi32, #tpu.memory_space<vmem>>
      %dma_wait3A_341 = arith.constant 0 : i32
      %dma_wait3A_342 = arith.constant 0 : i32
      %dma_wait3A_343 = tpu.memref_slice %arg10[%dma_wait3A_341, %dma_wait3A_342] : memref<50048x8xf32, #tpu.memory_space<vmem_shared>> -> memref<50048x8xf32, #tpu.memory_space<vmem_shared>>
      tpu.wait_indirect_dma semaphore(%arg18 : memref<!tpu.dma_semaphore, #tpu.memory_space<semaphore_mem>>) src(%dma_wait3A_337 : memref<128x8xf32, #tpu.memory_space<vmem>>) dst(%dma_wait3A_343 : memref<50048x8xf32, #tpu.memory_space<vmem_shared>>)
      %add3A_344 = arith.constant 5 : i32
      %add3A_345 = arith.addi %mul3A_160, %add3A_344 : i32
      %add3A_346 = arith.constant 2 : i32
      %add3A_347 = arith.addi %add3A_345, %add3A_346 : i32
      %lt3A_348 = arith.constant 391 : i32
      %lt3A_349 = arith.cmpi slt, %add3A_347, %lt3A_348 : i32
      %convert_element_type3A_350 = arith.extui %lt3A_349 : i1 to i32
      %cond3A_351 = arith.constant 0 : i32
      %cond3A_352 = arith.cmpi ne, %convert_element_type3A_350, %cond3A_351 : i32
      scf.if %cond3A_352 {
        %add3A_397 = arith.constant 5 : i32
        %add3A_398 = arith.addi %mul3A_160, %add3A_397 : i32
        %add3A_399 = arith.constant 2 : i32
        %add3A_400 = arith.addi %add3A_398, %add3A_399 : i32
        %dma_start3A_401 = arith.constant 2 : i32
        %dma_start3A_402 = arith.constant 0 : i32
        %dma_start3A_403 = arith.constant 0 : i32
        %dma_start3A_404 = tpu.memref_slice %arg9[%dma_start3A_401, %dma_start3A_402, %dma_start3A_403] : memref<5x128x8xf32, #tpu.memory_space<vmem>> -> memref<1x128x8xf32, #tpu.memory_space<vmem>>
        %dma_start3A_405 = tpu.memref_squeeze %dma_start3A_404 : memref<1x128x8xf32, #tpu.memory_space<vmem>> -> memref<128x8xf32, #tpu.memory_space<vmem>>
        %dma_start3A_406 = arith.constant 0 : i32
        %dma_start3A_407 = tpu.memref_slice %arg7[%add3A_400, %dma_start3A_406] : memref<391x128xi32, #tpu.memory_space<vmem>> -> memref<1x128xi32, #tpu.memory_space<vmem>>
        %dma_start3A_408 = tpu.memref_squeeze %dma_start3A_407 : memref<1x128xi32, #tpu.memory_space<vmem>> -> memref<128xi32, #tpu.memory_space<vmem>>
        %dma_start3A_409 = arith.constant 0 : i32
        %dma_start3A_410 = arith.constant 0 : i32
        %dma_start3A_411 = tpu.memref_slice %arg2[%dma_start3A_409, %dma_start3A_410] : memref<100000x8xf32, #tpu.memory_space<hbm>> -> memref<100000x8xf32, #tpu.memory_space<hbm>>
        tpu.enqueue_indirect_dma source(%dma_start3A_411 : memref<100000x8xf32, #tpu.memory_space<hbm>>) target(%dma_start3A_405 : memref<128x8xf32, #tpu.memory_space<vmem>>) offsets(%dma_start3A_408 : memref<128xi32, #tpu.memory_space<vmem>>) semaphore(%arg13 : memref<!tpu.dma_semaphore, #tpu.memory_space<semaphore_mem>>)
      } else {
      }
      %add3A_353 = arith.constant 3 : i32
      %add3A_354 = arith.addi %mul3A_160, %add3A_353 : i32
      %dma_wait3A_355 = arith.constant 3 : i32
      %dma_wait3A_356 = arith.constant 0 : i32
      %dma_wait3A_357 = arith.constant 0 : i32
      %dma_wait3A_358 = tpu.memref_slice %arg9[%dma_wait3A_355, %dma_wait3A_356, %dma_wait3A_357] : memref<5x128x8xf32, #tpu.memory_space<vmem>> -> memref<1x128x8xf32, #tpu.memory_space<vmem>>
      %dma_wait3A_359 = tpu.memref_squeeze %dma_wait3A_358 : memref<1x128x8xf32, #tpu.memory_space<vmem>> -> memref<128x8xf32, #tpu.memory_space<vmem>>
      %dma_wait3A_360 = arith.constant 0 : i32
      %dma_wait3A_361 = tpu.memref_slice %arg8[%add3A_354, %dma_wait3A_360] : memref<391x128xi32, #tpu.memory_space<vmem>> -> memref<1x128xi32, #tpu.memory_space<vmem>>
      %dma_wait3A_362 = tpu.memref_squeeze %dma_wait3A_361 : memref<1x128xi32, #tpu.memory_space<vmem>> -> memref<128xi32, #tpu.memory_space<vmem>>
      %dma_wait3A_363 = arith.constant 0 : i32
      %dma_wait3A_364 = arith.constant 0 : i32
      %dma_wait3A_365 = tpu.memref_slice %arg10[%dma_wait3A_363, %dma_wait3A_364] : memref<50048x8xf32, #tpu.memory_space<vmem_shared>> -> memref<50048x8xf32, #tpu.memory_space<vmem_shared>>
      tpu.wait_indirect_dma semaphore(%arg19 : memref<!tpu.dma_semaphore, #tpu.memory_space<semaphore_mem>>) src(%dma_wait3A_359 : memref<128x8xf32, #tpu.memory_space<vmem>>) dst(%dma_wait3A_365 : memref<50048x8xf32, #tpu.memory_space<vmem_shared>>)
      %add3A_366 = arith.constant 5 : i32
      %add3A_367 = arith.addi %mul3A_160, %add3A_366 : i32
      %add3A_368 = arith.constant 3 : i32
      %add3A_369 = arith.addi %add3A_367, %add3A_368 : i32
      %lt3A_370 = arith.constant 391 : i32
      %lt3A_371 = arith.cmpi slt, %add3A_369, %lt3A_370 : i32
      %convert_element_type3A_372 = arith.extui %lt3A_371 : i1 to i32
      %cond3A_373 = arith.constant 0 : i32
      %cond3A_374 = arith.cmpi ne, %convert_element_type3A_372, %cond3A_373 : i32
      scf.if %cond3A_374 {
        %add3A_397 = arith.constant 5 : i32
        %add3A_398 = arith.addi %mul3A_160, %add3A_397 : i32
        %add3A_399 = arith.constant 3 : i32
        %add3A_400 = arith.addi %add3A_398, %add3A_399 : i32
        %dma_start3A_401 = arith.constant 3 : i32
        %dma_start3A_402 = arith.constant 0 : i32
        %dma_start3A_403 = arith.constant 0 : i32
        %dma_start3A_404 = tpu.memref_slice %arg9[%dma_start3A_401, %dma_start3A_402, %dma_start3A_403] : memref<5x128x8xf32, #tpu.memory_space<vmem>> -> memref<1x128x8xf32, #tpu.memory_space<vmem>>
        %dma_start3A_405 = tpu.memref_squeeze %dma_start3A_404 : memref<1x128x8xf32, #tpu.memory_space<vmem>> -> memref<128x8xf32, #tpu.memory_space<vmem>>
        %dma_start3A_406 = arith.constant 0 : i32
        %dma_start3A_407 = tpu.memref_slice %arg7[%add3A_400, %dma_start3A_406] : memref<391x128xi32, #tpu.memory_space<vmem>> -> memref<1x128xi32, #tpu.memory_space<vmem>>
        %dma_start3A_408 = tpu.memref_squeeze %dma_start3A_407 : memref<1x128xi32, #tpu.memory_space<vmem>> -> memref<128xi32, #tpu.memory_space<vmem>>
        %dma_start3A_409 = arith.constant 0 : i32
        %dma_start3A_410 = arith.constant 0 : i32
        %dma_start3A_411 = tpu.memref_slice %arg2[%dma_start3A_409, %dma_start3A_410] : memref<100000x8xf32, #tpu.memory_space<hbm>> -> memref<100000x8xf32, #tpu.memory_space<hbm>>
        tpu.enqueue_indirect_dma source(%dma_start3A_411 : memref<100000x8xf32, #tpu.memory_space<hbm>>) target(%dma_start3A_405 : memref<128x8xf32, #tpu.memory_space<vmem>>) offsets(%dma_start3A_408 : memref<128xi32, #tpu.memory_space<vmem>>) semaphore(%arg14 : memref<!tpu.dma_semaphore, #tpu.memory_space<semaphore_mem>>)
      } else {
      }
      %add3A_375 = arith.constant 4 : i32
      %add3A_376 = arith.addi %mul3A_160, %add3A_375 : i32
      %dma_wait3A_377 = arith.constant 4 : i32
      %dma_wait3A_378 = arith.constant 0 : i32
      %dma_wait3A_379 = arith.constant 0 : i32
      %dma_wait3A_380 = tpu.memref_slice %arg9[%dma_wait3A_377, %dma_wait3A_378, %dma_wait3A_379] : memref<5x128x8xf32, #tpu.memory_space<vmem>> -> memref<1x128x8xf32, #tpu.memory_space<vmem>>
      %dma_wait3A_381 = tpu.memref_squeeze %dma_wait3A_380 : memref<1x128x8xf32, #tpu.memory_space<vmem>> -> memref<128x8xf32, #tpu.memory_space<vmem>>
      %dma_wait3A_382 = arith.constant 0 : i32
      %dma_wait3A_383 = tpu.memref_slice %arg8[%add3A_376, %dma_wait3A_382] : memref<391x128xi32, #tpu.memory_space<vmem>> -> memref<1x128xi32, #tpu.memory_space<vmem>>
      %dma_wait3A_384 = tpu.memref_squeeze %dma_wait3A_383 : memref<1x128xi32, #tpu.memory_space<vmem>> -> memref<128xi32, #tpu.memory_space<vmem>>
      %dma_wait3A_385 = arith.constant 0 : i32
      %dma_wait3A_386 = arith.constant 0 : i32
      %dma_wait3A_387 = tpu.memref_slice %arg10[%dma_wait3A_385, %dma_wait3A_386] : memref<50048x8xf32, #tpu.memory_space<vmem_shared>> -> memref<50048x8xf32, #tpu.memory_space<vmem_shared>>
      tpu.wait_indirect_dma semaphore(%arg20 : memref<!tpu.dma_semaphore, #tpu.memory_space<semaphore_mem>>) src(%dma_wait3A_381 : memref<128x8xf32, #tpu.memory_space<vmem>>) dst(%dma_wait3A_387 : memref<50048x8xf32, #tpu.memory_space<vmem_shared>>)
      %add3A_388 = arith.constant 5 : i32
      %add3A_389 = arith.addi %mul3A_160, %add3A_388 : i32
      %add3A_390 = arith.constant 4 : i32
      %add3A_391 = arith.addi %add3A_389, %add3A_390 : i32
      %lt3A_392 = arith.constant 391 : i32
      %lt3A_393 = arith.cmpi slt, %add3A_391, %lt3A_392 : i32
      %convert_element_type3A_394 = arith.extui %lt3A_393 : i1 to i32
      %cond3A_395 = arith.constant 0 : i32
      %cond3A_396 = arith.cmpi ne, %convert_element_type3A_394, %cond3A_395 : i32
      scf.if %cond3A_396 {
        %add3A_397 = arith.constant 5 : i32
        %add3A_398 = arith.addi %mul3A_160, %add3A_397 : i32
        %add3A_399 = arith.constant 4 : i32
        %add3A_400 = arith.addi %add3A_398, %add3A_399 : i32
        %dma_start3A_401 = arith.constant 4 : i32
        %dma_start3A_402 = arith.constant 0 : i32
        %dma_start3A_403 = arith.constant 0 : i32
        %dma_start3A_404 = tpu.memref_slice %arg9[%dma_start3A_401, %dma_start3A_402, %dma_start3A_403] : memref<5x128x8xf32, #tpu.memory_space<vmem>> -> memref<1x128x8xf32, #tpu.memory_space<vmem>>
        %dma_start3A_405 = tpu.memref_squeeze %dma_start3A_404 : memref<1x128x8xf32, #tpu.memory_space<vmem>> -> memref<128x8xf32, #tpu.memory_space<vmem>>
        %dma_start3A_406 = arith.constant 0 : i32
        %dma_start3A_407 = tpu.memref_slice %arg7[%add3A_400, %dma_start3A_406] : memref<391x128xi32, #tpu.memory_space<vmem>> -> memref<1x128xi32, #tpu.memory_space<vmem>>
        %dma_start3A_408 = tpu.memref_squeeze %dma_start3A_407 : memref<1x128xi32, #tpu.memory_space<vmem>> -> memref<128xi32, #tpu.memory_space<vmem>>
        %dma_start3A_409 = arith.constant 0 : i32
        %dma_start3A_410 = arith.constant 0 : i32
        %dma_start3A_411 = tpu.memref_slice %arg2[%dma_start3A_409, %dma_start3A_410] : memref<100000x8xf32, #tpu.memory_space<hbm>> -> memref<100000x8xf32, #tpu.memory_space<hbm>>
        tpu.enqueue_indirect_dma source(%dma_start3A_411 : memref<100000x8xf32, #tpu.memory_space<hbm>>) target(%dma_start3A_405 : memref<128x8xf32, #tpu.memory_space<vmem>>) offsets(%dma_start3A_408 : memref<128xi32, #tpu.memory_space<vmem>>) semaphore(%arg15 : memref<!tpu.dma_semaphore, #tpu.memory_space<semaphore_mem>>)
      } else {
      }
    }
    %scan3A_64 = arith.constant 78 : i32
    %dma_wait3A = arith.constant 390 : i32
    %dma_wait3A_65 = arith.constant 0 : i32
    %dma_wait3A_66 = arith.constant 0 : i32
    %dma_wait3A_67 = arith.constant 0 : i32
    %dma_wait3A_68 = tpu.memref_slice %arg9[%dma_wait3A_65, %dma_wait3A_66, %dma_wait3A_67] : memref<5x128x8xf32, #tpu.memory_space<vmem>> -> memref<1x128x8xf32, #tpu.memory_space<vmem>>
    %dma_wait3A_69 = tpu.memref_squeeze %dma_wait3A_68 : memref<1x128x8xf32, #tpu.memory_space<vmem>> -> memref<128x8xf32, #tpu.memory_space<vmem>>
    %dma_wait3A_70 = arith.constant 0 : i32
    %dma_wait3A_71 = tpu.memref_slice %arg7[%dma_wait3A, %dma_wait3A_70] : memref<391x128xi32, #tpu.memory_space<vmem>> -> memref<1x128xi32, #tpu.memory_space<vmem>>
    %dma_wait3A_72 = tpu.memref_squeeze %dma_wait3A_71 : memref<1x128xi32, #tpu.memory_space<vmem>> -> memref<128xi32, #tpu.memory_space<vmem>>
    %dma_wait3A_73 = arith.constant 0 : i32
    %dma_wait3A_74 = arith.constant 0 : i32
    %dma_wait3A_75 = tpu.memref_slice %arg2[%dma_wait3A_73, %dma_wait3A_74] : memref<100000x8xf32, #tpu.memory_space<hbm>> -> memref<100000x8xf32, #tpu.memory_space<hbm>>
    tpu.wait_indirect_dma semaphore(%arg11 : memref<!tpu.dma_semaphore, #tpu.memory_space<semaphore_mem>>) src(%dma_wait3A_75 : memref<100000x8xf32, #tpu.memory_space<hbm>>) dst(%dma_wait3A_69 : memref<128x8xf32, #tpu.memory_space<vmem>>)
    %run_scoped3A = arith.constant 0 : i32
    %run_scoped3A_76 = arith.constant 390 : i32
    "tpu.region"() ({
      %run_scoped3A_158 = tpu.sem_alloc : memref<!tpu.dma_semaphore, #tpu.memory_space<semaphore_mem>>
      %dma_start3A_159 = arith.constant 0 : i32
      %dma_start3A_160 = arith.constant 0 : i32
      %dma_start3A_161 = tpu.memref_slice %arg9[%run_scoped3A, %dma_start3A_159, %dma_start3A_160] : memref<5x128x8xf32, #tpu.memory_space<vmem>> -> memref<1x128x8xf32, #tpu.memory_space<vmem>>
      %dma_start3A_162 = tpu.memref_squeeze %dma_start3A_161 : memref<1x128x8xf32, #tpu.memory_space<vmem>> -> memref<128x8xf32, #tpu.memory_space<vmem>>
      %dma_start3A_163 = arith.constant 0 : i32
      %dma_start3A_164 = tpu.memref_slice %arg8[%run_scoped3A_76, %dma_start3A_163] : memref<391x128xi32, #tpu.memory_space<vmem>> -> memref<1x128xi32, #tpu.memory_space<vmem>>
      %dma_start3A_165 = tpu.memref_squeeze %dma_start3A_164 : memref<1x128xi32, #tpu.memory_space<vmem>> -> memref<128xi32, #tpu.memory_space<vmem>>
      %dma_start3A_166 = arith.constant 0 : i32
      %dma_start3A_167 = arith.constant 0 : i32
      %dma_start3A_168 = tpu.memref_slice %arg10[%dma_start3A_166, %dma_start3A_167] : memref<50048x8xf32, #tpu.memory_space<vmem_shared>> -> memref<50048x8xf32, #tpu.memory_space<vmem_shared>>
      tpu.enqueue_indirect_dma source(%dma_start3A_162 : memref<128x8xf32, #tpu.memory_space<vmem>>) target(%dma_start3A_168 : memref<50048x8xf32, #tpu.memory_space<vmem_shared>>) offsets(%dma_start3A_165 : memref<128xi32, #tpu.memory_space<vmem>>) semaphore(%run_scoped3A_158 : memref<!tpu.dma_semaphore, #tpu.memory_space<semaphore_mem>>) {add = true}
      %dma_wait3A_169 = arith.constant 0 : i32
      %dma_wait3A_170 = arith.constant 0 : i32
      %dma_wait3A_171 = tpu.memref_slice %arg9[%run_scoped3A, %dma_wait3A_169, %dma_wait3A_170] : memref<5x128x8xf32, #tpu.memory_space<vmem>> -> memref<1x128x8xf32, #tpu.memory_space<vmem>>
      %dma_wait3A_172 = tpu.memref_squeeze %dma_wait3A_171 : memref<1x128x8xf32, #tpu.memory_space<vmem>> -> memref<128x8xf32, #tpu.memory_space<vmem>>
      %dma_wait3A_173 = arith.constant 0 : i32
      %dma_wait3A_174 = tpu.memref_slice %arg8[%run_scoped3A_76, %dma_wait3A_173] : memref<391x128xi32, #tpu.memory_space<vmem>> -> memref<1x128xi32, #tpu.memory_space<vmem>>
      %dma_wait3A_175 = tpu.memref_squeeze %dma_wait3A_174 : memref<1x128xi32, #tpu.memory_space<vmem>> -> memref<128xi32, #tpu.memory_space<vmem>>
      %dma_wait3A_176 = arith.constant 0 : i32
      %dma_wait3A_177 = arith.constant 0 : i32
      %dma_wait3A_178 = tpu.memref_slice %arg10[%dma_wait3A_176, %dma_wait3A_177] : memref<50048x8xf32, #tpu.memory_space<vmem_shared>> -> memref<50048x8xf32, #tpu.memory_space<vmem_shared>>
      tpu.wait_indirect_dma semaphore(%run_scoped3A_158 : memref<!tpu.dma_semaphore, #tpu.memory_space<semaphore_mem>>) src(%dma_wait3A_172 : memref<128x8xf32, #tpu.memory_space<vmem>>) dst(%dma_wait3A_178 : memref<50048x8xf32, #tpu.memory_space<vmem_shared>>)
      tpu.yield
    }) : () -> ()
    "tpu.region"() ({
      %run_scoped3A_158 = tpu.sem_alloc : memref<!tpu.dma_semaphore, #tpu.memory_space<semaphore_mem>>
      %dma_start3A_159 = arith.constant 391 : i32
      %dma_start3A_160 = arith.constant 0 : i32
      %dma_start3A_161 = tpu.memref_slice %arg3[%arg1, %dma_start3A_159, %dma_start3A_160] : memref<16x782x128xi32, #tpu.memory_space<hbm>> -> memref<1x391x128xi32, #tpu.memory_space<hbm>>
      %dma_start3A_162 = tpu.memref_squeeze %dma_start3A_161 : memref<1x391x128xi32, #tpu.memory_space<hbm>> -> memref<391x128xi32, #tpu.memory_space<hbm>>
      %dma_start3A_163 = arith.constant 391 : i32
      %dma_start3A_164 = arith.constant 0 : i32
      %dma_start3A_165 = tpu.memref_slice %arg3[%arg1, %dma_start3A_163, %dma_start3A_164] : memref<16x782x128xi32, #tpu.memory_space<hbm>> -> memref<1x391x128xi32, #tpu.memory_space<hbm>>
      %dma_start3A_166 = tpu.memref_squeeze %dma_start3A_165 : memref<1x391x128xi32, #tpu.memory_space<hbm>> -> memref<391x128xi32, #tpu.memory_space<hbm>>
      tpu.enqueue_dma source(%dma_start3A_166 : memref<391x128xi32, #tpu.memory_space<hbm>>) target(%arg7 : memref<391x128xi32, #tpu.memory_space<vmem>>) target_semaphore(%run_scoped3A_158 : memref<!tpu.dma_semaphore, #tpu.memory_space<semaphore_mem>>)
      %dma_wait3A_167 = arith.constant 391 : i32
      %dma_wait3A_168 = arith.constant 0 : i32
      %dma_wait3A_169 = tpu.memref_slice %arg3[%arg1, %dma_wait3A_167, %dma_wait3A_168] : memref<16x782x128xi32, #tpu.memory_space<hbm>> -> memref<1x391x128xi32, #tpu.memory_space<hbm>>
      %dma_wait3A_170 = tpu.memref_squeeze %dma_wait3A_169 : memref<1x391x128xi32, #tpu.memory_space<hbm>> -> memref<391x128xi32, #tpu.memory_space<hbm>>
      %dma_wait3A_171 = arith.constant 391 : i32
      %dma_wait3A_172 = arith.constant 0 : i32
      %dma_wait3A_173 = tpu.memref_slice %arg3[%arg1, %dma_wait3A_171, %dma_wait3A_172] : memref<16x782x128xi32, #tpu.memory_space<hbm>> -> memref<1x391x128xi32, #tpu.memory_space<hbm>>
      %dma_wait3A_174 = tpu.memref_squeeze %dma_wait3A_173 : memref<1x391x128xi32, #tpu.memory_space<hbm>> -> memref<391x128xi32, #tpu.memory_space<hbm>>
      tpu.wait_dma2 semaphore(%run_scoped3A_158 : memref<!tpu.dma_semaphore, #tpu.memory_space<semaphore_mem>>) src(%dma_wait3A_174 : memref<391x128xi32, #tpu.memory_space<hbm>>) dst(%arg7 : memref<391x128xi32, #tpu.memory_space<vmem>>)
      tpu.yield
    }) : () -> ()
    "tpu.region"() ({
      %run_scoped3A_158 = tpu.sem_alloc : memref<!tpu.dma_semaphore, #tpu.memory_space<semaphore_mem>>
      %dma_start3A_159 = arith.constant 391 : i32
      %dma_start3A_160 = arith.constant 0 : i32
      %dma_start3A_161 = tpu.memref_slice %arg4[%arg0, %arg1, %dma_start3A_159, %dma_start3A_160] : memref<2x16x782x128xi32, #tpu.memory_space<hbm>> -> memref<1x1x391x128xi32, #tpu.memory_space<hbm>>
      %dma_start3A_162 = tpu.memref_squeeze %dma_start3A_161 : memref<1x1x391x128xi32, #tpu.memory_space<hbm>> -> memref<391x128xi32, #tpu.memory_space<hbm>>
      %dma_start3A_163 = arith.constant 391 : i32
      %dma_start3A_164 = arith.constant 0 : i32
      %dma_start3A_165 = tpu.memref_slice %arg4[%arg0, %arg1, %dma_start3A_163, %dma_start3A_164] : memref<2x16x782x128xi32, #tpu.memory_space<hbm>> -> memref<1x1x391x128xi32, #tpu.memory_space<hbm>>
      %dma_start3A_166 = tpu.memref_squeeze %dma_start3A_165 : memref<1x1x391x128xi32, #tpu.memory_space<hbm>> -> memref<391x128xi32, #tpu.memory_space<hbm>>
      tpu.enqueue_dma source(%dma_start3A_166 : memref<391x128xi32, #tpu.memory_space<hbm>>) target(%arg8 : memref<391x128xi32, #tpu.memory_space<vmem>>) target_semaphore(%run_scoped3A_158 : memref<!tpu.dma_semaphore, #tpu.memory_space<semaphore_mem>>)
      %dma_wait3A_167 = arith.constant 391 : i32
      %dma_wait3A_168 = arith.constant 0 : i32
      %dma_wait3A_169 = tpu.memref_slice %arg4[%arg0, %arg1, %dma_wait3A_167, %dma_wait3A_168] : memref<2x16x782x128xi32, #tpu.memory_space<hbm>> -> memref<1x1x391x128xi32, #tpu.memory_space<hbm>>
      %dma_wait3A_170 = tpu.memref_squeeze %dma_wait3A_169 : memref<1x1x391x128xi32, #tpu.memory_space<hbm>> -> memref<391x128xi32, #tpu.memory_space<hbm>>
      %dma_wait3A_171 = arith.constant 391 : i32
      %dma_wait3A_172 = arith.constant 0 : i32
      %dma_wait3A_173 = tpu.memref_slice %arg4[%arg0, %arg1, %dma_wait3A_171, %dma_wait3A_172] : memref<2x16x782x128xi32, #tpu.memory_space<hbm>> -> memref<1x1x391x128xi32, #tpu.memory_space<hbm>>
      %dma_wait3A_174 = tpu.memref_squeeze %dma_wait3A_173 : memref<1x1x391x128xi32, #tpu.memory_space<hbm>> -> memref<391x128xi32, #tpu.memory_space<hbm>>
      tpu.wait_dma2 semaphore(%run_scoped3A_158 : memref<!tpu.dma_semaphore, #tpu.memory_space<semaphore_mem>>) src(%dma_wait3A_174 : memref<391x128xi32, #tpu.memory_space<hbm>>) dst(%arg8 : memref<391x128xi32, #tpu.memory_space<vmem>>)
      tpu.yield
    }) : () -> ()
    %dma_start3A_77 = arith.constant 0 : i32
    %dma_start3A_78 = arith.constant 0 : i32
    %dma_start3A_79 = arith.constant 0 : i32
    %dma_start3A_80 = arith.constant 0 : i32
    %dma_start3A_81 = tpu.memref_slice %arg9[%dma_start3A_78, %dma_start3A_79, %dma_start3A_80] : memref<5x128x8xf32, #tpu.memory_space<vmem>> -> memref<1x128x8xf32, #tpu.memory_space<vmem>>
    %dma_start3A_82 = tpu.memref_squeeze %dma_start3A_81 : memref<1x128x8xf32, #tpu.memory_space<vmem>> -> memref<128x8xf32, #tpu.memory_space<vmem>>
    %dma_start3A_83 = arith.constant 0 : i32
    %dma_start3A_84 = tpu.memref_slice %arg7[%dma_start3A_77, %dma_start3A_83] : memref<391x128xi32, #tpu.memory_space<vmem>> -> memref<1x128xi32, #tpu.memory_space<vmem>>
    %dma_start3A_85 = tpu.memref_squeeze %dma_start3A_84 : memref<1x128xi32, #tpu.memory_space<vmem>> -> memref<128xi32, #tpu.memory_space<vmem>>
    %dma_start3A_86 = arith.constant 0 : i32
    %dma_start3A_87 = arith.constant 0 : i32
    %dma_start3A_88 = tpu.memref_slice %arg2[%dma_start3A_86, %dma_start3A_87] : memref<100000x8xf32, #tpu.memory_space<hbm>> -> memref<100000x8xf32, #tpu.memory_space<hbm>>
    tpu.enqueue_indirect_dma source(%dma_start3A_88 : memref<100000x8xf32, #tpu.memory_space<hbm>>) target(%dma_start3A_82 : memref<128x8xf32, #tpu.memory_space<vmem>>) offsets(%dma_start3A_85 : memref<128xi32, #tpu.memory_space<vmem>>) semaphore(%arg11 : memref<!tpu.dma_semaphore, #tpu.memory_space<semaphore_mem>>)
    %dma_start3A_89 = arith.constant 1 : i32
    %dma_start3A_90 = arith.constant 1 : i32
    %dma_start3A_91 = arith.constant 0 : i32
    %dma_start3A_92 = arith.constant 0 : i32
    %dma_start3A_93 = tpu.memref_slice %arg9[%dma_start3A_90, %dma_start3A_91, %dma_start3A_92] : memref<5x128x8xf32, #tpu.memory_space<vmem>> -> memref<1x128x8xf32, #tpu.memory_space<vmem>>
    %dma_start3A_94 = tpu.memref_squeeze %dma_start3A_93 : memref<1x128x8xf32, #tpu.memory_space<vmem>> -> memref<128x8xf32, #tpu.memory_space<vmem>>
    %dma_start3A_95 = arith.constant 0 : i32
    %dma_start3A_96 = tpu.memref_slice %arg7[%dma_start3A_89, %dma_start3A_95] : memref<391x128xi32, #tpu.memory_space<vmem>> -> memref<1x128xi32, #tpu.memory_space<vmem>>
    %dma_start3A_97 = tpu.memref_squeeze %dma_start3A_96 : memref<1x128xi32, #tpu.memory_space<vmem>> -> memref<128xi32, #tpu.memory_space<vmem>>
    %dma_start3A_98 = arith.constant 0 : i32
    %dma_start3A_99 = arith.constant 0 : i32
    %dma_start3A_100 = tpu.memref_slice %arg2[%dma_start3A_98, %dma_start3A_99] : memref<100000x8xf32, #tpu.memory_space<hbm>> -> memref<100000x8xf32, #tpu.memory_space<hbm>>
    tpu.enqueue_indirect_dma source(%dma_start3A_100 : memref<100000x8xf32, #tpu.memory_space<hbm>>) target(%dma_start3A_94 : memref<128x8xf32, #tpu.memory_space<vmem>>) offsets(%dma_start3A_97 : memref<128xi32, #tpu.memory_space<vmem>>) semaphore(%arg12 : memref<!tpu.dma_semaphore, #tpu.memory_space<semaphore_mem>>)
    %dma_start3A_101 = arith.constant 2 : i32
    %dma_start3A_102 = arith.constant 2 : i32
    %dma_start3A_103 = arith.constant 0 : i32
    %dma_start3A_104 = arith.constant 0 : i32
    %dma_start3A_105 = tpu.memref_slice %arg9[%dma_start3A_102, %dma_start3A_103, %dma_start3A_104] : memref<5x128x8xf32, #tpu.memory_space<vmem>> -> memref<1x128x8xf32, #tpu.memory_space<vmem>>
    %dma_start3A_106 = tpu.memref_squeeze %dma_start3A_105 : memref<1x128x8xf32, #tpu.memory_space<vmem>> -> memref<128x8xf32, #tpu.memory_space<vmem>>
    %dma_start3A_107 = arith.constant 0 : i32
    %dma_start3A_108 = tpu.memref_slice %arg7[%dma_start3A_101, %dma_start3A_107] : memref<391x128xi32, #tpu.memory_space<vmem>> -> memref<1x128xi32, #tpu.memory_space<vmem>>
    %dma_start3A_109 = tpu.memref_squeeze %dma_start3A_108 : memref<1x128xi32, #tpu.memory_space<vmem>> -> memref<128xi32, #tpu.memory_space<vmem>>
    %dma_start3A_110 = arith.constant 0 : i32
    %dma_start3A_111 = arith.constant 0 : i32
    %dma_start3A_112 = tpu.memref_slice %arg2[%dma_start3A_110, %dma_start3A_111] : memref<100000x8xf32, #tpu.memory_space<hbm>> -> memref<100000x8xf32, #tpu.memory_space<hbm>>
    tpu.enqueue_indirect_dma source(%dma_start3A_112 : memref<100000x8xf32, #tpu.memory_space<hbm>>) target(%dma_start3A_106 : memref<128x8xf32, #tpu.memory_space<vmem>>) offsets(%dma_start3A_109 : memref<128xi32, #tpu.memory_space<vmem>>) semaphore(%arg13 : memref<!tpu.dma_semaphore, #tpu.memory_space<semaphore_mem>>)
    %dma_start3A_113 = arith.constant 3 : i32
    %dma_start3A_114 = arith.constant 3 : i32
    %dma_start3A_115 = arith.constant 0 : i32
    %dma_start3A_116 = arith.constant 0 : i32
    %dma_start3A_117 = tpu.memref_slice %arg9[%dma_start3A_114, %dma_start3A_115, %dma_start3A_116] : memref<5x128x8xf32, #tpu.memory_space<vmem>> -> memref<1x128x8xf32, #tpu.memory_space<vmem>>
    %dma_start3A_118 = tpu.memref_squeeze %dma_start3A_117 : memref<1x128x8xf32, #tpu.memory_space<vmem>> -> memref<128x8xf32, #tpu.memory_space<vmem>>
    %dma_start3A_119 = arith.constant 0 : i32
    %dma_start3A_120 = tpu.memref_slice %arg7[%dma_start3A_113, %dma_start3A_119] : memref<391x128xi32, #tpu.memory_space<vmem>> -> memref<1x128xi32, #tpu.memory_space<vmem>>
    %dma_start3A_121 = tpu.memref_squeeze %dma_start3A_120 : memref<1x128xi32, #tpu.memory_space<vmem>> -> memref<128xi32, #tpu.memory_space<vmem>>
    %dma_start3A_122 = arith.constant 0 : i32
    %dma_start3A_123 = arith.constant 0 : i32
    %dma_start3A_124 = tpu.memref_slice %arg2[%dma_start3A_122, %dma_start3A_123] : memref<100000x8xf32, #tpu.memory_space<hbm>> -> memref<100000x8xf32, #tpu.memory_space<hbm>>
    tpu.enqueue_indirect_dma source(%dma_start3A_124 : memref<100000x8xf32, #tpu.memory_space<hbm>>) target(%dma_start3A_118 : memref<128x8xf32, #tpu.memory_space<vmem>>) offsets(%dma_start3A_121 : memref<128xi32, #tpu.memory_space<vmem>>) semaphore(%arg14 : memref<!tpu.dma_semaphore, #tpu.memory_space<semaphore_mem>>)
    %dma_start3A_125 = arith.constant 4 : i32
    %dma_start3A_126 = arith.constant 4 : i32
    %dma_start3A_127 = arith.constant 0 : i32
    %dma_start3A_128 = arith.constant 0 : i32
    %dma_start3A_129 = tpu.memref_slice %arg9[%dma_start3A_126, %dma_start3A_127, %dma_start3A_128] : memref<5x128x8xf32, #tpu.memory_space<vmem>> -> memref<1x128x8xf32, #tpu.memory_space<vmem>>
    %dma_start3A_130 = tpu.memref_squeeze %dma_start3A_129 : memref<1x128x8xf32, #tpu.memory_space<vmem>> -> memref<128x8xf32, #tpu.memory_space<vmem>>
    %dma_start3A_131 = arith.constant 0 : i32
    %dma_start3A_132 = tpu.memref_slice %arg7[%dma_start3A_125, %dma_start3A_131] : memref<391x128xi32, #tpu.memory_space<vmem>> -> memref<1x128xi32, #tpu.memory_space<vmem>>
    %dma_start3A_133 = tpu.memref_squeeze %dma_start3A_132 : memref<1x128xi32, #tpu.memory_space<vmem>> -> memref<128xi32, #tpu.memory_space<vmem>>
    %dma_start3A_134 = arith.constant 0 : i32
    %dma_start3A_135 = arith.constant 0 : i32
    %dma_start3A_136 = tpu.memref_slice %arg2[%dma_start3A_134, %dma_start3A_135] : memref<100000x8xf32, #tpu.memory_space<hbm>> -> memref<100000x8xf32, #tpu.memory_space<hbm>>
    tpu.enqueue_indirect_dma source(%dma_start3A_136 : memref<100000x8xf32, #tpu.memory_space<hbm>>) target(%dma_start3A_130 : memref<128x8xf32, #tpu.memory_space<vmem>>) offsets(%dma_start3A_133 : memref<128xi32, #tpu.memory_space<vmem>>) semaphore(%arg15 : memref<!tpu.dma_semaphore, #tpu.memory_space<semaphore_mem>>)
    %scan3A_137 = arith.constant 0 : i32
    %scan3A_138 = arith.constant 0 : i32
    %scan3A_139 = arith.constant 78 : i32
    %scan3A_140 = arith.addi %scan3A_138, %scan3A_139 : i32
    %scan3A_141 = arith.constant 1 : i32
    scf.for %scan3A_158 = %scan3A_138 to %scan3A_140 step %scan3A_141  : i32 {
      %mul3A_159 = arith.constant 5 : i32
      %mul3A_160 = arith.muli %scan3A_158, %mul3A_159 : i32
      %add3A = arith.constant 0 : i32
      %add3A_161 = arith.addi %mul3A_160, %add3A : i32
      %dma_wait3A_162 = arith.constant 0 : i32
      %dma_wait3A_163 = arith.constant 0 : i32
      %dma_wait3A_164 = arith.constant 0 : i32
      %dma_wait3A_165 = tpu.memref_slice %arg9[%dma_wait3A_162, %dma_wait3A_163, %dma_wait3A_164] : memref<5x128x8xf32, #tpu.memory_space<vmem>> -> memref<1x128x8xf32, #tpu.memory_space<vmem>>
      %dma_wait3A_166 = tpu.memref_squeeze %dma_wait3A_165 : memref<1x128x8xf32, #tpu.memory_space<vmem>> -> memref<128x8xf32, #tpu.memory_space<vmem>>
      %dma_wait3A_167 = arith.constant 0 : i32
      %dma_wait3A_168 = tpu.memref_slice %arg7[%add3A_161, %dma_wait3A_167] : memref<391x128xi32, #tpu.memory_space<vmem>> -> memref<1x128xi32, #tpu.memory_space<vmem>>
      %dma_wait3A_169 = tpu.memref_squeeze %dma_wait3A_168 : memref<1x128xi32, #tpu.memory_space<vmem>> -> memref<128xi32, #tpu.memory_space<vmem>>
      %dma_wait3A_170 = arith.constant 0 : i32
      %dma_wait3A_171 = arith.constant 0 : i32
      %dma_wait3A_172 = tpu.memref_slice %arg2[%dma_wait3A_170, %dma_wait3A_171] : memref<100000x8xf32, #tpu.memory_space<hbm>> -> memref<100000x8xf32, #tpu.memory_space<hbm>>
      tpu.wait_indirect_dma semaphore(%arg11 : memref<!tpu.dma_semaphore, #tpu.memory_space<semaphore_mem>>) src(%dma_wait3A_172 : memref<100000x8xf32, #tpu.memory_space<hbm>>) dst(%dma_wait3A_166 : memref<128x8xf32, #tpu.memory_space<vmem>>)
      %add3A_173 = arith.constant 0 : i32
      %add3A_174 = arith.addi %mul3A_160, %add3A_173 : i32
      %dma_start3A_175 = arith.constant 0 : i32
      %dma_start3A_176 = arith.constant 0 : i32
      %dma_start3A_177 = arith.constant 0 : i32
      %dma_start3A_178 = tpu.memref_slice %arg9[%dma_start3A_175, %dma_start3A_176, %dma_start3A_177] : memref<5x128x8xf32, #tpu.memory_space<vmem>> -> memref<1x128x8xf32, #tpu.memory_space<vmem>>
      %dma_start3A_179 = tpu.memref_squeeze %dma_start3A_178 : memref<1x128x8xf32, #tpu.memory_space<vmem>> -> memref<128x8xf32, #tpu.memory_space<vmem>>
      %dma_start3A_180 = arith.constant 0 : i32
      %dma_start3A_181 = tpu.memref_slice %arg8[%add3A_174, %dma_start3A_180] : memref<391x128xi32, #tpu.memory_space<vmem>> -> memref<1x128xi32, #tpu.memory_space<vmem>>
      %dma_start3A_182 = tpu.memref_squeeze %dma_start3A_181 : memref<1x128xi32, #tpu.memory_space<vmem>> -> memref<128xi32, #tpu.memory_space<vmem>>
      %dma_start3A_183 = arith.constant 0 : i32
      %dma_start3A_184 = arith.constant 0 : i32
      %dma_start3A_185 = tpu.memref_slice %arg10[%dma_start3A_183, %dma_start3A_184] : memref<50048x8xf32, #tpu.memory_space<vmem_shared>> -> memref<50048x8xf32, #tpu.memory_space<vmem_shared>>
      tpu.enqueue_indirect_dma source(%dma_start3A_179 : memref<128x8xf32, #tpu.memory_space<vmem>>) target(%dma_start3A_185 : memref<50048x8xf32, #tpu.memory_space<vmem_shared>>) offsets(%dma_start3A_182 : memref<128xi32, #tpu.memory_space<vmem>>) semaphore(%arg16 : memref<!tpu.dma_semaphore, #tpu.memory_space<semaphore_mem>>) {add = true}
      %add3A_186 = arith.constant 1 : i32
      %add3A_187 = arith.addi %mul3A_160, %add3A_186 : i32
      %dma_wait3A_188 = arith.constant 1 : i32
      %dma_wait3A_189 = arith.constant 0 : i32
      %dma_wait3A_190 = arith.constant 0 : i32
      %dma_wait3A_191 = tpu.memref_slice %arg9[%dma_wait3A_188, %dma_wait3A_189, %dma_wait3A_190] : memref<5x128x8xf32, #tpu.memory_space<vmem>> -> memref<1x128x8xf32, #tpu.memory_space<vmem>>
      %dma_wait3A_192 = tpu.memref_squeeze %dma_wait3A_191 : memref<1x128x8xf32, #tpu.memory_space<vmem>> -> memref<128x8xf32, #tpu.memory_space<vmem>>
      %dma_wait3A_193 = arith.constant 0 : i32
      %dma_wait3A_194 = tpu.memref_slice %arg7[%add3A_187, %dma_wait3A_193] : memref<391x128xi32, #tpu.memory_space<vmem>> -> memref<1x128xi32, #tpu.memory_space<vmem>>
      %dma_wait3A_195 = tpu.memref_squeeze %dma_wait3A_194 : memref<1x128xi32, #tpu.memory_space<vmem>> -> memref<128xi32, #tpu.memory_space<vmem>>
      %dma_wait3A_196 = arith.constant 0 : i32
      %dma_wait3A_197 = arith.constant 0 : i32
      %dma_wait3A_198 = tpu.memref_slice %arg2[%dma_wait3A_196, %dma_wait3A_197] : memref<100000x8xf32, #tpu.memory_space<hbm>> -> memref<100000x8xf32, #tpu.memory_space<hbm>>
      tpu.wait_indirect_dma semaphore(%arg12 : memref<!tpu.dma_semaphore, #tpu.memory_space<semaphore_mem>>) src(%dma_wait3A_198 : memref<100000x8xf32, #tpu.memory_space<hbm>>) dst(%dma_wait3A_192 : memref<128x8xf32, #tpu.memory_space<vmem>>)
      %add3A_199 = arith.constant 1 : i32
      %add3A_200 = arith.addi %mul3A_160, %add3A_199 : i32
      %dma_start3A_201 = arith.constant 1 : i32
      %dma_start3A_202 = arith.constant 0 : i32
      %dma_start3A_203 = arith.constant 0 : i32
      %dma_start3A_204 = tpu.memref_slice %arg9[%dma_start3A_201, %dma_start3A_202, %dma_start3A_203] : memref<5x128x8xf32, #tpu.memory_space<vmem>> -> memref<1x128x8xf32, #tpu.memory_space<vmem>>
      %dma_start3A_205 = tpu.memref_squeeze %dma_start3A_204 : memref<1x128x8xf32, #tpu.memory_space<vmem>> -> memref<128x8xf32, #tpu.memory_space<vmem>>
      %dma_start3A_206 = arith.constant 0 : i32
      %dma_start3A_207 = tpu.memref_slice %arg8[%add3A_200, %dma_start3A_206] : memref<391x128xi32, #tpu.memory_space<vmem>> -> memref<1x128xi32, #tpu.memory_space<vmem>>
      %dma_start3A_208 = tpu.memref_squeeze %dma_start3A_207 : memref<1x128xi32, #tpu.memory_space<vmem>> -> memref<128xi32, #tpu.memory_space<vmem>>
      %dma_start3A_209 = arith.constant 0 : i32
      %dma_start3A_210 = arith.constant 0 : i32
      %dma_start3A_211 = tpu.memref_slice %arg10[%dma_start3A_209, %dma_start3A_210] : memref<50048x8xf32, #tpu.memory_space<vmem_shared>> -> memref<50048x8xf32, #tpu.memory_space<vmem_shared>>
      tpu.enqueue_indirect_dma source(%dma_start3A_205 : memref<128x8xf32, #tpu.memory_space<vmem>>) target(%dma_start3A_211 : memref<50048x8xf32, #tpu.memory_space<vmem_shared>>) offsets(%dma_start3A_208 : memref<128xi32, #tpu.memory_space<vmem>>) semaphore(%arg17 : memref<!tpu.dma_semaphore, #tpu.memory_space<semaphore_mem>>) {add = true}
      %add3A_212 = arith.constant 2 : i32
      %add3A_213 = arith.addi %mul3A_160, %add3A_212 : i32
      %dma_wait3A_214 = arith.constant 2 : i32
      %dma_wait3A_215 = arith.constant 0 : i32
      %dma_wait3A_216 = arith.constant 0 : i32
      %dma_wait3A_217 = tpu.memref_slice %arg9[%dma_wait3A_214, %dma_wait3A_215, %dma_wait3A_216] : memref<5x128x8xf32, #tpu.memory_space<vmem>> -> memref<1x128x8xf32, #tpu.memory_space<vmem>>
      %dma_wait3A_218 = tpu.memref_squeeze %dma_wait3A_217 : memref<1x128x8xf32, #tpu.memory_space<vmem>> -> memref<128x8xf32, #tpu.memory_space<vmem>>
      %dma_wait3A_219 = arith.constant 0 : i32
      %dma_wait3A_220 = tpu.memref_slice %arg7[%add3A_213, %dma_wait3A_219] : memref<391x128xi32, #tpu.memory_space<vmem>> -> memref<1x128xi32, #tpu.memory_space<vmem>>
      %dma_wait3A_221 = tpu.memref_squeeze %dma_wait3A_220 : memref<1x128xi32, #tpu.memory_space<vmem>> -> memref<128xi32, #tpu.memory_space<vmem>>
      %dma_wait3A_222 = arith.constant 0 : i32
      %dma_wait3A_223 = arith.constant 0 : i32
      %dma_wait3A_224 = tpu.memref_slice %arg2[%dma_wait3A_222, %dma_wait3A_223] : memref<100000x8xf32, #tpu.memory_space<hbm>> -> memref<100000x8xf32, #tpu.memory_space<hbm>>
      tpu.wait_indirect_dma semaphore(%arg13 : memref<!tpu.dma_semaphore, #tpu.memory_space<semaphore_mem>>) src(%dma_wait3A_224 : memref<100000x8xf32, #tpu.memory_space<hbm>>) dst(%dma_wait3A_218 : memref<128x8xf32, #tpu.memory_space<vmem>>)
      %add3A_225 = arith.constant 2 : i32
      %add3A_226 = arith.addi %mul3A_160, %add3A_225 : i32
      %dma_start3A_227 = arith.constant 2 : i32
      %dma_start3A_228 = arith.constant 0 : i32
      %dma_start3A_229 = arith.constant 0 : i32
      %dma_start3A_230 = tpu.memref_slice %arg9[%dma_start3A_227, %dma_start3A_228, %dma_start3A_229] : memref<5x128x8xf32, #tpu.memory_space<vmem>> -> memref<1x128x8xf32, #tpu.memory_space<vmem>>
      %dma_start3A_231 = tpu.memref_squeeze %dma_start3A_230 : memref<1x128x8xf32, #tpu.memory_space<vmem>> -> memref<128x8xf32, #tpu.memory_space<vmem>>
      %dma_start3A_232 = arith.constant 0 : i32
      %dma_start3A_233 = tpu.memref_slice %arg8[%add3A_226, %dma_start3A_232] : memref<391x128xi32, #tpu.memory_space<vmem>> -> memref<1x128xi32, #tpu.memory_space<vmem>>
      %dma_start3A_234 = tpu.memref_squeeze %dma_start3A_233 : memref<1x128xi32, #tpu.memory_space<vmem>> -> memref<128xi32, #tpu.memory_space<vmem>>
      %dma_start3A_235 = arith.constant 0 : i32
      %dma_start3A_236 = arith.constant 0 : i32
      %dma_start3A_237 = tpu.memref_slice %arg10[%dma_start3A_235, %dma_start3A_236] : memref<50048x8xf32, #tpu.memory_space<vmem_shared>> -> memref<50048x8xf32, #tpu.memory_space<vmem_shared>>
      tpu.enqueue_indirect_dma source(%dma_start3A_231 : memref<128x8xf32, #tpu.memory_space<vmem>>) target(%dma_start3A_237 : memref<50048x8xf32, #tpu.memory_space<vmem_shared>>) offsets(%dma_start3A_234 : memref<128xi32, #tpu.memory_space<vmem>>) semaphore(%arg18 : memref<!tpu.dma_semaphore, #tpu.memory_space<semaphore_mem>>) {add = true}
      %add3A_238 = arith.constant 3 : i32
      %add3A_239 = arith.addi %mul3A_160, %add3A_238 : i32
      %dma_wait3A_240 = arith.constant 3 : i32
      %dma_wait3A_241 = arith.constant 0 : i32
      %dma_wait3A_242 = arith.constant 0 : i32
      %dma_wait3A_243 = tpu.memref_slice %arg9[%dma_wait3A_240, %dma_wait3A_241, %dma_wait3A_242] : memref<5x128x8xf32, #tpu.memory_space<vmem>> -> memref<1x128x8xf32, #tpu.memory_space<vmem>>
      %dma_wait3A_244 = tpu.memref_squeeze %dma_wait3A_243 : memref<1x128x8xf32, #tpu.memory_space<vmem>> -> memref<128x8xf32, #tpu.memory_space<vmem>>
      %dma_wait3A_245 = arith.constant 0 : i32
      %dma_wait3A_246 = tpu.memref_slice %arg7[%add3A_239, %dma_wait3A_245] : memref<391x128xi32, #tpu.memory_space<vmem>> -> memref<1x128xi32, #tpu.memory_space<vmem>>
      %dma_wait3A_247 = tpu.memref_squeeze %dma_wait3A_246 : memref<1x128xi32, #tpu.memory_space<vmem>> -> memref<128xi32, #tpu.memory_space<vmem>>
      %dma_wait3A_248 = arith.constant 0 : i32
      %dma_wait3A_249 = arith.constant 0 : i32
      %dma_wait3A_250 = tpu.memref_slice %arg2[%dma_wait3A_248, %dma_wait3A_249] : memref<100000x8xf32, #tpu.memory_space<hbm>> -> memref<100000x8xf32, #tpu.memory_space<hbm>>
      tpu.wait_indirect_dma semaphore(%arg14 : memref<!tpu.dma_semaphore, #tpu.memory_space<semaphore_mem>>) src(%dma_wait3A_250 : memref<100000x8xf32, #tpu.memory_space<hbm>>) dst(%dma_wait3A_244 : memref<128x8xf32, #tpu.memory_space<vmem>>)
      %add3A_251 = arith.constant 3 : i32
      %add3A_252 = arith.addi %mul3A_160, %add3A_251 : i32
      %dma_start3A_253 = arith.constant 3 : i32
      %dma_start3A_254 = arith.constant 0 : i32
      %dma_start3A_255 = arith.constant 0 : i32
      %dma_start3A_256 = tpu.memref_slice %arg9[%dma_start3A_253, %dma_start3A_254, %dma_start3A_255] : memref<5x128x8xf32, #tpu.memory_space<vmem>> -> memref<1x128x8xf32, #tpu.memory_space<vmem>>
      %dma_start3A_257 = tpu.memref_squeeze %dma_start3A_256 : memref<1x128x8xf32, #tpu.memory_space<vmem>> -> memref<128x8xf32, #tpu.memory_space<vmem>>
      %dma_start3A_258 = arith.constant 0 : i32
      %dma_start3A_259 = tpu.memref_slice %arg8[%add3A_252, %dma_start3A_258] : memref<391x128xi32, #tpu.memory_space<vmem>> -> memref<1x128xi32, #tpu.memory_space<vmem>>
      %dma_start3A_260 = tpu.memref_squeeze %dma_start3A_259 : memref<1x128xi32, #tpu.memory_space<vmem>> -> memref<128xi32, #tpu.memory_space<vmem>>
      %dma_start3A_261 = arith.constant 0 : i32
      %dma_start3A_262 = arith.constant 0 : i32
      %dma_start3A_263 = tpu.memref_slice %arg10[%dma_start3A_261, %dma_start3A_262] : memref<50048x8xf32, #tpu.memory_space<vmem_shared>> -> memref<50048x8xf32, #tpu.memory_space<vmem_shared>>
      tpu.enqueue_indirect_dma source(%dma_start3A_257 : memref<128x8xf32, #tpu.memory_space<vmem>>) target(%dma_start3A_263 : memref<50048x8xf32, #tpu.memory_space<vmem_shared>>) offsets(%dma_start3A_260 : memref<128xi32, #tpu.memory_space<vmem>>) semaphore(%arg19 : memref<!tpu.dma_semaphore, #tpu.memory_space<semaphore_mem>>) {add = true}
      %add3A_264 = arith.constant 4 : i32
      %add3A_265 = arith.addi %mul3A_160, %add3A_264 : i32
      %dma_wait3A_266 = arith.constant 4 : i32
      %dma_wait3A_267 = arith.constant 0 : i32
      %dma_wait3A_268 = arith.constant 0 : i32
      %dma_wait3A_269 = tpu.memref_slice %arg9[%dma_wait3A_266, %dma_wait3A_267, %dma_wait3A_268] : memref<5x128x8xf32, #tpu.memory_space<vmem>> -> memref<1x128x8xf32, #tpu.memory_space<vmem>>
      %dma_wait3A_270 = tpu.memref_squeeze %dma_wait3A_269 : memref<1x128x8xf32, #tpu.memory_space<vmem>> -> memref<128x8xf32, #tpu.memory_space<vmem>>
      %dma_wait3A_271 = arith.constant 0 : i32
      %dma_wait3A_272 = tpu.memref_slice %arg7[%add3A_265, %dma_wait3A_271] : memref<391x128xi32, #tpu.memory_space<vmem>> -> memref<1x128xi32, #tpu.memory_space<vmem>>
      %dma_wait3A_273 = tpu.memref_squeeze %dma_wait3A_272 : memref<1x128xi32, #tpu.memory_space<vmem>> -> memref<128xi32, #tpu.memory_space<vmem>>
      %dma_wait3A_274 = arith.constant 0 : i32
      %dma_wait3A_275 = arith.constant 0 : i32
      %dma_wait3A_276 = tpu.memref_slice %arg2[%dma_wait3A_274, %dma_wait3A_275] : memref<100000x8xf32, #tpu.memory_space<hbm>> -> memref<100000x8xf32, #tpu.memory_space<hbm>>
      tpu.wait_indirect_dma semaphore(%arg15 : memref<!tpu.dma_semaphore, #tpu.memory_space<semaphore_mem>>) src(%dma_wait3A_276 : memref<100000x8xf32, #tpu.memory_space<hbm>>) dst(%dma_wait3A_270 : memref<128x8xf32, #tpu.memory_space<vmem>>)
      %add3A_277 = arith.constant 4 : i32
      %add3A_278 = arith.addi %mul3A_160, %add3A_277 : i32
      %dma_start3A_279 = arith.constant 4 : i32
      %dma_start3A_280 = arith.constant 0 : i32
      %dma_start3A_281 = arith.constant 0 : i32
      %dma_start3A_282 = tpu.memref_slice %arg9[%dma_start3A_279, %dma_start3A_280, %dma_start3A_281] : memref<5x128x8xf32, #tpu.memory_space<vmem>> -> memref<1x128x8xf32, #tpu.memory_space<vmem>>
      %dma_start3A_283 = tpu.memref_squeeze %dma_start3A_282 : memref<1x128x8xf32, #tpu.memory_space<vmem>> -> memref<128x8xf32, #tpu.memory_space<vmem>>
      %dma_start3A_284 = arith.constant 0 : i32
      %dma_start3A_285 = tpu.memref_slice %arg8[%add3A_278, %dma_start3A_284] : memref<391x128xi32, #tpu.memory_space<vmem>> -> memref<1x128xi32, #tpu.memory_space<vmem>>
      %dma_start3A_286 = tpu.memref_squeeze %dma_start3A_285 : memref<1x128xi32, #tpu.memory_space<vmem>> -> memref<128xi32, #tpu.memory_space<vmem>>
      %dma_start3A_287 = arith.constant 0 : i32
      %dma_start3A_288 = arith.constant 0 : i32
      %dma_start3A_289 = tpu.memref_slice %arg10[%dma_start3A_287, %dma_start3A_288] : memref<50048x8xf32, #tpu.memory_space<vmem_shared>> -> memref<50048x8xf32, #tpu.memory_space<vmem_shared>>
      tpu.enqueue_indirect_dma source(%dma_start3A_283 : memref<128x8xf32, #tpu.memory_space<vmem>>) target(%dma_start3A_289 : memref<50048x8xf32, #tpu.memory_space<vmem_shared>>) offsets(%dma_start3A_286 : memref<128xi32, #tpu.memory_space<vmem>>) semaphore(%arg20 : memref<!tpu.dma_semaphore, #tpu.memory_space<semaphore_mem>>) {add = true}
      %add3A_290 = arith.constant 0 : i32
      %add3A_291 = arith.addi %mul3A_160, %add3A_290 : i32
      %dma_wait3A_292 = arith.constant 0 : i32
      %dma_wait3A_293 = arith.constant 0 : i32
      %dma_wait3A_294 = arith.constant 0 : i32
      %dma_wait3A_295 = tpu.memref_slice %arg9[%dma_wait3A_292, %dma_wait3A_293, %dma_wait3A_294] : memref<5x128x8xf32, #tpu.memory_space<vmem>> -> memref<1x128x8xf32, #tpu.memory_space<vmem>>
      %dma_wait3A_296 = tpu.memref_squeeze %dma_wait3A_295 : memref<1x128x8xf32, #tpu.memory_space<vmem>> -> memref<128x8xf32, #tpu.memory_space<vmem>>
      %dma_wait3A_297 = arith.constant 0 : i32
      %dma_wait3A_298 = tpu.memref_slice %arg8[%add3A_291, %dma_wait3A_297] : memref<391x128xi32, #tpu.memory_space<vmem>> -> memref<1x128xi32, #tpu.memory_space<vmem>>
      %dma_wait3A_299 = tpu.memref_squeeze %dma_wait3A_298 : memref<1x128xi32, #tpu.memory_space<vmem>> -> memref<128xi32, #tpu.memory_space<vmem>>
      %dma_wait3A_300 = arith.constant 0 : i32
      %dma_wait3A_301 = arith.constant 0 : i32
      %dma_wait3A_302 = tpu.memref_slice %arg10[%dma_wait3A_300, %dma_wait3A_301] : memref<50048x8xf32, #tpu.memory_space<vmem_shared>> -> memref<50048x8xf32, #tpu.memory_space<vmem_shared>>
      tpu.wait_indirect_dma semaphore(%arg16 : memref<!tpu.dma_semaphore, #tpu.memory_space<semaphore_mem>>) src(%dma_wait3A_296 : memref<128x8xf32, #tpu.memory_space<vmem>>) dst(%dma_wait3A_302 : memref<50048x8xf32, #tpu.memory_space<vmem_shared>>)
      %add3A_303 = arith.constant 5 : i32
      %add3A_304 = arith.addi %mul3A_160, %add3A_303 : i32
      %add3A_305 = arith.constant 0 : i32
      %add3A_306 = arith.addi %add3A_304, %add3A_305 : i32
      %lt3A = arith.constant 391 : i32
      %lt3A_307 = arith.cmpi slt, %add3A_306, %lt3A : i32
      %convert_element_type3A = arith.extui %lt3A_307 : i1 to i32
      %cond3A = arith.constant 0 : i32
      %cond3A_308 = arith.cmpi ne, %convert_element_type3A, %cond3A : i32
      scf.if %cond3A_308 {
        %add3A_397 = arith.constant 5 : i32
        %add3A_398 = arith.addi %mul3A_160, %add3A_397 : i32
        %add3A_399 = arith.constant 0 : i32
        %add3A_400 = arith.addi %add3A_398, %add3A_399 : i32
        %dma_start3A_401 = arith.constant 0 : i32
        %dma_start3A_402 = arith.constant 0 : i32
        %dma_start3A_403 = arith.constant 0 : i32
        %dma_start3A_404 = tpu.memref_slice %arg9[%dma_start3A_401, %dma_start3A_402, %dma_start3A_403] : memref<5x128x8xf32, #tpu.memory_space<vmem>> -> memref<1x128x8xf32, #tpu.memory_space<vmem>>
        %dma_start3A_405 = tpu.memref_squeeze %dma_start3A_404 : memref<1x128x8xf32, #tpu.memory_space<vmem>> -> memref<128x8xf32, #tpu.memory_space<vmem>>
        %dma_start3A_406 = arith.constant 0 : i32
        %dma_start3A_407 = tpu.memref_slice %arg7[%add3A_400, %dma_start3A_406] : memref<391x128xi32, #tpu.memory_space<vmem>> -> memref<1x128xi32, #tpu.memory_space<vmem>>
        %dma_start3A_408 = tpu.memref_squeeze %dma_start3A_407 : memref<1x128xi32, #tpu.memory_space<vmem>> -> memref<128xi32, #tpu.memory_space<vmem>>
        %dma_start3A_409 = arith.constant 0 : i32
        %dma_start3A_410 = arith.constant 0 : i32
        %dma_start3A_411 = tpu.memref_slice %arg2[%dma_start3A_409, %dma_start3A_410] : memref<100000x8xf32, #tpu.memory_space<hbm>> -> memref<100000x8xf32, #tpu.memory_space<hbm>>
        tpu.enqueue_indirect_dma source(%dma_start3A_411 : memref<100000x8xf32, #tpu.memory_space<hbm>>) target(%dma_start3A_405 : memref<128x8xf32, #tpu.memory_space<vmem>>) offsets(%dma_start3A_408 : memref<128xi32, #tpu.memory_space<vmem>>) semaphore(%arg11 : memref<!tpu.dma_semaphore, #tpu.memory_space<semaphore_mem>>)
      } else {
      }
      %add3A_309 = arith.constant 1 : i32
      %add3A_310 = arith.addi %mul3A_160, %add3A_309 : i32
      %dma_wait3A_311 = arith.constant 1 : i32
      %dma_wait3A_312 = arith.constant 0 : i32
      %dma_wait3A_313 = arith.constant 0 : i32
      %dma_wait3A_314 = tpu.memref_slice %arg9[%dma_wait3A_311, %dma_wait3A_312, %dma_wait3A_313] : memref<5x128x8xf32, #tpu.memory_space<vmem>> -> memref<1x128x8xf32, #tpu.memory_space<vmem>>
      %dma_wait3A_315 = tpu.memref_squeeze %dma_wait3A_314 : memref<1x128x8xf32, #tpu.memory_space<vmem>> -> memref<128x8xf32, #tpu.memory_space<vmem>>
      %dma_wait3A_316 = arith.constant 0 : i32
      %dma_wait3A_317 = tpu.memref_slice %arg8[%add3A_310, %dma_wait3A_316] : memref<391x128xi32, #tpu.memory_space<vmem>> -> memref<1x128xi32, #tpu.memory_space<vmem>>
      %dma_wait3A_318 = tpu.memref_squeeze %dma_wait3A_317 : memref<1x128xi32, #tpu.memory_space<vmem>> -> memref<128xi32, #tpu.memory_space<vmem>>
      %dma_wait3A_319 = arith.constant 0 : i32
      %dma_wait3A_320 = arith.constant 0 : i32
      %dma_wait3A_321 = tpu.memref_slice %arg10[%dma_wait3A_319, %dma_wait3A_320] : memref<50048x8xf32, #tpu.memory_space<vmem_shared>> -> memref<50048x8xf32, #tpu.memory_space<vmem_shared>>
      tpu.wait_indirect_dma semaphore(%arg17 : memref<!tpu.dma_semaphore, #tpu.memory_space<semaphore_mem>>) src(%dma_wait3A_315 : memref<128x8xf32, #tpu.memory_space<vmem>>) dst(%dma_wait3A_321 : memref<50048x8xf32, #tpu.memory_space<vmem_shared>>)
      %add3A_322 = arith.constant 5 : i32
      %add3A_323 = arith.addi %mul3A_160, %add3A_322 : i32
      %add3A_324 = arith.constant 1 : i32
      %add3A_325 = arith.addi %add3A_323, %add3A_324 : i32
      %lt3A_326 = arith.constant 391 : i32
      %lt3A_327 = arith.cmpi slt, %add3A_325, %lt3A_326 : i32
      %convert_element_type3A_328 = arith.extui %lt3A_327 : i1 to i32
      %cond3A_329 = arith.constant 0 : i32
      %cond3A_330 = arith.cmpi ne, %convert_element_type3A_328, %cond3A_329 : i32
      scf.if %cond3A_330 {
        %add3A_397 = arith.constant 5 : i32
        %add3A_398 = arith.addi %mul3A_160, %add3A_397 : i32
        %add3A_399 = arith.constant 1 : i32
        %add3A_400 = arith.addi %add3A_398, %add3A_399 : i32
        %dma_start3A_401 = arith.constant 1 : i32
        %dma_start3A_402 = arith.constant 0 : i32
        %dma_start3A_403 = arith.constant 0 : i32
        %dma_start3A_404 = tpu.memref_slice %arg9[%dma_start3A_401, %dma_start3A_402, %dma_start3A_403] : memref<5x128x8xf32, #tpu.memory_space<vmem>> -> memref<1x128x8xf32, #tpu.memory_space<vmem>>
        %dma_start3A_405 = tpu.memref_squeeze %dma_start3A_404 : memref<1x128x8xf32, #tpu.memory_space<vmem>> -> memref<128x8xf32, #tpu.memory_space<vmem>>
        %dma_start3A_406 = arith.constant 0 : i32
        %dma_start3A_407 = tpu.memref_slice %arg7[%add3A_400, %dma_start3A_406] : memref<391x128xi32, #tpu.memory_space<vmem>> -> memref<1x128xi32, #tpu.memory_space<vmem>>
        %dma_start3A_408 = tpu.memref_squeeze %dma_start3A_407 : memref<1x128xi32, #tpu.memory_space<vmem>> -> memref<128xi32, #tpu.memory_space<vmem>>
        %dma_start3A_409 = arith.constant 0 : i32
        %dma_start3A_410 = arith.constant 0 : i32
        %dma_start3A_411 = tpu.memref_slice %arg2[%dma_start3A_409, %dma_start3A_410] : memref<100000x8xf32, #tpu.memory_space<hbm>> -> memref<100000x8xf32, #tpu.memory_space<hbm>>
        tpu.enqueue_indirect_dma source(%dma_start3A_411 : memref<100000x8xf32, #tpu.memory_space<hbm>>) target(%dma_start3A_405 : memref<128x8xf32, #tpu.memory_space<vmem>>) offsets(%dma_start3A_408 : memref<128xi32, #tpu.memory_space<vmem>>) semaphore(%arg12 : memref<!tpu.dma_semaphore, #tpu.memory_space<semaphore_mem>>)
      } else {
      }
      %add3A_331 = arith.constant 2 : i32
      %add3A_332 = arith.addi %mul3A_160, %add3A_331 : i32
      %dma_wait3A_333 = arith.constant 2 : i32
      %dma_wait3A_334 = arith.constant 0 : i32
      %dma_wait3A_335 = arith.constant 0 : i32
      %dma_wait3A_336 = tpu.memref_slice %arg9[%dma_wait3A_333, %dma_wait3A_334, %dma_wait3A_335] : memref<5x128x8xf32, #tpu.memory_space<vmem>> -> memref<1x128x8xf32, #tpu.memory_space<vmem>>
      %dma_wait3A_337 = tpu.memref_squeeze %dma_wait3A_336 : memref<1x128x8xf32, #tpu.memory_space<vmem>> -> memref<128x8xf32, #tpu.memory_space<vmem>>
      %dma_wait3A_338 = arith.constant 0 : i32
      %dma_wait3A_339 = tpu.memref_slice %arg8[%add3A_332, %dma_wait3A_338] : memref<391x128xi32, #tpu.memory_space<vmem>> -> memref<1x128xi32, #tpu.memory_space<vmem>>
      %dma_wait3A_340 = tpu.memref_squeeze %dma_wait3A_339 : memref<1x128xi32, #tpu.memory_space<vmem>> -> memref<128xi32, #tpu.memory_space<vmem>>
      %dma_wait3A_341 = arith.constant 0 : i32
      %dma_wait3A_342 = arith.constant 0 : i32
      %dma_wait3A_343 = tpu.memref_slice %arg10[%dma_wait3A_341, %dma_wait3A_342] : memref<50048x8xf32, #tpu.memory_space<vmem_shared>> -> memref<50048x8xf32, #tpu.memory_space<vmem_shared>>
      tpu.wait_indirect_dma semaphore(%arg18 : memref<!tpu.dma_semaphore, #tpu.memory_space<semaphore_mem>>) src(%dma_wait3A_337 : memref<128x8xf32, #tpu.memory_space<vmem>>) dst(%dma_wait3A_343 : memref<50048x8xf32, #tpu.memory_space<vmem_shared>>)
      %add3A_344 = arith.constant 5 : i32
      %add3A_345 = arith.addi %mul3A_160, %add3A_344 : i32
      %add3A_346 = arith.constant 2 : i32
      %add3A_347 = arith.addi %add3A_345, %add3A_346 : i32
      %lt3A_348 = arith.constant 391 : i32
      %lt3A_349 = arith.cmpi slt, %add3A_347, %lt3A_348 : i32
      %convert_element_type3A_350 = arith.extui %lt3A_349 : i1 to i32
      %cond3A_351 = arith.constant 0 : i32
      %cond3A_352 = arith.cmpi ne, %convert_element_type3A_350, %cond3A_351 : i32
      scf.if %cond3A_352 {
        %add3A_397 = arith.constant 5 : i32
        %add3A_398 = arith.addi %mul3A_160, %add3A_397 : i32
        %add3A_399 = arith.constant 2 : i32
        %add3A_400 = arith.addi %add3A_398, %add3A_399 : i32
        %dma_start3A_401 = arith.constant 2 : i32
        %dma_start3A_402 = arith.constant 0 : i32
        %dma_start3A_403 = arith.constant 0 : i32
        %dma_start3A_404 = tpu.memref_slice %arg9[%dma_start3A_401, %dma_start3A_402, %dma_start3A_403] : memref<5x128x8xf32, #tpu.memory_space<vmem>> -> memref<1x128x8xf32, #tpu.memory_space<vmem>>
        %dma_start3A_405 = tpu.memref_squeeze %dma_start3A_404 : memref<1x128x8xf32, #tpu.memory_space<vmem>> -> memref<128x8xf32, #tpu.memory_space<vmem>>
        %dma_start3A_406 = arith.constant 0 : i32
        %dma_start3A_407 = tpu.memref_slice %arg7[%add3A_400, %dma_start3A_406] : memref<391x128xi32, #tpu.memory_space<vmem>> -> memref<1x128xi32, #tpu.memory_space<vmem>>
        %dma_start3A_408 = tpu.memref_squeeze %dma_start3A_407 : memref<1x128xi32, #tpu.memory_space<vmem>> -> memref<128xi32, #tpu.memory_space<vmem>>
        %dma_start3A_409 = arith.constant 0 : i32
        %dma_start3A_410 = arith.constant 0 : i32
        %dma_start3A_411 = tpu.memref_slice %arg2[%dma_start3A_409, %dma_start3A_410] : memref<100000x8xf32, #tpu.memory_space<hbm>> -> memref<100000x8xf32, #tpu.memory_space<hbm>>
        tpu.enqueue_indirect_dma source(%dma_start3A_411 : memref<100000x8xf32, #tpu.memory_space<hbm>>) target(%dma_start3A_405 : memref<128x8xf32, #tpu.memory_space<vmem>>) offsets(%dma_start3A_408 : memref<128xi32, #tpu.memory_space<vmem>>) semaphore(%arg13 : memref<!tpu.dma_semaphore, #tpu.memory_space<semaphore_mem>>)
      } else {
      }
      %add3A_353 = arith.constant 3 : i32
      %add3A_354 = arith.addi %mul3A_160, %add3A_353 : i32
      %dma_wait3A_355 = arith.constant 3 : i32
      %dma_wait3A_356 = arith.constant 0 : i32
      %dma_wait3A_357 = arith.constant 0 : i32
      %dma_wait3A_358 = tpu.memref_slice %arg9[%dma_wait3A_355, %dma_wait3A_356, %dma_wait3A_357] : memref<5x128x8xf32, #tpu.memory_space<vmem>> -> memref<1x128x8xf32, #tpu.memory_space<vmem>>
      %dma_wait3A_359 = tpu.memref_squeeze %dma_wait3A_358 : memref<1x128x8xf32, #tpu.memory_space<vmem>> -> memref<128x8xf32, #tpu.memory_space<vmem>>
      %dma_wait3A_360 = arith.constant 0 : i32
      %dma_wait3A_361 = tpu.memref_slice %arg8[%add3A_354, %dma_wait3A_360] : memref<391x128xi32, #tpu.memory_space<vmem>> -> memref<1x128xi32, #tpu.memory_space<vmem>>
      %dma_wait3A_362 = tpu.memref_squeeze %dma_wait3A_361 : memref<1x128xi32, #tpu.memory_space<vmem>> -> memref<128xi32, #tpu.memory_space<vmem>>
      %dma_wait3A_363 = arith.constant 0 : i32
      %dma_wait3A_364 = arith.constant 0 : i32
      %dma_wait3A_365 = tpu.memref_slice %arg10[%dma_wait3A_363, %dma_wait3A_364] : memref<50048x8xf32, #tpu.memory_space<vmem_shared>> -> memref<50048x8xf32, #tpu.memory_space<vmem_shared>>
      tpu.wait_indirect_dma semaphore(%arg19 : memref<!tpu.dma_semaphore, #tpu.memory_space<semaphore_mem>>) src(%dma_wait3A_359 : memref<128x8xf32, #tpu.memory_space<vmem>>) dst(%dma_wait3A_365 : memref<50048x8xf32, #tpu.memory_space<vmem_shared>>)
      %add3A_366 = arith.constant 5 : i32
      %add3A_367 = arith.addi %mul3A_160, %add3A_366 : i32
      %add3A_368 = arith.constant 3 : i32
      %add3A_369 = arith.addi %add3A_367, %add3A_368 : i32
      %lt3A_370 = arith.constant 391 : i32
      %lt3A_371 = arith.cmpi slt, %add3A_369, %lt3A_370 : i32
      %convert_element_type3A_372 = arith.extui %lt3A_371 : i1 to i32
      %cond3A_373 = arith.constant 0 : i32
      %cond3A_374 = arith.cmpi ne, %convert_element_type3A_372, %cond3A_373 : i32
      scf.if %cond3A_374 {
        %add3A_397 = arith.constant 5 : i32
        %add3A_398 = arith.addi %mul3A_160, %add3A_397 : i32
        %add3A_399 = arith.constant 3 : i32
        %add3A_400 = arith.addi %add3A_398, %add3A_399 : i32
        %dma_start3A_401 = arith.constant 3 : i32
        %dma_start3A_402 = arith.constant 0 : i32
        %dma_start3A_403 = arith.constant 0 : i32
        %dma_start3A_404 = tpu.memref_slice %arg9[%dma_start3A_401, %dma_start3A_402, %dma_start3A_403] : memref<5x128x8xf32, #tpu.memory_space<vmem>> -> memref<1x128x8xf32, #tpu.memory_space<vmem>>
        %dma_start3A_405 = tpu.memref_squeeze %dma_start3A_404 : memref<1x128x8xf32, #tpu.memory_space<vmem>> -> memref<128x8xf32, #tpu.memory_space<vmem>>
        %dma_start3A_406 = arith.constant 0 : i32
        %dma_start3A_407 = tpu.memref_slice %arg7[%add3A_400, %dma_start3A_406] : memref<391x128xi32, #tpu.memory_space<vmem>> -> memref<1x128xi32, #tpu.memory_space<vmem>>
        %dma_start3A_408 = tpu.memref_squeeze %dma_start3A_407 : memref<1x128xi32, #tpu.memory_space<vmem>> -> memref<128xi32, #tpu.memory_space<vmem>>
        %dma_start3A_409 = arith.constant 0 : i32
        %dma_start3A_410 = arith.constant 0 : i32
        %dma_start3A_411 = tpu.memref_slice %arg2[%dma_start3A_409, %dma_start3A_410] : memref<100000x8xf32, #tpu.memory_space<hbm>> -> memref<100000x8xf32, #tpu.memory_space<hbm>>
        tpu.enqueue_indirect_dma source(%dma_start3A_411 : memref<100000x8xf32, #tpu.memory_space<hbm>>) target(%dma_start3A_405 : memref<128x8xf32, #tpu.memory_space<vmem>>) offsets(%dma_start3A_408 : memref<128xi32, #tpu.memory_space<vmem>>) semaphore(%arg14 : memref<!tpu.dma_semaphore, #tpu.memory_space<semaphore_mem>>)
      } else {
      }
      %add3A_375 = arith.constant 4 : i32
      %add3A_376 = arith.addi %mul3A_160, %add3A_375 : i32
      %dma_wait3A_377 = arith.constant 4 : i32
      %dma_wait3A_378 = arith.constant 0 : i32
      %dma_wait3A_379 = arith.constant 0 : i32
      %dma_wait3A_380 = tpu.memref_slice %arg9[%dma_wait3A_377, %dma_wait3A_378, %dma_wait3A_379] : memref<5x128x8xf32, #tpu.memory_space<vmem>> -> memref<1x128x8xf32, #tpu.memory_space<vmem>>
      %dma_wait3A_381 = tpu.memref_squeeze %dma_wait3A_380 : memref<1x128x8xf32, #tpu.memory_space<vmem>> -> memref<128x8xf32, #tpu.memory_space<vmem>>
      %dma_wait3A_382 = arith.constant 0 : i32
      %dma_wait3A_383 = tpu.memref_slice %arg8[%add3A_376, %dma_wait3A_382] : memref<391x128xi32, #tpu.memory_space<vmem>> -> memref<1x128xi32, #tpu.memory_space<vmem>>
      %dma_wait3A_384 = tpu.memref_squeeze %dma_wait3A_383 : memref<1x128xi32, #tpu.memory_space<vmem>> -> memref<128xi32, #tpu.memory_space<vmem>>
      %dma_wait3A_385 = arith.constant 0 : i32
      %dma_wait3A_386 = arith.constant 0 : i32
      %dma_wait3A_387 = tpu.memref_slice %arg10[%dma_wait3A_385, %dma_wait3A_386] : memref<50048x8xf32, #tpu.memory_space<vmem_shared>> -> memref<50048x8xf32, #tpu.memory_space<vmem_shared>>
      tpu.wait_indirect_dma semaphore(%arg20 : memref<!tpu.dma_semaphore, #tpu.memory_space<semaphore_mem>>) src(%dma_wait3A_381 : memref<128x8xf32, #tpu.memory_space<vmem>>) dst(%dma_wait3A_387 : memref<50048x8xf32, #tpu.memory_space<vmem_shared>>)
      %add3A_388 = arith.constant 5 : i32
      %add3A_389 = arith.addi %mul3A_160, %add3A_388 : i32
      %add3A_390 = arith.constant 4 : i32
      %add3A_391 = arith.addi %add3A_389, %add3A_390 : i32
      %lt3A_392 = arith.constant 391 : i32
      %lt3A_393 = arith.cmpi slt, %add3A_391, %lt3A_392 : i32
      %convert_element_type3A_394 = arith.extui %lt3A_393 : i1 to i32
      %cond3A_395 = arith.constant 0 : i32
      %cond3A_396 = arith.cmpi ne, %convert_element_type3A_394, %cond3A_395 : i32
      scf.if %cond3A_396 {
        %add3A_397 = arith.constant 5 : i32
        %add3A_398 = arith.addi %mul3A_160, %add3A_397 : i32
        %add3A_399 = arith.constant 4 : i32
        %add3A_400 = arith.addi %add3A_398, %add3A_399 : i32
        %dma_start3A_401 = arith.constant 4 : i32
        %dma_start3A_402 = arith.constant 0 : i32
        %dma_start3A_403 = arith.constant 0 : i32
        %dma_start3A_404 = tpu.memref_slice %arg9[%dma_start3A_401, %dma_start3A_402, %dma_start3A_403] : memref<5x128x8xf32, #tpu.memory_space<vmem>> -> memref<1x128x8xf32, #tpu.memory_space<vmem>>
        %dma_start3A_405 = tpu.memref_squeeze %dma_start3A_404 : memref<1x128x8xf32, #tpu.memory_space<vmem>> -> memref<128x8xf32, #tpu.memory_space<vmem>>
        %dma_start3A_406 = arith.constant 0 : i32
        %dma_start3A_407 = tpu.memref_slice %arg7[%add3A_400, %dma_start3A_406] : memref<391x128xi32, #tpu.memory_space<vmem>> -> memref<1x128xi32, #tpu.memory_space<vmem>>
        %dma_start3A_408 = tpu.memref_squeeze %dma_start3A_407 : memref<1x128xi32, #tpu.memory_space<vmem>> -> memref<128xi32, #tpu.memory_space<vmem>>
        %dma_start3A_409 = arith.constant 0 : i32
        %dma_start3A_410 = arith.constant 0 : i32
        %dma_start3A_411 = tpu.memref_slice %arg2[%dma_start3A_409, %dma_start3A_410] : memref<100000x8xf32, #tpu.memory_space<hbm>> -> memref<100000x8xf32, #tpu.memory_space<hbm>>
        tpu.enqueue_indirect_dma source(%dma_start3A_411 : memref<100000x8xf32, #tpu.memory_space<hbm>>) target(%dma_start3A_405 : memref<128x8xf32, #tpu.memory_space<vmem>>) offsets(%dma_start3A_408 : memref<128xi32, #tpu.memory_space<vmem>>) semaphore(%arg15 : memref<!tpu.dma_semaphore, #tpu.memory_space<semaphore_mem>>)
      } else {
      }
    }
    %scan3A_142 = arith.constant 78 : i32
    %dma_wait3A_143 = arith.constant 390 : i32
    %dma_wait3A_144 = arith.constant 0 : i32
    %dma_wait3A_145 = arith.constant 0 : i32
    %dma_wait3A_146 = arith.constant 0 : i32
    %dma_wait3A_147 = tpu.memref_slice %arg9[%dma_wait3A_144, %dma_wait3A_145, %dma_wait3A_146] : memref<5x128x8xf32, #tpu.memory_space<vmem>> -> memref<1x128x8xf32, #tpu.memory_space<vmem>>
    %dma_wait3A_148 = tpu.memref_squeeze %dma_wait3A_147 : memref<1x128x8xf32, #tpu.memory_space<vmem>> -> memref<128x8xf32, #tpu.memory_space<vmem>>
    %dma_wait3A_149 = arith.constant 0 : i32
    %dma_wait3A_150 = tpu.memref_slice %arg7[%dma_wait3A_143, %dma_wait3A_149] : memref<391x128xi32, #tpu.memory_space<vmem>> -> memref<1x128xi32, #tpu.memory_space<vmem>>
    %dma_wait3A_151 = tpu.memref_squeeze %dma_wait3A_150 : memref<1x128xi32, #tpu.memory_space<vmem>> -> memref<128xi32, #tpu.memory_space<vmem>>
    %dma_wait3A_152 = arith.constant 0 : i32
    %dma_wait3A_153 = arith.constant 0 : i32
    %dma_wait3A_154 = tpu.memref_slice %arg2[%dma_wait3A_152, %dma_wait3A_153] : memref<100000x8xf32, #tpu.memory_space<hbm>> -> memref<100000x8xf32, #tpu.memory_space<hbm>>
    tpu.wait_indirect_dma semaphore(%arg11 : memref<!tpu.dma_semaphore, #tpu.memory_space<semaphore_mem>>) src(%dma_wait3A_154 : memref<100000x8xf32, #tpu.memory_space<hbm>>) dst(%dma_wait3A_148 : memref<128x8xf32, #tpu.memory_space<vmem>>)
    %run_scoped3A_155 = arith.constant 0 : i32
    %run_scoped3A_156 = arith.constant 390 : i32
    "tpu.region"() ({
      %run_scoped3A_158 = tpu.sem_alloc : memref<!tpu.dma_semaphore, #tpu.memory_space<semaphore_mem>>
      %dma_start3A_159 = arith.constant 0 : i32
      %dma_start3A_160 = arith.constant 0 : i32
      %dma_start3A_161 = tpu.memref_slice %arg9[%run_scoped3A_155, %dma_start3A_159, %dma_start3A_160] : memref<5x128x8xf32, #tpu.memory_space<vmem>> -> memref<1x128x8xf32, #tpu.memory_space<vmem>>
      %dma_start3A_162 = tpu.memref_squeeze %dma_start3A_161 : memref<1x128x8xf32, #tpu.memory_space<vmem>> -> memref<128x8xf32, #tpu.memory_space<vmem>>
      %dma_start3A_163 = arith.constant 0 : i32
      %dma_start3A_164 = tpu.memref_slice %arg8[%run_scoped3A_156, %dma_start3A_163] : memref<391x128xi32, #tpu.memory_space<vmem>> -> memref<1x128xi32, #tpu.memory_space<vmem>>
      %dma_start3A_165 = tpu.memref_squeeze %dma_start3A_164 : memref<1x128xi32, #tpu.memory_space<vmem>> -> memref<128xi32, #tpu.memory_space<vmem>>
      %dma_start3A_166 = arith.constant 0 : i32
      %dma_start3A_167 = arith.constant 0 : i32
      %dma_start3A_168 = tpu.memref_slice %arg10[%dma_start3A_166, %dma_start3A_167] : memref<50048x8xf32, #tpu.memory_space<vmem_shared>> -> memref<50048x8xf32, #tpu.memory_space<vmem_shared>>
      tpu.enqueue_indirect_dma source(%dma_start3A_162 : memref<128x8xf32, #tpu.memory_space<vmem>>) target(%dma_start3A_168 : memref<50048x8xf32, #tpu.memory_space<vmem_shared>>) offsets(%dma_start3A_165 : memref<128xi32, #tpu.memory_space<vmem>>) semaphore(%run_scoped3A_158 : memref<!tpu.dma_semaphore, #tpu.memory_space<semaphore_mem>>) {add = true}
      %dma_wait3A_169 = arith.constant 0 : i32
      %dma_wait3A_170 = arith.constant 0 : i32
      %dma_wait3A_171 = tpu.memref_slice %arg9[%run_scoped3A_155, %dma_wait3A_169, %dma_wait3A_170] : memref<5x128x8xf32, #tpu.memory_space<vmem>> -> memref<1x128x8xf32, #tpu.memory_space<vmem>>
      %dma_wait3A_172 = tpu.memref_squeeze %dma_wait3A_171 : memref<1x128x8xf32, #tpu.memory_space<vmem>> -> memref<128x8xf32, #tpu.memory_space<vmem>>
      %dma_wait3A_173 = arith.constant 0 : i32
      %dma_wait3A_174 = tpu.memref_slice %arg8[%run_scoped3A_156, %dma_wait3A_173] : memref<391x128xi32, #tpu.memory_space<vmem>> -> memref<1x128xi32, #tpu.memory_space<vmem>>
      %dma_wait3A_175 = tpu.memref_squeeze %dma_wait3A_174 : memref<1x128xi32, #tpu.memory_space<vmem>> -> memref<128xi32, #tpu.memory_space<vmem>>
      %dma_wait3A_176 = arith.constant 0 : i32
      %dma_wait3A_177 = arith.constant 0 : i32
      %dma_wait3A_178 = tpu.memref_slice %arg10[%dma_wait3A_176, %dma_wait3A_177] : memref<50048x8xf32, #tpu.memory_space<vmem_shared>> -> memref<50048x8xf32, #tpu.memory_space<vmem_shared>>
      tpu.wait_indirect_dma semaphore(%run_scoped3A_158 : memref<!tpu.dma_semaphore, #tpu.memory_space<semaphore_mem>>) src(%dma_wait3A_172 : memref<128x8xf32, #tpu.memory_space<vmem>>) dst(%dma_wait3A_178 : memref<50048x8xf32, #tpu.memory_space<vmem_shared>>)
      tpu.yield
    }) : () -> ()
    %barrier3A_157 = arith.constant 0 : index
    tpu.barrier barrier_id(%barrier3A_157)
    "tpu.region"() ({
      %run_scoped3A_158 = tpu.sem_alloc : memref<!tpu.dma_semaphore, #tpu.memory_space<semaphore_mem>>
      %dma_start3A_159 = arith.constant 0 : i32
      %dma_start3A_160 = tpu.memref_slice %arg6[%arg0, %mul3A_0, %dma_start3A_159] : memref<2x50048x8xf32, #tpu.memory_space<hbm>> -> memref<1x3128x8xf32, #tpu.memory_space<hbm>>
      %dma_start3A_161 = tpu.memref_squeeze %dma_start3A_160 : memref<1x3128x8xf32, #tpu.memory_space<hbm>> -> memref<3128x8xf32, #tpu.memory_space<hbm>>
      %dma_start3A_162 = arith.constant 0 : i32
      %dma_start3A_163 = tpu.memref_slice %arg10[%mul3A_0, %dma_start3A_162] : memref<50048x8xf32, #tpu.memory_space<vmem_shared>> -> memref<3128x8xf32, #tpu.memory_space<vmem_shared>>
      tpu.enqueue_dma source(%dma_start3A_163 : memref<3128x8xf32, #tpu.memory_space<vmem_shared>>) target(%dma_start3A_161 : memref<3128x8xf32, #tpu.memory_space<hbm>>) target_semaphore(%run_scoped3A_158 : memref<!tpu.dma_semaphore, #tpu.memory_space<semaphore_mem>>)
      %dma_wait3A_164 = arith.constant 0 : i32
      %dma_wait3A_165 = tpu.memref_slice %arg6[%arg0, %mul3A_0, %dma_wait3A_164] : memref<2x50048x8xf32, #tpu.memory_space<hbm>> -> memref<1x3128x8xf32, #tpu.memory_space<hbm>>
      %dma_wait3A_166 = tpu.memref_squeeze %dma_wait3A_165 : memref<1x3128x8xf32, #tpu.memory_space<hbm>> -> memref<3128x8xf32, #tpu.memory_space<hbm>>
      %dma_wait3A_167 = arith.constant 0 : i32
      %dma_wait3A_168 = tpu.memref_slice %arg10[%mul3A_0, %dma_wait3A_167] : memref<50048x8xf32, #tpu.memory_space<vmem_shared>> -> memref<3128x8xf32, #tpu.memory_space<vmem_shared>>
      tpu.wait_dma2 semaphore(%run_scoped3A_158 : memref<!tpu.dma_semaphore, #tpu.memory_space<semaphore_mem>>) src(%dma_wait3A_168 : memref<3128x8xf32, #tpu.memory_space<vmem_shared>>) dst(%dma_wait3A_166 : memref<3128x8xf32, #tpu.memory_space<hbm>>)
      tpu.yield
    }) : () -> ()
    return
  }
}

#map = affine_map<(d0, d1) -> (0, 0, 0, 0)>
#map1 = affine_map<(d0, d1) -> (0)>
#map2 = affine_map<(d0, d1) -> (0, 0)>
module attributes {stable_mosaic.version = 14 : i64} {
  func.func @deg_kernel(%arg0: i32, %arg1: i32, %arg2: memref<2x16x391x128xi32, #tpu.memory_space<hbm>>, %arg3: memref<128xf32, #tpu.memory_space<hbm>>, %arg4: memref<6256xf32, #tpu.memory_space<hbm>>, %arg5: memref<2x100096xf32, #tpu.memory_space<hbm>>, %arg6: memref<391x128xi32, #tpu.memory_space<vmem>>, %arg7: memref<128xf32, #tpu.memory_space<vmem>>, %arg8: memref<100096xf32, #tpu.memory_space<vmem_shared>>, %arg9: memref<!tpu.dma_semaphore, #tpu.memory_space<semaphore_mem>>, %arg10: memref<!tpu.dma_semaphore, #tpu.memory_space<semaphore_mem>>, %arg11: memref<!tpu.dma_semaphore, #tpu.memory_space<semaphore_mem>>, %arg12: memref<!tpu.dma_semaphore, #tpu.memory_space<semaphore_mem>>, %arg13: memref<!tpu.dma_semaphore, #tpu.memory_space<semaphore_mem>>) attributes {dimension_semantics = [#tpu.dimension_semantics<core_parallel>, #tpu.dimension_semantics<subcore_parallel>], iteration_bounds = array<i64: 2, 16>, scalar_prefetch = 0 : i64, scratch_operands = 8 : i64, tpu.core_type = #tpu.core_type<sc_vector_subcore>, window_params = [{transform_indices = #map}, {transform_indices = #map1}, {transform_indices = #map1}, {transform_indices = #map2}]} {
    %mul3A = arith.constant 6256 : i32
    %mul3A_0 = arith.muli %arg1, %mul3A : i32
    "tpu.region"() ({
      %run_scoped3A_7 = tpu.sem_alloc : memref<!tpu.dma_semaphore, #tpu.memory_space<semaphore_mem>>
      %dma_start3A = tpu.memref_slice %arg8[%mul3A_0] : memref<100096xf32, #tpu.memory_space<vmem_shared>> -> memref<6256xf32, #tpu.memory_space<vmem_shared>>
      tpu.enqueue_dma source(%arg4 : memref<6256xf32, #tpu.memory_space<hbm>>) target(%dma_start3A : memref<6256xf32, #tpu.memory_space<vmem_shared>>) target_semaphore(%run_scoped3A_7 : memref<!tpu.dma_semaphore, #tpu.memory_space<semaphore_mem>>)
      %dma_wait3A = tpu.memref_slice %arg8[%mul3A_0] : memref<100096xf32, #tpu.memory_space<vmem_shared>> -> memref<6256xf32, #tpu.memory_space<vmem_shared>>
      tpu.wait_dma2 semaphore(%run_scoped3A_7 : memref<!tpu.dma_semaphore, #tpu.memory_space<semaphore_mem>>) src(%arg4 : memref<6256xf32, #tpu.memory_space<hbm>>) dst(%dma_wait3A : memref<6256xf32, #tpu.memory_space<vmem_shared>>)
      tpu.yield
    }) : () -> ()
    "tpu.region"() ({
      %run_scoped3A_7 = tpu.sem_alloc : memref<!tpu.dma_semaphore, #tpu.memory_space<semaphore_mem>>
      tpu.enqueue_dma source(%arg3 : memref<128xf32, #tpu.memory_space<hbm>>) target(%arg7 : memref<128xf32, #tpu.memory_space<vmem>>) target_semaphore(%run_scoped3A_7 : memref<!tpu.dma_semaphore, #tpu.memory_space<semaphore_mem>>)
      tpu.wait_dma2 semaphore(%run_scoped3A_7 : memref<!tpu.dma_semaphore, #tpu.memory_space<semaphore_mem>>) src(%arg3 : memref<128xf32, #tpu.memory_space<hbm>>) dst(%arg7 : memref<128xf32, #tpu.memory_space<vmem>>)
      tpu.yield
    }) : () -> ()
    "tpu.region"() ({
      %run_scoped3A_7 = tpu.sem_alloc : memref<!tpu.dma_semaphore, #tpu.memory_space<semaphore_mem>>
      %dma_start3A = arith.constant 0 : i32
      %dma_start3A_8 = arith.constant 0 : i32
      %dma_start3A_9 = tpu.memref_slice %arg2[%arg0, %arg1, %dma_start3A, %dma_start3A_8] : memref<2x16x391x128xi32, #tpu.memory_space<hbm>> -> memref<1x1x391x128xi32, #tpu.memory_space<hbm>>
      %dma_start3A_10 = tpu.memref_squeeze %dma_start3A_9 : memref<1x1x391x128xi32, #tpu.memory_space<hbm>> -> memref<391x128xi32, #tpu.memory_space<hbm>>
      %dma_start3A_11 = arith.constant 0 : i32
      %dma_start3A_12 = arith.constant 0 : i32
      %dma_start3A_13 = tpu.memref_slice %arg2[%arg0, %arg1, %dma_start3A_11, %dma_start3A_12] : memref<2x16x391x128xi32, #tpu.memory_space<hbm>> -> memref<1x1x391x128xi32, #tpu.memory_space<hbm>>
      %dma_start3A_14 = tpu.memref_squeeze %dma_start3A_13 : memref<1x1x391x128xi32, #tpu.memory_space<hbm>> -> memref<391x128xi32, #tpu.memory_space<hbm>>
      tpu.enqueue_dma source(%dma_start3A_14 : memref<391x128xi32, #tpu.memory_space<hbm>>) target(%arg6 : memref<391x128xi32, #tpu.memory_space<vmem>>) target_semaphore(%run_scoped3A_7 : memref<!tpu.dma_semaphore, #tpu.memory_space<semaphore_mem>>)
      %dma_wait3A = arith.constant 0 : i32
      %dma_wait3A_15 = arith.constant 0 : i32
      %dma_wait3A_16 = tpu.memref_slice %arg2[%arg0, %arg1, %dma_wait3A, %dma_wait3A_15] : memref<2x16x391x128xi32, #tpu.memory_space<hbm>> -> memref<1x1x391x128xi32, #tpu.memory_space<hbm>>
      %dma_wait3A_17 = tpu.memref_squeeze %dma_wait3A_16 : memref<1x1x391x128xi32, #tpu.memory_space<hbm>> -> memref<391x128xi32, #tpu.memory_space<hbm>>
      %dma_wait3A_18 = arith.constant 0 : i32
      %dma_wait3A_19 = arith.constant 0 : i32
      %dma_wait3A_20 = tpu.memref_slice %arg2[%arg0, %arg1, %dma_wait3A_18, %dma_wait3A_19] : memref<2x16x391x128xi32, #tpu.memory_space<hbm>> -> memref<1x1x391x128xi32, #tpu.memory_space<hbm>>
      %dma_wait3A_21 = tpu.memref_squeeze %dma_wait3A_20 : memref<1x1x391x128xi32, #tpu.memory_space<hbm>> -> memref<391x128xi32, #tpu.memory_space<hbm>>
      tpu.wait_dma2 semaphore(%run_scoped3A_7 : memref<!tpu.dma_semaphore, #tpu.memory_space<semaphore_mem>>) src(%dma_wait3A_21 : memref<391x128xi32, #tpu.memory_space<hbm>>) dst(%arg6 : memref<391x128xi32, #tpu.memory_space<vmem>>)
      tpu.yield
    }) : () -> ()
    %barrier3A = arith.constant 0 : index
    tpu.barrier barrier_id(%barrier3A)
    %scan3A = arith.constant 0 : i32
    %scan3A_1 = arith.constant 0 : i32
    %scan3A_2 = arith.constant 78 : i32
    %scan3A_3 = arith.addi %scan3A_1, %scan3A_2 : i32
    %scan3A_4 = arith.constant 1 : i32
    scf.for %scan3A_7 = %scan3A_1 to %scan3A_3 step %scan3A_4  : i32 {
      %mul3A_8 = arith.constant 5 : i32
      %mul3A_9 = arith.muli %scan3A_7, %mul3A_8 : i32
      %add3A = arith.constant 0 : i32
      %add3A_10 = arith.addi %mul3A_9, %add3A : i32
      %dma_start3A = arith.constant 0 : i32
      %dma_start3A_11 = tpu.memref_slice %arg6[%add3A_10, %dma_start3A] : memref<391x128xi32, #tpu.memory_space<vmem>> -> memref<1x128xi32, #tpu.memory_space<vmem>>
      %dma_start3A_12 = tpu.memref_squeeze %dma_start3A_11 : memref<1x128xi32, #tpu.memory_space<vmem>> -> memref<128xi32, #tpu.memory_space<vmem>>
      %dma_start3A_13 = arith.constant 0 : i32
      %dma_start3A_14 = tpu.memref_slice %arg8[%dma_start3A_13] : memref<100096xf32, #tpu.memory_space<vmem_shared>> -> memref<100096xf32, #tpu.memory_space<vmem_shared>>
      tpu.enqueue_indirect_dma source(%arg7 : memref<128xf32, #tpu.memory_space<vmem>>) target(%dma_start3A_14 : memref<100096xf32, #tpu.memory_space<vmem_shared>>) offsets(%dma_start3A_12 : memref<128xi32, #tpu.memory_space<vmem>>) semaphore(%arg9 : memref<!tpu.dma_semaphore, #tpu.memory_space<semaphore_mem>>) {add = true}
      %add3A_15 = arith.constant 1 : i32
      %add3A_16 = arith.addi %mul3A_9, %add3A_15 : i32
      %dma_start3A_17 = arith.constant 0 : i32
      %dma_start3A_18 = tpu.memref_slice %arg6[%add3A_16, %dma_start3A_17] : memref<391x128xi32, #tpu.memory_space<vmem>> -> memref<1x128xi32, #tpu.memory_space<vmem>>
      %dma_start3A_19 = tpu.memref_squeeze %dma_start3A_18 : memref<1x128xi32, #tpu.memory_space<vmem>> -> memref<128xi32, #tpu.memory_space<vmem>>
      %dma_start3A_20 = arith.constant 0 : i32
      %dma_start3A_21 = tpu.memref_slice %arg8[%dma_start3A_20] : memref<100096xf32, #tpu.memory_space<vmem_shared>> -> memref<100096xf32, #tpu.memory_space<vmem_shared>>
      tpu.enqueue_indirect_dma source(%arg7 : memref<128xf32, #tpu.memory_space<vmem>>) target(%dma_start3A_21 : memref<100096xf32, #tpu.memory_space<vmem_shared>>) offsets(%dma_start3A_19 : memref<128xi32, #tpu.memory_space<vmem>>) semaphore(%arg10 : memref<!tpu.dma_semaphore, #tpu.memory_space<semaphore_mem>>) {add = true}
      %add3A_22 = arith.constant 2 : i32
      %add3A_23 = arith.addi %mul3A_9, %add3A_22 : i32
      %dma_start3A_24 = arith.constant 0 : i32
      %dma_start3A_25 = tpu.memref_slice %arg6[%add3A_23, %dma_start3A_24] : memref<391x128xi32, #tpu.memory_space<vmem>> -> memref<1x128xi32, #tpu.memory_space<vmem>>
      %dma_start3A_26 = tpu.memref_squeeze %dma_start3A_25 : memref<1x128xi32, #tpu.memory_space<vmem>> -> memref<128xi32, #tpu.memory_space<vmem>>
      %dma_start3A_27 = arith.constant 0 : i32
      %dma_start3A_28 = tpu.memref_slice %arg8[%dma_start3A_27] : memref<100096xf32, #tpu.memory_space<vmem_shared>> -> memref<100096xf32, #tpu.memory_space<vmem_shared>>
      tpu.enqueue_indirect_dma source(%arg7 : memref<128xf32, #tpu.memory_space<vmem>>) target(%dma_start3A_28 : memref<100096xf32, #tpu.memory_space<vmem_shared>>) offsets(%dma_start3A_26 : memref<128xi32, #tpu.memory_space<vmem>>) semaphore(%arg11 : memref<!tpu.dma_semaphore, #tpu.memory_space<semaphore_mem>>) {add = true}
      %add3A_29 = arith.constant 3 : i32
      %add3A_30 = arith.addi %mul3A_9, %add3A_29 : i32
      %dma_start3A_31 = arith.constant 0 : i32
      %dma_start3A_32 = tpu.memref_slice %arg6[%add3A_30, %dma_start3A_31] : memref<391x128xi32, #tpu.memory_space<vmem>> -> memref<1x128xi32, #tpu.memory_space<vmem>>
      %dma_start3A_33 = tpu.memref_squeeze %dma_start3A_32 : memref<1x128xi32, #tpu.memory_space<vmem>> -> memref<128xi32, #tpu.memory_space<vmem>>
      %dma_start3A_34 = arith.constant 0 : i32
      %dma_start3A_35 = tpu.memref_slice %arg8[%dma_start3A_34] : memref<100096xf32, #tpu.memory_space<vmem_shared>> -> memref<100096xf32, #tpu.memory_space<vmem_shared>>
      tpu.enqueue_indirect_dma source(%arg7 : memref<128xf32, #tpu.memory_space<vmem>>) target(%dma_start3A_35 : memref<100096xf32, #tpu.memory_space<vmem_shared>>) offsets(%dma_start3A_33 : memref<128xi32, #tpu.memory_space<vmem>>) semaphore(%arg12 : memref<!tpu.dma_semaphore, #tpu.memory_space<semaphore_mem>>) {add = true}
      %add3A_36 = arith.constant 4 : i32
      %add3A_37 = arith.addi %mul3A_9, %add3A_36 : i32
      %dma_start3A_38 = arith.constant 0 : i32
      %dma_start3A_39 = tpu.memref_slice %arg6[%add3A_37, %dma_start3A_38] : memref<391x128xi32, #tpu.memory_space<vmem>> -> memref<1x128xi32, #tpu.memory_space<vmem>>
      %dma_start3A_40 = tpu.memref_squeeze %dma_start3A_39 : memref<1x128xi32, #tpu.memory_space<vmem>> -> memref<128xi32, #tpu.memory_space<vmem>>
      %dma_start3A_41 = arith.constant 0 : i32
      %dma_start3A_42 = tpu.memref_slice %arg8[%dma_start3A_41] : memref<100096xf32, #tpu.memory_space<vmem_shared>> -> memref<100096xf32, #tpu.memory_space<vmem_shared>>
      tpu.enqueue_indirect_dma source(%arg7 : memref<128xf32, #tpu.memory_space<vmem>>) target(%dma_start3A_42 : memref<100096xf32, #tpu.memory_space<vmem_shared>>) offsets(%dma_start3A_40 : memref<128xi32, #tpu.memory_space<vmem>>) semaphore(%arg13 : memref<!tpu.dma_semaphore, #tpu.memory_space<semaphore_mem>>) {add = true}
      %add3A_43 = arith.constant 0 : i32
      %add3A_44 = arith.addi %mul3A_9, %add3A_43 : i32
      %dma_wait3A = arith.constant 0 : i32
      %dma_wait3A_45 = tpu.memref_slice %arg6[%add3A_44, %dma_wait3A] : memref<391x128xi32, #tpu.memory_space<vmem>> -> memref<1x128xi32, #tpu.memory_space<vmem>>
      %dma_wait3A_46 = tpu.memref_squeeze %dma_wait3A_45 : memref<1x128xi32, #tpu.memory_space<vmem>> -> memref<128xi32, #tpu.memory_space<vmem>>
      %dma_wait3A_47 = arith.constant 0 : i32
      %dma_wait3A_48 = tpu.memref_slice %arg8[%dma_wait3A_47] : memref<100096xf32, #tpu.memory_space<vmem_shared>> -> memref<100096xf32, #tpu.memory_space<vmem_shared>>
      tpu.wait_indirect_dma semaphore(%arg9 : memref<!tpu.dma_semaphore, #tpu.memory_space<semaphore_mem>>) src(%arg7 : memref<128xf32, #tpu.memory_space<vmem>>) dst(%dma_wait3A_48 : memref<100096xf32, #tpu.memory_space<vmem_shared>>)
      %add3A_49 = arith.constant 1 : i32
      %add3A_50 = arith.addi %mul3A_9, %add3A_49 : i32
      %dma_wait3A_51 = arith.constant 0 : i32
      %dma_wait3A_52 = tpu.memref_slice %arg6[%add3A_50, %dma_wait3A_51] : memref<391x128xi32, #tpu.memory_space<vmem>> -> memref<1x128xi32, #tpu.memory_space<vmem>>
      %dma_wait3A_53 = tpu.memref_squeeze %dma_wait3A_52 : memref<1x128xi32, #tpu.memory_space<vmem>> -> memref<128xi32, #tpu.memory_space<vmem>>
      %dma_wait3A_54 = arith.constant 0 : i32
      %dma_wait3A_55 = tpu.memref_slice %arg8[%dma_wait3A_54] : memref<100096xf32, #tpu.memory_space<vmem_shared>> -> memref<100096xf32, #tpu.memory_space<vmem_shared>>
      tpu.wait_indirect_dma semaphore(%arg10 : memref<!tpu.dma_semaphore, #tpu.memory_space<semaphore_mem>>) src(%arg7 : memref<128xf32, #tpu.memory_space<vmem>>) dst(%dma_wait3A_55 : memref<100096xf32, #tpu.memory_space<vmem_shared>>)
      %add3A_56 = arith.constant 2 : i32
      %add3A_57 = arith.addi %mul3A_9, %add3A_56 : i32
      %dma_wait3A_58 = arith.constant 0 : i32
      %dma_wait3A_59 = tpu.memref_slice %arg6[%add3A_57, %dma_wait3A_58] : memref<391x128xi32, #tpu.memory_space<vmem>> -> memref<1x128xi32, #tpu.memory_space<vmem>>
      %dma_wait3A_60 = tpu.memref_squeeze %dma_wait3A_59 : memref<1x128xi32, #tpu.memory_space<vmem>> -> memref<128xi32, #tpu.memory_space<vmem>>
      %dma_wait3A_61 = arith.constant 0 : i32
      %dma_wait3A_62 = tpu.memref_slice %arg8[%dma_wait3A_61] : memref<100096xf32, #tpu.memory_space<vmem_shared>> -> memref<100096xf32, #tpu.memory_space<vmem_shared>>
      tpu.wait_indirect_dma semaphore(%arg11 : memref<!tpu.dma_semaphore, #tpu.memory_space<semaphore_mem>>) src(%arg7 : memref<128xf32, #tpu.memory_space<vmem>>) dst(%dma_wait3A_62 : memref<100096xf32, #tpu.memory_space<vmem_shared>>)
      %add3A_63 = arith.constant 3 : i32
      %add3A_64 = arith.addi %mul3A_9, %add3A_63 : i32
      %dma_wait3A_65 = arith.constant 0 : i32
      %dma_wait3A_66 = tpu.memref_slice %arg6[%add3A_64, %dma_wait3A_65] : memref<391x128xi32, #tpu.memory_space<vmem>> -> memref<1x128xi32, #tpu.memory_space<vmem>>
      %dma_wait3A_67 = tpu.memref_squeeze %dma_wait3A_66 : memref<1x128xi32, #tpu.memory_space<vmem>> -> memref<128xi32, #tpu.memory_space<vmem>>
      %dma_wait3A_68 = arith.constant 0 : i32
      %dma_wait3A_69 = tpu.memref_slice %arg8[%dma_wait3A_68] : memref<100096xf32, #tpu.memory_space<vmem_shared>> -> memref<100096xf32, #tpu.memory_space<vmem_shared>>
      tpu.wait_indirect_dma semaphore(%arg12 : memref<!tpu.dma_semaphore, #tpu.memory_space<semaphore_mem>>) src(%arg7 : memref<128xf32, #tpu.memory_space<vmem>>) dst(%dma_wait3A_69 : memref<100096xf32, #tpu.memory_space<vmem_shared>>)
      %add3A_70 = arith.constant 4 : i32
      %add3A_71 = arith.addi %mul3A_9, %add3A_70 : i32
      %dma_wait3A_72 = arith.constant 0 : i32
      %dma_wait3A_73 = tpu.memref_slice %arg6[%add3A_71, %dma_wait3A_72] : memref<391x128xi32, #tpu.memory_space<vmem>> -> memref<1x128xi32, #tpu.memory_space<vmem>>
      %dma_wait3A_74 = tpu.memref_squeeze %dma_wait3A_73 : memref<1x128xi32, #tpu.memory_space<vmem>> -> memref<128xi32, #tpu.memory_space<vmem>>
      %dma_wait3A_75 = arith.constant 0 : i32
      %dma_wait3A_76 = tpu.memref_slice %arg8[%dma_wait3A_75] : memref<100096xf32, #tpu.memory_space<vmem_shared>> -> memref<100096xf32, #tpu.memory_space<vmem_shared>>
      tpu.wait_indirect_dma semaphore(%arg13 : memref<!tpu.dma_semaphore, #tpu.memory_space<semaphore_mem>>) src(%arg7 : memref<128xf32, #tpu.memory_space<vmem>>) dst(%dma_wait3A_76 : memref<100096xf32, #tpu.memory_space<vmem_shared>>)
    }
    %scan3A_5 = arith.constant 78 : i32
    %run_scoped3A = arith.constant 390 : i32
    "tpu.region"() ({
      %run_scoped3A_7 = tpu.sem_alloc : memref<!tpu.dma_semaphore, #tpu.memory_space<semaphore_mem>>
      %dma_start3A = arith.constant 0 : i32
      %dma_start3A_8 = tpu.memref_slice %arg6[%run_scoped3A, %dma_start3A] : memref<391x128xi32, #tpu.memory_space<vmem>> -> memref<1x128xi32, #tpu.memory_space<vmem>>
      %dma_start3A_9 = tpu.memref_squeeze %dma_start3A_8 : memref<1x128xi32, #tpu.memory_space<vmem>> -> memref<128xi32, #tpu.memory_space<vmem>>
      %dma_start3A_10 = arith.constant 0 : i32
      %dma_start3A_11 = tpu.memref_slice %arg8[%dma_start3A_10] : memref<100096xf32, #tpu.memory_space<vmem_shared>> -> memref<100096xf32, #tpu.memory_space<vmem_shared>>
      tpu.enqueue_indirect_dma source(%arg7 : memref<128xf32, #tpu.memory_space<vmem>>) target(%dma_start3A_11 : memref<100096xf32, #tpu.memory_space<vmem_shared>>) offsets(%dma_start3A_9 : memref<128xi32, #tpu.memory_space<vmem>>) semaphore(%run_scoped3A_7 : memref<!tpu.dma_semaphore, #tpu.memory_space<semaphore_mem>>) {add = true}
      %dma_wait3A = arith.constant 0 : i32
      %dma_wait3A_12 = tpu.memref_slice %arg6[%run_scoped3A, %dma_wait3A] : memref<391x128xi32, #tpu.memory_space<vmem>> -> memref<1x128xi32, #tpu.memory_space<vmem>>
      %dma_wait3A_13 = tpu.memref_squeeze %dma_wait3A_12 : memref<1x128xi32, #tpu.memory_space<vmem>> -> memref<128xi32, #tpu.memory_space<vmem>>
      %dma_wait3A_14 = arith.constant 0 : i32
      %dma_wait3A_15 = tpu.memref_slice %arg8[%dma_wait3A_14] : memref<100096xf32, #tpu.memory_space<vmem_shared>> -> memref<100096xf32, #tpu.memory_space<vmem_shared>>
      tpu.wait_indirect_dma semaphore(%run_scoped3A_7 : memref<!tpu.dma_semaphore, #tpu.memory_space<semaphore_mem>>) src(%arg7 : memref<128xf32, #tpu.memory_space<vmem>>) dst(%dma_wait3A_15 : memref<100096xf32, #tpu.memory_space<vmem_shared>>)
      tpu.yield
    }) : () -> ()
    %barrier3A_6 = arith.constant 0 : index
    tpu.barrier barrier_id(%barrier3A_6)
    "tpu.region"() ({
      %run_scoped3A_7 = tpu.sem_alloc : memref<!tpu.dma_semaphore, #tpu.memory_space<semaphore_mem>>
      %dma_start3A = tpu.memref_slice %arg5[%arg0, %mul3A_0] : memref<2x100096xf32, #tpu.memory_space<hbm>> -> memref<1x6256xf32, #tpu.memory_space<hbm>>
      %dma_start3A_8 = tpu.memref_squeeze %dma_start3A : memref<1x6256xf32, #tpu.memory_space<hbm>> -> memref<6256xf32, #tpu.memory_space<hbm>>
      %dma_start3A_9 = tpu.memref_slice %arg8[%mul3A_0] : memref<100096xf32, #tpu.memory_space<vmem_shared>> -> memref<6256xf32, #tpu.memory_space<vmem_shared>>
      tpu.enqueue_dma source(%dma_start3A_9 : memref<6256xf32, #tpu.memory_space<vmem_shared>>) target(%dma_start3A_8 : memref<6256xf32, #tpu.memory_space<hbm>>) target_semaphore(%run_scoped3A_7 : memref<!tpu.dma_semaphore, #tpu.memory_space<semaphore_mem>>)
      %dma_wait3A = tpu.memref_slice %arg5[%arg0, %mul3A_0] : memref<2x100096xf32, #tpu.memory_space<hbm>> -> memref<1x6256xf32, #tpu.memory_space<hbm>>
      %dma_wait3A_10 = tpu.memref_squeeze %dma_wait3A : memref<1x6256xf32, #tpu.memory_space<hbm>> -> memref<6256xf32, #tpu.memory_space<hbm>>
      %dma_wait3A_11 = tpu.memref_slice %arg8[%mul3A_0] : memref<100096xf32, #tpu.memory_space<vmem_shared>> -> memref<6256xf32, #tpu.memory_space<vmem_shared>>
      tpu.wait_dma2 semaphore(%run_scoped3A_7 : memref<!tpu.dma_semaphore, #tpu.memory_space<semaphore_mem>>) src(%dma_wait3A_11 : memref<6256xf32, #tpu.memory_space<vmem_shared>>) dst(%dma_wait3A_10 : memref<6256xf32, #tpu.memory_space<hbm>>)
      tpu.yield
    }) : () -> ()
    return
  }
}

#map = affine_map<(d0, d1) -> (0, 0)>
#map1 = affine_map<(d0, d1) -> (0, 0, 0)>
#map2 = affine_map<(d0, d1) -> (0, 0, 0, 0)>
module attributes {stable_mosaic.version = 14 : i64} {
  func.func @agg_kernel(%arg0: i32, %arg1: i32, %arg2: memref<100000x8xf32, #tpu.memory_space<hbm>>, %arg3: memref<16x782x128xi32, #tpu.memory_space<hbm>>, %arg4: memref<2x16x782x128xi32, #tpu.memory_space<hbm>>, %arg5: memref<3128x8xf32, #tpu.memory_space<hbm>>, %arg6: memref<2x50048x8xf32, #tpu.memory_space<hbm>>, %arg7: memref<391x128xi32, #tpu.memory_space<vmem>>, %arg8: memref<391x128xi32, #tpu.memory_space<vmem>>, %arg9: memref<5x128x8xf32, #tpu.memory_space<vmem>>, %arg10: memref<50048x8xf32, #tpu.memory_space<vmem_shared>>, %arg11: memref<!tpu.dma_semaphore, #tpu.memory_space<semaphore_mem>>, %arg12: memref<!tpu.dma_semaphore, #tpu.memory_space<semaphore_mem>>, %arg13: memref<!tpu.dma_semaphore, #tpu.memory_space<semaphore_mem>>, %arg14: memref<!tpu.dma_semaphore, #tpu.memory_space<semaphore_mem>>, %arg15: memref<!tpu.dma_semaphore, #tpu.memory_space<semaphore_mem>>, %arg16: memref<!tpu.dma_semaphore, #tpu.memory_space<semaphore_mem>>, %arg17: memref<!tpu.dma_semaphore, #tpu.memory_space<semaphore_mem>>, %arg18: memref<!tpu.dma_semaphore, #tpu.memory_space<semaphore_mem>>, %arg19: memref<!tpu.dma_semaphore, #tpu.memory_space<semaphore_mem>>, %arg20: memref<!tpu.dma_semaphore, #tpu.memory_space<semaphore_mem>>) attributes {dimension_semantics = [#tpu.dimension_semantics<core_parallel>, #tpu.dimension_semantics<subcore_parallel>], iteration_bounds = array<i64: 2, 16>, scalar_prefetch = 0 : i64, scratch_operands = 14 : i64, tpu.core_type = #tpu.core_type<sc_vector_subcore>, window_params = [{transform_indices = #map}, {transform_indices = #map1}, {transform_indices = #map2}, {transform_indices = #map}, {transform_indices = #map1}]} {
    %mul3A = arith.constant 3128 : i32
    %mul3A_0 = arith.muli %arg1, %mul3A : i32
    "tpu.region"() ({
      %run_scoped3A_158 = tpu.sem_alloc : memref<!tpu.dma_semaphore, #tpu.memory_space<semaphore_mem>>
      %dma_start3A_159 = arith.constant 0 : i32
      %dma_start3A_160 = tpu.memref_slice %arg10[%mul3A_0, %dma_start3A_159] : memref<50048x8xf32, #tpu.memory_space<vmem_shared>> -> memref<3128x8xf32, #tpu.memory_space<vmem_shared>>
      tpu.enqueue_dma source(%arg5 : memref<3128x8xf32, #tpu.memory_space<hbm>>) target(%dma_start3A_160 : memref<3128x8xf32, #tpu.memory_space<vmem_shared>>) target_semaphore(%run_scoped3A_158 : memref<!tpu.dma_semaphore, #tpu.memory_space<semaphore_mem>>)
      %dma_wait3A_161 = arith.constant 0 : i32
      %dma_wait3A_162 = tpu.memref_slice %arg10[%mul3A_0, %dma_wait3A_161] : memref<50048x8xf32, #tpu.memory_space<vmem_shared>> -> memref<3128x8xf32, #tpu.memory_space<vmem_shared>>
      tpu.wait_dma2 semaphore(%run_scoped3A_158 : memref<!tpu.dma_semaphore, #tpu.memory_space<semaphore_mem>>) src(%arg5 : memref<3128x8xf32, #tpu.memory_space<hbm>>) dst(%dma_wait3A_162 : memref<3128x8xf32, #tpu.memory_space<vmem_shared>>)
      tpu.yield
    }) : () -> ()
    %barrier3A = arith.constant 0 : index
    tpu.barrier barrier_id(%barrier3A)
    "tpu.region"() ({
      %run_scoped3A_158 = tpu.sem_alloc : memref<!tpu.dma_semaphore, #tpu.memory_space<semaphore_mem>>
      %dma_start3A_159 = arith.constant 0 : i32
      %dma_start3A_160 = arith.constant 0 : i32
      %dma_start3A_161 = tpu.memref_slice %arg3[%arg1, %dma_start3A_159, %dma_start3A_160] : memref<16x782x128xi32, #tpu.memory_space<hbm>> -> memref<1x391x128xi32, #tpu.memory_space<hbm>>
      %dma_start3A_162 = tpu.memref_squeeze %dma_start3A_161 : memref<1x391x128xi32, #tpu.memory_space<hbm>> -> memref<391x128xi32, #tpu.memory_space<hbm>>
      %dma_start3A_163 = arith.constant 0 : i32
      %dma_start3A_164 = arith.constant 0 : i32
      %dma_start3A_165 = tpu.memref_slice %arg3[%arg1, %dma_start3A_163, %dma_start3A_164] : memref<16x782x128xi32, #tpu.memory_space<hbm>> -> memref<1x391x128xi32, #tpu.memory_space<hbm>>
      %dma_start3A_166 = tpu.memref_squeeze %dma_start3A_165 : memref<1x391x128xi32, #tpu.memory_space<hbm>> -> memref<391x128xi32, #tpu.memory_space<hbm>>
      tpu.enqueue_dma source(%dma_start3A_166 : memref<391x128xi32, #tpu.memory_space<hbm>>) target(%arg7 : memref<391x128xi32, #tpu.memory_space<vmem>>) target_semaphore(%run_scoped3A_158 : memref<!tpu.dma_semaphore, #tpu.memory_space<semaphore_mem>>)
      %dma_wait3A_167 = arith.constant 0 : i32
      %dma_wait3A_168 = arith.constant 0 : i32
      %dma_wait3A_169 = tpu.memref_slice %arg3[%arg1, %dma_wait3A_167, %dma_wait3A_168] : memref<16x782x128xi32, #tpu.memory_space<hbm>> -> memref<1x391x128xi32, #tpu.memory_space<hbm>>
      %dma_wait3A_170 = tpu.memref_squeeze %dma_wait3A_169 : memref<1x391x128xi32, #tpu.memory_space<hbm>> -> memref<391x128xi32, #tpu.memory_space<hbm>>
      %dma_wait3A_171 = arith.constant 0 : i32
      %dma_wait3A_172 = arith.constant 0 : i32
      %dma_wait3A_173 = tpu.memref_slice %arg3[%arg1, %dma_wait3A_171, %dma_wait3A_172] : memref<16x782x128xi32, #tpu.memory_space<hbm>> -> memref<1x391x128xi32, #tpu.memory_space<hbm>>
      %dma_wait3A_174 = tpu.memref_squeeze %dma_wait3A_173 : memref<1x391x128xi32, #tpu.memory_space<hbm>> -> memref<391x128xi32, #tpu.memory_space<hbm>>
      tpu.wait_dma2 semaphore(%run_scoped3A_158 : memref<!tpu.dma_semaphore, #tpu.memory_space<semaphore_mem>>) src(%dma_wait3A_174 : memref<391x128xi32, #tpu.memory_space<hbm>>) dst(%arg7 : memref<391x128xi32, #tpu.memory_space<vmem>>)
      tpu.yield
    }) : () -> ()
    "tpu.region"() ({
      %run_scoped3A_158 = tpu.sem_alloc : memref<!tpu.dma_semaphore, #tpu.memory_space<semaphore_mem>>
      %dma_start3A_159 = arith.constant 0 : i32
      %dma_start3A_160 = arith.constant 0 : i32
      %dma_start3A_161 = tpu.memref_slice %arg4[%arg0, %arg1, %dma_start3A_159, %dma_start3A_160] : memref<2x16x782x128xi32, #tpu.memory_space<hbm>> -> memref<1x1x391x128xi32, #tpu.memory_space<hbm>>
      %dma_start3A_162 = tpu.memref_squeeze %dma_start3A_161 : memref<1x1x391x128xi32, #tpu.memory_space<hbm>> -> memref<391x128xi32, #tpu.memory_space<hbm>>
      %dma_start3A_163 = arith.constant 0 : i32
      %dma_start3A_164 = arith.constant 0 : i32
      %dma_start3A_165 = tpu.memref_slice %arg4[%arg0, %arg1, %dma_start3A_163, %dma_start3A_164] : memref<2x16x782x128xi32, #tpu.memory_space<hbm>> -> memref<1x1x391x128xi32, #tpu.memory_space<hbm>>
      %dma_start3A_166 = tpu.memref_squeeze %dma_start3A_165 : memref<1x1x391x128xi32, #tpu.memory_space<hbm>> -> memref<391x128xi32, #tpu.memory_space<hbm>>
      tpu.enqueue_dma source(%dma_start3A_166 : memref<391x128xi32, #tpu.memory_space<hbm>>) target(%arg8 : memref<391x128xi32, #tpu.memory_space<vmem>>) target_semaphore(%run_scoped3A_158 : memref<!tpu.dma_semaphore, #tpu.memory_space<semaphore_mem>>)
      %dma_wait3A_167 = arith.constant 0 : i32
      %dma_wait3A_168 = arith.constant 0 : i32
      %dma_wait3A_169 = tpu.memref_slice %arg4[%arg0, %arg1, %dma_wait3A_167, %dma_wait3A_168] : memref<2x16x782x128xi32, #tpu.memory_space<hbm>> -> memref<1x1x391x128xi32, #tpu.memory_space<hbm>>
      %dma_wait3A_170 = tpu.memref_squeeze %dma_wait3A_169 : memref<1x1x391x128xi32, #tpu.memory_space<hbm>> -> memref<391x128xi32, #tpu.memory_space<hbm>>
      %dma_wait3A_171 = arith.constant 0 : i32
      %dma_wait3A_172 = arith.constant 0 : i32
      %dma_wait3A_173 = tpu.memref_slice %arg4[%arg0, %arg1, %dma_wait3A_171, %dma_wait3A_172] : memref<2x16x782x128xi32, #tpu.memory_space<hbm>> -> memref<1x1x391x128xi32, #tpu.memory_space<hbm>>
      %dma_wait3A_174 = tpu.memref_squeeze %dma_wait3A_173 : memref<1x1x391x128xi32, #tpu.memory_space<hbm>> -> memref<391x128xi32, #tpu.memory_space<hbm>>
      tpu.wait_dma2 semaphore(%run_scoped3A_158 : memref<!tpu.dma_semaphore, #tpu.memory_space<semaphore_mem>>) src(%dma_wait3A_174 : memref<391x128xi32, #tpu.memory_space<hbm>>) dst(%arg8 : memref<391x128xi32, #tpu.memory_space<vmem>>)
      tpu.yield
    }) : () -> ()
    %dma_start3A = arith.constant 0 : i32
    %dma_start3A_1 = arith.constant 0 : i32
    %dma_start3A_2 = arith.constant 0 : i32
    %dma_start3A_3 = arith.constant 0 : i32
    %dma_start3A_4 = tpu.memref_slice %arg9[%dma_start3A_1, %dma_start3A_2, %dma_start3A_3] : memref<5x128x8xf32, #tpu.memory_space<vmem>> -> memref<1x128x8xf32, #tpu.memory_space<vmem>>
    %dma_start3A_5 = tpu.memref_squeeze %dma_start3A_4 : memref<1x128x8xf32, #tpu.memory_space<vmem>> -> memref<128x8xf32, #tpu.memory_space<vmem>>
    %dma_start3A_6 = arith.constant 0 : i32
    %dma_start3A_7 = tpu.memref_slice %arg7[%dma_start3A, %dma_start3A_6] : memref<391x128xi32, #tpu.memory_space<vmem>> -> memref<1x128xi32, #tpu.memory_space<vmem>>
    %dma_start3A_8 = tpu.memref_squeeze %dma_start3A_7 : memref<1x128xi32, #tpu.memory_space<vmem>> -> memref<128xi32, #tpu.memory_space<vmem>>
    %dma_start3A_9 = arith.constant 0 : i32
    %dma_start3A_10 = arith.constant 0 : i32
    %dma_start3A_11 = tpu.memref_slice %arg2[%dma_start3A_9, %dma_start3A_10] : memref<100000x8xf32, #tpu.memory_space<hbm>> -> memref<100000x8xf32, #tpu.memory_space<hbm>>
    tpu.enqueue_indirect_dma source(%dma_start3A_11 : memref<100000x8xf32, #tpu.memory_space<hbm>>) target(%dma_start3A_5 : memref<128x8xf32, #tpu.memory_space<vmem>>) offsets(%dma_start3A_8 : memref<128xi32, #tpu.memory_space<vmem>>) semaphore(%arg11 : memref<!tpu.dma_semaphore, #tpu.memory_space<semaphore_mem>>)
    %dma_start3A_12 = arith.constant 1 : i32
    %dma_start3A_13 = arith.constant 1 : i32
    %dma_start3A_14 = arith.constant 0 : i32
    %dma_start3A_15 = arith.constant 0 : i32
    %dma_start3A_16 = tpu.memref_slice %arg9[%dma_start3A_13, %dma_start3A_14, %dma_start3A_15] : memref<5x128x8xf32, #tpu.memory_space<vmem>> -> memref<1x128x8xf32, #tpu.memory_space<vmem>>
    %dma_start3A_17 = tpu.memref_squeeze %dma_start3A_16 : memref<1x128x8xf32, #tpu.memory_space<vmem>> -> memref<128x8xf32, #tpu.memory_space<vmem>>
    %dma_start3A_18 = arith.constant 0 : i32
    %dma_start3A_19 = tpu.memref_slice %arg7[%dma_start3A_12, %dma_start3A_18] : memref<391x128xi32, #tpu.memory_space<vmem>> -> memref<1x128xi32, #tpu.memory_space<vmem>>
    %dma_start3A_20 = tpu.memref_squeeze %dma_start3A_19 : memref<1x128xi32, #tpu.memory_space<vmem>> -> memref<128xi32, #tpu.memory_space<vmem>>
    %dma_start3A_21 = arith.constant 0 : i32
    %dma_start3A_22 = arith.constant 0 : i32
    %dma_start3A_23 = tpu.memref_slice %arg2[%dma_start3A_21, %dma_start3A_22] : memref<100000x8xf32, #tpu.memory_space<hbm>> -> memref<100000x8xf32, #tpu.memory_space<hbm>>
    tpu.enqueue_indirect_dma source(%dma_start3A_23 : memref<100000x8xf32, #tpu.memory_space<hbm>>) target(%dma_start3A_17 : memref<128x8xf32, #tpu.memory_space<vmem>>) offsets(%dma_start3A_20 : memref<128xi32, #tpu.memory_space<vmem>>) semaphore(%arg12 : memref<!tpu.dma_semaphore, #tpu.memory_space<semaphore_mem>>)
    %dma_start3A_24 = arith.constant 2 : i32
    %dma_start3A_25 = arith.constant 2 : i32
    %dma_start3A_26 = arith.constant 0 : i32
    %dma_start3A_27 = arith.constant 0 : i32
    %dma_start3A_28 = tpu.memref_slice %arg9[%dma_start3A_25, %dma_start3A_26, %dma_start3A_27] : memref<5x128x8xf32, #tpu.memory_space<vmem>> -> memref<1x128x8xf32, #tpu.memory_space<vmem>>
    %dma_start3A_29 = tpu.memref_squeeze %dma_start3A_28 : memref<1x128x8xf32, #tpu.memory_space<vmem>> -> memref<128x8xf32, #tpu.memory_space<vmem>>
    %dma_start3A_30 = arith.constant 0 : i32
    %dma_start3A_31 = tpu.memref_slice %arg7[%dma_start3A_24, %dma_start3A_30] : memref<391x128xi32, #tpu.memory_space<vmem>> -> memref<1x128xi32, #tpu.memory_space<vmem>>
    %dma_start3A_32 = tpu.memref_squeeze %dma_start3A_31 : memref<1x128xi32, #tpu.memory_space<vmem>> -> memref<128xi32, #tpu.memory_space<vmem>>
    %dma_start3A_33 = arith.constant 0 : i32
    %dma_start3A_34 = arith.constant 0 : i32
    %dma_start3A_35 = tpu.memref_slice %arg2[%dma_start3A_33, %dma_start3A_34] : memref<100000x8xf32, #tpu.memory_space<hbm>> -> memref<100000x8xf32, #tpu.memory_space<hbm>>
    tpu.enqueue_indirect_dma source(%dma_start3A_35 : memref<100000x8xf32, #tpu.memory_space<hbm>>) target(%dma_start3A_29 : memref<128x8xf32, #tpu.memory_space<vmem>>) offsets(%dma_start3A_32 : memref<128xi32, #tpu.memory_space<vmem>>) semaphore(%arg13 : memref<!tpu.dma_semaphore, #tpu.memory_space<semaphore_mem>>)
    %dma_start3A_36 = arith.constant 3 : i32
    %dma_start3A_37 = arith.constant 3 : i32
    %dma_start3A_38 = arith.constant 0 : i32
    %dma_start3A_39 = arith.constant 0 : i32
    %dma_start3A_40 = tpu.memref_slice %arg9[%dma_start3A_37, %dma_start3A_38, %dma_start3A_39] : memref<5x128x8xf32, #tpu.memory_space<vmem>> -> memref<1x128x8xf32, #tpu.memory_space<vmem>>
    %dma_start3A_41 = tpu.memref_squeeze %dma_start3A_40 : memref<1x128x8xf32, #tpu.memory_space<vmem>> -> memref<128x8xf32, #tpu.memory_space<vmem>>
    %dma_start3A_42 = arith.constant 0 : i32
    %dma_start3A_43 = tpu.memref_slice %arg7[%dma_start3A_36, %dma_start3A_42] : memref<391x128xi32, #tpu.memory_space<vmem>> -> memref<1x128xi32, #tpu.memory_space<vmem>>
    %dma_start3A_44 = tpu.memref_squeeze %dma_start3A_43 : memref<1x128xi32, #tpu.memory_space<vmem>> -> memref<128xi32, #tpu.memory_space<vmem>>
    %dma_start3A_45 = arith.constant 0 : i32
    %dma_start3A_46 = arith.constant 0 : i32
    %dma_start3A_47 = tpu.memref_slice %arg2[%dma_start3A_45, %dma_start3A_46] : memref<100000x8xf32, #tpu.memory_space<hbm>> -> memref<100000x8xf32, #tpu.memory_space<hbm>>
    tpu.enqueue_indirect_dma source(%dma_start3A_47 : memref<100000x8xf32, #tpu.memory_space<hbm>>) target(%dma_start3A_41 : memref<128x8xf32, #tpu.memory_space<vmem>>) offsets(%dma_start3A_44 : memref<128xi32, #tpu.memory_space<vmem>>) semaphore(%arg14 : memref<!tpu.dma_semaphore, #tpu.memory_space<semaphore_mem>>)
    %dma_start3A_48 = arith.constant 4 : i32
    %dma_start3A_49 = arith.constant 4 : i32
    %dma_start3A_50 = arith.constant 0 : i32
    %dma_start3A_51 = arith.constant 0 : i32
    %dma_start3A_52 = tpu.memref_slice %arg9[%dma_start3A_49, %dma_start3A_50, %dma_start3A_51] : memref<5x128x8xf32, #tpu.memory_space<vmem>> -> memref<1x128x8xf32, #tpu.memory_space<vmem>>
    %dma_start3A_53 = tpu.memref_squeeze %dma_start3A_52 : memref<1x128x8xf32, #tpu.memory_space<vmem>> -> memref<128x8xf32, #tpu.memory_space<vmem>>
    %dma_start3A_54 = arith.constant 0 : i32
    %dma_start3A_55 = tpu.memref_slice %arg7[%dma_start3A_48, %dma_start3A_54] : memref<391x128xi32, #tpu.memory_space<vmem>> -> memref<1x128xi32, #tpu.memory_space<vmem>>
    %dma_start3A_56 = tpu.memref_squeeze %dma_start3A_55 : memref<1x128xi32, #tpu.memory_space<vmem>> -> memref<128xi32, #tpu.memory_space<vmem>>
    %dma_start3A_57 = arith.constant 0 : i32
    %dma_start3A_58 = arith.constant 0 : i32
    %dma_start3A_59 = tpu.memref_slice %arg2[%dma_start3A_57, %dma_start3A_58] : memref<100000x8xf32, #tpu.memory_space<hbm>> -> memref<100000x8xf32, #tpu.memory_space<hbm>>
    tpu.enqueue_indirect_dma source(%dma_start3A_59 : memref<100000x8xf32, #tpu.memory_space<hbm>>) target(%dma_start3A_53 : memref<128x8xf32, #tpu.memory_space<vmem>>) offsets(%dma_start3A_56 : memref<128xi32, #tpu.memory_space<vmem>>) semaphore(%arg15 : memref<!tpu.dma_semaphore, #tpu.memory_space<semaphore_mem>>)
    %scan3A = arith.constant 0 : i32
    %scan3A_60 = arith.constant 0 : i32
    %scan3A_61 = arith.constant 78 : i32
    %scan3A_62 = arith.addi %scan3A_60, %scan3A_61 : i32
    %scan3A_63 = arith.constant 1 : i32
    scf.for %scan3A_158 = %scan3A_60 to %scan3A_62 step %scan3A_63  : i32 {
      %mul3A_159 = arith.constant 5 : i32
      %mul3A_160 = arith.muli %scan3A_158, %mul3A_159 : i32
      %add3A = arith.constant 0 : i32
      %add3A_161 = arith.addi %mul3A_160, %add3A : i32
      %dma_wait3A_162 = arith.constant 0 : i32
      %dma_wait3A_163 = arith.constant 0 : i32
      %dma_wait3A_164 = arith.constant 0 : i32
      %dma_wait3A_165 = tpu.memref_slice %arg9[%dma_wait3A_162, %dma_wait3A_163, %dma_wait3A_164] : memref<5x128x8xf32, #tpu.memory_space<vmem>> -> memref<1x128x8xf32, #tpu.memory_space<vmem>>
      %dma_wait3A_166 = tpu.memref_squeeze %dma_wait3A_165 : memref<1x128x8xf32, #tpu.memory_space<vmem>> -> memref<128x8xf32, #tpu.memory_space<vmem>>
      %dma_wait3A_167 = arith.constant 0 : i32
      %dma_wait3A_168 = tpu.memref_slice %arg7[%add3A_161, %dma_wait3A_167] : memref<391x128xi32, #tpu.memory_space<vmem>> -> memref<1x128xi32, #tpu.memory_space<vmem>>
      %dma_wait3A_169 = tpu.memref_squeeze %dma_wait3A_168 : memref<1x128xi32, #tpu.memory_space<vmem>> -> memref<128xi32, #tpu.memory_space<vmem>>
      %dma_wait3A_170 = arith.constant 0 : i32
      %dma_wait3A_171 = arith.constant 0 : i32
      %dma_wait3A_172 = tpu.memref_slice %arg2[%dma_wait3A_170, %dma_wait3A_171] : memref<100000x8xf32, #tpu.memory_space<hbm>> -> memref<100000x8xf32, #tpu.memory_space<hbm>>
      tpu.wait_indirect_dma semaphore(%arg11 : memref<!tpu.dma_semaphore, #tpu.memory_space<semaphore_mem>>) src(%dma_wait3A_172 : memref<100000x8xf32, #tpu.memory_space<hbm>>) dst(%dma_wait3A_166 : memref<128x8xf32, #tpu.memory_space<vmem>>)
      %add3A_173 = arith.constant 0 : i32
      %add3A_174 = arith.addi %mul3A_160, %add3A_173 : i32
      %dma_start3A_175 = arith.constant 0 : i32
      %dma_start3A_176 = arith.constant 0 : i32
      %dma_start3A_177 = arith.constant 0 : i32
      %dma_start3A_178 = tpu.memref_slice %arg9[%dma_start3A_175, %dma_start3A_176, %dma_start3A_177] : memref<5x128x8xf32, #tpu.memory_space<vmem>> -> memref<1x128x8xf32, #tpu.memory_space<vmem>>
      %dma_start3A_179 = tpu.memref_squeeze %dma_start3A_178 : memref<1x128x8xf32, #tpu.memory_space<vmem>> -> memref<128x8xf32, #tpu.memory_space<vmem>>
      %dma_start3A_180 = arith.constant 0 : i32
      %dma_start3A_181 = tpu.memref_slice %arg8[%add3A_174, %dma_start3A_180] : memref<391x128xi32, #tpu.memory_space<vmem>> -> memref<1x128xi32, #tpu.memory_space<vmem>>
      %dma_start3A_182 = tpu.memref_squeeze %dma_start3A_181 : memref<1x128xi32, #tpu.memory_space<vmem>> -> memref<128xi32, #tpu.memory_space<vmem>>
      %dma_start3A_183 = arith.constant 0 : i32
      %dma_start3A_184 = arith.constant 0 : i32
      %dma_start3A_185 = tpu.memref_slice %arg10[%dma_start3A_183, %dma_start3A_184] : memref<50048x8xf32, #tpu.memory_space<vmem_shared>> -> memref<50048x8xf32, #tpu.memory_space<vmem_shared>>
      tpu.enqueue_indirect_dma source(%dma_start3A_179 : memref<128x8xf32, #tpu.memory_space<vmem>>) target(%dma_start3A_185 : memref<50048x8xf32, #tpu.memory_space<vmem_shared>>) offsets(%dma_start3A_182 : memref<128xi32, #tpu.memory_space<vmem>>) semaphore(%arg16 : memref<!tpu.dma_semaphore, #tpu.memory_space<semaphore_mem>>) {add = true}
      %add3A_186 = arith.constant 1 : i32
      %add3A_187 = arith.addi %mul3A_160, %add3A_186 : i32
      %dma_wait3A_188 = arith.constant 1 : i32
      %dma_wait3A_189 = arith.constant 0 : i32
      %dma_wait3A_190 = arith.constant 0 : i32
      %dma_wait3A_191 = tpu.memref_slice %arg9[%dma_wait3A_188, %dma_wait3A_189, %dma_wait3A_190] : memref<5x128x8xf32, #tpu.memory_space<vmem>> -> memref<1x128x8xf32, #tpu.memory_space<vmem>>
      %dma_wait3A_192 = tpu.memref_squeeze %dma_wait3A_191 : memref<1x128x8xf32, #tpu.memory_space<vmem>> -> memref<128x8xf32, #tpu.memory_space<vmem>>
      %dma_wait3A_193 = arith.constant 0 : i32
      %dma_wait3A_194 = tpu.memref_slice %arg7[%add3A_187, %dma_wait3A_193] : memref<391x128xi32, #tpu.memory_space<vmem>> -> memref<1x128xi32, #tpu.memory_space<vmem>>
      %dma_wait3A_195 = tpu.memref_squeeze %dma_wait3A_194 : memref<1x128xi32, #tpu.memory_space<vmem>> -> memref<128xi32, #tpu.memory_space<vmem>>
      %dma_wait3A_196 = arith.constant 0 : i32
      %dma_wait3A_197 = arith.constant 0 : i32
      %dma_wait3A_198 = tpu.memref_slice %arg2[%dma_wait3A_196, %dma_wait3A_197] : memref<100000x8xf32, #tpu.memory_space<hbm>> -> memref<100000x8xf32, #tpu.memory_space<hbm>>
      tpu.wait_indirect_dma semaphore(%arg12 : memref<!tpu.dma_semaphore, #tpu.memory_space<semaphore_mem>>) src(%dma_wait3A_198 : memref<100000x8xf32, #tpu.memory_space<hbm>>) dst(%dma_wait3A_192 : memref<128x8xf32, #tpu.memory_space<vmem>>)
      %add3A_199 = arith.constant 1 : i32
      %add3A_200 = arith.addi %mul3A_160, %add3A_199 : i32
      %dma_start3A_201 = arith.constant 1 : i32
      %dma_start3A_202 = arith.constant 0 : i32
      %dma_start3A_203 = arith.constant 0 : i32
      %dma_start3A_204 = tpu.memref_slice %arg9[%dma_start3A_201, %dma_start3A_202, %dma_start3A_203] : memref<5x128x8xf32, #tpu.memory_space<vmem>> -> memref<1x128x8xf32, #tpu.memory_space<vmem>>
      %dma_start3A_205 = tpu.memref_squeeze %dma_start3A_204 : memref<1x128x8xf32, #tpu.memory_space<vmem>> -> memref<128x8xf32, #tpu.memory_space<vmem>>
      %dma_start3A_206 = arith.constant 0 : i32
      %dma_start3A_207 = tpu.memref_slice %arg8[%add3A_200, %dma_start3A_206] : memref<391x128xi32, #tpu.memory_space<vmem>> -> memref<1x128xi32, #tpu.memory_space<vmem>>
      %dma_start3A_208 = tpu.memref_squeeze %dma_start3A_207 : memref<1x128xi32, #tpu.memory_space<vmem>> -> memref<128xi32, #tpu.memory_space<vmem>>
      %dma_start3A_209 = arith.constant 0 : i32
      %dma_start3A_210 = arith.constant 0 : i32
      %dma_start3A_211 = tpu.memref_slice %arg10[%dma_start3A_209, %dma_start3A_210] : memref<50048x8xf32, #tpu.memory_space<vmem_shared>> -> memref<50048x8xf32, #tpu.memory_space<vmem_shared>>
      tpu.enqueue_indirect_dma source(%dma_start3A_205 : memref<128x8xf32, #tpu.memory_space<vmem>>) target(%dma_start3A_211 : memref<50048x8xf32, #tpu.memory_space<vmem_shared>>) offsets(%dma_start3A_208 : memref<128xi32, #tpu.memory_space<vmem>>) semaphore(%arg17 : memref<!tpu.dma_semaphore, #tpu.memory_space<semaphore_mem>>) {add = true}
      %add3A_212 = arith.constant 2 : i32
      %add3A_213 = arith.addi %mul3A_160, %add3A_212 : i32
      %dma_wait3A_214 = arith.constant 2 : i32
      %dma_wait3A_215 = arith.constant 0 : i32
      %dma_wait3A_216 = arith.constant 0 : i32
      %dma_wait3A_217 = tpu.memref_slice %arg9[%dma_wait3A_214, %dma_wait3A_215, %dma_wait3A_216] : memref<5x128x8xf32, #tpu.memory_space<vmem>> -> memref<1x128x8xf32, #tpu.memory_space<vmem>>
      %dma_wait3A_218 = tpu.memref_squeeze %dma_wait3A_217 : memref<1x128x8xf32, #tpu.memory_space<vmem>> -> memref<128x8xf32, #tpu.memory_space<vmem>>
      %dma_wait3A_219 = arith.constant 0 : i32
      %dma_wait3A_220 = tpu.memref_slice %arg7[%add3A_213, %dma_wait3A_219] : memref<391x128xi32, #tpu.memory_space<vmem>> -> memref<1x128xi32, #tpu.memory_space<vmem>>
      %dma_wait3A_221 = tpu.memref_squeeze %dma_wait3A_220 : memref<1x128xi32, #tpu.memory_space<vmem>> -> memref<128xi32, #tpu.memory_space<vmem>>
      %dma_wait3A_222 = arith.constant 0 : i32
      %dma_wait3A_223 = arith.constant 0 : i32
      %dma_wait3A_224 = tpu.memref_slice %arg2[%dma_wait3A_222, %dma_wait3A_223] : memref<100000x8xf32, #tpu.memory_space<hbm>> -> memref<100000x8xf32, #tpu.memory_space<hbm>>
      tpu.wait_indirect_dma semaphore(%arg13 : memref<!tpu.dma_semaphore, #tpu.memory_space<semaphore_mem>>) src(%dma_wait3A_224 : memref<100000x8xf32, #tpu.memory_space<hbm>>) dst(%dma_wait3A_218 : memref<128x8xf32, #tpu.memory_space<vmem>>)
      %add3A_225 = arith.constant 2 : i32
      %add3A_226 = arith.addi %mul3A_160, %add3A_225 : i32
      %dma_start3A_227 = arith.constant 2 : i32
      %dma_start3A_228 = arith.constant 0 : i32
      %dma_start3A_229 = arith.constant 0 : i32
      %dma_start3A_230 = tpu.memref_slice %arg9[%dma_start3A_227, %dma_start3A_228, %dma_start3A_229] : memref<5x128x8xf32, #tpu.memory_space<vmem>> -> memref<1x128x8xf32, #tpu.memory_space<vmem>>
      %dma_start3A_231 = tpu.memref_squeeze %dma_start3A_230 : memref<1x128x8xf32, #tpu.memory_space<vmem>> -> memref<128x8xf32, #tpu.memory_space<vmem>>
      %dma_start3A_232 = arith.constant 0 : i32
      %dma_start3A_233 = tpu.memref_slice %arg8[%add3A_226, %dma_start3A_232] : memref<391x128xi32, #tpu.memory_space<vmem>> -> memref<1x128xi32, #tpu.memory_space<vmem>>
      %dma_start3A_234 = tpu.memref_squeeze %dma_start3A_233 : memref<1x128xi32, #tpu.memory_space<vmem>> -> memref<128xi32, #tpu.memory_space<vmem>>
      %dma_start3A_235 = arith.constant 0 : i32
      %dma_start3A_236 = arith.constant 0 : i32
      %dma_start3A_237 = tpu.memref_slice %arg10[%dma_start3A_235, %dma_start3A_236] : memref<50048x8xf32, #tpu.memory_space<vmem_shared>> -> memref<50048x8xf32, #tpu.memory_space<vmem_shared>>
      tpu.enqueue_indirect_dma source(%dma_start3A_231 : memref<128x8xf32, #tpu.memory_space<vmem>>) target(%dma_start3A_237 : memref<50048x8xf32, #tpu.memory_space<vmem_shared>>) offsets(%dma_start3A_234 : memref<128xi32, #tpu.memory_space<vmem>>) semaphore(%arg18 : memref<!tpu.dma_semaphore, #tpu.memory_space<semaphore_mem>>) {add = true}
      %add3A_238 = arith.constant 3 : i32
      %add3A_239 = arith.addi %mul3A_160, %add3A_238 : i32
      %dma_wait3A_240 = arith.constant 3 : i32
      %dma_wait3A_241 = arith.constant 0 : i32
      %dma_wait3A_242 = arith.constant 0 : i32
      %dma_wait3A_243 = tpu.memref_slice %arg9[%dma_wait3A_240, %dma_wait3A_241, %dma_wait3A_242] : memref<5x128x8xf32, #tpu.memory_space<vmem>> -> memref<1x128x8xf32, #tpu.memory_space<vmem>>
      %dma_wait3A_244 = tpu.memref_squeeze %dma_wait3A_243 : memref<1x128x8xf32, #tpu.memory_space<vmem>> -> memref<128x8xf32, #tpu.memory_space<vmem>>
      %dma_wait3A_245 = arith.constant 0 : i32
      %dma_wait3A_246 = tpu.memref_slice %arg7[%add3A_239, %dma_wait3A_245] : memref<391x128xi32, #tpu.memory_space<vmem>> -> memref<1x128xi32, #tpu.memory_space<vmem>>
      %dma_wait3A_247 = tpu.memref_squeeze %dma_wait3A_246 : memref<1x128xi32, #tpu.memory_space<vmem>> -> memref<128xi32, #tpu.memory_space<vmem>>
      %dma_wait3A_248 = arith.constant 0 : i32
      %dma_wait3A_249 = arith.constant 0 : i32
      %dma_wait3A_250 = tpu.memref_slice %arg2[%dma_wait3A_248, %dma_wait3A_249] : memref<100000x8xf32, #tpu.memory_space<hbm>> -> memref<100000x8xf32, #tpu.memory_space<hbm>>
      tpu.wait_indirect_dma semaphore(%arg14 : memref<!tpu.dma_semaphore, #tpu.memory_space<semaphore_mem>>) src(%dma_wait3A_250 : memref<100000x8xf32, #tpu.memory_space<hbm>>) dst(%dma_wait3A_244 : memref<128x8xf32, #tpu.memory_space<vmem>>)
      %add3A_251 = arith.constant 3 : i32
      %add3A_252 = arith.addi %mul3A_160, %add3A_251 : i32
      %dma_start3A_253 = arith.constant 3 : i32
      %dma_start3A_254 = arith.constant 0 : i32
      %dma_start3A_255 = arith.constant 0 : i32
      %dma_start3A_256 = tpu.memref_slice %arg9[%dma_start3A_253, %dma_start3A_254, %dma_start3A_255] : memref<5x128x8xf32, #tpu.memory_space<vmem>> -> memref<1x128x8xf32, #tpu.memory_space<vmem>>
      %dma_start3A_257 = tpu.memref_squeeze %dma_start3A_256 : memref<1x128x8xf32, #tpu.memory_space<vmem>> -> memref<128x8xf32, #tpu.memory_space<vmem>>
      %dma_start3A_258 = arith.constant 0 : i32
      %dma_start3A_259 = tpu.memref_slice %arg8[%add3A_252, %dma_start3A_258] : memref<391x128xi32, #tpu.memory_space<vmem>> -> memref<1x128xi32, #tpu.memory_space<vmem>>
      %dma_start3A_260 = tpu.memref_squeeze %dma_start3A_259 : memref<1x128xi32, #tpu.memory_space<vmem>> -> memref<128xi32, #tpu.memory_space<vmem>>
      %dma_start3A_261 = arith.constant 0 : i32
      %dma_start3A_262 = arith.constant 0 : i32
      %dma_start3A_263 = tpu.memref_slice %arg10[%dma_start3A_261, %dma_start3A_262] : memref<50048x8xf32, #tpu.memory_space<vmem_shared>> -> memref<50048x8xf32, #tpu.memory_space<vmem_shared>>
      tpu.enqueue_indirect_dma source(%dma_start3A_257 : memref<128x8xf32, #tpu.memory_space<vmem>>) target(%dma_start3A_263 : memref<50048x8xf32, #tpu.memory_space<vmem_shared>>) offsets(%dma_start3A_260 : memref<128xi32, #tpu.memory_space<vmem>>) semaphore(%arg19 : memref<!tpu.dma_semaphore, #tpu.memory_space<semaphore_mem>>) {add = true}
      %add3A_264 = arith.constant 4 : i32
      %add3A_265 = arith.addi %mul3A_160, %add3A_264 : i32
      %dma_wait3A_266 = arith.constant 4 : i32
      %dma_wait3A_267 = arith.constant 0 : i32
      %dma_wait3A_268 = arith.constant 0 : i32
      %dma_wait3A_269 = tpu.memref_slice %arg9[%dma_wait3A_266, %dma_wait3A_267, %dma_wait3A_268] : memref<5x128x8xf32, #tpu.memory_space<vmem>> -> memref<1x128x8xf32, #tpu.memory_space<vmem>>
      %dma_wait3A_270 = tpu.memref_squeeze %dma_wait3A_269 : memref<1x128x8xf32, #tpu.memory_space<vmem>> -> memref<128x8xf32, #tpu.memory_space<vmem>>
      %dma_wait3A_271 = arith.constant 0 : i32
      %dma_wait3A_272 = tpu.memref_slice %arg7[%add3A_265, %dma_wait3A_271] : memref<391x128xi32, #tpu.memory_space<vmem>> -> memref<1x128xi32, #tpu.memory_space<vmem>>
      %dma_wait3A_273 = tpu.memref_squeeze %dma_wait3A_272 : memref<1x128xi32, #tpu.memory_space<vmem>> -> memref<128xi32, #tpu.memory_space<vmem>>
      %dma_wait3A_274 = arith.constant 0 : i32
      %dma_wait3A_275 = arith.constant 0 : i32
      %dma_wait3A_276 = tpu.memref_slice %arg2[%dma_wait3A_274, %dma_wait3A_275] : memref<100000x8xf32, #tpu.memory_space<hbm>> -> memref<100000x8xf32, #tpu.memory_space<hbm>>
      tpu.wait_indirect_dma semaphore(%arg15 : memref<!tpu.dma_semaphore, #tpu.memory_space<semaphore_mem>>) src(%dma_wait3A_276 : memref<100000x8xf32, #tpu.memory_space<hbm>>) dst(%dma_wait3A_270 : memref<128x8xf32, #tpu.memory_space<vmem>>)
      %add3A_277 = arith.constant 4 : i32
      %add3A_278 = arith.addi %mul3A_160, %add3A_277 : i32
      %dma_start3A_279 = arith.constant 4 : i32
      %dma_start3A_280 = arith.constant 0 : i32
      %dma_start3A_281 = arith.constant 0 : i32
      %dma_start3A_282 = tpu.memref_slice %arg9[%dma_start3A_279, %dma_start3A_280, %dma_start3A_281] : memref<5x128x8xf32, #tpu.memory_space<vmem>> -> memref<1x128x8xf32, #tpu.memory_space<vmem>>
      %dma_start3A_283 = tpu.memref_squeeze %dma_start3A_282 : memref<1x128x8xf32, #tpu.memory_space<vmem>> -> memref<128x8xf32, #tpu.memory_space<vmem>>
      %dma_start3A_284 = arith.constant 0 : i32
      %dma_start3A_285 = tpu.memref_slice %arg8[%add3A_278, %dma_start3A_284] : memref<391x128xi32, #tpu.memory_space<vmem>> -> memref<1x128xi32, #tpu.memory_space<vmem>>
      %dma_start3A_286 = tpu.memref_squeeze %dma_start3A_285 : memref<1x128xi32, #tpu.memory_space<vmem>> -> memref<128xi32, #tpu.memory_space<vmem>>
      %dma_start3A_287 = arith.constant 0 : i32
      %dma_start3A_288 = arith.constant 0 : i32
      %dma_start3A_289 = tpu.memref_slice %arg10[%dma_start3A_287, %dma_start3A_288] : memref<50048x8xf32, #tpu.memory_space<vmem_shared>> -> memref<50048x8xf32, #tpu.memory_space<vmem_shared>>
      tpu.enqueue_indirect_dma source(%dma_start3A_283 : memref<128x8xf32, #tpu.memory_space<vmem>>) target(%dma_start3A_289 : memref<50048x8xf32, #tpu.memory_space<vmem_shared>>) offsets(%dma_start3A_286 : memref<128xi32, #tpu.memory_space<vmem>>) semaphore(%arg20 : memref<!tpu.dma_semaphore, #tpu.memory_space<semaphore_mem>>) {add = true}
      %add3A_290 = arith.constant 0 : i32
      %add3A_291 = arith.addi %mul3A_160, %add3A_290 : i32
      %dma_wait3A_292 = arith.constant 0 : i32
      %dma_wait3A_293 = arith.constant 0 : i32
      %dma_wait3A_294 = arith.constant 0 : i32
      %dma_wait3A_295 = tpu.memref_slice %arg9[%dma_wait3A_292, %dma_wait3A_293, %dma_wait3A_294] : memref<5x128x8xf32, #tpu.memory_space<vmem>> -> memref<1x128x8xf32, #tpu.memory_space<vmem>>
      %dma_wait3A_296 = tpu.memref_squeeze %dma_wait3A_295 : memref<1x128x8xf32, #tpu.memory_space<vmem>> -> memref<128x8xf32, #tpu.memory_space<vmem>>
      %dma_wait3A_297 = arith.constant 0 : i32
      %dma_wait3A_298 = tpu.memref_slice %arg8[%add3A_291, %dma_wait3A_297] : memref<391x128xi32, #tpu.memory_space<vmem>> -> memref<1x128xi32, #tpu.memory_space<vmem>>
      %dma_wait3A_299 = tpu.memref_squeeze %dma_wait3A_298 : memref<1x128xi32, #tpu.memory_space<vmem>> -> memref<128xi32, #tpu.memory_space<vmem>>
      %dma_wait3A_300 = arith.constant 0 : i32
      %dma_wait3A_301 = arith.constant 0 : i32
      %dma_wait3A_302 = tpu.memref_slice %arg10[%dma_wait3A_300, %dma_wait3A_301] : memref<50048x8xf32, #tpu.memory_space<vmem_shared>> -> memref<50048x8xf32, #tpu.memory_space<vmem_shared>>
      tpu.wait_indirect_dma semaphore(%arg16 : memref<!tpu.dma_semaphore, #tpu.memory_space<semaphore_mem>>) src(%dma_wait3A_296 : memref<128x8xf32, #tpu.memory_space<vmem>>) dst(%dma_wait3A_302 : memref<50048x8xf32, #tpu.memory_space<vmem_shared>>)
      %add3A_303 = arith.constant 5 : i32
      %add3A_304 = arith.addi %mul3A_160, %add3A_303 : i32
      %add3A_305 = arith.constant 0 : i32
      %add3A_306 = arith.addi %add3A_304, %add3A_305 : i32
      %lt3A = arith.constant 391 : i32
      %lt3A_307 = arith.cmpi slt, %add3A_306, %lt3A : i32
      %convert_element_type3A = arith.extui %lt3A_307 : i1 to i32
      %cond3A = arith.constant 0 : i32
      %cond3A_308 = arith.cmpi ne, %convert_element_type3A, %cond3A : i32
      scf.if %cond3A_308 {
        %add3A_397 = arith.constant 5 : i32
        %add3A_398 = arith.addi %mul3A_160, %add3A_397 : i32
        %add3A_399 = arith.constant 0 : i32
        %add3A_400 = arith.addi %add3A_398, %add3A_399 : i32
        %dma_start3A_401 = arith.constant 0 : i32
        %dma_start3A_402 = arith.constant 0 : i32
        %dma_start3A_403 = arith.constant 0 : i32
        %dma_start3A_404 = tpu.memref_slice %arg9[%dma_start3A_401, %dma_start3A_402, %dma_start3A_403] : memref<5x128x8xf32, #tpu.memory_space<vmem>> -> memref<1x128x8xf32, #tpu.memory_space<vmem>>
        %dma_start3A_405 = tpu.memref_squeeze %dma_start3A_404 : memref<1x128x8xf32, #tpu.memory_space<vmem>> -> memref<128x8xf32, #tpu.memory_space<vmem>>
        %dma_start3A_406 = arith.constant 0 : i32
        %dma_start3A_407 = tpu.memref_slice %arg7[%add3A_400, %dma_start3A_406] : memref<391x128xi32, #tpu.memory_space<vmem>> -> memref<1x128xi32, #tpu.memory_space<vmem>>
        %dma_start3A_408 = tpu.memref_squeeze %dma_start3A_407 : memref<1x128xi32, #tpu.memory_space<vmem>> -> memref<128xi32, #tpu.memory_space<vmem>>
        %dma_start3A_409 = arith.constant 0 : i32
        %dma_start3A_410 = arith.constant 0 : i32
        %dma_start3A_411 = tpu.memref_slice %arg2[%dma_start3A_409, %dma_start3A_410] : memref<100000x8xf32, #tpu.memory_space<hbm>> -> memref<100000x8xf32, #tpu.memory_space<hbm>>
        tpu.enqueue_indirect_dma source(%dma_start3A_411 : memref<100000x8xf32, #tpu.memory_space<hbm>>) target(%dma_start3A_405 : memref<128x8xf32, #tpu.memory_space<vmem>>) offsets(%dma_start3A_408 : memref<128xi32, #tpu.memory_space<vmem>>) semaphore(%arg11 : memref<!tpu.dma_semaphore, #tpu.memory_space<semaphore_mem>>)
      } else {
      }
      %add3A_309 = arith.constant 1 : i32
      %add3A_310 = arith.addi %mul3A_160, %add3A_309 : i32
      %dma_wait3A_311 = arith.constant 1 : i32
      %dma_wait3A_312 = arith.constant 0 : i32
      %dma_wait3A_313 = arith.constant 0 : i32
      %dma_wait3A_314 = tpu.memref_slice %arg9[%dma_wait3A_311, %dma_wait3A_312, %dma_wait3A_313] : memref<5x128x8xf32, #tpu.memory_space<vmem>> -> memref<1x128x8xf32, #tpu.memory_space<vmem>>
      %dma_wait3A_315 = tpu.memref_squeeze %dma_wait3A_314 : memref<1x128x8xf32, #tpu.memory_space<vmem>> -> memref<128x8xf32, #tpu.memory_space<vmem>>
      %dma_wait3A_316 = arith.constant 0 : i32
      %dma_wait3A_317 = tpu.memref_slice %arg8[%add3A_310, %dma_wait3A_316] : memref<391x128xi32, #tpu.memory_space<vmem>> -> memref<1x128xi32, #tpu.memory_space<vmem>>
      %dma_wait3A_318 = tpu.memref_squeeze %dma_wait3A_317 : memref<1x128xi32, #tpu.memory_space<vmem>> -> memref<128xi32, #tpu.memory_space<vmem>>
      %dma_wait3A_319 = arith.constant 0 : i32
      %dma_wait3A_320 = arith.constant 0 : i32
      %dma_wait3A_321 = tpu.memref_slice %arg10[%dma_wait3A_319, %dma_wait3A_320] : memref<50048x8xf32, #tpu.memory_space<vmem_shared>> -> memref<50048x8xf32, #tpu.memory_space<vmem_shared>>
      tpu.wait_indirect_dma semaphore(%arg17 : memref<!tpu.dma_semaphore, #tpu.memory_space<semaphore_mem>>) src(%dma_wait3A_315 : memref<128x8xf32, #tpu.memory_space<vmem>>) dst(%dma_wait3A_321 : memref<50048x8xf32, #tpu.memory_space<vmem_shared>>)
      %add3A_322 = arith.constant 5 : i32
      %add3A_323 = arith.addi %mul3A_160, %add3A_322 : i32
      %add3A_324 = arith.constant 1 : i32
      %add3A_325 = arith.addi %add3A_323, %add3A_324 : i32
      %lt3A_326 = arith.constant 391 : i32
      %lt3A_327 = arith.cmpi slt, %add3A_325, %lt3A_326 : i32
      %convert_element_type3A_328 = arith.extui %lt3A_327 : i1 to i32
      %cond3A_329 = arith.constant 0 : i32
      %cond3A_330 = arith.cmpi ne, %convert_element_type3A_328, %cond3A_329 : i32
      scf.if %cond3A_330 {
        %add3A_397 = arith.constant 5 : i32
        %add3A_398 = arith.addi %mul3A_160, %add3A_397 : i32
        %add3A_399 = arith.constant 1 : i32
        %add3A_400 = arith.addi %add3A_398, %add3A_399 : i32
        %dma_start3A_401 = arith.constant 1 : i32
        %dma_start3A_402 = arith.constant 0 : i32
        %dma_start3A_403 = arith.constant 0 : i32
        %dma_start3A_404 = tpu.memref_slice %arg9[%dma_start3A_401, %dma_start3A_402, %dma_start3A_403] : memref<5x128x8xf32, #tpu.memory_space<vmem>> -> memref<1x128x8xf32, #tpu.memory_space<vmem>>
        %dma_start3A_405 = tpu.memref_squeeze %dma_start3A_404 : memref<1x128x8xf32, #tpu.memory_space<vmem>> -> memref<128x8xf32, #tpu.memory_space<vmem>>
        %dma_start3A_406 = arith.constant 0 : i32
        %dma_start3A_407 = tpu.memref_slice %arg7[%add3A_400, %dma_start3A_406] : memref<391x128xi32, #tpu.memory_space<vmem>> -> memref<1x128xi32, #tpu.memory_space<vmem>>
        %dma_start3A_408 = tpu.memref_squeeze %dma_start3A_407 : memref<1x128xi32, #tpu.memory_space<vmem>> -> memref<128xi32, #tpu.memory_space<vmem>>
        %dma_start3A_409 = arith.constant 0 : i32
        %dma_start3A_410 = arith.constant 0 : i32
        %dma_start3A_411 = tpu.memref_slice %arg2[%dma_start3A_409, %dma_start3A_410] : memref<100000x8xf32, #tpu.memory_space<hbm>> -> memref<100000x8xf32, #tpu.memory_space<hbm>>
        tpu.enqueue_indirect_dma source(%dma_start3A_411 : memref<100000x8xf32, #tpu.memory_space<hbm>>) target(%dma_start3A_405 : memref<128x8xf32, #tpu.memory_space<vmem>>) offsets(%dma_start3A_408 : memref<128xi32, #tpu.memory_space<vmem>>) semaphore(%arg12 : memref<!tpu.dma_semaphore, #tpu.memory_space<semaphore_mem>>)
      } else {
      }
      %add3A_331 = arith.constant 2 : i32
      %add3A_332 = arith.addi %mul3A_160, %add3A_331 : i32
      %dma_wait3A_333 = arith.constant 2 : i32
      %dma_wait3A_334 = arith.constant 0 : i32
      %dma_wait3A_335 = arith.constant 0 : i32
      %dma_wait3A_336 = tpu.memref_slice %arg9[%dma_wait3A_333, %dma_wait3A_334, %dma_wait3A_335] : memref<5x128x8xf32, #tpu.memory_space<vmem>> -> memref<1x128x8xf32, #tpu.memory_space<vmem>>
      %dma_wait3A_337 = tpu.memref_squeeze %dma_wait3A_336 : memref<1x128x8xf32, #tpu.memory_space<vmem>> -> memref<128x8xf32, #tpu.memory_space<vmem>>
      %dma_wait3A_338 = arith.constant 0 : i32
      %dma_wait3A_339 = tpu.memref_slice %arg8[%add3A_332, %dma_wait3A_338] : memref<391x128xi32, #tpu.memory_space<vmem>> -> memref<1x128xi32, #tpu.memory_space<vmem>>
      %dma_wait3A_340 = tpu.memref_squeeze %dma_wait3A_339 : memref<1x128xi32, #tpu.memory_space<vmem>> -> memref<128xi32, #tpu.memory_space<vmem>>
      %dma_wait3A_341 = arith.constant 0 : i32
      %dma_wait3A_342 = arith.constant 0 : i32
      %dma_wait3A_343 = tpu.memref_slice %arg10[%dma_wait3A_341, %dma_wait3A_342] : memref<50048x8xf32, #tpu.memory_space<vmem_shared>> -> memref<50048x8xf32, #tpu.memory_space<vmem_shared>>
      tpu.wait_indirect_dma semaphore(%arg18 : memref<!tpu.dma_semaphore, #tpu.memory_space<semaphore_mem>>) src(%dma_wait3A_337 : memref<128x8xf32, #tpu.memory_space<vmem>>) dst(%dma_wait3A_343 : memref<50048x8xf32, #tpu.memory_space<vmem_shared>>)
      %add3A_344 = arith.constant 5 : i32
      %add3A_345 = arith.addi %mul3A_160, %add3A_344 : i32
      %add3A_346 = arith.constant 2 : i32
      %add3A_347 = arith.addi %add3A_345, %add3A_346 : i32
      %lt3A_348 = arith.constant 391 : i32
      %lt3A_349 = arith.cmpi slt, %add3A_347, %lt3A_348 : i32
      %convert_element_type3A_350 = arith.extui %lt3A_349 : i1 to i32
      %cond3A_351 = arith.constant 0 : i32
      %cond3A_352 = arith.cmpi ne, %convert_element_type3A_350, %cond3A_351 : i32
      scf.if %cond3A_352 {
        %add3A_397 = arith.constant 5 : i32
        %add3A_398 = arith.addi %mul3A_160, %add3A_397 : i32
        %add3A_399 = arith.constant 2 : i32
        %add3A_400 = arith.addi %add3A_398, %add3A_399 : i32
        %dma_start3A_401 = arith.constant 2 : i32
        %dma_start3A_402 = arith.constant 0 : i32
        %dma_start3A_403 = arith.constant 0 : i32
        %dma_start3A_404 = tpu.memref_slice %arg9[%dma_start3A_401, %dma_start3A_402, %dma_start3A_403] : memref<5x128x8xf32, #tpu.memory_space<vmem>> -> memref<1x128x8xf32, #tpu.memory_space<vmem>>
        %dma_start3A_405 = tpu.memref_squeeze %dma_start3A_404 : memref<1x128x8xf32, #tpu.memory_space<vmem>> -> memref<128x8xf32, #tpu.memory_space<vmem>>
        %dma_start3A_406 = arith.constant 0 : i32
        %dma_start3A_407 = tpu.memref_slice %arg7[%add3A_400, %dma_start3A_406] : memref<391x128xi32, #tpu.memory_space<vmem>> -> memref<1x128xi32, #tpu.memory_space<vmem>>
        %dma_start3A_408 = tpu.memref_squeeze %dma_start3A_407 : memref<1x128xi32, #tpu.memory_space<vmem>> -> memref<128xi32, #tpu.memory_space<vmem>>
        %dma_start3A_409 = arith.constant 0 : i32
        %dma_start3A_410 = arith.constant 0 : i32
        %dma_start3A_411 = tpu.memref_slice %arg2[%dma_start3A_409, %dma_start3A_410] : memref<100000x8xf32, #tpu.memory_space<hbm>> -> memref<100000x8xf32, #tpu.memory_space<hbm>>
        tpu.enqueue_indirect_dma source(%dma_start3A_411 : memref<100000x8xf32, #tpu.memory_space<hbm>>) target(%dma_start3A_405 : memref<128x8xf32, #tpu.memory_space<vmem>>) offsets(%dma_start3A_408 : memref<128xi32, #tpu.memory_space<vmem>>) semaphore(%arg13 : memref<!tpu.dma_semaphore, #tpu.memory_space<semaphore_mem>>)
      } else {
      }
      %add3A_353 = arith.constant 3 : i32
      %add3A_354 = arith.addi %mul3A_160, %add3A_353 : i32
      %dma_wait3A_355 = arith.constant 3 : i32
      %dma_wait3A_356 = arith.constant 0 : i32
      %dma_wait3A_357 = arith.constant 0 : i32
      %dma_wait3A_358 = tpu.memref_slice %arg9[%dma_wait3A_355, %dma_wait3A_356, %dma_wait3A_357] : memref<5x128x8xf32, #tpu.memory_space<vmem>> -> memref<1x128x8xf32, #tpu.memory_space<vmem>>
      %dma_wait3A_359 = tpu.memref_squeeze %dma_wait3A_358 : memref<1x128x8xf32, #tpu.memory_space<vmem>> -> memref<128x8xf32, #tpu.memory_space<vmem>>
      %dma_wait3A_360 = arith.constant 0 : i32
      %dma_wait3A_361 = tpu.memref_slice %arg8[%add3A_354, %dma_wait3A_360] : memref<391x128xi32, #tpu.memory_space<vmem>> -> memref<1x128xi32, #tpu.memory_space<vmem>>
      %dma_wait3A_362 = tpu.memref_squeeze %dma_wait3A_361 : memref<1x128xi32, #tpu.memory_space<vmem>> -> memref<128xi32, #tpu.memory_space<vmem>>
      %dma_wait3A_363 = arith.constant 0 : i32
      %dma_wait3A_364 = arith.constant 0 : i32
      %dma_wait3A_365 = tpu.memref_slice %arg10[%dma_wait3A_363, %dma_wait3A_364] : memref<50048x8xf32, #tpu.memory_space<vmem_shared>> -> memref<50048x8xf32, #tpu.memory_space<vmem_shared>>
      tpu.wait_indirect_dma semaphore(%arg19 : memref<!tpu.dma_semaphore, #tpu.memory_space<semaphore_mem>>) src(%dma_wait3A_359 : memref<128x8xf32, #tpu.memory_space<vmem>>) dst(%dma_wait3A_365 : memref<50048x8xf32, #tpu.memory_space<vmem_shared>>)
      %add3A_366 = arith.constant 5 : i32
      %add3A_367 = arith.addi %mul3A_160, %add3A_366 : i32
      %add3A_368 = arith.constant 3 : i32
      %add3A_369 = arith.addi %add3A_367, %add3A_368 : i32
      %lt3A_370 = arith.constant 391 : i32
      %lt3A_371 = arith.cmpi slt, %add3A_369, %lt3A_370 : i32
      %convert_element_type3A_372 = arith.extui %lt3A_371 : i1 to i32
      %cond3A_373 = arith.constant 0 : i32
      %cond3A_374 = arith.cmpi ne, %convert_element_type3A_372, %cond3A_373 : i32
      scf.if %cond3A_374 {
        %add3A_397 = arith.constant 5 : i32
        %add3A_398 = arith.addi %mul3A_160, %add3A_397 : i32
        %add3A_399 = arith.constant 3 : i32
        %add3A_400 = arith.addi %add3A_398, %add3A_399 : i32
        %dma_start3A_401 = arith.constant 3 : i32
        %dma_start3A_402 = arith.constant 0 : i32
        %dma_start3A_403 = arith.constant 0 : i32
        %dma_start3A_404 = tpu.memref_slice %arg9[%dma_start3A_401, %dma_start3A_402, %dma_start3A_403] : memref<5x128x8xf32, #tpu.memory_space<vmem>> -> memref<1x128x8xf32, #tpu.memory_space<vmem>>
        %dma_start3A_405 = tpu.memref_squeeze %dma_start3A_404 : memref<1x128x8xf32, #tpu.memory_space<vmem>> -> memref<128x8xf32, #tpu.memory_space<vmem>>
        %dma_start3A_406 = arith.constant 0 : i32
        %dma_start3A_407 = tpu.memref_slice %arg7[%add3A_400, %dma_start3A_406] : memref<391x128xi32, #tpu.memory_space<vmem>> -> memref<1x128xi32, #tpu.memory_space<vmem>>
        %dma_start3A_408 = tpu.memref_squeeze %dma_start3A_407 : memref<1x128xi32, #tpu.memory_space<vmem>> -> memref<128xi32, #tpu.memory_space<vmem>>
        %dma_start3A_409 = arith.constant 0 : i32
        %dma_start3A_410 = arith.constant 0 : i32
        %dma_start3A_411 = tpu.memref_slice %arg2[%dma_start3A_409, %dma_start3A_410] : memref<100000x8xf32, #tpu.memory_space<hbm>> -> memref<100000x8xf32, #tpu.memory_space<hbm>>
        tpu.enqueue_indirect_dma source(%dma_start3A_411 : memref<100000x8xf32, #tpu.memory_space<hbm>>) target(%dma_start3A_405 : memref<128x8xf32, #tpu.memory_space<vmem>>) offsets(%dma_start3A_408 : memref<128xi32, #tpu.memory_space<vmem>>) semaphore(%arg14 : memref<!tpu.dma_semaphore, #tpu.memory_space<semaphore_mem>>)
      } else {
      }
      %add3A_375 = arith.constant 4 : i32
      %add3A_376 = arith.addi %mul3A_160, %add3A_375 : i32
      %dma_wait3A_377 = arith.constant 4 : i32
      %dma_wait3A_378 = arith.constant 0 : i32
      %dma_wait3A_379 = arith.constant 0 : i32
      %dma_wait3A_380 = tpu.memref_slice %arg9[%dma_wait3A_377, %dma_wait3A_378, %dma_wait3A_379] : memref<5x128x8xf32, #tpu.memory_space<vmem>> -> memref<1x128x8xf32, #tpu.memory_space<vmem>>
      %dma_wait3A_381 = tpu.memref_squeeze %dma_wait3A_380 : memref<1x128x8xf32, #tpu.memory_space<vmem>> -> memref<128x8xf32, #tpu.memory_space<vmem>>
      %dma_wait3A_382 = arith.constant 0 : i32
      %dma_wait3A_383 = tpu.memref_slice %arg8[%add3A_376, %dma_wait3A_382] : memref<391x128xi32, #tpu.memory_space<vmem>> -> memref<1x128xi32, #tpu.memory_space<vmem>>
      %dma_wait3A_384 = tpu.memref_squeeze %dma_wait3A_383 : memref<1x128xi32, #tpu.memory_space<vmem>> -> memref<128xi32, #tpu.memory_space<vmem>>
      %dma_wait3A_385 = arith.constant 0 : i32
      %dma_wait3A_386 = arith.constant 0 : i32
      %dma_wait3A_387 = tpu.memref_slice %arg10[%dma_wait3A_385, %dma_wait3A_386] : memref<50048x8xf32, #tpu.memory_space<vmem_shared>> -> memref<50048x8xf32, #tpu.memory_space<vmem_shared>>
      tpu.wait_indirect_dma semaphore(%arg20 : memref<!tpu.dma_semaphore, #tpu.memory_space<semaphore_mem>>) src(%dma_wait3A_381 : memref<128x8xf32, #tpu.memory_space<vmem>>) dst(%dma_wait3A_387 : memref<50048x8xf32, #tpu.memory_space<vmem_shared>>)
      %add3A_388 = arith.constant 5 : i32
      %add3A_389 = arith.addi %mul3A_160, %add3A_388 : i32
      %add3A_390 = arith.constant 4 : i32
      %add3A_391 = arith.addi %add3A_389, %add3A_390 : i32
      %lt3A_392 = arith.constant 391 : i32
      %lt3A_393 = arith.cmpi slt, %add3A_391, %lt3A_392 : i32
      %convert_element_type3A_394 = arith.extui %lt3A_393 : i1 to i32
      %cond3A_395 = arith.constant 0 : i32
      %cond3A_396 = arith.cmpi ne, %convert_element_type3A_394, %cond3A_395 : i32
      scf.if %cond3A_396 {
        %add3A_397 = arith.constant 5 : i32
        %add3A_398 = arith.addi %mul3A_160, %add3A_397 : i32
        %add3A_399 = arith.constant 4 : i32
        %add3A_400 = arith.addi %add3A_398, %add3A_399 : i32
        %dma_start3A_401 = arith.constant 4 : i32
        %dma_start3A_402 = arith.constant 0 : i32
        %dma_start3A_403 = arith.constant 0 : i32
        %dma_start3A_404 = tpu.memref_slice %arg9[%dma_start3A_401, %dma_start3A_402, %dma_start3A_403] : memref<5x128x8xf32, #tpu.memory_space<vmem>> -> memref<1x128x8xf32, #tpu.memory_space<vmem>>
        %dma_start3A_405 = tpu.memref_squeeze %dma_start3A_404 : memref<1x128x8xf32, #tpu.memory_space<vmem>> -> memref<128x8xf32, #tpu.memory_space<vmem>>
        %dma_start3A_406 = arith.constant 0 : i32
        %dma_start3A_407 = tpu.memref_slice %arg7[%add3A_400, %dma_start3A_406] : memref<391x128xi32, #tpu.memory_space<vmem>> -> memref<1x128xi32, #tpu.memory_space<vmem>>
        %dma_start3A_408 = tpu.memref_squeeze %dma_start3A_407 : memref<1x128xi32, #tpu.memory_space<vmem>> -> memref<128xi32, #tpu.memory_space<vmem>>
        %dma_start3A_409 = arith.constant 0 : i32
        %dma_start3A_410 = arith.constant 0 : i32
        %dma_start3A_411 = tpu.memref_slice %arg2[%dma_start3A_409, %dma_start3A_410] : memref<100000x8xf32, #tpu.memory_space<hbm>> -> memref<100000x8xf32, #tpu.memory_space<hbm>>
        tpu.enqueue_indirect_dma source(%dma_start3A_411 : memref<100000x8xf32, #tpu.memory_space<hbm>>) target(%dma_start3A_405 : memref<128x8xf32, #tpu.memory_space<vmem>>) offsets(%dma_start3A_408 : memref<128xi32, #tpu.memory_space<vmem>>) semaphore(%arg15 : memref<!tpu.dma_semaphore, #tpu.memory_space<semaphore_mem>>)
      } else {
      }
    }
    %scan3A_64 = arith.constant 78 : i32
    %dma_wait3A = arith.constant 390 : i32
    %dma_wait3A_65 = arith.constant 0 : i32
    %dma_wait3A_66 = arith.constant 0 : i32
    %dma_wait3A_67 = arith.constant 0 : i32
    %dma_wait3A_68 = tpu.memref_slice %arg9[%dma_wait3A_65, %dma_wait3A_66, %dma_wait3A_67] : memref<5x128x8xf32, #tpu.memory_space<vmem>> -> memref<1x128x8xf32, #tpu.memory_space<vmem>>
    %dma_wait3A_69 = tpu.memref_squeeze %dma_wait3A_68 : memref<1x128x8xf32, #tpu.memory_space<vmem>> -> memref<128x8xf32, #tpu.memory_space<vmem>>
    %dma_wait3A_70 = arith.constant 0 : i32
    %dma_wait3A_71 = tpu.memref_slice %arg7[%dma_wait3A, %dma_wait3A_70] : memref<391x128xi32, #tpu.memory_space<vmem>> -> memref<1x128xi32, #tpu.memory_space<vmem>>
    %dma_wait3A_72 = tpu.memref_squeeze %dma_wait3A_71 : memref<1x128xi32, #tpu.memory_space<vmem>> -> memref<128xi32, #tpu.memory_space<vmem>>
    %dma_wait3A_73 = arith.constant 0 : i32
    %dma_wait3A_74 = arith.constant 0 : i32
    %dma_wait3A_75 = tpu.memref_slice %arg2[%dma_wait3A_73, %dma_wait3A_74] : memref<100000x8xf32, #tpu.memory_space<hbm>> -> memref<100000x8xf32, #tpu.memory_space<hbm>>
    tpu.wait_indirect_dma semaphore(%arg11 : memref<!tpu.dma_semaphore, #tpu.memory_space<semaphore_mem>>) src(%dma_wait3A_75 : memref<100000x8xf32, #tpu.memory_space<hbm>>) dst(%dma_wait3A_69 : memref<128x8xf32, #tpu.memory_space<vmem>>)
    %run_scoped3A = arith.constant 0 : i32
    %run_scoped3A_76 = arith.constant 390 : i32
    "tpu.region"() ({
      %run_scoped3A_158 = tpu.sem_alloc : memref<!tpu.dma_semaphore, #tpu.memory_space<semaphore_mem>>
      %dma_start3A_159 = arith.constant 0 : i32
      %dma_start3A_160 = arith.constant 0 : i32
      %dma_start3A_161 = tpu.memref_slice %arg9[%run_scoped3A, %dma_start3A_159, %dma_start3A_160] : memref<5x128x8xf32, #tpu.memory_space<vmem>> -> memref<1x128x8xf32, #tpu.memory_space<vmem>>
      %dma_start3A_162 = tpu.memref_squeeze %dma_start3A_161 : memref<1x128x8xf32, #tpu.memory_space<vmem>> -> memref<128x8xf32, #tpu.memory_space<vmem>>
      %dma_start3A_163 = arith.constant 0 : i32
      %dma_start3A_164 = tpu.memref_slice %arg8[%run_scoped3A_76, %dma_start3A_163] : memref<391x128xi32, #tpu.memory_space<vmem>> -> memref<1x128xi32, #tpu.memory_space<vmem>>
      %dma_start3A_165 = tpu.memref_squeeze %dma_start3A_164 : memref<1x128xi32, #tpu.memory_space<vmem>> -> memref<128xi32, #tpu.memory_space<vmem>>
      %dma_start3A_166 = arith.constant 0 : i32
      %dma_start3A_167 = arith.constant 0 : i32
      %dma_start3A_168 = tpu.memref_slice %arg10[%dma_start3A_166, %dma_start3A_167] : memref<50048x8xf32, #tpu.memory_space<vmem_shared>> -> memref<50048x8xf32, #tpu.memory_space<vmem_shared>>
      tpu.enqueue_indirect_dma source(%dma_start3A_162 : memref<128x8xf32, #tpu.memory_space<vmem>>) target(%dma_start3A_168 : memref<50048x8xf32, #tpu.memory_space<vmem_shared>>) offsets(%dma_start3A_165 : memref<128xi32, #tpu.memory_space<vmem>>) semaphore(%run_scoped3A_158 : memref<!tpu.dma_semaphore, #tpu.memory_space<semaphore_mem>>) {add = true}
      %dma_wait3A_169 = arith.constant 0 : i32
      %dma_wait3A_170 = arith.constant 0 : i32
      %dma_wait3A_171 = tpu.memref_slice %arg9[%run_scoped3A, %dma_wait3A_169, %dma_wait3A_170] : memref<5x128x8xf32, #tpu.memory_space<vmem>> -> memref<1x128x8xf32, #tpu.memory_space<vmem>>
      %dma_wait3A_172 = tpu.memref_squeeze %dma_wait3A_171 : memref<1x128x8xf32, #tpu.memory_space<vmem>> -> memref<128x8xf32, #tpu.memory_space<vmem>>
      %dma_wait3A_173 = arith.constant 0 : i32
      %dma_wait3A_174 = tpu.memref_slice %arg8[%run_scoped3A_76, %dma_wait3A_173] : memref<391x128xi32, #tpu.memory_space<vmem>> -> memref<1x128xi32, #tpu.memory_space<vmem>>
      %dma_wait3A_175 = tpu.memref_squeeze %dma_wait3A_174 : memref<1x128xi32, #tpu.memory_space<vmem>> -> memref<128xi32, #tpu.memory_space<vmem>>
      %dma_wait3A_176 = arith.constant 0 : i32
      %dma_wait3A_177 = arith.constant 0 : i32
      %dma_wait3A_178 = tpu.memref_slice %arg10[%dma_wait3A_176, %dma_wait3A_177] : memref<50048x8xf32, #tpu.memory_space<vmem_shared>> -> memref<50048x8xf32, #tpu.memory_space<vmem_shared>>
      tpu.wait_indirect_dma semaphore(%run_scoped3A_158 : memref<!tpu.dma_semaphore, #tpu.memory_space<semaphore_mem>>) src(%dma_wait3A_172 : memref<128x8xf32, #tpu.memory_space<vmem>>) dst(%dma_wait3A_178 : memref<50048x8xf32, #tpu.memory_space<vmem_shared>>)
      tpu.yield
    }) : () -> ()
    "tpu.region"() ({
      %run_scoped3A_158 = tpu.sem_alloc : memref<!tpu.dma_semaphore, #tpu.memory_space<semaphore_mem>>
      %dma_start3A_159 = arith.constant 391 : i32
      %dma_start3A_160 = arith.constant 0 : i32
      %dma_start3A_161 = tpu.memref_slice %arg3[%arg1, %dma_start3A_159, %dma_start3A_160] : memref<16x782x128xi32, #tpu.memory_space<hbm>> -> memref<1x391x128xi32, #tpu.memory_space<hbm>>
      %dma_start3A_162 = tpu.memref_squeeze %dma_start3A_161 : memref<1x391x128xi32, #tpu.memory_space<hbm>> -> memref<391x128xi32, #tpu.memory_space<hbm>>
      %dma_start3A_163 = arith.constant 391 : i32
      %dma_start3A_164 = arith.constant 0 : i32
      %dma_start3A_165 = tpu.memref_slice %arg3[%arg1, %dma_start3A_163, %dma_start3A_164] : memref<16x782x128xi32, #tpu.memory_space<hbm>> -> memref<1x391x128xi32, #tpu.memory_space<hbm>>
      %dma_start3A_166 = tpu.memref_squeeze %dma_start3A_165 : memref<1x391x128xi32, #tpu.memory_space<hbm>> -> memref<391x128xi32, #tpu.memory_space<hbm>>
      tpu.enqueue_dma source(%dma_start3A_166 : memref<391x128xi32, #tpu.memory_space<hbm>>) target(%arg7 : memref<391x128xi32, #tpu.memory_space<vmem>>) target_semaphore(%run_scoped3A_158 : memref<!tpu.dma_semaphore, #tpu.memory_space<semaphore_mem>>)
      %dma_wait3A_167 = arith.constant 391 : i32
      %dma_wait3A_168 = arith.constant 0 : i32
      %dma_wait3A_169 = tpu.memref_slice %arg3[%arg1, %dma_wait3A_167, %dma_wait3A_168] : memref<16x782x128xi32, #tpu.memory_space<hbm>> -> memref<1x391x128xi32, #tpu.memory_space<hbm>>
      %dma_wait3A_170 = tpu.memref_squeeze %dma_wait3A_169 : memref<1x391x128xi32, #tpu.memory_space<hbm>> -> memref<391x128xi32, #tpu.memory_space<hbm>>
      %dma_wait3A_171 = arith.constant 391 : i32
      %dma_wait3A_172 = arith.constant 0 : i32
      %dma_wait3A_173 = tpu.memref_slice %arg3[%arg1, %dma_wait3A_171, %dma_wait3A_172] : memref<16x782x128xi32, #tpu.memory_space<hbm>> -> memref<1x391x128xi32, #tpu.memory_space<hbm>>
      %dma_wait3A_174 = tpu.memref_squeeze %dma_wait3A_173 : memref<1x391x128xi32, #tpu.memory_space<hbm>> -> memref<391x128xi32, #tpu.memory_space<hbm>>
      tpu.wait_dma2 semaphore(%run_scoped3A_158 : memref<!tpu.dma_semaphore, #tpu.memory_space<semaphore_mem>>) src(%dma_wait3A_174 : memref<391x128xi32, #tpu.memory_space<hbm>>) dst(%arg7 : memref<391x128xi32, #tpu.memory_space<vmem>>)
      tpu.yield
    }) : () -> ()
    "tpu.region"() ({
      %run_scoped3A_158 = tpu.sem_alloc : memref<!tpu.dma_semaphore, #tpu.memory_space<semaphore_mem>>
      %dma_start3A_159 = arith.constant 391 : i32
      %dma_start3A_160 = arith.constant 0 : i32
      %dma_start3A_161 = tpu.memref_slice %arg4[%arg0, %arg1, %dma_start3A_159, %dma_start3A_160] : memref<2x16x782x128xi32, #tpu.memory_space<hbm>> -> memref<1x1x391x128xi32, #tpu.memory_space<hbm>>
      %dma_start3A_162 = tpu.memref_squeeze %dma_start3A_161 : memref<1x1x391x128xi32, #tpu.memory_space<hbm>> -> memref<391x128xi32, #tpu.memory_space<hbm>>
      %dma_start3A_163 = arith.constant 391 : i32
      %dma_start3A_164 = arith.constant 0 : i32
      %dma_start3A_165 = tpu.memref_slice %arg4[%arg0, %arg1, %dma_start3A_163, %dma_start3A_164] : memref<2x16x782x128xi32, #tpu.memory_space<hbm>> -> memref<1x1x391x128xi32, #tpu.memory_space<hbm>>
      %dma_start3A_166 = tpu.memref_squeeze %dma_start3A_165 : memref<1x1x391x128xi32, #tpu.memory_space<hbm>> -> memref<391x128xi32, #tpu.memory_space<hbm>>
      tpu.enqueue_dma source(%dma_start3A_166 : memref<391x128xi32, #tpu.memory_space<hbm>>) target(%arg8 : memref<391x128xi32, #tpu.memory_space<vmem>>) target_semaphore(%run_scoped3A_158 : memref<!tpu.dma_semaphore, #tpu.memory_space<semaphore_mem>>)
      %dma_wait3A_167 = arith.constant 391 : i32
      %dma_wait3A_168 = arith.constant 0 : i32
      %dma_wait3A_169 = tpu.memref_slice %arg4[%arg0, %arg1, %dma_wait3A_167, %dma_wait3A_168] : memref<2x16x782x128xi32, #tpu.memory_space<hbm>> -> memref<1x1x391x128xi32, #tpu.memory_space<hbm>>
      %dma_wait3A_170 = tpu.memref_squeeze %dma_wait3A_169 : memref<1x1x391x128xi32, #tpu.memory_space<hbm>> -> memref<391x128xi32, #tpu.memory_space<hbm>>
      %dma_wait3A_171 = arith.constant 391 : i32
      %dma_wait3A_172 = arith.constant 0 : i32
      %dma_wait3A_173 = tpu.memref_slice %arg4[%arg0, %arg1, %dma_wait3A_171, %dma_wait3A_172] : memref<2x16x782x128xi32, #tpu.memory_space<hbm>> -> memref<1x1x391x128xi32, #tpu.memory_space<hbm>>
      %dma_wait3A_174 = tpu.memref_squeeze %dma_wait3A_173 : memref<1x1x391x128xi32, #tpu.memory_space<hbm>> -> memref<391x128xi32, #tpu.memory_space<hbm>>
      tpu.wait_dma2 semaphore(%run_scoped3A_158 : memref<!tpu.dma_semaphore, #tpu.memory_space<semaphore_mem>>) src(%dma_wait3A_174 : memref<391x128xi32, #tpu.memory_space<hbm>>) dst(%arg8 : memref<391x128xi32, #tpu.memory_space<vmem>>)
      tpu.yield
    }) : () -> ()
    %dma_start3A_77 = arith.constant 0 : i32
    %dma_start3A_78 = arith.constant 0 : i32
    %dma_start3A_79 = arith.constant 0 : i32
    %dma_start3A_80 = arith.constant 0 : i32
    %dma_start3A_81 = tpu.memref_slice %arg9[%dma_start3A_78, %dma_start3A_79, %dma_start3A_80] : memref<5x128x8xf32, #tpu.memory_space<vmem>> -> memref<1x128x8xf32, #tpu.memory_space<vmem>>
    %dma_start3A_82 = tpu.memref_squeeze %dma_start3A_81 : memref<1x128x8xf32, #tpu.memory_space<vmem>> -> memref<128x8xf32, #tpu.memory_space<vmem>>
    %dma_start3A_83 = arith.constant 0 : i32
    %dma_start3A_84 = tpu.memref_slice %arg7[%dma_start3A_77, %dma_start3A_83] : memref<391x128xi32, #tpu.memory_space<vmem>> -> memref<1x128xi32, #tpu.memory_space<vmem>>
    %dma_start3A_85 = tpu.memref_squeeze %dma_start3A_84 : memref<1x128xi32, #tpu.memory_space<vmem>> -> memref<128xi32, #tpu.memory_space<vmem>>
    %dma_start3A_86 = arith.constant 0 : i32
    %dma_start3A_87 = arith.constant 0 : i32
    %dma_start3A_88 = tpu.memref_slice %arg2[%dma_start3A_86, %dma_start3A_87] : memref<100000x8xf32, #tpu.memory_space<hbm>> -> memref<100000x8xf32, #tpu.memory_space<hbm>>
    tpu.enqueue_indirect_dma source(%dma_start3A_88 : memref<100000x8xf32, #tpu.memory_space<hbm>>) target(%dma_start3A_82 : memref<128x8xf32, #tpu.memory_space<vmem>>) offsets(%dma_start3A_85 : memref<128xi32, #tpu.memory_space<vmem>>) semaphore(%arg11 : memref<!tpu.dma_semaphore, #tpu.memory_space<semaphore_mem>>)
    %dma_start3A_89 = arith.constant 1 : i32
    %dma_start3A_90 = arith.constant 1 : i32
    %dma_start3A_91 = arith.constant 0 : i32
    %dma_start3A_92 = arith.constant 0 : i32
    %dma_start3A_93 = tpu.memref_slice %arg9[%dma_start3A_90, %dma_start3A_91, %dma_start3A_92] : memref<5x128x8xf32, #tpu.memory_space<vmem>> -> memref<1x128x8xf32, #tpu.memory_space<vmem>>
    %dma_start3A_94 = tpu.memref_squeeze %dma_start3A_93 : memref<1x128x8xf32, #tpu.memory_space<vmem>> -> memref<128x8xf32, #tpu.memory_space<vmem>>
    %dma_start3A_95 = arith.constant 0 : i32
    %dma_start3A_96 = tpu.memref_slice %arg7[%dma_start3A_89, %dma_start3A_95] : memref<391x128xi32, #tpu.memory_space<vmem>> -> memref<1x128xi32, #tpu.memory_space<vmem>>
    %dma_start3A_97 = tpu.memref_squeeze %dma_start3A_96 : memref<1x128xi32, #tpu.memory_space<vmem>> -> memref<128xi32, #tpu.memory_space<vmem>>
    %dma_start3A_98 = arith.constant 0 : i32
    %dma_start3A_99 = arith.constant 0 : i32
    %dma_start3A_100 = tpu.memref_slice %arg2[%dma_start3A_98, %dma_start3A_99] : memref<100000x8xf32, #tpu.memory_space<hbm>> -> memref<100000x8xf32, #tpu.memory_space<hbm>>
    tpu.enqueue_indirect_dma source(%dma_start3A_100 : memref<100000x8xf32, #tpu.memory_space<hbm>>) target(%dma_start3A_94 : memref<128x8xf32, #tpu.memory_space<vmem>>) offsets(%dma_start3A_97 : memref<128xi32, #tpu.memory_space<vmem>>) semaphore(%arg12 : memref<!tpu.dma_semaphore, #tpu.memory_space<semaphore_mem>>)
    %dma_start3A_101 = arith.constant 2 : i32
    %dma_start3A_102 = arith.constant 2 : i32
    %dma_start3A_103 = arith.constant 0 : i32
    %dma_start3A_104 = arith.constant 0 : i32
    %dma_start3A_105 = tpu.memref_slice %arg9[%dma_start3A_102, %dma_start3A_103, %dma_start3A_104] : memref<5x128x8xf32, #tpu.memory_space<vmem>> -> memref<1x128x8xf32, #tpu.memory_space<vmem>>
    %dma_start3A_106 = tpu.memref_squeeze %dma_start3A_105 : memref<1x128x8xf32, #tpu.memory_space<vmem>> -> memref<128x8xf32, #tpu.memory_space<vmem>>
    %dma_start3A_107 = arith.constant 0 : i32
    %dma_start3A_108 = tpu.memref_slice %arg7[%dma_start3A_101, %dma_start3A_107] : memref<391x128xi32, #tpu.memory_space<vmem>> -> memref<1x128xi32, #tpu.memory_space<vmem>>
    %dma_start3A_109 = tpu.memref_squeeze %dma_start3A_108 : memref<1x128xi32, #tpu.memory_space<vmem>> -> memref<128xi32, #tpu.memory_space<vmem>>
    %dma_start3A_110 = arith.constant 0 : i32
    %dma_start3A_111 = arith.constant 0 : i32
    %dma_start3A_112 = tpu.memref_slice %arg2[%dma_start3A_110, %dma_start3A_111] : memref<100000x8xf32, #tpu.memory_space<hbm>> -> memref<100000x8xf32, #tpu.memory_space<hbm>>
    tpu.enqueue_indirect_dma source(%dma_start3A_112 : memref<100000x8xf32, #tpu.memory_space<hbm>>) target(%dma_start3A_106 : memref<128x8xf32, #tpu.memory_space<vmem>>) offsets(%dma_start3A_109 : memref<128xi32, #tpu.memory_space<vmem>>) semaphore(%arg13 : memref<!tpu.dma_semaphore, #tpu.memory_space<semaphore_mem>>)
    %dma_start3A_113 = arith.constant 3 : i32
    %dma_start3A_114 = arith.constant 3 : i32
    %dma_start3A_115 = arith.constant 0 : i32
    %dma_start3A_116 = arith.constant 0 : i32
    %dma_start3A_117 = tpu.memref_slice %arg9[%dma_start3A_114, %dma_start3A_115, %dma_start3A_116] : memref<5x128x8xf32, #tpu.memory_space<vmem>> -> memref<1x128x8xf32, #tpu.memory_space<vmem>>
    %dma_start3A_118 = tpu.memref_squeeze %dma_start3A_117 : memref<1x128x8xf32, #tpu.memory_space<vmem>> -> memref<128x8xf32, #tpu.memory_space<vmem>>
    %dma_start3A_119 = arith.constant 0 : i32
    %dma_start3A_120 = tpu.memref_slice %arg7[%dma_start3A_113, %dma_start3A_119] : memref<391x128xi32, #tpu.memory_space<vmem>> -> memref<1x128xi32, #tpu.memory_space<vmem>>
    %dma_start3A_121 = tpu.memref_squeeze %dma_start3A_120 : memref<1x128xi32, #tpu.memory_space<vmem>> -> memref<128xi32, #tpu.memory_space<vmem>>
    %dma_start3A_122 = arith.constant 0 : i32
    %dma_start3A_123 = arith.constant 0 : i32
    %dma_start3A_124 = tpu.memref_slice %arg2[%dma_start3A_122, %dma_start3A_123] : memref<100000x8xf32, #tpu.memory_space<hbm>> -> memref<100000x8xf32, #tpu.memory_space<hbm>>
    tpu.enqueue_indirect_dma source(%dma_start3A_124 : memref<100000x8xf32, #tpu.memory_space<hbm>>) target(%dma_start3A_118 : memref<128x8xf32, #tpu.memory_space<vmem>>) offsets(%dma_start3A_121 : memref<128xi32, #tpu.memory_space<vmem>>) semaphore(%arg14 : memref<!tpu.dma_semaphore, #tpu.memory_space<semaphore_mem>>)
    %dma_start3A_125 = arith.constant 4 : i32
    %dma_start3A_126 = arith.constant 4 : i32
    %dma_start3A_127 = arith.constant 0 : i32
    %dma_start3A_128 = arith.constant 0 : i32
    %dma_start3A_129 = tpu.memref_slice %arg9[%dma_start3A_126, %dma_start3A_127, %dma_start3A_128] : memref<5x128x8xf32, #tpu.memory_space<vmem>> -> memref<1x128x8xf32, #tpu.memory_space<vmem>>
    %dma_start3A_130 = tpu.memref_squeeze %dma_start3A_129 : memref<1x128x8xf32, #tpu.memory_space<vmem>> -> memref<128x8xf32, #tpu.memory_space<vmem>>
    %dma_start3A_131 = arith.constant 0 : i32
    %dma_start3A_132 = tpu.memref_slice %arg7[%dma_start3A_125, %dma_start3A_131] : memref<391x128xi32, #tpu.memory_space<vmem>> -> memref<1x128xi32, #tpu.memory_space<vmem>>
    %dma_start3A_133 = tpu.memref_squeeze %dma_start3A_132 : memref<1x128xi32, #tpu.memory_space<vmem>> -> memref<128xi32, #tpu.memory_space<vmem>>
    %dma_start3A_134 = arith.constant 0 : i32
    %dma_start3A_135 = arith.constant 0 : i32
    %dma_start3A_136 = tpu.memref_slice %arg2[%dma_start3A_134, %dma_start3A_135] : memref<100000x8xf32, #tpu.memory_space<hbm>> -> memref<100000x8xf32, #tpu.memory_space<hbm>>
    tpu.enqueue_indirect_dma source(%dma_start3A_136 : memref<100000x8xf32, #tpu.memory_space<hbm>>) target(%dma_start3A_130 : memref<128x8xf32, #tpu.memory_space<vmem>>) offsets(%dma_start3A_133 : memref<128xi32, #tpu.memory_space<vmem>>) semaphore(%arg15 : memref<!tpu.dma_semaphore, #tpu.memory_space<semaphore_mem>>)
    %scan3A_137 = arith.constant 0 : i32
    %scan3A_138 = arith.constant 0 : i32
    %scan3A_139 = arith.constant 78 : i32
    %scan3A_140 = arith.addi %scan3A_138, %scan3A_139 : i32
    %scan3A_141 = arith.constant 1 : i32
    scf.for %scan3A_158 = %scan3A_138 to %scan3A_140 step %scan3A_141  : i32 {
      %mul3A_159 = arith.constant 5 : i32
      %mul3A_160 = arith.muli %scan3A_158, %mul3A_159 : i32
      %add3A = arith.constant 0 : i32
      %add3A_161 = arith.addi %mul3A_160, %add3A : i32
      %dma_wait3A_162 = arith.constant 0 : i32
      %dma_wait3A_163 = arith.constant 0 : i32
      %dma_wait3A_164 = arith.constant 0 : i32
      %dma_wait3A_165 = tpu.memref_slice %arg9[%dma_wait3A_162, %dma_wait3A_163, %dma_wait3A_164] : memref<5x128x8xf32, #tpu.memory_space<vmem>> -> memref<1x128x8xf32, #tpu.memory_space<vmem>>
      %dma_wait3A_166 = tpu.memref_squeeze %dma_wait3A_165 : memref<1x128x8xf32, #tpu.memory_space<vmem>> -> memref<128x8xf32, #tpu.memory_space<vmem>>
      %dma_wait3A_167 = arith.constant 0 : i32
      %dma_wait3A_168 = tpu.memref_slice %arg7[%add3A_161, %dma_wait3A_167] : memref<391x128xi32, #tpu.memory_space<vmem>> -> memref<1x128xi32, #tpu.memory_space<vmem>>
      %dma_wait3A_169 = tpu.memref_squeeze %dma_wait3A_168 : memref<1x128xi32, #tpu.memory_space<vmem>> -> memref<128xi32, #tpu.memory_space<vmem>>
      %dma_wait3A_170 = arith.constant 0 : i32
      %dma_wait3A_171 = arith.constant 0 : i32
      %dma_wait3A_172 = tpu.memref_slice %arg2[%dma_wait3A_170, %dma_wait3A_171] : memref<100000x8xf32, #tpu.memory_space<hbm>> -> memref<100000x8xf32, #tpu.memory_space<hbm>>
      tpu.wait_indirect_dma semaphore(%arg11 : memref<!tpu.dma_semaphore, #tpu.memory_space<semaphore_mem>>) src(%dma_wait3A_172 : memref<100000x8xf32, #tpu.memory_space<hbm>>) dst(%dma_wait3A_166 : memref<128x8xf32, #tpu.memory_space<vmem>>)
      %add3A_173 = arith.constant 0 : i32
      %add3A_174 = arith.addi %mul3A_160, %add3A_173 : i32
      %dma_start3A_175 = arith.constant 0 : i32
      %dma_start3A_176 = arith.constant 0 : i32
      %dma_start3A_177 = arith.constant 0 : i32
      %dma_start3A_178 = tpu.memref_slice %arg9[%dma_start3A_175, %dma_start3A_176, %dma_start3A_177] : memref<5x128x8xf32, #tpu.memory_space<vmem>> -> memref<1x128x8xf32, #tpu.memory_space<vmem>>
      %dma_start3A_179 = tpu.memref_squeeze %dma_start3A_178 : memref<1x128x8xf32, #tpu.memory_space<vmem>> -> memref<128x8xf32, #tpu.memory_space<vmem>>
      %dma_start3A_180 = arith.constant 0 : i32
      %dma_start3A_181 = tpu.memref_slice %arg8[%add3A_174, %dma_start3A_180] : memref<391x128xi32, #tpu.memory_space<vmem>> -> memref<1x128xi32, #tpu.memory_space<vmem>>
      %dma_start3A_182 = tpu.memref_squeeze %dma_start3A_181 : memref<1x128xi32, #tpu.memory_space<vmem>> -> memref<128xi32, #tpu.memory_space<vmem>>
      %dma_start3A_183 = arith.constant 0 : i32
      %dma_start3A_184 = arith.constant 0 : i32
      %dma_start3A_185 = tpu.memref_slice %arg10[%dma_start3A_183, %dma_start3A_184] : memref<50048x8xf32, #tpu.memory_space<vmem_shared>> -> memref<50048x8xf32, #tpu.memory_space<vmem_shared>>
      tpu.enqueue_indirect_dma source(%dma_start3A_179 : memref<128x8xf32, #tpu.memory_space<vmem>>) target(%dma_start3A_185 : memref<50048x8xf32, #tpu.memory_space<vmem_shared>>) offsets(%dma_start3A_182 : memref<128xi32, #tpu.memory_space<vmem>>) semaphore(%arg16 : memref<!tpu.dma_semaphore, #tpu.memory_space<semaphore_mem>>) {add = true}
      %add3A_186 = arith.constant 1 : i32
      %add3A_187 = arith.addi %mul3A_160, %add3A_186 : i32
      %dma_wait3A_188 = arith.constant 1 : i32
      %dma_wait3A_189 = arith.constant 0 : i32
      %dma_wait3A_190 = arith.constant 0 : i32
      %dma_wait3A_191 = tpu.memref_slice %arg9[%dma_wait3A_188, %dma_wait3A_189, %dma_wait3A_190] : memref<5x128x8xf32, #tpu.memory_space<vmem>> -> memref<1x128x8xf32, #tpu.memory_space<vmem>>
      %dma_wait3A_192 = tpu.memref_squeeze %dma_wait3A_191 : memref<1x128x8xf32, #tpu.memory_space<vmem>> -> memref<128x8xf32, #tpu.memory_space<vmem>>
      %dma_wait3A_193 = arith.constant 0 : i32
      %dma_wait3A_194 = tpu.memref_slice %arg7[%add3A_187, %dma_wait3A_193] : memref<391x128xi32, #tpu.memory_space<vmem>> -> memref<1x128xi32, #tpu.memory_space<vmem>>
      %dma_wait3A_195 = tpu.memref_squeeze %dma_wait3A_194 : memref<1x128xi32, #tpu.memory_space<vmem>> -> memref<128xi32, #tpu.memory_space<vmem>>
      %dma_wait3A_196 = arith.constant 0 : i32
      %dma_wait3A_197 = arith.constant 0 : i32
      %dma_wait3A_198 = tpu.memref_slice %arg2[%dma_wait3A_196, %dma_wait3A_197] : memref<100000x8xf32, #tpu.memory_space<hbm>> -> memref<100000x8xf32, #tpu.memory_space<hbm>>
      tpu.wait_indirect_dma semaphore(%arg12 : memref<!tpu.dma_semaphore, #tpu.memory_space<semaphore_mem>>) src(%dma_wait3A_198 : memref<100000x8xf32, #tpu.memory_space<hbm>>) dst(%dma_wait3A_192 : memref<128x8xf32, #tpu.memory_space<vmem>>)
      %add3A_199 = arith.constant 1 : i32
      %add3A_200 = arith.addi %mul3A_160, %add3A_199 : i32
      %dma_start3A_201 = arith.constant 1 : i32
      %dma_start3A_202 = arith.constant 0 : i32
      %dma_start3A_203 = arith.constant 0 : i32
      %dma_start3A_204 = tpu.memref_slice %arg9[%dma_start3A_201, %dma_start3A_202, %dma_start3A_203] : memref<5x128x8xf32, #tpu.memory_space<vmem>> -> memref<1x128x8xf32, #tpu.memory_space<vmem>>
      %dma_start3A_205 = tpu.memref_squeeze %dma_start3A_204 : memref<1x128x8xf32, #tpu.memory_space<vmem>> -> memref<128x8xf32, #tpu.memory_space<vmem>>
      %dma_start3A_206 = arith.constant 0 : i32
      %dma_start3A_207 = tpu.memref_slice %arg8[%add3A_200, %dma_start3A_206] : memref<391x128xi32, #tpu.memory_space<vmem>> -> memref<1x128xi32, #tpu.memory_space<vmem>>
      %dma_start3A_208 = tpu.memref_squeeze %dma_start3A_207 : memref<1x128xi32, #tpu.memory_space<vmem>> -> memref<128xi32, #tpu.memory_space<vmem>>
      %dma_start3A_209 = arith.constant 0 : i32
      %dma_start3A_210 = arith.constant 0 : i32
      %dma_start3A_211 = tpu.memref_slice %arg10[%dma_start3A_209, %dma_start3A_210] : memref<50048x8xf32, #tpu.memory_space<vmem_shared>> -> memref<50048x8xf32, #tpu.memory_space<vmem_shared>>
      tpu.enqueue_indirect_dma source(%dma_start3A_205 : memref<128x8xf32, #tpu.memory_space<vmem>>) target(%dma_start3A_211 : memref<50048x8xf32, #tpu.memory_space<vmem_shared>>) offsets(%dma_start3A_208 : memref<128xi32, #tpu.memory_space<vmem>>) semaphore(%arg17 : memref<!tpu.dma_semaphore, #tpu.memory_space<semaphore_mem>>) {add = true}
      %add3A_212 = arith.constant 2 : i32
      %add3A_213 = arith.addi %mul3A_160, %add3A_212 : i32
      %dma_wait3A_214 = arith.constant 2 : i32
      %dma_wait3A_215 = arith.constant 0 : i32
      %dma_wait3A_216 = arith.constant 0 : i32
      %dma_wait3A_217 = tpu.memref_slice %arg9[%dma_wait3A_214, %dma_wait3A_215, %dma_wait3A_216] : memref<5x128x8xf32, #tpu.memory_space<vmem>> -> memref<1x128x8xf32, #tpu.memory_space<vmem>>
      %dma_wait3A_218 = tpu.memref_squeeze %dma_wait3A_217 : memref<1x128x8xf32, #tpu.memory_space<vmem>> -> memref<128x8xf32, #tpu.memory_space<vmem>>
      %dma_wait3A_219 = arith.constant 0 : i32
      %dma_wait3A_220 = tpu.memref_slice %arg7[%add3A_213, %dma_wait3A_219] : memref<391x128xi32, #tpu.memory_space<vmem>> -> memref<1x128xi32, #tpu.memory_space<vmem>>
      %dma_wait3A_221 = tpu.memref_squeeze %dma_wait3A_220 : memref<1x128xi32, #tpu.memory_space<vmem>> -> memref<128xi32, #tpu.memory_space<vmem>>
      %dma_wait3A_222 = arith.constant 0 : i32
      %dma_wait3A_223 = arith.constant 0 : i32
      %dma_wait3A_224 = tpu.memref_slice %arg2[%dma_wait3A_222, %dma_wait3A_223] : memref<100000x8xf32, #tpu.memory_space<hbm>> -> memref<100000x8xf32, #tpu.memory_space<hbm>>
      tpu.wait_indirect_dma semaphore(%arg13 : memref<!tpu.dma_semaphore, #tpu.memory_space<semaphore_mem>>) src(%dma_wait3A_224 : memref<100000x8xf32, #tpu.memory_space<hbm>>) dst(%dma_wait3A_218 : memref<128x8xf32, #tpu.memory_space<vmem>>)
      %add3A_225 = arith.constant 2 : i32
      %add3A_226 = arith.addi %mul3A_160, %add3A_225 : i32
      %dma_start3A_227 = arith.constant 2 : i32
      %dma_start3A_228 = arith.constant 0 : i32
      %dma_start3A_229 = arith.constant 0 : i32
      %dma_start3A_230 = tpu.memref_slice %arg9[%dma_start3A_227, %dma_start3A_228, %dma_start3A_229] : memref<5x128x8xf32, #tpu.memory_space<vmem>> -> memref<1x128x8xf32, #tpu.memory_space<vmem>>
      %dma_start3A_231 = tpu.memref_squeeze %dma_start3A_230 : memref<1x128x8xf32, #tpu.memory_space<vmem>> -> memref<128x8xf32, #tpu.memory_space<vmem>>
      %dma_start3A_232 = arith.constant 0 : i32
      %dma_start3A_233 = tpu.memref_slice %arg8[%add3A_226, %dma_start3A_232] : memref<391x128xi32, #tpu.memory_space<vmem>> -> memref<1x128xi32, #tpu.memory_space<vmem>>
      %dma_start3A_234 = tpu.memref_squeeze %dma_start3A_233 : memref<1x128xi32, #tpu.memory_space<vmem>> -> memref<128xi32, #tpu.memory_space<vmem>>
      %dma_start3A_235 = arith.constant 0 : i32
      %dma_start3A_236 = arith.constant 0 : i32
      %dma_start3A_237 = tpu.memref_slice %arg10[%dma_start3A_235, %dma_start3A_236] : memref<50048x8xf32, #tpu.memory_space<vmem_shared>> -> memref<50048x8xf32, #tpu.memory_space<vmem_shared>>
      tpu.enqueue_indirect_dma source(%dma_start3A_231 : memref<128x8xf32, #tpu.memory_space<vmem>>) target(%dma_start3A_237 : memref<50048x8xf32, #tpu.memory_space<vmem_shared>>) offsets(%dma_start3A_234 : memref<128xi32, #tpu.memory_space<vmem>>) semaphore(%arg18 : memref<!tpu.dma_semaphore, #tpu.memory_space<semaphore_mem>>) {add = true}
      %add3A_238 = arith.constant 3 : i32
      %add3A_239 = arith.addi %mul3A_160, %add3A_238 : i32
      %dma_wait3A_240 = arith.constant 3 : i32
      %dma_wait3A_241 = arith.constant 0 : i32
      %dma_wait3A_242 = arith.constant 0 : i32
      %dma_wait3A_243 = tpu.memref_slice %arg9[%dma_wait3A_240, %dma_wait3A_241, %dma_wait3A_242] : memref<5x128x8xf32, #tpu.memory_space<vmem>> -> memref<1x128x8xf32, #tpu.memory_space<vmem>>
      %dma_wait3A_244 = tpu.memref_squeeze %dma_wait3A_243 : memref<1x128x8xf32, #tpu.memory_space<vmem>> -> memref<128x8xf32, #tpu.memory_space<vmem>>
      %dma_wait3A_245 = arith.constant 0 : i32
      %dma_wait3A_246 = tpu.memref_slice %arg7[%add3A_239, %dma_wait3A_245] : memref<391x128xi32, #tpu.memory_space<vmem>> -> memref<1x128xi32, #tpu.memory_space<vmem>>
      %dma_wait3A_247 = tpu.memref_squeeze %dma_wait3A_246 : memref<1x128xi32, #tpu.memory_space<vmem>> -> memref<128xi32, #tpu.memory_space<vmem>>
      %dma_wait3A_248 = arith.constant 0 : i32
      %dma_wait3A_249 = arith.constant 0 : i32
      %dma_wait3A_250 = tpu.memref_slice %arg2[%dma_wait3A_248, %dma_wait3A_249] : memref<100000x8xf32, #tpu.memory_space<hbm>> -> memref<100000x8xf32, #tpu.memory_space<hbm>>
      tpu.wait_indirect_dma semaphore(%arg14 : memref<!tpu.dma_semaphore, #tpu.memory_space<semaphore_mem>>) src(%dma_wait3A_250 : memref<100000x8xf32, #tpu.memory_space<hbm>>) dst(%dma_wait3A_244 : memref<128x8xf32, #tpu.memory_space<vmem>>)
      %add3A_251 = arith.constant 3 : i32
      %add3A_252 = arith.addi %mul3A_160, %add3A_251 : i32
      %dma_start3A_253 = arith.constant 3 : i32
      %dma_start3A_254 = arith.constant 0 : i32
      %dma_start3A_255 = arith.constant 0 : i32
      %dma_start3A_256 = tpu.memref_slice %arg9[%dma_start3A_253, %dma_start3A_254, %dma_start3A_255] : memref<5x128x8xf32, #tpu.memory_space<vmem>> -> memref<1x128x8xf32, #tpu.memory_space<vmem>>
      %dma_start3A_257 = tpu.memref_squeeze %dma_start3A_256 : memref<1x128x8xf32, #tpu.memory_space<vmem>> -> memref<128x8xf32, #tpu.memory_space<vmem>>
      %dma_start3A_258 = arith.constant 0 : i32
      %dma_start3A_259 = tpu.memref_slice %arg8[%add3A_252, %dma_start3A_258] : memref<391x128xi32, #tpu.memory_space<vmem>> -> memref<1x128xi32, #tpu.memory_space<vmem>>
      %dma_start3A_260 = tpu.memref_squeeze %dma_start3A_259 : memref<1x128xi32, #tpu.memory_space<vmem>> -> memref<128xi32, #tpu.memory_space<vmem>>
      %dma_start3A_261 = arith.constant 0 : i32
      %dma_start3A_262 = arith.constant 0 : i32
      %dma_start3A_263 = tpu.memref_slice %arg10[%dma_start3A_261, %dma_start3A_262] : memref<50048x8xf32, #tpu.memory_space<vmem_shared>> -> memref<50048x8xf32, #tpu.memory_space<vmem_shared>>
      tpu.enqueue_indirect_dma source(%dma_start3A_257 : memref<128x8xf32, #tpu.memory_space<vmem>>) target(%dma_start3A_263 : memref<50048x8xf32, #tpu.memory_space<vmem_shared>>) offsets(%dma_start3A_260 : memref<128xi32, #tpu.memory_space<vmem>>) semaphore(%arg19 : memref<!tpu.dma_semaphore, #tpu.memory_space<semaphore_mem>>) {add = true}
      %add3A_264 = arith.constant 4 : i32
      %add3A_265 = arith.addi %mul3A_160, %add3A_264 : i32
      %dma_wait3A_266 = arith.constant 4 : i32
      %dma_wait3A_267 = arith.constant 0 : i32
      %dma_wait3A_268 = arith.constant 0 : i32
      %dma_wait3A_269 = tpu.memref_slice %arg9[%dma_wait3A_266, %dma_wait3A_267, %dma_wait3A_268] : memref<5x128x8xf32, #tpu.memory_space<vmem>> -> memref<1x128x8xf32, #tpu.memory_space<vmem>>
      %dma_wait3A_270 = tpu.memref_squeeze %dma_wait3A_269 : memref<1x128x8xf32, #tpu.memory_space<vmem>> -> memref<128x8xf32, #tpu.memory_space<vmem>>
      %dma_wait3A_271 = arith.constant 0 : i32
      %dma_wait3A_272 = tpu.memref_slice %arg7[%add3A_265, %dma_wait3A_271] : memref<391x128xi32, #tpu.memory_space<vmem>> -> memref<1x128xi32, #tpu.memory_space<vmem>>
      %dma_wait3A_273 = tpu.memref_squeeze %dma_wait3A_272 : memref<1x128xi32, #tpu.memory_space<vmem>> -> memref<128xi32, #tpu.memory_space<vmem>>
      %dma_wait3A_274 = arith.constant 0 : i32
      %dma_wait3A_275 = arith.constant 0 : i32
      %dma_wait3A_276 = tpu.memref_slice %arg2[%dma_wait3A_274, %dma_wait3A_275] : memref<100000x8xf32, #tpu.memory_space<hbm>> -> memref<100000x8xf32, #tpu.memory_space<hbm>>
      tpu.wait_indirect_dma semaphore(%arg15 : memref<!tpu.dma_semaphore, #tpu.memory_space<semaphore_mem>>) src(%dma_wait3A_276 : memref<100000x8xf32, #tpu.memory_space<hbm>>) dst(%dma_wait3A_270 : memref<128x8xf32, #tpu.memory_space<vmem>>)
      %add3A_277 = arith.constant 4 : i32
      %add3A_278 = arith.addi %mul3A_160, %add3A_277 : i32
      %dma_start3A_279 = arith.constant 4 : i32
      %dma_start3A_280 = arith.constant 0 : i32
      %dma_start3A_281 = arith.constant 0 : i32
      %dma_start3A_282 = tpu.memref_slice %arg9[%dma_start3A_279, %dma_start3A_280, %dma_start3A_281] : memref<5x128x8xf32, #tpu.memory_space<vmem>> -> memref<1x128x8xf32, #tpu.memory_space<vmem>>
      %dma_start3A_283 = tpu.memref_squeeze %dma_start3A_282 : memref<1x128x8xf32, #tpu.memory_space<vmem>> -> memref<128x8xf32, #tpu.memory_space<vmem>>
      %dma_start3A_284 = arith.constant 0 : i32
      %dma_start3A_285 = tpu.memref_slice %arg8[%add3A_278, %dma_start3A_284] : memref<391x128xi32, #tpu.memory_space<vmem>> -> memref<1x128xi32, #tpu.memory_space<vmem>>
      %dma_start3A_286 = tpu.memref_squeeze %dma_start3A_285 : memref<1x128xi32, #tpu.memory_space<vmem>> -> memref<128xi32, #tpu.memory_space<vmem>>
      %dma_start3A_287 = arith.constant 0 : i32
      %dma_start3A_288 = arith.constant 0 : i32
      %dma_start3A_289 = tpu.memref_slice %arg10[%dma_start3A_287, %dma_start3A_288] : memref<50048x8xf32, #tpu.memory_space<vmem_shared>> -> memref<50048x8xf32, #tpu.memory_space<vmem_shared>>
      tpu.enqueue_indirect_dma source(%dma_start3A_283 : memref<128x8xf32, #tpu.memory_space<vmem>>) target(%dma_start3A_289 : memref<50048x8xf32, #tpu.memory_space<vmem_shared>>) offsets(%dma_start3A_286 : memref<128xi32, #tpu.memory_space<vmem>>) semaphore(%arg20 : memref<!tpu.dma_semaphore, #tpu.memory_space<semaphore_mem>>) {add = true}
      %add3A_290 = arith.constant 0 : i32
      %add3A_291 = arith.addi %mul3A_160, %add3A_290 : i32
      %dma_wait3A_292 = arith.constant 0 : i32
      %dma_wait3A_293 = arith.constant 0 : i32
      %dma_wait3A_294 = arith.constant 0 : i32
      %dma_wait3A_295 = tpu.memref_slice %arg9[%dma_wait3A_292, %dma_wait3A_293, %dma_wait3A_294] : memref<5x128x8xf32, #tpu.memory_space<vmem>> -> memref<1x128x8xf32, #tpu.memory_space<vmem>>
      %dma_wait3A_296 = tpu.memref_squeeze %dma_wait3A_295 : memref<1x128x8xf32, #tpu.memory_space<vmem>> -> memref<128x8xf32, #tpu.memory_space<vmem>>
      %dma_wait3A_297 = arith.constant 0 : i32
      %dma_wait3A_298 = tpu.memref_slice %arg8[%add3A_291, %dma_wait3A_297] : memref<391x128xi32, #tpu.memory_space<vmem>> -> memref<1x128xi32, #tpu.memory_space<vmem>>
      %dma_wait3A_299 = tpu.memref_squeeze %dma_wait3A_298 : memref<1x128xi32, #tpu.memory_space<vmem>> -> memref<128xi32, #tpu.memory_space<vmem>>
      %dma_wait3A_300 = arith.constant 0 : i32
      %dma_wait3A_301 = arith.constant 0 : i32
      %dma_wait3A_302 = tpu.memref_slice %arg10[%dma_wait3A_300, %dma_wait3A_301] : memref<50048x8xf32, #tpu.memory_space<vmem_shared>> -> memref<50048x8xf32, #tpu.memory_space<vmem_shared>>
      tpu.wait_indirect_dma semaphore(%arg16 : memref<!tpu.dma_semaphore, #tpu.memory_space<semaphore_mem>>) src(%dma_wait3A_296 : memref<128x8xf32, #tpu.memory_space<vmem>>) dst(%dma_wait3A_302 : memref<50048x8xf32, #tpu.memory_space<vmem_shared>>)
      %add3A_303 = arith.constant 5 : i32
      %add3A_304 = arith.addi %mul3A_160, %add3A_303 : i32
      %add3A_305 = arith.constant 0 : i32
      %add3A_306 = arith.addi %add3A_304, %add3A_305 : i32
      %lt3A = arith.constant 391 : i32
      %lt3A_307 = arith.cmpi slt, %add3A_306, %lt3A : i32
      %convert_element_type3A = arith.extui %lt3A_307 : i1 to i32
      %cond3A = arith.constant 0 : i32
      %cond3A_308 = arith.cmpi ne, %convert_element_type3A, %cond3A : i32
      scf.if %cond3A_308 {
        %add3A_397 = arith.constant 5 : i32
        %add3A_398 = arith.addi %mul3A_160, %add3A_397 : i32
        %add3A_399 = arith.constant 0 : i32
        %add3A_400 = arith.addi %add3A_398, %add3A_399 : i32
        %dma_start3A_401 = arith.constant 0 : i32
        %dma_start3A_402 = arith.constant 0 : i32
        %dma_start3A_403 = arith.constant 0 : i32
        %dma_start3A_404 = tpu.memref_slice %arg9[%dma_start3A_401, %dma_start3A_402, %dma_start3A_403] : memref<5x128x8xf32, #tpu.memory_space<vmem>> -> memref<1x128x8xf32, #tpu.memory_space<vmem>>
        %dma_start3A_405 = tpu.memref_squeeze %dma_start3A_404 : memref<1x128x8xf32, #tpu.memory_space<vmem>> -> memref<128x8xf32, #tpu.memory_space<vmem>>
        %dma_start3A_406 = arith.constant 0 : i32
        %dma_start3A_407 = tpu.memref_slice %arg7[%add3A_400, %dma_start3A_406] : memref<391x128xi32, #tpu.memory_space<vmem>> -> memref<1x128xi32, #tpu.memory_space<vmem>>
        %dma_start3A_408 = tpu.memref_squeeze %dma_start3A_407 : memref<1x128xi32, #tpu.memory_space<vmem>> -> memref<128xi32, #tpu.memory_space<vmem>>
        %dma_start3A_409 = arith.constant 0 : i32
        %dma_start3A_410 = arith.constant 0 : i32
        %dma_start3A_411 = tpu.memref_slice %arg2[%dma_start3A_409, %dma_start3A_410] : memref<100000x8xf32, #tpu.memory_space<hbm>> -> memref<100000x8xf32, #tpu.memory_space<hbm>>
        tpu.enqueue_indirect_dma source(%dma_start3A_411 : memref<100000x8xf32, #tpu.memory_space<hbm>>) target(%dma_start3A_405 : memref<128x8xf32, #tpu.memory_space<vmem>>) offsets(%dma_start3A_408 : memref<128xi32, #tpu.memory_space<vmem>>) semaphore(%arg11 : memref<!tpu.dma_semaphore, #tpu.memory_space<semaphore_mem>>)
      } else {
      }
      %add3A_309 = arith.constant 1 : i32
      %add3A_310 = arith.addi %mul3A_160, %add3A_309 : i32
      %dma_wait3A_311 = arith.constant 1 : i32
      %dma_wait3A_312 = arith.constant 0 : i32
      %dma_wait3A_313 = arith.constant 0 : i32
      %dma_wait3A_314 = tpu.memref_slice %arg9[%dma_wait3A_311, %dma_wait3A_312, %dma_wait3A_313] : memref<5x128x8xf32, #tpu.memory_space<vmem>> -> memref<1x128x8xf32, #tpu.memory_space<vmem>>
      %dma_wait3A_315 = tpu.memref_squeeze %dma_wait3A_314 : memref<1x128x8xf32, #tpu.memory_space<vmem>> -> memref<128x8xf32, #tpu.memory_space<vmem>>
      %dma_wait3A_316 = arith.constant 0 : i32
      %dma_wait3A_317 = tpu.memref_slice %arg8[%add3A_310, %dma_wait3A_316] : memref<391x128xi32, #tpu.memory_space<vmem>> -> memref<1x128xi32, #tpu.memory_space<vmem>>
      %dma_wait3A_318 = tpu.memref_squeeze %dma_wait3A_317 : memref<1x128xi32, #tpu.memory_space<vmem>> -> memref<128xi32, #tpu.memory_space<vmem>>
      %dma_wait3A_319 = arith.constant 0 : i32
      %dma_wait3A_320 = arith.constant 0 : i32
      %dma_wait3A_321 = tpu.memref_slice %arg10[%dma_wait3A_319, %dma_wait3A_320] : memref<50048x8xf32, #tpu.memory_space<vmem_shared>> -> memref<50048x8xf32, #tpu.memory_space<vmem_shared>>
      tpu.wait_indirect_dma semaphore(%arg17 : memref<!tpu.dma_semaphore, #tpu.memory_space<semaphore_mem>>) src(%dma_wait3A_315 : memref<128x8xf32, #tpu.memory_space<vmem>>) dst(%dma_wait3A_321 : memref<50048x8xf32, #tpu.memory_space<vmem_shared>>)
      %add3A_322 = arith.constant 5 : i32
      %add3A_323 = arith.addi %mul3A_160, %add3A_322 : i32
      %add3A_324 = arith.constant 1 : i32
      %add3A_325 = arith.addi %add3A_323, %add3A_324 : i32
      %lt3A_326 = arith.constant 391 : i32
      %lt3A_327 = arith.cmpi slt, %add3A_325, %lt3A_326 : i32
      %convert_element_type3A_328 = arith.extui %lt3A_327 : i1 to i32
      %cond3A_329 = arith.constant 0 : i32
      %cond3A_330 = arith.cmpi ne, %convert_element_type3A_328, %cond3A_329 : i32
      scf.if %cond3A_330 {
        %add3A_397 = arith.constant 5 : i32
        %add3A_398 = arith.addi %mul3A_160, %add3A_397 : i32
        %add3A_399 = arith.constant 1 : i32
        %add3A_400 = arith.addi %add3A_398, %add3A_399 : i32
        %dma_start3A_401 = arith.constant 1 : i32
        %dma_start3A_402 = arith.constant 0 : i32
        %dma_start3A_403 = arith.constant 0 : i32
        %dma_start3A_404 = tpu.memref_slice %arg9[%dma_start3A_401, %dma_start3A_402, %dma_start3A_403] : memref<5x128x8xf32, #tpu.memory_space<vmem>> -> memref<1x128x8xf32, #tpu.memory_space<vmem>>
        %dma_start3A_405 = tpu.memref_squeeze %dma_start3A_404 : memref<1x128x8xf32, #tpu.memory_space<vmem>> -> memref<128x8xf32, #tpu.memory_space<vmem>>
        %dma_start3A_406 = arith.constant 0 : i32
        %dma_start3A_407 = tpu.memref_slice %arg7[%add3A_400, %dma_start3A_406] : memref<391x128xi32, #tpu.memory_space<vmem>> -> memref<1x128xi32, #tpu.memory_space<vmem>>
        %dma_start3A_408 = tpu.memref_squeeze %dma_start3A_407 : memref<1x128xi32, #tpu.memory_space<vmem>> -> memref<128xi32, #tpu.memory_space<vmem>>
        %dma_start3A_409 = arith.constant 0 : i32
        %dma_start3A_410 = arith.constant 0 : i32
        %dma_start3A_411 = tpu.memref_slice %arg2[%dma_start3A_409, %dma_start3A_410] : memref<100000x8xf32, #tpu.memory_space<hbm>> -> memref<100000x8xf32, #tpu.memory_space<hbm>>
        tpu.enqueue_indirect_dma source(%dma_start3A_411 : memref<100000x8xf32, #tpu.memory_space<hbm>>) target(%dma_start3A_405 : memref<128x8xf32, #tpu.memory_space<vmem>>) offsets(%dma_start3A_408 : memref<128xi32, #tpu.memory_space<vmem>>) semaphore(%arg12 : memref<!tpu.dma_semaphore, #tpu.memory_space<semaphore_mem>>)
      } else {
      }
      %add3A_331 = arith.constant 2 : i32
      %add3A_332 = arith.addi %mul3A_160, %add3A_331 : i32
      %dma_wait3A_333 = arith.constant 2 : i32
      %dma_wait3A_334 = arith.constant 0 : i32
      %dma_wait3A_335 = arith.constant 0 : i32
      %dma_wait3A_336 = tpu.memref_slice %arg9[%dma_wait3A_333, %dma_wait3A_334, %dma_wait3A_335] : memref<5x128x8xf32, #tpu.memory_space<vmem>> -> memref<1x128x8xf32, #tpu.memory_space<vmem>>
      %dma_wait3A_337 = tpu.memref_squeeze %dma_wait3A_336 : memref<1x128x8xf32, #tpu.memory_space<vmem>> -> memref<128x8xf32, #tpu.memory_space<vmem>>
      %dma_wait3A_338 = arith.constant 0 : i32
      %dma_wait3A_339 = tpu.memref_slice %arg8[%add3A_332, %dma_wait3A_338] : memref<391x128xi32, #tpu.memory_space<vmem>> -> memref<1x128xi32, #tpu.memory_space<vmem>>
      %dma_wait3A_340 = tpu.memref_squeeze %dma_wait3A_339 : memref<1x128xi32, #tpu.memory_space<vmem>> -> memref<128xi32, #tpu.memory_space<vmem>>
      %dma_wait3A_341 = arith.constant 0 : i32
      %dma_wait3A_342 = arith.constant 0 : i32
      %dma_wait3A_343 = tpu.memref_slice %arg10[%dma_wait3A_341, %dma_wait3A_342] : memref<50048x8xf32, #tpu.memory_space<vmem_shared>> -> memref<50048x8xf32, #tpu.memory_space<vmem_shared>>
      tpu.wait_indirect_dma semaphore(%arg18 : memref<!tpu.dma_semaphore, #tpu.memory_space<semaphore_mem>>) src(%dma_wait3A_337 : memref<128x8xf32, #tpu.memory_space<vmem>>) dst(%dma_wait3A_343 : memref<50048x8xf32, #tpu.memory_space<vmem_shared>>)
      %add3A_344 = arith.constant 5 : i32
      %add3A_345 = arith.addi %mul3A_160, %add3A_344 : i32
      %add3A_346 = arith.constant 2 : i32
      %add3A_347 = arith.addi %add3A_345, %add3A_346 : i32
      %lt3A_348 = arith.constant 391 : i32
      %lt3A_349 = arith.cmpi slt, %add3A_347, %lt3A_348 : i32
      %convert_element_type3A_350 = arith.extui %lt3A_349 : i1 to i32
      %cond3A_351 = arith.constant 0 : i32
      %cond3A_352 = arith.cmpi ne, %convert_element_type3A_350, %cond3A_351 : i32
      scf.if %cond3A_352 {
        %add3A_397 = arith.constant 5 : i32
        %add3A_398 = arith.addi %mul3A_160, %add3A_397 : i32
        %add3A_399 = arith.constant 2 : i32
        %add3A_400 = arith.addi %add3A_398, %add3A_399 : i32
        %dma_start3A_401 = arith.constant 2 : i32
        %dma_start3A_402 = arith.constant 0 : i32
        %dma_start3A_403 = arith.constant 0 : i32
        %dma_start3A_404 = tpu.memref_slice %arg9[%dma_start3A_401, %dma_start3A_402, %dma_start3A_403] : memref<5x128x8xf32, #tpu.memory_space<vmem>> -> memref<1x128x8xf32, #tpu.memory_space<vmem>>
        %dma_start3A_405 = tpu.memref_squeeze %dma_start3A_404 : memref<1x128x8xf32, #tpu.memory_space<vmem>> -> memref<128x8xf32, #tpu.memory_space<vmem>>
        %dma_start3A_406 = arith.constant 0 : i32
        %dma_start3A_407 = tpu.memref_slice %arg7[%add3A_400, %dma_start3A_406] : memref<391x128xi32, #tpu.memory_space<vmem>> -> memref<1x128xi32, #tpu.memory_space<vmem>>
        %dma_start3A_408 = tpu.memref_squeeze %dma_start3A_407 : memref<1x128xi32, #tpu.memory_space<vmem>> -> memref<128xi32, #tpu.memory_space<vmem>>
        %dma_start3A_409 = arith.constant 0 : i32
        %dma_start3A_410 = arith.constant 0 : i32
        %dma_start3A_411 = tpu.memref_slice %arg2[%dma_start3A_409, %dma_start3A_410] : memref<100000x8xf32, #tpu.memory_space<hbm>> -> memref<100000x8xf32, #tpu.memory_space<hbm>>
        tpu.enqueue_indirect_dma source(%dma_start3A_411 : memref<100000x8xf32, #tpu.memory_space<hbm>>) target(%dma_start3A_405 : memref<128x8xf32, #tpu.memory_space<vmem>>) offsets(%dma_start3A_408 : memref<128xi32, #tpu.memory_space<vmem>>) semaphore(%arg13 : memref<!tpu.dma_semaphore, #tpu.memory_space<semaphore_mem>>)
      } else {
      }
      %add3A_353 = arith.constant 3 : i32
      %add3A_354 = arith.addi %mul3A_160, %add3A_353 : i32
      %dma_wait3A_355 = arith.constant 3 : i32
      %dma_wait3A_356 = arith.constant 0 : i32
      %dma_wait3A_357 = arith.constant 0 : i32
      %dma_wait3A_358 = tpu.memref_slice %arg9[%dma_wait3A_355, %dma_wait3A_356, %dma_wait3A_357] : memref<5x128x8xf32, #tpu.memory_space<vmem>> -> memref<1x128x8xf32, #tpu.memory_space<vmem>>
      %dma_wait3A_359 = tpu.memref_squeeze %dma_wait3A_358 : memref<1x128x8xf32, #tpu.memory_space<vmem>> -> memref<128x8xf32, #tpu.memory_space<vmem>>
      %dma_wait3A_360 = arith.constant 0 : i32
      %dma_wait3A_361 = tpu.memref_slice %arg8[%add3A_354, %dma_wait3A_360] : memref<391x128xi32, #tpu.memory_space<vmem>> -> memref<1x128xi32, #tpu.memory_space<vmem>>
      %dma_wait3A_362 = tpu.memref_squeeze %dma_wait3A_361 : memref<1x128xi32, #tpu.memory_space<vmem>> -> memref<128xi32, #tpu.memory_space<vmem>>
      %dma_wait3A_363 = arith.constant 0 : i32
      %dma_wait3A_364 = arith.constant 0 : i32
      %dma_wait3A_365 = tpu.memref_slice %arg10[%dma_wait3A_363, %dma_wait3A_364] : memref<50048x8xf32, #tpu.memory_space<vmem_shared>> -> memref<50048x8xf32, #tpu.memory_space<vmem_shared>>
      tpu.wait_indirect_dma semaphore(%arg19 : memref<!tpu.dma_semaphore, #tpu.memory_space<semaphore_mem>>) src(%dma_wait3A_359 : memref<128x8xf32, #tpu.memory_space<vmem>>) dst(%dma_wait3A_365 : memref<50048x8xf32, #tpu.memory_space<vmem_shared>>)
      %add3A_366 = arith.constant 5 : i32
      %add3A_367 = arith.addi %mul3A_160, %add3A_366 : i32
      %add3A_368 = arith.constant 3 : i32
      %add3A_369 = arith.addi %add3A_367, %add3A_368 : i32
      %lt3A_370 = arith.constant 391 : i32
      %lt3A_371 = arith.cmpi slt, %add3A_369, %lt3A_370 : i32
      %convert_element_type3A_372 = arith.extui %lt3A_371 : i1 to i32
      %cond3A_373 = arith.constant 0 : i32
      %cond3A_374 = arith.cmpi ne, %convert_element_type3A_372, %cond3A_373 : i32
      scf.if %cond3A_374 {
        %add3A_397 = arith.constant 5 : i32
        %add3A_398 = arith.addi %mul3A_160, %add3A_397 : i32
        %add3A_399 = arith.constant 3 : i32
        %add3A_400 = arith.addi %add3A_398, %add3A_399 : i32
        %dma_start3A_401 = arith.constant 3 : i32
        %dma_start3A_402 = arith.constant 0 : i32
        %dma_start3A_403 = arith.constant 0 : i32
        %dma_start3A_404 = tpu.memref_slice %arg9[%dma_start3A_401, %dma_start3A_402, %dma_start3A_403] : memref<5x128x8xf32, #tpu.memory_space<vmem>> -> memref<1x128x8xf32, #tpu.memory_space<vmem>>
        %dma_start3A_405 = tpu.memref_squeeze %dma_start3A_404 : memref<1x128x8xf32, #tpu.memory_space<vmem>> -> memref<128x8xf32, #tpu.memory_space<vmem>>
        %dma_start3A_406 = arith.constant 0 : i32
        %dma_start3A_407 = tpu.memref_slice %arg7[%add3A_400, %dma_start3A_406] : memref<391x128xi32, #tpu.memory_space<vmem>> -> memref<1x128xi32, #tpu.memory_space<vmem>>
        %dma_start3A_408 = tpu.memref_squeeze %dma_start3A_407 : memref<1x128xi32, #tpu.memory_space<vmem>> -> memref<128xi32, #tpu.memory_space<vmem>>
        %dma_start3A_409 = arith.constant 0 : i32
        %dma_start3A_410 = arith.constant 0 : i32
        %dma_start3A_411 = tpu.memref_slice %arg2[%dma_start3A_409, %dma_start3A_410] : memref<100000x8xf32, #tpu.memory_space<hbm>> -> memref<100000x8xf32, #tpu.memory_space<hbm>>
        tpu.enqueue_indirect_dma source(%dma_start3A_411 : memref<100000x8xf32, #tpu.memory_space<hbm>>) target(%dma_start3A_405 : memref<128x8xf32, #tpu.memory_space<vmem>>) offsets(%dma_start3A_408 : memref<128xi32, #tpu.memory_space<vmem>>) semaphore(%arg14 : memref<!tpu.dma_semaphore, #tpu.memory_space<semaphore_mem>>)
      } else {
      }
      %add3A_375 = arith.constant 4 : i32
      %add3A_376 = arith.addi %mul3A_160, %add3A_375 : i32
      %dma_wait3A_377 = arith.constant 4 : i32
      %dma_wait3A_378 = arith.constant 0 : i32
      %dma_wait3A_379 = arith.constant 0 : i32
      %dma_wait3A_380 = tpu.memref_slice %arg9[%dma_wait3A_377, %dma_wait3A_378, %dma_wait3A_379] : memref<5x128x8xf32, #tpu.memory_space<vmem>> -> memref<1x128x8xf32, #tpu.memory_space<vmem>>
      %dma_wait3A_381 = tpu.memref_squeeze %dma_wait3A_380 : memref<1x128x8xf32, #tpu.memory_space<vmem>> -> memref<128x8xf32, #tpu.memory_space<vmem>>
      %dma_wait3A_382 = arith.constant 0 : i32
      %dma_wait3A_383 = tpu.memref_slice %arg8[%add3A_376, %dma_wait3A_382] : memref<391x128xi32, #tpu.memory_space<vmem>> -> memref<1x128xi32, #tpu.memory_space<vmem>>
      %dma_wait3A_384 = tpu.memref_squeeze %dma_wait3A_383 : memref<1x128xi32, #tpu.memory_space<vmem>> -> memref<128xi32, #tpu.memory_space<vmem>>
      %dma_wait3A_385 = arith.constant 0 : i32
      %dma_wait3A_386 = arith.constant 0 : i32
      %dma_wait3A_387 = tpu.memref_slice %arg10[%dma_wait3A_385, %dma_wait3A_386] : memref<50048x8xf32, #tpu.memory_space<vmem_shared>> -> memref<50048x8xf32, #tpu.memory_space<vmem_shared>>
      tpu.wait_indirect_dma semaphore(%arg20 : memref<!tpu.dma_semaphore, #tpu.memory_space<semaphore_mem>>) src(%dma_wait3A_381 : memref<128x8xf32, #tpu.memory_space<vmem>>) dst(%dma_wait3A_387 : memref<50048x8xf32, #tpu.memory_space<vmem_shared>>)
      %add3A_388 = arith.constant 5 : i32
      %add3A_389 = arith.addi %mul3A_160, %add3A_388 : i32
      %add3A_390 = arith.constant 4 : i32
      %add3A_391 = arith.addi %add3A_389, %add3A_390 : i32
      %lt3A_392 = arith.constant 391 : i32
      %lt3A_393 = arith.cmpi slt, %add3A_391, %lt3A_392 : i32
      %convert_element_type3A_394 = arith.extui %lt3A_393 : i1 to i32
      %cond3A_395 = arith.constant 0 : i32
      %cond3A_396 = arith.cmpi ne, %convert_element_type3A_394, %cond3A_395 : i32
      scf.if %cond3A_396 {
        %add3A_397 = arith.constant 5 : i32
        %add3A_398 = arith.addi %mul3A_160, %add3A_397 : i32
        %add3A_399 = arith.constant 4 : i32
        %add3A_400 = arith.addi %add3A_398, %add3A_399 : i32
        %dma_start3A_401 = arith.constant 4 : i32
        %dma_start3A_402 = arith.constant 0 : i32
        %dma_start3A_403 = arith.constant 0 : i32
        %dma_start3A_404 = tpu.memref_slice %arg9[%dma_start3A_401, %dma_start3A_402, %dma_start3A_403] : memref<5x128x8xf32, #tpu.memory_space<vmem>> -> memref<1x128x8xf32, #tpu.memory_space<vmem>>
        %dma_start3A_405 = tpu.memref_squeeze %dma_start3A_404 : memref<1x128x8xf32, #tpu.memory_space<vmem>> -> memref<128x8xf32, #tpu.memory_space<vmem>>
        %dma_start3A_406 = arith.constant 0 : i32
        %dma_start3A_407 = tpu.memref_slice %arg7[%add3A_400, %dma_start3A_406] : memref<391x128xi32, #tpu.memory_space<vmem>> -> memref<1x128xi32, #tpu.memory_space<vmem>>
        %dma_start3A_408 = tpu.memref_squeeze %dma_start3A_407 : memref<1x128xi32, #tpu.memory_space<vmem>> -> memref<128xi32, #tpu.memory_space<vmem>>
        %dma_start3A_409 = arith.constant 0 : i32
        %dma_start3A_410 = arith.constant 0 : i32
        %dma_start3A_411 = tpu.memref_slice %arg2[%dma_start3A_409, %dma_start3A_410] : memref<100000x8xf32, #tpu.memory_space<hbm>> -> memref<100000x8xf32, #tpu.memory_space<hbm>>
        tpu.enqueue_indirect_dma source(%dma_start3A_411 : memref<100000x8xf32, #tpu.memory_space<hbm>>) target(%dma_start3A_405 : memref<128x8xf32, #tpu.memory_space<vmem>>) offsets(%dma_start3A_408 : memref<128xi32, #tpu.memory_space<vmem>>) semaphore(%arg15 : memref<!tpu.dma_semaphore, #tpu.memory_space<semaphore_mem>>)
      } else {
      }
    }
    %scan3A_142 = arith.constant 78 : i32
    %dma_wait3A_143 = arith.constant 390 : i32
    %dma_wait3A_144 = arith.constant 0 : i32
    %dma_wait3A_145 = arith.constant 0 : i32
    %dma_wait3A_146 = arith.constant 0 : i32
    %dma_wait3A_147 = tpu.memref_slice %arg9[%dma_wait3A_144, %dma_wait3A_145, %dma_wait3A_146] : memref<5x128x8xf32, #tpu.memory_space<vmem>> -> memref<1x128x8xf32, #tpu.memory_space<vmem>>
    %dma_wait3A_148 = tpu.memref_squeeze %dma_wait3A_147 : memref<1x128x8xf32, #tpu.memory_space<vmem>> -> memref<128x8xf32, #tpu.memory_space<vmem>>
    %dma_wait3A_149 = arith.constant 0 : i32
    %dma_wait3A_150 = tpu.memref_slice %arg7[%dma_wait3A_143, %dma_wait3A_149] : memref<391x128xi32, #tpu.memory_space<vmem>> -> memref<1x128xi32, #tpu.memory_space<vmem>>
    %dma_wait3A_151 = tpu.memref_squeeze %dma_wait3A_150 : memref<1x128xi32, #tpu.memory_space<vmem>> -> memref<128xi32, #tpu.memory_space<vmem>>
    %dma_wait3A_152 = arith.constant 0 : i32
    %dma_wait3A_153 = arith.constant 0 : i32
    %dma_wait3A_154 = tpu.memref_slice %arg2[%dma_wait3A_152, %dma_wait3A_153] : memref<100000x8xf32, #tpu.memory_space<hbm>> -> memref<100000x8xf32, #tpu.memory_space<hbm>>
    tpu.wait_indirect_dma semaphore(%arg11 : memref<!tpu.dma_semaphore, #tpu.memory_space<semaphore_mem>>) src(%dma_wait3A_154 : memref<100000x8xf32, #tpu.memory_space<hbm>>) dst(%dma_wait3A_148 : memref<128x8xf32, #tpu.memory_space<vmem>>)
    %run_scoped3A_155 = arith.constant 0 : i32
    %run_scoped3A_156 = arith.constant 390 : i32
    "tpu.region"() ({
      %run_scoped3A_158 = tpu.sem_alloc : memref<!tpu.dma_semaphore, #tpu.memory_space<semaphore_mem>>
      %dma_start3A_159 = arith.constant 0 : i32
      %dma_start3A_160 = arith.constant 0 : i32
      %dma_start3A_161 = tpu.memref_slice %arg9[%run_scoped3A_155, %dma_start3A_159, %dma_start3A_160] : memref<5x128x8xf32, #tpu.memory_space<vmem>> -> memref<1x128x8xf32, #tpu.memory_space<vmem>>
      %dma_start3A_162 = tpu.memref_squeeze %dma_start3A_161 : memref<1x128x8xf32, #tpu.memory_space<vmem>> -> memref<128x8xf32, #tpu.memory_space<vmem>>
      %dma_start3A_163 = arith.constant 0 : i32
      %dma_start3A_164 = tpu.memref_slice %arg8[%run_scoped3A_156, %dma_start3A_163] : memref<391x128xi32, #tpu.memory_space<vmem>> -> memref<1x128xi32, #tpu.memory_space<vmem>>
      %dma_start3A_165 = tpu.memref_squeeze %dma_start3A_164 : memref<1x128xi32, #tpu.memory_space<vmem>> -> memref<128xi32, #tpu.memory_space<vmem>>
      %dma_start3A_166 = arith.constant 0 : i32
      %dma_start3A_167 = arith.constant 0 : i32
      %dma_start3A_168 = tpu.memref_slice %arg10[%dma_start3A_166, %dma_start3A_167] : memref<50048x8xf32, #tpu.memory_space<vmem_shared>> -> memref<50048x8xf32, #tpu.memory_space<vmem_shared>>
      tpu.enqueue_indirect_dma source(%dma_start3A_162 : memref<128x8xf32, #tpu.memory_space<vmem>>) target(%dma_start3A_168 : memref<50048x8xf32, #tpu.memory_space<vmem_shared>>) offsets(%dma_start3A_165 : memref<128xi32, #tpu.memory_space<vmem>>) semaphore(%run_scoped3A_158 : memref<!tpu.dma_semaphore, #tpu.memory_space<semaphore_mem>>) {add = true}
      %dma_wait3A_169 = arith.constant 0 : i32
      %dma_wait3A_170 = arith.constant 0 : i32
      %dma_wait3A_171 = tpu.memref_slice %arg9[%run_scoped3A_155, %dma_wait3A_169, %dma_wait3A_170] : memref<5x128x8xf32, #tpu.memory_space<vmem>> -> memref<1x128x8xf32, #tpu.memory_space<vmem>>
      %dma_wait3A_172 = tpu.memref_squeeze %dma_wait3A_171 : memref<1x128x8xf32, #tpu.memory_space<vmem>> -> memref<128x8xf32, #tpu.memory_space<vmem>>
      %dma_wait3A_173 = arith.constant 0 : i32
      %dma_wait3A_174 = tpu.memref_slice %arg8[%run_scoped3A_156, %dma_wait3A_173] : memref<391x128xi32, #tpu.memory_space<vmem>> -> memref<1x128xi32, #tpu.memory_space<vmem>>
      %dma_wait3A_175 = tpu.memref_squeeze %dma_wait3A_174 : memref<1x128xi32, #tpu.memory_space<vmem>> -> memref<128xi32, #tpu.memory_space<vmem>>
      %dma_wait3A_176 = arith.constant 0 : i32
      %dma_wait3A_177 = arith.constant 0 : i32
      %dma_wait3A_178 = tpu.memref_slice %arg10[%dma_wait3A_176, %dma_wait3A_177] : memref<50048x8xf32, #tpu.memory_space<vmem_shared>> -> memref<50048x8xf32, #tpu.memory_space<vmem_shared>>
      tpu.wait_indirect_dma semaphore(%run_scoped3A_158 : memref<!tpu.dma_semaphore, #tpu.memory_space<semaphore_mem>>) src(%dma_wait3A_172 : memref<128x8xf32, #tpu.memory_space<vmem>>) dst(%dma_wait3A_178 : memref<50048x8xf32, #tpu.memory_space<vmem_shared>>)
      tpu.yield
    }) : () -> ()
    %barrier3A_157 = arith.constant 0 : index
    tpu.barrier barrier_id(%barrier3A_157)
    "tpu.region"() ({
      %run_scoped3A_158 = tpu.sem_alloc : memref<!tpu.dma_semaphore, #tpu.memory_space<semaphore_mem>>
      %dma_start3A_159 = arith.constant 0 : i32
      %dma_start3A_160 = tpu.memref_slice %arg6[%arg0, %mul3A_0, %dma_start3A_159] : memref<2x50048x8xf32, #tpu.memory_space<hbm>> -> memref<1x3128x8xf32, #tpu.memory_space<hbm>>
      %dma_start3A_161 = tpu.memref_squeeze %dma_start3A_160 : memref<1x3128x8xf32, #tpu.memory_space<hbm>> -> memref<3128x8xf32, #tpu.memory_space<hbm>>
      %dma_start3A_162 = arith.constant 0 : i32
      %dma_start3A_163 = tpu.memref_slice %arg10[%mul3A_0, %dma_start3A_162] : memref<50048x8xf32, #tpu.memory_space<vmem_shared>> -> memref<3128x8xf32, #tpu.memory_space<vmem_shared>>
      tpu.enqueue_dma source(%dma_start3A_163 : memref<3128x8xf32, #tpu.memory_space<vmem_shared>>) target(%dma_start3A_161 : memref<3128x8xf32, #tpu.memory_space<hbm>>) target_semaphore(%run_scoped3A_158 : memref<!tpu.dma_semaphore, #tpu.memory_space<semaphore_mem>>)
      %dma_wait3A_164 = arith.constant 0 : i32
      %dma_wait3A_165 = tpu.memref_slice %arg6[%arg0, %mul3A_0, %dma_wait3A_164] : memref<2x50048x8xf32, #tpu.memory_space<hbm>> -> memref<1x3128x8xf32, #tpu.memory_space<hbm>>
      %dma_wait3A_166 = tpu.memref_squeeze %dma_wait3A_165 : memref<1x3128x8xf32, #tpu.memory_space<hbm>> -> memref<3128x8xf32, #tpu.memory_space<hbm>>
      %dma_wait3A_167 = arith.constant 0 : i32
      %dma_wait3A_168 = tpu.memref_slice %arg10[%mul3A_0, %dma_wait3A_167] : memref<50048x8xf32, #tpu.memory_space<vmem_shared>> -> memref<3128x8xf32, #tpu.memory_space<vmem_shared>>
      tpu.wait_dma2 semaphore(%run_scoped3A_158 : memref<!tpu.dma_semaphore, #tpu.memory_space<semaphore_mem>>) src(%dma_wait3A_168 : memref<3128x8xf32, #tpu.memory_space<vmem_shared>>) dst(%dma_wait3A_166 : memref<3128x8xf32, #tpu.memory_space<hbm>>)
      tpu.yield
    }) : () -> ()
    return
  }
}

module attributes {stable_mosaic.version = 14 : i64} {
  func.func @_tc_scale_kernel(%arg0: i32, %arg1: memref<5000x1xf32, #tpu.memory_space<vmem>>, %arg2: memref<5000x1xf32, #tpu.memory_space<vmem>>, %arg3: memref<5000x3xf32, #tpu.memory_space<vmem>>, %arg4: memref<5000x1xf32, #tpu.memory_space<vmem>>, %arg5: memref<5000x8xf32, #tpu.memory_space<vmem>>) attributes {dimension_semantics = [#tpu.dimension_semantics<arbitrary>], iteration_bounds = array<i64: 20>, scalar_prefetch = 0 : i64, scratch_operands = 0 : i64, tpu.core_type = #tpu.core_type<tc>, window_params = [{transform_indices = @transform_0, window_bounds = array<i64: 5000, 1>}, {transform_indices = @transform_1, window_bounds = array<i64: 5000, 1>}, {transform_indices = @transform_2, window_bounds = array<i64: 5000, 3>}, {transform_indices = @transform_3, window_bounds = array<i64: 5000, 1>}, {transform_indices = @transform_4, window_bounds = array<i64: 5000, 8>}]} {
    %get3A = arith.constant 0 : index
    %get3A_0 = arith.constant 0 : index
    %get3A_1 = vector.load %arg1[%get3A, %get3A_0] : memref<5000x1xf32, #tpu.memory_space<vmem>>, vector<5000x1xf32>
    %get3A_2 = arith.constant 0 : index
    %get3A_3 = arith.constant 0 : index
    %get3A_4 = vector.load %arg2[%get3A_2, %get3A_3] : memref<5000x1xf32, #tpu.memory_space<vmem>>, vector<5000x1xf32>
    %add3A = arith.addf %get3A_1, %get3A_4 : vector<5000x1xf32>
    %add3A_5 = arith.constant 1.000000e+00 : f32
    %add3A_6 = vector.broadcast %add3A_5 : f32 to vector<5000x1xf32>
    %add3A_7 = arith.addf %add3A, %add3A_6 : vector<5000x1xf32>
    %rsqrt3A = math.rsqrt %add3A_7 : vector<5000x1xf32>
    %swap3A = arith.constant 0 : index
    %swap3A_8 = arith.constant 0 : index
    %swap3A_9 = vector.load %arg4[%swap3A, %swap3A_8] : memref<5000x1xf32, #tpu.memory_space<vmem>>, vector<5000x1xf32>
    tpu.vector_store %arg4[%swap3A, %swap3A_8], %rsqrt3A {strides = array<i32>} : memref<5000x1xf32, #tpu.memory_space<vmem>>, vector<5000x1xf32>,
    %get3A_10 = arith.constant 0 : index
    %get3A_11 = arith.constant 0 : index
    %get3A_12 = vector.load %arg3[%get3A_10, %get3A_11] : memref<5000x3xf32, #tpu.memory_space<vmem>>, vector<5000x3xf32>
    %mul3A = vector.broadcast %rsqrt3A : vector<5000x1xf32> to vector<5000x3xf32>
    %mul3A_13 = arith.mulf %get3A_12, %mul3A : vector<5000x3xf32>
    %broadcast_in_dim3A = arith.constant 0.000000e+00 : f32
    %broadcast_in_dim3A_14 = vector.broadcast %broadcast_in_dim3A : f32 to vector<5000x5xf32>
    %concatenate3A = tpu.concatenate %mul3A_13, %broadcast_in_dim3A_14 in 1 : vector<5000x3xf32>, vector<5000x5xf32> -> vector<5000x8xf32>
    %swap3A_15 = arith.constant 0 : index
    %swap3A_16 = arith.constant 0 : index
    %swap3A_17 = vector.load %arg5[%swap3A_15, %swap3A_16] : memref<5000x8xf32, #tpu.memory_space<vmem>>, vector<5000x8xf32>
    tpu.vector_store %arg5[%swap3A_15, %swap3A_16], %concatenate3A {strides = array<i32>} : memref<5000x8xf32, #tpu.memory_space<vmem>>, vector<5000x8xf32>,
    return
  }
  func.func @transform_0(%arg0: i32) -> (i32, i32) {
    %c0_i32 = arith.constant 0 : i32
    %c0_i32_0 = arith.constant 0 : i32
    return %arg0, %c0_i32 : i32, i32
  }
  func.func @transform_1(%arg0: i32) -> (i32, i32) {
    %c0_i32 = arith.constant 0 : i32
    %c0_i32_0 = arith.constant 0 : i32
    return %arg0, %c0_i32 : i32, i32
  }
  func.func @transform_2(%arg0: i32) -> (i32, i32) {
    %c0_i32 = arith.constant 0 : i32
    %c0_i32_0 = arith.constant 0 : i32
    return %arg0, %c0_i32 : i32, i32
  }
  func.func @transform_3(%arg0: i32) -> (i32, i32) {
    %c0_i32 = arith.constant 0 : i32
    %c0_i32_0 = arith.constant 0 : i32
    return %arg0, %c0_i32 : i32, i32
  }
  func.func @transform_4(%arg0: i32) -> (i32, i32) {
    %c0_i32 = arith.constant 0 : i32
    %c0_i32_0 = arith.constant 0 : i32
    return %arg0, %c0_i32 : i32, i32
  }
}

module attributes {stable_mosaic.version = 14 : i64} {
  func.func @_tc_layer1_kernel(%arg0: i32, %arg1: memref<1x5000x8xf32, #tpu.memory_space<vmem>>, %arg2: memref<5000x8xf32, #tpu.memory_space<vmem>>, %arg3: memref<5000x1xf32, #tpu.memory_space<vmem>>, %arg4: memref<8x16xf32, #tpu.memory_space<vmem>>, %arg5: memref<1x16xf32, #tpu.memory_space<vmem>>, %arg6: memref<5000x8xf32, #tpu.memory_space<vmem>>, %arg7: memref<5000x8xf32, #tpu.memory_space<vmem>>) attributes {dimension_semantics = [#tpu.dimension_semantics<arbitrary>], iteration_bounds = array<i64: 20>, scalar_prefetch = 0 : i64, scratch_operands = 0 : i64, tpu.core_type = #tpu.core_type<tc>, window_params = [{transform_indices = @transform_0, window_bounds = array<i64: 1, 5000, 8>}, {transform_indices = @transform_1, window_bounds = array<i64: 5000, 8>}, {transform_indices = @transform_2, window_bounds = array<i64: 5000, 1>}, {pipeline_mode = #tpu.pipeline_mode<synchronous>, transform_indices = @transform_3, window_bounds = array<i64: 8, 16>}, {pipeline_mode = #tpu.pipeline_mode<synchronous>, transform_indices = @transform_4, window_bounds = array<i64: 1, 16>}, {transform_indices = @transform_5, window_bounds = array<i64: 5000, 8>}, {transform_indices = @transform_6, window_bounds = array<i64: 5000, 8>}]} {
    %get3A = arith.constant 0 : index
    %get3A_0 = arith.constant 0 : index
    %get3A_1 = arith.constant 0 : index
    %get3A_2 = vector.load %arg1[%get3A, %get3A_0, %get3A_1] : memref<1x5000x8xf32, #tpu.memory_space<vmem>>, vector<1x5000x8xf32>
    %get3A_3 = vector.shape_cast %get3A_2 : vector<1x5000x8xf32> to vector<5000x8xf32>
    %get3A_4 = arith.constant 0 : index
    %get3A_5 = arith.constant 0 : index
    %get3A_6 = vector.load %arg2[%get3A_4, %get3A_5] : memref<5000x8xf32, #tpu.memory_space<vmem>>, vector<5000x8xf32>
    %add3A = arith.addf %get3A_3, %get3A_6 : vector<5000x8xf32>
    %get3A_7 = arith.constant 0 : index
    %get3A_8 = arith.constant 0 : index
    %get3A_9 = vector.load %arg3[%get3A_7, %get3A_8] : memref<5000x1xf32, #tpu.memory_space<vmem>>, vector<5000x1xf32>
    %mul3A = vector.broadcast %get3A_9 : vector<5000x1xf32> to vector<5000x8xf32>
    %mul3A_10 = arith.mulf %add3A, %mul3A : vector<5000x8xf32>
    %get3A_11 = arith.constant 0 : index
    %get3A_12 = arith.constant 0 : index
    %get3A_13 = vector.load %arg4[%get3A_11, %get3A_12] : memref<8x16xf32, #tpu.memory_space<vmem>>, vector<8x16xf32>
    %dot_general3A = arith.constant dense<0.000000e+00> : vector<5000x16xf32>
    %dot_general3A_14 = tpu.matmul %mul3A_10, %get3A_13, %dot_general3A {dimension_numbers = #tpu.dot_dimension_numbers<[1], [0], [0], [1], [0, 0, 1, 1], [], []>, transpose_lhs_hint = false} : vector<5000x8xf32>, vector<8x16xf32>, vector<5000x16xf32> -> vector<5000x16xf32>
    %get3A_15 = arith.constant 0 : index
    %get3A_16 = arith.constant 0 : index
    %get3A_17 = vector.load %arg5[%get3A_15, %get3A_16] : memref<1x16xf32, #tpu.memory_space<vmem>>, vector<1x16xf32>
    %add3A_18 = vector.broadcast %get3A_17 : vector<1x16xf32> to vector<5000x16xf32>
    %add3A_19 = arith.addf %dot_general3A_14, %add3A_18 : vector<5000x16xf32>
    %max3A = arith.constant 0.000000e+00 : f32
    %max3A_20 = vector.broadcast %max3A : f32 to vector<5000x16xf32>
    %max3A_21 = arith.maximumf %add3A_19, %max3A_20 : vector<5000x16xf32>
    %get3A_22 = arith.constant 0 : index
    %get3A_23 = arith.constant 0 : index
    %get3A_24 = vector.load %arg3[%get3A_22, %get3A_23] : memref<5000x1xf32, #tpu.memory_space<vmem>>, vector<5000x1xf32>
    %mul3A_25 = vector.broadcast %get3A_24 : vector<5000x1xf32> to vector<5000x16xf32>
    %mul3A_26 = arith.mulf %max3A_21, %mul3A_25 : vector<5000x16xf32>
    %slice3A = vector.extract_strided_slice %mul3A_26 {offsets = [0, 0], sizes = [5000, 8], strides = [1, 1]} : vector<5000x16xf32> to vector<5000x8xf32>
    %swap3A = arith.constant 0 : index
    %swap3A_27 = arith.constant 0 : index
    %swap3A_28 = vector.load %arg6[%swap3A, %swap3A_27] : memref<5000x8xf32, #tpu.memory_space<vmem>>, vector<5000x8xf32>
    tpu.vector_store %arg6[%swap3A, %swap3A_27], %slice3A {strides = array<i32>} : memref<5000x8xf32, #tpu.memory_space<vmem>>, vector<5000x8xf32>,
    %slice3A_29 = vector.extract_strided_slice %mul3A_26 {offsets = [0, 8], sizes = [5000, 8], strides = [1, 1]} : vector<5000x16xf32> to vector<5000x8xf32>
    %swap3A_30 = arith.constant 0 : index
    %swap3A_31 = arith.constant 0 : index
    %swap3A_32 = vector.load %arg7[%swap3A_30, %swap3A_31] : memref<5000x8xf32, #tpu.memory_space<vmem>>, vector<5000x8xf32>
    tpu.vector_store %arg7[%swap3A_30, %swap3A_31], %slice3A_29 {strides = array<i32>} : memref<5000x8xf32, #tpu.memory_space<vmem>>, vector<5000x8xf32>,
    return
  }
  func.func @transform_0(%arg0: i32) -> (i32, i32, i32) {
    %jit3A = arith.constant 10 : i32
    %div3A = arith.divsi %arg0, %jit3A : i32
    %sign3A = arith.constant 0 : i32
    %sign3A_0 = arith.cmpi sgt, %arg0, %sign3A : i32
    %sign3A_1 = arith.extui %sign3A_0 : i1 to i32
    %sign3A_2 = arith.constant 0 : i32
    %sign3A_3 = arith.cmpi slt, %arg0, %sign3A_2 : i32
    %sign3A_4 = arith.extui %sign3A_3 : i1 to i32
    %sign3A_5 = arith.subi %sign3A_1, %sign3A_4 : i32
    %sign3A_6 = arith.constant 0 : i32
    %sign3A_7 = arith.cmpi sgt, %jit3A, %sign3A_6 : i32
    %sign3A_8 = arith.extui %sign3A_7 : i1 to i32
    %sign3A_9 = arith.constant 0 : i32
    %sign3A_10 = arith.cmpi slt, %jit3A, %sign3A_9 : i32
    %sign3A_11 = arith.extui %sign3A_10 : i1 to i32
    %sign3A_12 = arith.subi %sign3A_8, %sign3A_11 : i32
    %ne3A = arith.cmpi ne, %sign3A_5, %sign3A_12 : i32
    %rem3A = arith.remsi %arg0, %jit3A : i32
    %ne3A_13 = arith.constant 0 : i32
    %ne3A_14 = arith.cmpi ne, %rem3A, %ne3A_13 : i32
    %and3A = arith.andi %ne3A, %ne3A_14 : i1
    %sub3A = arith.constant 1 : i32
    %sub3A_15 = arith.subi %div3A, %sub3A : i32
    %select_n3A = arith.select %and3A, %sub3A_15, %div3A : i32
    %jit3A_16 = arith.constant 10 : i32
    %eq3A = arith.constant 0 : i32
    %eq3A_17 = arith.cmpi eq, %jit3A_16, %eq3A : i32
    %jit3A_18 = arith.constant 1 : i32
    %select_n3A_19 = arith.select %eq3A_17, %jit3A_18, %jit3A_16 : i32
    %rem3A_20 = arith.remsi %arg0, %select_n3A_19 : i32
    %ne3A_21 = arith.constant 0 : i32
    %ne3A_22 = arith.cmpi ne, %rem3A_20, %ne3A_21 : i32
    %lt3A = arith.constant 0 : i32
    %lt3A_23 = arith.cmpi slt, %rem3A_20, %lt3A : i32
    %lt3A_24 = arith.constant 0 : i32
    %lt3A_25 = arith.cmpi slt, %select_n3A_19, %lt3A_24 : i32
    %ne3A_26 = arith.xori %lt3A_23, %lt3A_25 : i1
    %and3A_27 = arith.andi %ne3A_26, %ne3A_22 : i1
    %add3A = arith.addi %rem3A_20, %select_n3A_19 : i32
    %select_n3A_28 = arith.select %and3A_27, %add3A, %rem3A_20 : i32
    %c0_i32 = arith.constant 0 : i32
    %c0_i32_29 = arith.constant 0 : i32
    return %select_n3A, %select_n3A_28, %c0_i32 : i32, i32, i32
  }
  func.func @transform_1(%arg0: i32) -> (i32, i32) {
    %c0_i32 = arith.constant 0 : i32
    %c0_i32_0 = arith.constant 0 : i32
    return %arg0, %c0_i32 : i32, i32
  }
  func.func @transform_2(%arg0: i32) -> (i32, i32) {
    %c0_i32 = arith.constant 0 : i32
    %c0_i32_0 = arith.constant 0 : i32
    return %arg0, %c0_i32 : i32, i32
  }
  func.func @transform_3(%arg0: i32) -> (i32, i32) {
    %c0_i32 = arith.constant 0 : i32
    %c0_i32_0 = arith.constant 0 : i32
    %c0_i32_1 = arith.constant 0 : i32
    return %c0_i32, %c0_i32_0 : i32, i32
  }
  func.func @transform_4(%arg0: i32) -> (i32, i32) {
    %c0_i32 = arith.constant 0 : i32
    %c0_i32_0 = arith.constant 0 : i32
    %c0_i32_1 = arith.constant 0 : i32
    return %c0_i32, %c0_i32_0 : i32, i32
  }
  func.func @transform_5(%arg0: i32) -> (i32, i32) {
    %c0_i32 = arith.constant 0 : i32
    %c0_i32_0 = arith.constant 0 : i32
    return %arg0, %c0_i32 : i32, i32
  }
  func.func @transform_6(%arg0: i32) -> (i32, i32) {
    %c0_i32 = arith.constant 0 : i32
    %c0_i32_0 = arith.constant 0 : i32
    return %arg0, %c0_i32 : i32, i32
  }
}

module attributes {stable_mosaic.version = 14 : i64} {
  func.func @_tc_head_kernel(%arg0: i32, %arg1: memref<1x2000x8xf32, #tpu.memory_space<vmem>>, %arg2: memref<1x2000x8xf32, #tpu.memory_space<vmem>>, %arg3: memref<2000x8xf32, #tpu.memory_space<vmem>>, %arg4: memref<2000x8xf32, #tpu.memory_space<vmem>>, %arg5: memref<2000x1xf32, #tpu.memory_space<vmem>>, %arg6: memref<2000x1xi32, #tpu.memory_space<vmem>>, %arg7: memref<16x64xf32, #tpu.memory_space<vmem>>, %arg8: memref<1x64xf32, #tpu.memory_space<vmem>>, %arg9: memref<64x32xf32, #tpu.memory_space<vmem>>, %arg10: memref<1x32xf32, #tpu.memory_space<vmem>>, %arg11: memref<32x2xf32, #tpu.memory_space<vmem>>, %arg12: memref<1x2xf32, #tpu.memory_space<vmem>>, %arg13: memref<64x2xf32, #tpu.memory_space<vmem>>, %arg14: memref<64x64xf32, #tpu.memory_space<vmem>>, %arg15: memref<64x1xf32, #tpu.memory_space<vmem>>) attributes {dimension_semantics = [#tpu.dimension_semantics<arbitrary>], iteration_bounds = array<i64: 50>, scalar_prefetch = 0 : i64, scratch_operands = 2 : i64, tpu.core_type = #tpu.core_type<tc>, window_params = [{transform_indices = @transform_0, window_bounds = array<i64: 1, 2000, 8>}, {transform_indices = @transform_1, window_bounds = array<i64: 1, 2000, 8>}, {transform_indices = @transform_2, window_bounds = array<i64: 2000, 8>}, {transform_indices = @transform_3, window_bounds = array<i64: 2000, 8>}, {transform_indices = @transform_4, window_bounds = array<i64: 2000, 1>}, {transform_indices = @transform_5, window_bounds = array<i64: 2000, 1>}, {pipeline_mode = #tpu.pipeline_mode<synchronous>, transform_indices = @transform_6, window_bounds = array<i64: 16, 64>}, {pipeline_mode = #tpu.pipeline_mode<synchronous>, transform_indices = @transform_7, window_bounds = array<i64: 1, 64>}, {pipeline_mode = #tpu.pipeline_mode<synchronous>, transform_indices = @transform_8, window_bounds = array<i64: 64, 32>}, {pipeline_mode = #tpu.pipeline_mode<synchronous>, transform_indices = @transform_9, window_bounds = array<i64: 1, 32>}, {pipeline_mode = #tpu.pipeline_mode<synchronous>, transform_indices = @transform_10, window_bounds = array<i64: 32, 2>}, {pipeline_mode = #tpu.pipeline_mode<synchronous>, transform_indices = @transform_11, window_bounds = array<i64: 1, 2>}, {pipeline_mode = #tpu.pipeline_mode<synchronous>, transform_indices = @transform_12, window_bounds = array<i64: 64, 2>}]} {
    %eq3A = arith.constant 0 : i32
    %eq3A_0 = arith.cmpi eq, %arg0, %eq3A : i32
    %convert_element_type3A = arith.extui %eq3A_0 : i1 to i32
    %cond3A = arith.constant 0 : i32
    %cond3A_1 = arith.cmpi ne, %convert_element_type3A, %cond3A : i32
    scf.if %cond3A_1 {
      %broadcast_in_dim3A_63 = arith.constant 0.000000e+00 : f32
      %broadcast_in_dim3A_64 = vector.broadcast %broadcast_in_dim3A_63 : f32 to vector<64x64xf32>
      %swap3A_65 = arith.constant 0 : index
      %swap3A_66 = arith.constant 0 : index
      %swap3A_67 = vector.load %arg14[%swap3A_65, %swap3A_66] : memref<64x64xf32, #tpu.memory_space<vmem>>, vector<64x64xf32>
      tpu.vector_store %arg14[%swap3A_65, %swap3A_66], %broadcast_in_dim3A_64 {strides = array<i32>} : memref<64x64xf32, #tpu.memory_space<vmem>>, vector<64x64xf32>,
      %broadcast_in_dim3A_68 = arith.constant 0.000000e+00 : f32
      %broadcast_in_dim3A_69 = vector.broadcast %broadcast_in_dim3A_68 : f32 to vector<64x1xf32>
      %swap3A_70 = arith.constant 0 : index
      %swap3A_71 = arith.constant 0 : index
      %swap3A_72 = vector.load %arg15[%swap3A_70, %swap3A_71] : memref<64x1xf32, #tpu.memory_space<vmem>>, vector<64x1xf32>
      tpu.vector_store %arg15[%swap3A_70, %swap3A_71], %broadcast_in_dim3A_69 {strides = array<i32>} : memref<64x1xf32, #tpu.memory_space<vmem>>, vector<64x1xf32>,
    } else {
    }
    %get3A = arith.constant 0 : index
    %get3A_2 = arith.constant 0 : index
    %get3A_3 = arith.constant 0 : index
    %get3A_4 = vector.load %arg1[%get3A, %get3A_2, %get3A_3] : memref<1x2000x8xf32, #tpu.memory_space<vmem>>, vector<1x2000x8xf32>
    %get3A_5 = vector.shape_cast %get3A_4 : vector<1x2000x8xf32> to vector<2000x8xf32>
    %get3A_6 = arith.constant 0 : index
    %get3A_7 = arith.constant 0 : index
    %get3A_8 = vector.load %arg3[%get3A_6, %get3A_7] : memref<2000x8xf32, #tpu.memory_space<vmem>>, vector<2000x8xf32>
    %add3A = arith.addf %get3A_5, %get3A_8 : vector<2000x8xf32>
    %get3A_9 = arith.constant 0 : index
    %get3A_10 = arith.constant 0 : index
    %get3A_11 = arith.constant 0 : index
    %get3A_12 = vector.load %arg2[%get3A_9, %get3A_10, %get3A_11] : memref<1x2000x8xf32, #tpu.memory_space<vmem>>, vector<1x2000x8xf32>
    %get3A_13 = vector.shape_cast %get3A_12 : vector<1x2000x8xf32> to vector<2000x8xf32>
    %get3A_14 = arith.constant 0 : index
    %get3A_15 = arith.constant 0 : index
    %get3A_16 = vector.load %arg4[%get3A_14, %get3A_15] : memref<2000x8xf32, #tpu.memory_space<vmem>>, vector<2000x8xf32>
    %add3A_17 = arith.addf %get3A_13, %get3A_16 : vector<2000x8xf32>
    %concatenate3A = tpu.concatenate %add3A, %add3A_17 in 1 : vector<2000x8xf32>, vector<2000x8xf32> -> vector<2000x16xf32>
    %get3A_18 = arith.constant 0 : index
    %get3A_19 = arith.constant 0 : index
    %get3A_20 = vector.load %arg5[%get3A_18, %get3A_19] : memref<2000x1xf32, #tpu.memory_space<vmem>>, vector<2000x1xf32>
    %mul3A = vector.broadcast %get3A_20 : vector<2000x1xf32> to vector<2000x16xf32>
    %mul3A_21 = arith.mulf %concatenate3A, %mul3A : vector<2000x16xf32>
    %get3A_22 = arith.constant 0 : index
    %get3A_23 = arith.constant 0 : index
    %get3A_24 = vector.load %arg7[%get3A_22, %get3A_23] : memref<16x64xf32, #tpu.memory_space<vmem>>, vector<16x64xf32>
    %dot_general3A = arith.constant dense<0.000000e+00> : vector<2000x64xf32>
    %dot_general3A_25 = tpu.matmul %mul3A_21, %get3A_24, %dot_general3A {dimension_numbers = #tpu.dot_dimension_numbers<[1], [0], [0], [1], [0, 0, 1, 1], [], []>, transpose_lhs_hint = false} : vector<2000x16xf32>, vector<16x64xf32>, vector<2000x64xf32> -> vector<2000x64xf32>
    %get3A_26 = arith.constant 0 : index
    %get3A_27 = arith.constant 0 : index
    %get3A_28 = vector.load %arg8[%get3A_26, %get3A_27] : memref<1x64xf32, #tpu.memory_space<vmem>>, vector<1x64xf32>
    %add3A_29 = vector.broadcast %get3A_28 : vector<1x64xf32> to vector<2000x64xf32>
    %add3A_30 = arith.addf %dot_general3A_25, %add3A_29 : vector<2000x64xf32>
    %max3A = arith.constant 0.000000e+00 : f32
    %max3A_31 = vector.broadcast %max3A : f32 to vector<2000x64xf32>
    %max3A_32 = arith.maximumf %add3A_30, %max3A_31 : vector<2000x64xf32>
    %iota3A = tpu.iota {dimensions = array<i32: 1>} : vector<2000x64xi32>
    %get3A_33 = arith.constant 0 : index
    %get3A_34 = arith.constant 0 : index
    %get3A_35 = vector.load %arg6[%get3A_33, %get3A_34] : memref<2000x1xi32, #tpu.memory_space<vmem>>, vector<2000x1xi32>
    %eq3A_36 = vector.broadcast %get3A_35 : vector<2000x1xi32> to vector<2000x64xi32>
    %eq3A_37 = arith.cmpi eq, %eq3A_36, %iota3A : vector<2000x64xi32>
    %convert_element_type3A_38 = arith.extui %eq3A_37 : vector<2000x64xi1> to vector<2000x64xi32>
    %convert_element_type3A_39 = arith.sitofp %convert_element_type3A_38 : vector<2000x64xi32> to vector<2000x64xf32>
    %get3A_40 = arith.constant 0 : index
    %get3A_41 = arith.constant 0 : index
    %get3A_42 = vector.load %arg14[%get3A_40, %get3A_41] : memref<64x64xf32, #tpu.memory_space<vmem>>, vector<64x64xf32>
    %dot_general3A_43 = arith.constant dense<0.000000e+00> : vector<64x64xf32>
    %dot_general3A_44 = tpu.matmul %convert_element_type3A_39, %max3A_32, %dot_general3A_43 {dimension_numbers = #tpu.dot_dimension_numbers<[0], [0], [1], [1], [0, 1, 1, 1], [], []>, transpose_lhs_hint = false} : vector<2000x64xf32>, vector<2000x64xf32>, vector<64x64xf32> -> vector<64x64xf32>
    %add3A_45 = arith.addf %get3A_42, %dot_general3A_44 : vector<64x64xf32>
    %swap3A = arith.constant 0 : index
    %swap3A_46 = arith.constant 0 : index
    %swap3A_47 = vector.load %arg14[%swap3A, %swap3A_46] : memref<64x64xf32, #tpu.memory_space<vmem>>, vector<64x64xf32>
    tpu.vector_store %arg14[%swap3A, %swap3A_46], %add3A_45 {strides = array<i32>} : memref<64x64xf32, #tpu.memory_space<vmem>>, vector<64x64xf32>,
    %get3A_48 = arith.constant 0 : index
    %get3A_49 = arith.constant 0 : index
    %get3A_50 = vector.load %arg15[%get3A_48, %get3A_49] : memref<64x1xf32, #tpu.memory_space<vmem>>, vector<64x1xf32>
    %broadcast_in_dim3A = arith.constant 1.000000e+00 : f32
    %broadcast_in_dim3A_51 = vector.broadcast %broadcast_in_dim3A : f32 to vector<2000x1xf32>
    %dot_general3A_52 = arith.constant dense<0.000000e+00> : vector<64x1xf32>
    %dot_general3A_53 = tpu.matmul %convert_element_type3A_39, %broadcast_in_dim3A_51, %dot_general3A_52 {dimension_numbers = #tpu.dot_dimension_numbers<[0], [0], [1], [1], [0, 1, 1, 1], [], []>, transpose_lhs_hint = false} : vector<2000x64xf32>, vector<2000x1xf32>, vector<64x1xf32> -> vector<64x1xf32>
    %add3A_54 = arith.addf %get3A_50, %dot_general3A_53 : vector<64x1xf32>
    %swap3A_55 = arith.constant 0 : index
    %swap3A_56 = arith.constant 0 : index
    %swap3A_57 = vector.load %arg15[%swap3A_55, %swap3A_56] : memref<64x1xf32, #tpu.memory_space<vmem>>, vector<64x1xf32>
    tpu.vector_store %arg15[%swap3A_55, %swap3A_56], %add3A_54 {strides = array<i32>} : memref<64x1xf32, #tpu.memory_space<vmem>>, vector<64x1xf32>,
    %eq3A_58 = arith.constant 49 : i32
    %eq3A_59 = arith.cmpi eq, %arg0, %eq3A_58 : i32
    %convert_element_type3A_60 = arith.extui %eq3A_59 : i1 to i32
    %cond3A_61 = arith.constant 0 : i32
    %cond3A_62 = arith.cmpi ne, %convert_element_type3A_60, %cond3A_61 : i32
    scf.if %cond3A_62 {
      %get3A_63 = arith.constant 0 : index
      %get3A_64 = arith.constant 0 : index
      %get3A_65 = vector.load %arg14[%get3A_63, %get3A_64] : memref<64x64xf32, #tpu.memory_space<vmem>>, vector<64x64xf32>
      %get3A_66 = arith.constant 0 : index
      %get3A_67 = arith.constant 0 : index
      %get3A_68 = vector.load %arg15[%get3A_66, %get3A_67] : memref<64x1xf32, #tpu.memory_space<vmem>>, vector<64x1xf32>
      %max3A_69 = arith.constant 1.000000e+00 : f32
      %max3A_70 = vector.broadcast %max3A_69 : f32 to vector<64x1xf32>
      %max3A_71 = arith.maximumf %get3A_68, %max3A_70 : vector<64x1xf32>
      %div3A = vector.broadcast %max3A_71 : vector<64x1xf32> to vector<64x64xf32>
      %div3A_72 = arith.divf %get3A_65, %div3A : vector<64x64xf32>
      %get3A_73 = arith.constant 0 : index
      %get3A_74 = arith.constant 0 : index
      %get3A_75 = vector.load %arg9[%get3A_73, %get3A_74] : memref<64x32xf32, #tpu.memory_space<vmem>>, vector<64x32xf32>
      %dot_general3A_76 = arith.constant dense<0.000000e+00> : vector<64x32xf32>
      %dot_general3A_77 = tpu.matmul %div3A_72, %get3A_75, %dot_general3A_76 {dimension_numbers = #tpu.dot_dimension_numbers<[1], [0], [0], [1], [0, 0, 1, 1], [], []>, transpose_lhs_hint = false} : vector<64x64xf32>, vector<64x32xf32>, vector<64x32xf32> -> vector<64x32xf32>
      %get3A_78 = arith.constant 0 : index
      %get3A_79 = arith.constant 0 : index
      %get3A_80 = vector.load %arg10[%get3A_78, %get3A_79] : memref<1x32xf32, #tpu.memory_space<vmem>>, vector<1x32xf32>
      %add3A_81 = vector.broadcast %get3A_80 : vector<1x32xf32> to vector<64x32xf32>
      %add3A_82 = arith.addf %dot_general3A_77, %add3A_81 : vector<64x32xf32>
      %get3A_83 = arith.constant 0 : index
      %get3A_84 = arith.constant 0 : index
      %get3A_85 = vector.load %arg11[%get3A_83, %get3A_84] : memref<32x2xf32, #tpu.memory_space<vmem>>, vector<32x2xf32>
      %dot_general3A_86 = arith.constant dense<0.000000e+00> : vector<64x2xf32>
      %dot_general3A_87 = tpu.matmul %add3A_82, %get3A_85, %dot_general3A_86 {dimension_numbers = #tpu.dot_dimension_numbers<[1], [0], [0], [1], [0, 0, 1, 1], [], []>, transpose_lhs_hint = false} : vector<64x32xf32>, vector<32x2xf32>, vector<64x2xf32> -> vector<64x2xf32>
      %get3A_88 = arith.constant 0 : index
      %get3A_89 = arith.constant 0 : index
      %get3A_90 = vector.load %arg12[%get3A_88, %get3A_89] : memref<1x2xf32, #tpu.memory_space<vmem>>, vector<1x2xf32>
      %add3A_91 = vector.broadcast %get3A_90 : vector<1x2xf32> to vector<64x2xf32>
      %add3A_92 = arith.addf %dot_general3A_87, %add3A_91 : vector<64x2xf32>
      %swap3A_93 = arith.constant 0 : index
      %swap3A_94 = arith.constant 0 : index
      %swap3A_95 = vector.load %arg13[%swap3A_93, %swap3A_94] : memref<64x2xf32, #tpu.memory_space<vmem>>, vector<64x2xf32>
      tpu.vector_store %arg13[%swap3A_93, %swap3A_94], %add3A_92 {strides = array<i32>} : memref<64x2xf32, #tpu.memory_space<vmem>>, vector<64x2xf32>,
    } else {
    }
    return
  }
  func.func @transform_0(%arg0: i32) -> (i32, i32, i32) {
    %jit3A = arith.constant 25 : i32
    %div3A = arith.divsi %arg0, %jit3A : i32
    %sign3A = arith.constant 0 : i32
    %sign3A_0 = arith.cmpi sgt, %arg0, %sign3A : i32
    %sign3A_1 = arith.extui %sign3A_0 : i1 to i32
    %sign3A_2 = arith.constant 0 : i32
    %sign3A_3 = arith.cmpi slt, %arg0, %sign3A_2 : i32
    %sign3A_4 = arith.extui %sign3A_3 : i1 to i32
    %sign3A_5 = arith.subi %sign3A_1, %sign3A_4 : i32
    %sign3A_6 = arith.constant 0 : i32
    %sign3A_7 = arith.cmpi sgt, %jit3A, %sign3A_6 : i32
    %sign3A_8 = arith.extui %sign3A_7 : i1 to i32
    %sign3A_9 = arith.constant 0 : i32
    %sign3A_10 = arith.cmpi slt, %jit3A, %sign3A_9 : i32
    %sign3A_11 = arith.extui %sign3A_10 : i1 to i32
    %sign3A_12 = arith.subi %sign3A_8, %sign3A_11 : i32
    %ne3A = arith.cmpi ne, %sign3A_5, %sign3A_12 : i32
    %rem3A = arith.remsi %arg0, %jit3A : i32
    %ne3A_13 = arith.constant 0 : i32
    %ne3A_14 = arith.cmpi ne, %rem3A, %ne3A_13 : i32
    %and3A = arith.andi %ne3A, %ne3A_14 : i1
    %sub3A = arith.constant 1 : i32
    %sub3A_15 = arith.subi %div3A, %sub3A : i32
    %select_n3A = arith.select %and3A, %sub3A_15, %div3A : i32
    %jit3A_16 = arith.constant 25 : i32
    %eq3A = arith.constant 0 : i32
    %eq3A_17 = arith.cmpi eq, %jit3A_16, %eq3A : i32
    %jit3A_18 = arith.constant 1 : i32
    %select_n3A_19 = arith.select %eq3A_17, %jit3A_18, %jit3A_16 : i32
    %rem3A_20 = arith.remsi %arg0, %select_n3A_19 : i32
    %ne3A_21 = arith.constant 0 : i32
    %ne3A_22 = arith.cmpi ne, %rem3A_20, %ne3A_21 : i32
    %lt3A = arith.constant 0 : i32
    %lt3A_23 = arith.cmpi slt, %rem3A_20, %lt3A : i32
    %lt3A_24 = arith.constant 0 : i32
    %lt3A_25 = arith.cmpi slt, %select_n3A_19, %lt3A_24 : i32
    %ne3A_26 = arith.xori %lt3A_23, %lt3A_25 : i1
    %and3A_27 = arith.andi %ne3A_26, %ne3A_22 : i1
    %add3A = arith.addi %rem3A_20, %select_n3A_19 : i32
    %select_n3A_28 = arith.select %and3A_27, %add3A, %rem3A_20 : i32
    %c0_i32 = arith.constant 0 : i32
    %c0_i32_29 = arith.constant 0 : i32
    return %select_n3A, %select_n3A_28, %c0_i32 : i32, i32, i32
  }
  func.func @transform_1(%arg0: i32) -> (i32, i32, i32) {
    %jit3A = arith.constant 25 : i32
    %div3A = arith.divsi %arg0, %jit3A : i32
    %sign3A = arith.constant 0 : i32
    %sign3A_0 = arith.cmpi sgt, %arg0, %sign3A : i32
    %sign3A_1 = arith.extui %sign3A_0 : i1 to i32
    %sign3A_2 = arith.constant 0 : i32
    %sign3A_3 = arith.cmpi slt, %arg0, %sign3A_2 : i32
    %sign3A_4 = arith.extui %sign3A_3 : i1 to i32
    %sign3A_5 = arith.subi %sign3A_1, %sign3A_4 : i32
    %sign3A_6 = arith.constant 0 : i32
    %sign3A_7 = arith.cmpi sgt, %jit3A, %sign3A_6 : i32
    %sign3A_8 = arith.extui %sign3A_7 : i1 to i32
    %sign3A_9 = arith.constant 0 : i32
    %sign3A_10 = arith.cmpi slt, %jit3A, %sign3A_9 : i32
    %sign3A_11 = arith.extui %sign3A_10 : i1 to i32
    %sign3A_12 = arith.subi %sign3A_8, %sign3A_11 : i32
    %ne3A = arith.cmpi ne, %sign3A_5, %sign3A_12 : i32
    %rem3A = arith.remsi %arg0, %jit3A : i32
    %ne3A_13 = arith.constant 0 : i32
    %ne3A_14 = arith.cmpi ne, %rem3A, %ne3A_13 : i32
    %and3A = arith.andi %ne3A, %ne3A_14 : i1
    %sub3A = arith.constant 1 : i32
    %sub3A_15 = arith.subi %div3A, %sub3A : i32
    %select_n3A = arith.select %and3A, %sub3A_15, %div3A : i32
    %jit3A_16 = arith.constant 25 : i32
    %eq3A = arith.constant 0 : i32
    %eq3A_17 = arith.cmpi eq, %jit3A_16, %eq3A : i32
    %jit3A_18 = arith.constant 1 : i32
    %select_n3A_19 = arith.select %eq3A_17, %jit3A_18, %jit3A_16 : i32
    %rem3A_20 = arith.remsi %arg0, %select_n3A_19 : i32
    %ne3A_21 = arith.constant 0 : i32
    %ne3A_22 = arith.cmpi ne, %rem3A_20, %ne3A_21 : i32
    %lt3A = arith.constant 0 : i32
    %lt3A_23 = arith.cmpi slt, %rem3A_20, %lt3A : i32
    %lt3A_24 = arith.constant 0 : i32
    %lt3A_25 = arith.cmpi slt, %select_n3A_19, %lt3A_24 : i32
    %ne3A_26 = arith.xori %lt3A_23, %lt3A_25 : i1
    %and3A_27 = arith.andi %ne3A_26, %ne3A_22 : i1
    %add3A = arith.addi %rem3A_20, %select_n3A_19 : i32
    %select_n3A_28 = arith.select %and3A_27, %add3A, %rem3A_20 : i32
    %c0_i32 = arith.constant 0 : i32
    %c0_i32_29 = arith.constant 0 : i32
    return %select_n3A, %select_n3A_28, %c0_i32 : i32, i32, i32
  }
  func.func @transform_2(%arg0: i32) -> (i32, i32) {
    %c0_i32 = arith.constant 0 : i32
    %c0_i32_0 = arith.constant 0 : i32
    return %arg0, %c0_i32 : i32, i32
  }
  func.func @transform_3(%arg0: i32) -> (i32, i32) {
    %c0_i32 = arith.constant 0 : i32
    %c0_i32_0 = arith.constant 0 : i32
    return %arg0, %c0_i32 : i32, i32
  }
  func.func @transform_4(%arg0: i32) -> (i32, i32) {
    %c0_i32 = arith.constant 0 : i32
    %c0_i32_0 = arith.constant 0 : i32
    return %arg0, %c0_i32 : i32, i32
  }
  func.func @transform_5(%arg0: i32) -> (i32, i32) {
    %c0_i32 = arith.constant 0 : i32
    %c0_i32_0 = arith.constant 0 : i32
    return %arg0, %c0_i32 : i32, i32
  }
  func.func @transform_6(%arg0: i32) -> (i32, i32) {
    %c0_i32 = arith.constant 0 : i32
    %c0_i32_0 = arith.constant 0 : i32
    %c0_i32_1 = arith.constant 0 : i32
    return %c0_i32, %c0_i32_0 : i32, i32
  }
  func.func @transform_7(%arg0: i32) -> (i32, i32) {
    %c0_i32 = arith.constant 0 : i32
    %c0_i32_0 = arith.constant 0 : i32
    %c0_i32_1 = arith.constant 0 : i32
    return %c0_i32, %c0_i32_0 : i32, i32
  }
  func.func @transform_8(%arg0: i32) -> (i32, i32) {
    %c0_i32 = arith.constant 0 : i32
    %c0_i32_0 = arith.constant 0 : i32
    %c0_i32_1 = arith.constant 0 : i32
    return %c0_i32, %c0_i32_0 : i32, i32
  }
  func.func @transform_9(%arg0: i32) -> (i32, i32) {
    %c0_i32 = arith.constant 0 : i32
    %c0_i32_0 = arith.constant 0 : i32
    %c0_i32_1 = arith.constant 0 : i32
    return %c0_i32, %c0_i32_0 : i32, i32
  }
  func.func @transform_10(%arg0: i32) -> (i32, i32) {
    %c0_i32 = arith.constant 0 : i32
    %c0_i32_0 = arith.constant 0 : i32
    %c0_i32_1 = arith.constant 0 : i32
    return %c0_i32, %c0_i32_0 : i32, i32
  }
  func.func @transform_11(%arg0: i32) -> (i32, i32) {
    %c0_i32 = arith.constant 0 : i32
    %c0_i32_0 = arith.constant 0 : i32
    %c0_i32_1 = arith.constant 0 : i32
    return %c0_i32, %c0_i32_0 : i32, i32
  }
  func.func @transform_12(%arg0: i32) -> (i32, i32) {
    %c0_i32 = arith.constant 0 : i32
    %c0_i32_0 = arith.constant 0 : i32
    %c0_i32_1 = arith.constant 0 : i32
    return %c0_i32, %c0_i32_0 : i32, i32
  }
}

</mosaic_0001>

<sc_bundles>
// kernel: kernel.12.cloned.1.call-start
scs
__scs_entry_jumppad:
0x0: {  	(pc) =	sbr.rel $0x88, $3  }
0x1: {  	(tag) =	ssettag $0x0;
	lr =	simm.s32 $0x1  }
0x2: {  	[smem:$0x3F96] =	sst lr;
	_ =	strace $0xD0000000  }
0x3: {  	_ = 	snop  }
0x4: {  	_ = 	snop  }
0x5: {  	_ = 	snop  }
0x6: {  	_ = 	snop  }
0x7: {  	_ = 	snop  }
__scs_overlays_trampoline_lowered:
0x8: {  	[smem:$0x3FA5] =	sst s0  }
0x9: {  	[smem:$0x3FA6] =	sst s1  }
0xa: {  	[smem:$0x3FA7] =	sst s2  }
0xb: {  	[smem:$0x3FA8] =	sst s3  }
0xc: {  	[smem:$0x3FA9] =	sst s4  }
0xd: {  	[smem:$0x3FAA] =	sst s5  }
0xe: {  	[smem:$0x3FAB] =	sst s6  }
0xf: {  	[smem:$0x3FAC] =	sst s7  }
0x10: {  	[smem:$0x3FAD] =	sst s8  }
0x11: {  	[smem:$0x3FAE] =	sst s9;
	s0 =	simm.s32 @!p0 $0x0  }
0x12: {  	s1 =	sld [smem:$0x3F94];
	s0 =	simm.s32 @p0 $0x1  }
0x13: {  	[smem:$0x3FAF] =	sst s0;
	s0 =	simm.s32 @!p1 $0x0  }
0x14: {  	s2 =	sld [smem:$0x3F93];
	s0 =	simm.s32 @p1 $0x1  }
0x15: {  	[smem:$0x3FB0] =	sst s0;
	s0 =	simm.s32 @!p2 $0x0  }
0x16: {  	s3 =	sld [smem:$0x3FDB];
	s0 =	simm.s32 @p2 $0x1  }
0x17: {  	s4 =	simm.s32 $0x1BF5;
	[smem:$0x3FB2] =	sst s0  }
0x18: {  	s0 =	sld [smem:$0x3F95];
	_ =	swait.ge [sflag:s4], $0x0  }
0x19: {  	s7 =	sld [smem:$0x3F96]  }
0x1a: {  	s8 =	sadd.s32 $0xFFFFE003, lr  }
0x1b: {  	s9 =	sadd.s32 $0xFFFFFEF7, lr;
	s5 =	simm.s32 $0xFFFFFFFF;
	p2 =	slt.u32 s8, $0xFFFFF086  }
0x1c: {  	p1 =	slt.u32 s9, $0xF7A;
	s5 =	simm.s32 @!p2 $0x0  }
0x1d: {  	s5 =	simm.s32 @p1 $0x1;
	p0 =	seq.s32 s7, s2  }
0x1e: {  	s7 =	smul.u32 @!p0 $0xF7A, s2;
	p2 =	seq.s32 @!p0 s5, $0x0  }
0x1f: {  	s9 =	smul.u32 $0xF7A, s1;
	s8 =	simm.s32 @!p0 $0x1BF5;
	p2 =	por !p2, p0  }
0x20: {  	[sflag:s8] =	ssyncset.s32 @!p0 $0xFFFFF086;
	s6 =	sadd.s32 @!p0 s3, s7;
	s7 =	simm.s32 @!p0 $0x108  }
0x21: {  	s3 =	sadd.s32 s3, s9;
	s6 =	sadd.s32 @!p0 $0x88, s6;
	s7 =	simm.s32 @p2 $0x1082  }
0x22: {  	[simem:s7], [sflag:s8] =	dma.local @!p0 [hbm:s6], $0xF7A  }
0x23: {  	s9 =	sor.u32 $0xD0000000, s2;
	s6 =	simm.s32 $0x108;
	_ =	swait.ge @!p0 [sflag:s8], $0x0  }
0x24: {  	s3 =	sadd.s32 $0x88, s3;
	s6 =	simm.s32 @!p1 $0x1082;
	[sflag:s4] =	ssyncset.s32 $0xFFFFF086  }
0x25: {  	[simem:s6], [sflag:s4] =	dma.local [hbm:s3], $0xF7A  }
0x26: {  	[smem:$0x3F96] =	sst s1;
	(tag) =	ssettag s2;
	_ =	strace s9  }
0x27: {  	s1 =	sld [smem:$0x3FA6]  }
0x28: {  	s2 =	sld [smem:$0x3FA7]  }
0x29: {  	s4 =	sld [smem:$0x3FA9]  }
0x2a: {  	p0 =	seq.s32 s5, $0x0;
	s5 =	sld [smem:$0x3FAA]  }
0x2b: {  	s6 =	sld [smem:$0x3FAB]  }
0x2c: {  	s7 =	sld [smem:$0x3FAC]  }
0x2d: {  	s3 =	simm.s32 $0x108;
	s8 =	sld [smem:$0x3FAD]  }
0x2e: {  	s3 =	simm.s32 @!p0 $0x1082;
	s9 =	sld [smem:$0x3FAE]  }
0x2f: {  	lr =	sadd.s32 s0, s3;
	s0 =	sld [smem:$0x3FA5]  }
0x30: {  	s3 =	sld [smem:$0x3FA8]  }
0x31: {  	[smem:$0x3FB1] =	sst s10  }
0x32: {  	s10 =	sld [smem:$0x3FAF];
	_ =	sdelay $0x3  }
0x33: {  	p0 =	seq.s32 s10, $0x1;
	s10 =	sld [smem:$0x3FB1];
	_ =	sdelay $0x3  }
0x34: {  	[smem:$0x3FB1] =	sst s10  }
0x35: {  	s10 =	sld [smem:$0x3FB0];
	_ =	sdelay $0x3  }
0x36: {  	p1 =	seq.s32 s10, $0x1;
	s10 =	sld [smem:$0x3FB1];
	_ =	sdelay $0x3  }
0x37: {  	[smem:$0x3FB1] =	sst s10  }
0x38: {  	s10 =	sld [smem:$0x3FB2]  }
0x39: {  	_ = 	snop;
	(pc) =	sbr.ind lr, $3  }
0x3a: {  	_ = 	snop  }
0x3b: {  	_ = 	snop  }
0x3c: {  	p2 =	seq.s32 s10, $0x1;
	s10 =	sld [smem:$0x3FB1]  }
0x3d: {  	_ =	shalt  }
0x3e: {  	_ =	shalt  }
0x3f: {  	_ =	shalt  }
0x40: {  	_ =	shalt  }
0x41: {  	_ =	shalt  }
0x42: {  	_ =	shalt  }
0x43: {  	_ =	shalt  }
0x44: {  	_ =	shalt  }
0x45: {  	_ =	shalt  }
0x46: {  	_ =	shalt  }
0x47: {  	_ =	shalt  }
0x48: {  	_ =	shalt  }
0x49: {  	_ =	shalt  }
0x4a: {  	_ =	shalt  }
0x4b: {  	_ =	shalt  }
0x4c: {  	_ =	shalt  }
0x4d: {  	_ =	shalt  }
0x4e: {  	_ =	shalt  }
0x4f: {  	_ =	shalt  }
0x50: {  	_ =	shalt  }
0x51: {  	_ =	shalt  }
0x52: {  	_ =	shalt  }
0x53: {  	_ =	shalt  }
0x54: {  	_ =	shalt  }
0x55: {  	_ =	shalt  }
0x56: {  	_ =	shalt  }
0x57: {  	_ =	shalt  }
0x58: {  	_ =	shalt  }
0x59: {  	_ =	shalt  }
0x5a: {  	_ =	shalt  }
0x5b: {  	_ =	shalt  }
0x5c: {  	_ =	shalt  }
0x5d: {  	_ =	shalt  }
0x5e: {  	_ =	shalt  }
0x5f: {  	_ =	shalt  }
0x60: {  	_ =	shalt  }
0x61: {  	_ =	shalt  }
0x62: {  	_ =	shalt  }
0x63: {  	_ =	shalt  }
0x64: {  	_ =	shalt  }
0x65: {  	_ =	shalt  }
0x66: {  	_ =	shalt  }
0x67: {  	_ =	shalt  }
0x68: {  	_ =	shalt  }
0x69: {  	_ =	shalt  }
0x6a: {  	_ =	shalt  }
0x6b: {  	_ =	shalt  }
0x6c: {  	_ =	shalt  }
0x6d: {  	_ =	shalt  }
0x6e: {  	_ =	shalt  }
0x6f: {  	_ =	shalt  }
0x70: {  	_ =	shalt  }
0x71: {  	_ =	shalt  }
0x72: {  	_ =	shalt  }
0x73: {  	_ =	shalt  }
0x74: {  	_ =	shalt  }
0x75: {  	_ =	shalt  }
0x76: {  	_ =	shalt  }
0x77: {  	_ =	shalt  }
0x78: {  	_ =	shalt  }
0x79: {  	_ =	shalt  }
0x7a: {  	_ =	shalt  }
0x7b: {  	_ =	shalt  }
0x7c: {  	_ =	shalt  }
0x7d: {  	_ =	shalt  }
0x7e: {  	_ =	shalt  }
0x7f: {  	_ =	shalt  }
0x80: {  	_ =	shalt  }
0x81: {  	_ =	shalt  }
0x82: {  	_ =	shalt  }
0x83: {  	_ =	shalt  }
0x84: {  	_ =	shalt  }
0x85: {  	_ =	shalt  }
0x86: {  	_ =	shalt  }
0x87: {  	_ =	shalt  }
.Lfunc_end0:
.L_simem_size_0:
called_computation.1_lowered:
.L_overlay_start_0:
0x88: {  	s2 =	sld [smem:$0x3FD9]  }
0x89: {  	s3 =	sld [smem:$0x3FFE];
	_ =	sdelay $0x1  }
0x8a: {  	s1 =	srdreg.scid  }
0x8b: {  	s0 =	sand.u32 $0x1, s1  }
0x8c: {  	s16 =	sshll.u32 s0, $0xA;
	s2 =	sadd.s32 s3, s2  }
0x8d: {  	s2 =	sadd.s32 s2, s16  }
0x8e: {  	[smem:$0x3FBD] =	sst s2  }
0x8f: {  	_ = 	snop  }
0x90: {  	(tm) =	ssettm $0x1  }
0x91: {  	s17 =	sld [smem:$0x3FFB];
	_ =	sdelay $0x3  }
0x92: {  	_ =	strace s17  }
0x93: {  	s2 =	sld [smem:$0x3FFC];
	_ =	sdelay $0x3  }
0x94: {  	_ =	strace s2  }
0x95: {  	s2 =	sld [smem:$0x3FFD];
	_ =	sdelay $0x3  }
0x96: {  	_ =	strace s2  }
0x97: {  	_ =	strace $0x8FFFFFFF  }
0x98: {  	s18 =	sld [smem:$0x3FDB];
	_ =	sdelay $0x1  }
0x99: {  	s19 =	simm.s32 $_scs_section_size  }
0x9a: {  	s4 =	simm.s32 $_size__tile_overlayer_lowered;
	s5 =	simm.s32 $_tile_overlayer_lowered  }
0x9b: {  	s22 =	simm.s32 $0x1BFF;
	s21 =	sshll.u32 s5, $0x1;
	s2 =	sadd.s32 s19, s18  }
0x9c: {  	s6 =	simm.s32 $0x0;
	s20 =	sshll.u32 s4, $0x1;
	s4 =	sadd.s32 s21, s2  }
0x9d: {  	[timem:s6], [sflag:s22] =	dma.local [hbm:s4], s20  }
0x9e: {  	_ =	swait.ge [sflag:s22], s20  }
0x9f: {  	s3 =	ssub.s32 $0x0, s20;
	[sflag:s22] =	ssyncset.done $0x0  }
0xa0: {  	[sflag:s22] =	ssyncadd.s32 s3;
	_ =	sdelay $0x1  }
0xa1: {  	s23 =	simm.s32 $0x1B8B  }
0xa2: {  	_ =	swait.ge [sflag:s23], $0x1  }
0xa3: {  	[sflag:s23] =	ssyncset.done $0x0  }
0xa4: {  	s25 =	simm.s32 $0x1B8E;
	s24 =	sld [smem:$0x3FFE];
	[sflag:s23] =	ssyncadd.s32 $0xFFFFFFFF  }
0xa5: {  	s26 =	simm.s32 $execute0_lowered;
	[smem:$0x3FD2] =	sst s25  }
0xa6: {  	s4 =	sshll.u32 s26, $0x1;
	_ =	strace $0x80000049;
	[dreg:$0x1] =	wrdreg $0xFFFFFFFF  }
0xa7: {  	s28 =	simm.s32 $_size_execute0_lowered;
	s2 =	sadd.s32 s2, s4;
	[dreg:$0x0] =	wrdreg $0x0  }
0xa8: {  	s4 =	sshll.u32 s28, $0x1;
	[dreg:$0x2] =	wrdreg s2  }
0xa9: {  	[dreg:$0x3] =	wrdreg s4  }
0xaa: {  	[dreg:$0x4] =	wrdreg $0xC0  }
0xab: {  	_ =	task [dreg:s6], $0x5FFFF  }
0xac: {  	[dreg:$0x1] =	wrdreg $0xFFFFFFFF  }
0xad: {  	[dreg:$0x0] =	wrdreg $0x60  }
0xae: {  	[dreg:$0x2] =	wrdreg s24  }
0xaf: {  	[dreg:$0x3] =	wrdreg $0x19B000  }
0xb0: {  	[dreg:$0x4] =	wrdreg $0x9  }
0xb1: {  	_ =	task.clear_ibuf [dreg:s6], $0x5FFFF;
	_ =	strace $0x90000049  }
0xb2: {  	s29 =	simm.s32 $0x9;
	_ =	strace $0x8000004B  }
0xb3: {  	_ =	swait.ge [sflag:s29], $0x1  }
0xb4: {  	[sflag:s29] =	ssyncadd.s32 $0xFFFFFFFF  }
0xb5: {  	_ =	strace $0x9000004B  }
0xb6: {  	_ =	sfence  }
0xb7: {  	s30 =	sld [smem:$0x0];
	_ =	sdelay $0x2  }
0xb8: {  	s31 =	sshll.u32 s1, $0xD;
	s1 =	sshrl.u32 s1, $0x2  }
0xb9: {  	s3 =	sand.u32 $0x4000, s31;
	s1 =	sadd.s32 s1, s30  }
0xba: {  	s0 =	sor.u32 s3, s0;
	s1 =	sshll.u32 s1, $0x11  }
0xbb: {  	s0 =	sor.u32 s1, s0  }
0xbc: {  	s0 =	sadd.s32 $0x8F2B, s0  }
0xbd: {  	[sflag:s0] =	ssyncadd.remote.s32 $0x1  }
0xbe: {  	_ =	sfence.sel $0xFFFF  }
0xbf: {  	[dreg:$0x0] =	wrdreg $0xFFFFFFFF;
	(pc) =	sbr.abs _section_cstart, $3  }
0xc0: {  	[dreg:$0x1] =	wrdreg $0xFFFFFFFF  }
0xc1: {  	_ =	task.clear_ibuf [dreg:s6], $0x2FFFF;
	_ =	strace $0x9FFFFFFF  }
0xc2: {  	(tm) =	ssettm $0x7FFFFFFF  }
0xc3: {  	_ =	shalt  }
tec
execute0_lowered:
.L_overlay_start_1:
0x0: {  	(tag) =	ssettag $0x1  }
0x1: {  	s0 =	rddreg [dreg:$0x0];
	s10 =	stileid.u32  }
0x2: {  	s1 =	srdreg.scid;
	s2 =	rddreg [dreg:$0x1];
	s3 =	simm.s32 $0x0  }
0x3: {  	s14 =	simm.s32 $0xB;
	s16 =	simm.s32 $0x80;
	s17 =	simm.s32 $0x18700  }
0x4: {  	s18 =	simm.s32 $0x18B00;
	s28 =	simm.s32 $0x3;
	s29 =	simm.s32 $0x4  }
0x5: {  	s30 =	simm.s32 $0x5;
	s31 =	simm.s32 $0x6;
	s19 =	simm.s32 $0xC300  }
0x6: {  	s12 =	simm.s32 $0x18680;
	s5 =	smul.u32 $0x18700, s10;
	s1 =	sand.u32 $0x1, s1  }
0x7: {  	[smem:$0x7FF] =	sst s3;
	s7 =	smul.u32 $0x61C0, s10;
	s4 =	sadd.s32 $0x2400, s0  }
0x8: {  	s11 =	sadd.s32 $0x1AC00, s0;
	s23 =	sshll.u32 s10, $0x6;
	s6 =	smul.u32 $0x187000, s1  }
0x9: {  	s10 =	simm.s32 $0x18580;
	_ =	strace $0x8000004A;
	s9 =	smul.u32 $0x61C00, s1  }
0xa: {  	s1 =	ssub.s32 $0x2, s1;
	[dreg:$0x3] =	wrdreg s11;
	s11 =	simm.s32 $0x18600  }
0xb: {  	s8 =	sshrl.u32 s5, $0x3;
	s21 =	sshrl.u32 s1, $0x1;
	s22 =	sadd.s32 s7, s2  }
0xc: {  	s8 =	sadd.s32 s8, s0;
	s5 =	sadd.s32 s5, s6;
	s20 =	sadd.s32 s7, s9  }
0xd: {  	s1 =	ssub.s32 s1, s21;
	s7 =	sor.u32 $0x1C0B, s23;
	s13 =	sshrl.u32 s22, $0x3  }
0xe: {  	s22 =	simm.s32 $0x19300;
	s9 =	simm.s32 $0x18500;
	s21 =	simm.s32 $0x0  }
0xf: {  	s5 =	sshrl.u32 s5, $0x3;
	s6 =	sshrl.u32 s20, $0x3;
	s24 =	sadd.s32 $0x221E00, s8  }
0x10: {  	s8 =	sadd.s32 $0x223670, s8;
	s26 =	smax.u32 s1, $0x1;
	[dreg:$0x4] =	wrdreg s24  }
0x11: {  	s20 =	simm.s32 $0x18F00;
	s5 =	sadd.s32 s5, s0;
	[dreg:$0x6] =	wrdreg s8  }
0x12: {  	s1 =	simm.s32 $0x7;
	[dreg:$0x9] =	wrdreg s26;
	s25 =	sadd.s32 $0x39800, s5  }
0x13: {  	s0 =	sadd.s32 s6, s0;
	s5 =	sadd.s32 $0x3B070, s5;
	[dreg:$0x5] =	wrdreg s25  }
0x14: {  	s24 =	simm.s32 $0x19700;
	s0 =	sadd.s32 $0x1BA00, s0;
	[dreg:$0x7] =	wrdreg s5  }
0x15: {  	s26 =	simm.s32 $0x2;
	s6 =	simm.s32 $0xA;
	[dreg:$0x8] =	wrdreg s0  }
0x16: {  	s25 =	simm.s32 $0x1;
	s0 =	simm.s32 $0x8;
	s5 =	simm.s32 $0x9  }
.LBB2_1:
0x17: {  	s8 =	rddreg [dreg:$0x3]  }
0x18: {  	[spmem:s13], [sflag:s7] =	dma.local [hbm:s8], $0xC38  }
0x19: {  	_ =	swait.ge [sflag:s14], $0xC38  }
0x1a: {  	[sflag:s14] =	ssyncset.done $0x0  }
0x1b: {  	[sflag:s14] =	ssyncadd.s32 $0xFFFFF3C8  }
0x1c: {  	[bflag:$0x0] =	sbarrier.arrive $0xFFFF  }
0x1d: {  	s15 =	rddreg [dreg:$0x4]  }
0x1e: {  	[tilespmem:s3], [sflag:$0xB] =	stream.linear.gather [hbm4b:s15+s3], $0xC380, $0x38;
	[tilespmem:$0x1FCC0] =	vst v63  }
0x1f: {  	_ =	swait.ge [sflag:s14], $0xC380  }
0x20: {  	[sflag:s14] =	ssyncset.done $0x0  }
0x21: {  	s15 =	simm.s32 $0xC380;
	s23 =	rddreg [dreg:$0x5];
	[sflag:s14] =	ssyncadd.s32 $0xFFFF3C80  }
0x22: {  	[tilespmem:s15], [sflag:$0xB] =	stream.linear.gather [hbm4b:s23+s3], $0xC380, $0x38;
	[tilespmem:$0x1FCC0] =	vst v63  }
0x23: {  	_ =	swait.ge [sflag:s14], $0xC380  }
0x24: {  	[sflag:s14] =	ssyncset.done $0x0  }
0x25: {  	[sflag:s14] =	ssyncadd.s32 $0xFFFF3C80  }
0x26: {  	[tilespmem:s17], [sflag:$0x1] =	stream.indirect.gather [hbm4b:s4+s16], $0x8, s3, s16, $0xb8;
	[tilespmem:$0x1FCC0] =	vst v63  }
0x27: {  	_ = 	snop  }
0x28: {  	[tilespmem:s18], [sflag:$0x2] =	stream.indirect.gather [hbm4b:s4+s16], $0x8, s16, s16, $0xb8;
	[tilespmem:$0x1FCC0] =	vst v63  }
0x29: {  	s15 =	simm.s32 $0x100  }
0x2a: {  	[tilespmem:s20], [sflag:$0x3] =	stream.indirect.gather [hbm4b:s4+s16], $0x8, s15, s16, $0xb8;
	[tilespmem:$0x1FCC0] =	vst v63  }
0x2b: {  	s23 =	simm.s32 $0x180  }
0x2c: {  	[tilespmem:s22], [sflag:$0x4] =	stream.indirect.gather [hbm4b:s4+s16], $0x8, s23, s16, $0xb8;
	[tilespmem:$0x1FCC0] =	vst v63  }
0x2d: {  	s15 =	simm.s32 $0x200  }
0x2e: {  	[tilespmem:s24], [sflag:$0x5] =	stream.indirect.gather [hbm4b:s4+s16], $0x8, s15, s16, $0xb8;
	[tilespmem:$0x1FCC0] =	vst v63  }
0x2f: {  	_ =	swait.ge [sflag:s25], $0x400  }
0x30: {  	[sflag:s25] =	ssyncset.done $0x0  }
0x31: {  	s23 =	simm.s32 $0xC380;
	[sflag:s25] =	ssyncadd.s32 $0xFFFFFC00  }
0x32: {  	[spmem:s2] =	stream.indirect.scatter.add.f32 [tilespmem:s17], [sflag:$0x6], $0x8, s23, s16, $0xb8;
	[tilespmem:$0x1FCC0] =	vst v63  }
0x33: {  	_ =	swait.ge [sflag:s26], $0x400  }
0x34: {  	[sflag:s26] =	ssyncset.done $0x0  }
0x35: {  	s8 =	simm.s32 $0xC400;
	[sflag:s26] =	ssyncadd.s32 $0xFFFFFC00  }
0x36: {  	[spmem:s2] =	stream.indirect.scatter.add.f32 [tilespmem:s18], [sflag:$0x7], $0x8, s8, s16, $0xb8;
	[tilespmem:$0x1FCC0] =	vst v63  }
0x37: {  	_ =	swait.ge [sflag:s28], $0x400  }
0x38: {  	[sflag:s28] =	ssyncset.done $0x0  }
0x39: {  	s23 =	simm.s32 $0xC480;
	[sflag:s28] =	ssyncadd.s32 $0xFFFFFC00  }
0x3a: {  	[spmem:s2] =	stream.indirect.scatter.add.f32 [tilespmem:s20], [sflag:$0x8], $0x8, s23, s16, $0xb8;
	[tilespmem:$0x1FCC0] =	vst v63  }
0x3b: {  	_ =	swait.ge [sflag:s29], $0x400  }
0x3c: {  	[sflag:s29] =	ssyncset.done $0x0  }
0x3d: {  	s8 =	simm.s32 $0xC500;
	[sflag:s29] =	ssyncadd.s32 $0xFFFFFC00  }
0x3e: {  	[spmem:s2] =	stream.indirect.scatter.add.f32 [tilespmem:s22], [sflag:$0x9], $0x8, s8, s16, $0xb8;
	[tilespmem:$0x1FCC0] =	vst v63  }
0x3f: {  	_ =	swait.ge [sflag:s30], $0x400  }
0x40: {  	[sflag:s30] =	ssyncset.done $0x0  }
0x41: {  	s23 =	simm.s32 $0xC580;
	[sflag:s30] =	ssyncadd.s32 $0xFFFFFC00  }
0x42: {  	[spmem:s2] =	stream.indirect.scatter.add.f32 [tilespmem:s24], [sflag:$0xA], $0x8, s23, s16, $0xb8;
	[tilespmem:$0x1FCC0] =	vst v63  }
0x43: {  	_ =	swait.ge [sflag:s31], $0x400  }
0x44: {  	[sflag:s31] =	ssyncset.done $0x0  }
0x45: {  	s8 =	simm.s32 $0x280;
	[sflag:s31] =	ssyncadd.s32 $0xFFFFFC00  }
0x46: {  	[tilespmem:s17], [sflag:$0x1] =	stream.indirect.gather [hbm4b:s4+s16], $0x8, s8, s16, $0xb8;
	[tilespmem:$0x1FCC0] =	vst v63  }
0x47: {  	_ =	swait.ge [sflag:s1], $0x400  }
0x48: {  	[sflag:s1] =	ssyncset.done $0x0  }
0x49: {  	s23 =	simm.s32 $0x300;
	[sflag:s1] =	ssyncadd.s32 $0xFFFFFC00  }
0x4a: {  	[tilespmem:s18], [sflag:$0x2] =	stream.indirect.gather [hbm4b:s4+s16], $0x8, s23, s16, $0xb8;
	[tilespmem:$0x1FCC0] =	vst v63  }
0x4b: {  	_ =	swait.ge [sflag:s0], $0x400  }
0x4c: {  	[sflag:s0] =	ssyncset.done $0x0  }
0x4d: {  	s8 =	simm.s32 $0x380;
	[sflag:s0] =	ssyncadd.s32 $0xFFFFFC00  }
0x4e: {  	[tilespmem:s20], [sflag:$0x3] =	stream.indirect.gather [hbm4b:s4+s16], $0x8, s8, s16, $0xb8;
	[tilespmem:$0x1FCC0] =	vst v63  }
0x4f: {  	_ =	swait.ge [sflag:s5], $0x400  }
0x50: {  	[sflag:s5] =	ssyncset.done $0x0  }
0x51: {  	s23 =	simm.s32 $0x400;
	[sflag:s5] =	ssyncadd.s32 $0xFFFFFC00  }
0x52: {  	[tilespmem:s22], [sflag:$0x4] =	stream.indirect.gather [hbm4b:s4+s16], $0x8, s23, s16, $0xb8;
	[tilespmem:$0x1FCC0] =	vst v63  }
0x53: {  	_ =	swait.ge [sflag:s6], $0x400  }
0x54: {  	[sflag:s6] =	ssyncset.done $0x0  }
0x55: {  	s15 =	simm.s32 $0x480;
	s23 =	simm.s32 $0xA00;
	[sflag:s6] =	ssyncadd.s32 $0xFFFFFC00  }
.LBB2_2:
0x56: {  	[tilespmem:s24], [sflag:$0x5] =	stream.indirect.gather [hbm4b:s4+s16], $0x8, s15, s16, $0xb8;
	[tilespmem:$0x1FCC0] =	vst v63  }
0x57: {  	s15 =	smov.u32 s23  }
0x58: {  	p0 =	sne.s32 s23, $0x2F800;
	s23 =	sadd.s32 $0xA00, s23;
	_ =	swait.ge [sflag:s25], $0x400  }
0x59: {  	s15 =	sshra.s32 s15, $0x2;
	[sflag:s25] =	ssyncset.done $0x0  }
0x5a: {  	s8 =	sadd.s32 $0xC380, s15;
	[sflag:s25] =	ssyncadd.s32 $0xFFFFFC00  }
0x5b: {  	[spmem:s2] =	stream.indirect.scatter.add.f32 [tilespmem:s17], [sflag:$0x6], $0x8, s8, s16, $0xb8;
	[tilespmem:$0x1FCC0] =	vst v63  }
0x5c: {  	_ =	swait.ge [sflag:s26], $0x400  }
0x5d: {  	[sflag:s26] =	ssyncset.done $0x0  }
0x5e: {  	s8 =	sadd.s32 $0xC400, s15;
	[sflag:s26] =	ssyncadd.s32 $0xFFFFFC00  }
0x5f: {  	[spmem:s2] =	stream.indirect.scatter.add.f32 [tilespmem:s18], [sflag:$0x7], $0x8, s8, s16, $0xb8;
	[tilespmem:$0x1FCC0] =	vst v63  }
0x60: {  	_ =	swait.ge [sflag:s28], $0x400  }
0x61: {  	[sflag:s28] =	ssyncset.done $0x0  }
0x62: {  	s8 =	sadd.s32 $0xC480, s15;
	[sflag:s28] =	ssyncadd.s32 $0xFFFFFC00  }
0x63: {  	[spmem:s2] =	stream.indirect.scatter.add.f32 [tilespmem:s20], [sflag:$0x8], $0x8, s8, s16, $0xb8;
	[tilespmem:$0x1FCC0] =	vst v63  }
0x64: {  	_ =	swait.ge [sflag:s29], $0x400  }
0x65: {  	[sflag:s29] =	ssyncset.done $0x0  }
0x66: {  	s8 =	sadd.s32 $0xC500, s15;
	[sflag:s29] =	ssyncadd.s32 $0xFFFFFC00  }
0x67: {  	[spmem:s2] =	stream.indirect.scatter.add.f32 [tilespmem:s22], [sflag:$0x9], $0x8, s8, s16, $0xb8;
	[tilespmem:$0x1FCC0] =	vst v63  }
0x68: {  	_ =	swait.ge [sflag:s30], $0x400  }
0x69: {  	[sflag:s30] =	ssyncset.done $0x0  }
0x6a: {  	s8 =	sadd.s32 $0xC580, s15;
	[sflag:s30] =	ssyncadd.s32 $0xFFFFFC00  }
0x6b: {  	[spmem:s2] =	stream.indirect.scatter.add.f32 [tilespmem:s24], [sflag:$0xA], $0x8, s8, s16, $0xb8;
	[tilespmem:$0x1FCC0] =	vst v63  }
0x6c: {  	_ =	swait.ge [sflag:s31], $0x400  }
0x6d: {  	[sflag:s31] =	ssyncset.done $0x0  }
0x6e: {  	s8 =	sadd.s32 $0x280, s15;
	[sflag:s31] =	ssyncadd.s32 $0xFFFFFC00  }
0x6f: {  	[tilespmem:s17], [sflag:$0x1] =	stream.indirect.gather [hbm4b:s4+s16], $0x8, s8, s16, $0xb8;
	[tilespmem:$0x1FCC0] =	vst v63  }
0x70: {  	_ =	swait.ge [sflag:s1], $0x400  }
0x71: {  	[sflag:s1] =	ssyncset.done $0x0  }
0x72: {  	s8 =	sadd.s32 $0x300, s15;
	[sflag:s1] =	ssyncadd.s32 $0xFFFFFC00  }
0x73: {  	[tilespmem:s18], [sflag:$0x2] =	stream.indirect.gather [hbm4b:s4+s16], $0x8, s8, s16, $0xb8;
	[tilespmem:$0x1FCC0] =	vst v63  }
0x74: {  	_ =	swait.ge [sflag:s0], $0x400  }
0x75: {  	[sflag:s0] =	ssyncset.done $0x0  }
0x76: {  	s8 =	sadd.s32 $0x380, s15;
	[sflag:s0] =	ssyncadd.s32 $0xFFFFFC00  }
0x77: {  	[tilespmem:s20], [sflag:$0x3] =	stream.indirect.gather [hbm4b:s4+s16], $0x8, s8, s16, $0xb8;
	[tilespmem:$0x1FCC0] =	vst v63  }
0x78: {  	_ =	swait.ge [sflag:s5], $0x400  }
0x79: {  	[sflag:s5] =	ssyncset.done $0x0  }
.Ltmp0:
0x7a: {  	s8 =	sadd.s32 $0x400, s15;
	[sflag:s5] =	ssyncadd.s32 $0xFFFFFC00;
	(pc) =	sbr.rel @p0 .LBB2_2-.Ltmp0, $4  }
0x7b: {  	[tilespmem:s22], [sflag:$0x4] =	stream.indirect.gather [hbm4b:s4+s16], $0x8, s8, s16, $0xb8;
	[tilespmem:$0x1FCC0] =	vst v63  }
0x7c: {  	_ =	swait.ge [sflag:s6], $0x400  }
0x7d: {  	[sflag:s6] =	ssyncset.done $0x0  }
0x7e: {  	s15 =	sadd.s32 $0x480, s15;
	[sflag:s6] =	ssyncadd.s32 $0xFFFFFC00  }
0x7f: {  	[tilespmem:s24], [sflag:$0x5] =	stream.indirect.gather [hbm4b:s4+s16], $0x8, s15, s16, $0xb8;
	[tilespmem:$0x1FCC0] =	vst v63  }
0x80: {  	_ =	swait.ge [sflag:s25], $0x400  }
0x81: {  	[sflag:s25] =	ssyncset.done $0x0  }
0x82: {  	s8 =	simm.s32 $0x18400;
	[sflag:s25] =	ssyncadd.s32 $0xFFFFFC00  }
0x83: {  	[spmem:s2] =	stream.indirect.scatter.add.f32 [tilespmem:s17], [sflag:$0x6], $0x8, s8, s16, $0xb8;
	[tilespmem:$0x1FCC0] =	vst v63  }
0x84: {  	_ =	swait.ge [sflag:s26], $0x400  }
0x85: {  	[sflag:s26] =	ssyncset.done $0x0  }
0x86: {  	s15 =	simm.s32 $0x18480;
	[sflag:s26] =	ssyncadd.s32 $0xFFFFFC00  }
0x87: {  	[spmem:s2] =	stream.indirect.scatter.add.f32 [tilespmem:s18], [sflag:$0x7], $0x8, s15, s16, $0xb8;
	[tilespmem:$0x1FCC0] =	vst v63  }
0x88: {  	_ =	swait.ge [sflag:s28], $0x400  }
0x89: {  	[sflag:s28] =	ssyncset.done $0x0  }
0x8a: {  	[sflag:s28] =	ssyncadd.s32 $0xFFFFFC00  }
0x8b: {  	[spmem:s2] =	stream.indirect.scatter.add.f32 [tilespmem:s20], [sflag:$0x8], $0x8, s9, s16, $0xb8;
	[tilespmem:$0x1FCC0] =	vst v63  }
0x8c: {  	_ =	swait.ge [sflag:s29], $0x400  }
0x8d: {  	[sflag:s29] =	ssyncset.done $0x0  }
0x8e: {  	[sflag:s29] =	ssyncadd.s32 $0xFFFFFC00  }
0x8f: {  	[spmem:s2] =	stream.indirect.scatter.add.f32 [tilespmem:s22], [sflag:$0x9], $0x8, s10, s16, $0xb8;
	[tilespmem:$0x1FCC0] =	vst v63  }
0x90: {  	_ =	swait.ge [sflag:s30], $0x400  }
0x91: {  	[sflag:s30] =	ssyncset.done $0x0  }
0x92: {  	[sflag:s30] =	ssyncadd.s32 $0xFFFFFC00  }
0x93: {  	[spmem:s2] =	stream.indirect.scatter.add.f32 [tilespmem:s24], [sflag:$0xA], $0x8, s11, s16, $0xb8;
	[tilespmem:$0x1FCC0] =	vst v63  }
0x94: {  	_ =	swait.ge [sflag:s31], $0x400  }
0x95: {  	[sflag:s31] =	ssyncset.done $0x0  }
0x96: {  	[sflag:s31] =	ssyncadd.s32 $0xFFFFFC00  }
0x97: {  	[tilespmem:s17], [sflag:$0x1] =	stream.indirect.gather [hbm4b:s4+s16], $0x8, s19, s16, $0xb8;
	[tilespmem:$0x1FCC0] =	vst v63  }
0x98: {  	_ =	swait.ge [sflag:s1], $0x400  }
0x99: {  	[sflag:s1] =	ssyncset.done $0x0  }
0x9a: {  	[sflag:s1] =	ssyncadd.s32 $0xFFFFFC00  }
0x9b: {  	_ =	swait.ge [sflag:s0], $0x400  }
0x9c: {  	[sflag:s0] =	ssyncset.done $0x0  }
0x9d: {  	[sflag:s0] =	ssyncadd.s32 $0xFFFFFC00  }
0x9e: {  	_ =	swait.ge [sflag:s5], $0x400  }
0x9f: {  	[sflag:s5] =	ssyncset.done $0x0  }
0xa0: {  	[sflag:s5] =	ssyncadd.s32 $0xFFFFFC00  }
0xa1: {  	_ =	swait.ge [sflag:s6], $0x400  }
0xa2: {  	[sflag:s6] =	ssyncset.done $0x0  }
0xa3: {  	[sflag:s6] =	ssyncadd.s32 $0xFFFFFC00  }
0xa4: {  	_ =	swait.ge [sflag:s25], $0x400  }
0xa5: {  	[sflag:s25] =	ssyncset.done $0x0  }
0xa6: {  	[sflag:s25] =	ssyncadd.s32 $0xFFFFFC00  }
0xa7: {  	[spmem:s2] =	stream.indirect.scatter.add.f32 [tilespmem:s17], [sflag:$0xB], $0x8, s12, s16, $0xb8;
	[tilespmem:$0x1FCC0] =	vst v63  }
0xa8: {  	_ =	swait.ge [sflag:s14], $0x400  }
0xa9: {  	[sflag:s14] =	ssyncset.done $0x0  }
0xaa: {  	s8 =	simm.s32 $0x0;
	s23 =	rddreg [dreg:$0x6];
	[sflag:s14] =	ssyncadd.s32 $0xFFFFFC00  }
0xab: {  	[tilespmem:s8], [sflag:$0xB] =	stream.linear.gather [hbm4b:s23+s8], $0xC380, $0x38;
	[tilespmem:$0x1FCC0] =	vst v63  }
0xac: {  	_ =	swait.ge [sflag:s14], $0xC380  }
0xad: {  	[sflag:s14] =	ssyncset.done $0x0  }
0xae: {  	s23 =	simm.s32 $0xC380;
	s15 =	rddreg [dreg:$0x7];
	[sflag:s14] =	ssyncadd.s32 $0xFFFF3C80  }
0xaf: {  	[tilespmem:s23], [sflag:$0xB] =	stream.linear.gather [hbm4b:s15+s8], $0xC380, $0x38;
	[tilespmem:$0x1FCC0] =	vst v63  }
0xb0: {  	_ =	swait.ge [sflag:s14], $0xC380  }
0xb1: {  	[sflag:s14] =	ssyncset.done $0x0  }
0xb2: {  	[sflag:s14] =	ssyncadd.s32 $0xFFFF3C80  }
0xb3: {  	[tilespmem:s17], [sflag:$0x1] =	stream.indirect.gather [hbm4b:s4+s16], $0x8, s8, s16, $0xb8;
	[tilespmem:$0x1FCC0] =	vst v63  }
0xb4: {  	_ = 	snop  }
0xb5: {  	[tilespmem:s18], [sflag:$0x2] =	stream.indirect.gather [hbm4b:s4+s16], $0x8, s16, s16, $0xb8;
	[tilespmem:$0x1FCC0] =	vst v63  }
0xb6: {  	s15 =	simm.s32 $0x100  }
0xb7: {  	[tilespmem:s20], [sflag:$0x3] =	stream.indirect.gather [hbm4b:s4+s16], $0x8, s15, s16, $0xb8;
	[tilespmem:$0x1FCC0] =	vst v63  }
0xb8: {  	s23 =	simm.s32 $0x180  }
0xb9: {  	[tilespmem:s22], [sflag:$0x4] =	stream.indirect.gather [hbm4b:s4+s16], $0x8, s23, s16, $0xb8;
	[tilespmem:$0x1FCC0] =	vst v63  }
0xba: {  	s15 =	simm.s32 $0x200  }
0xbb: {  	[tilespmem:s24], [sflag:$0x5] =	stream.indirect.gather [hbm4b:s4+s16], $0x8, s15, s16, $0xb8;
	[tilespmem:$0x1FCC0] =	vst v63  }
0xbc: {  	_ =	swait.ge [sflag:s25], $0x400  }
0xbd: {  	[sflag:s25] =	ssyncset.done $0x0  }
0xbe: {  	s23 =	simm.s32 $0xC380;
	[sflag:s25] =	ssyncadd.s32 $0xFFFFFC00  }
0xbf: {  	[spmem:s2] =	stream.indirect.scatter.add.f32 [tilespmem:s17], [sflag:$0x6], $0x8, s23, s16, $0xb8;
	[tilespmem:$0x1FCC0] =	vst v63  }
0xc0: {  	_ =	swait.ge [sflag:s26], $0x400  }
0xc1: {  	[sflag:s26] =	ssyncset.done $0x0  }
0xc2: {  	s15 =	simm.s32 $0xC400;
	[sflag:s26] =	ssyncadd.s32 $0xFFFFFC00  }
0xc3: {  	[spmem:s2] =	stream.indirect.scatter.add.f32 [tilespmem:s18], [sflag:$0x7], $0x8, s15, s16, $0xb8;
	[tilespmem:$0x1FCC0] =	vst v63  }
0xc4: {  	_ =	swait.ge [sflag:s28], $0x400  }
0xc5: {  	[sflag:s28] =	ssyncset.done $0x0  }
0xc6: {  	s23 =	simm.s32 $0xC480;
	[sflag:s28] =	ssyncadd.s32 $0xFFFFFC00  }
0xc7: {  	[spmem:s2] =	stream.indirect.scatter.add.f32 [tilespmem:s20], [sflag:$0x8], $0x8, s23, s16, $0xb8;
	[tilespmem:$0x1FCC0] =	vst v63  }
0xc8: {  	_ =	swait.ge [sflag:s29], $0x400  }
0xc9: {  	[sflag:s29] =	ssyncset.done $0x0  }
0xca: {  	s15 =	simm.s32 $0xC500;
	[sflag:s29] =	ssyncadd.s32 $0xFFFFFC00  }
0xcb: {  	[spmem:s2] =	stream.indirect.scatter.add.f32 [tilespmem:s22], [sflag:$0x9], $0x8, s15, s16, $0xb8;
	[tilespmem:$0x1FCC0] =	vst v63  }
0xcc: {  	_ =	swait.ge [sflag:s30], $0x400  }
0xcd: {  	[sflag:s30] =	ssyncset.done $0x0  }
0xce: {  	s23 =	simm.s32 $0xC580;
	[sflag:s30] =	ssyncadd.s32 $0xFFFFFC00  }
0xcf: {  	[spmem:s2] =	stream.indirect.scatter.add.f32 [tilespmem:s24], [sflag:$0xA], $0x8, s23, s16, $0xb8;
	[tilespmem:$0x1FCC0] =	vst v63  }
0xd0: {  	_ =	swait.ge [sflag:s31], $0x400  }
0xd1: {  	[sflag:s31] =	ssyncset.done $0x0  }
0xd2: {  	s15 =	simm.s32 $0x280;
	[sflag:s31] =	ssyncadd.s32 $0xFFFFFC00  }
0xd3: {  	[tilespmem:s17], [sflag:$0x1] =	stream.indirect.gather [hbm4b:s4+s16], $0x8, s15, s16, $0xb8;
	[tilespmem:$0x1FCC0] =	vst v63  }
0xd4: {  	_ =	swait.ge [sflag:s1], $0x400  }
0xd5: {  	[sflag:s1] =	ssyncset.done $0x0  }
0xd6: {  	s23 =	simm.s32 $0x300;
	[sflag:s1] =	ssyncadd.s32 $0xFFFFFC00  }
0xd7: {  	[tilespmem:s18], [sflag:$0x2] =	stream.indirect.gather [hbm4b:s4+s16], $0x8, s23, s16, $0xb8;
	[tilespmem:$0x1FCC0] =	vst v63  }
0xd8: {  	_ =	swait.ge [sflag:s0], $0x400  }
0xd9: {  	[sflag:s0] =	ssyncset.done $0x0  }
0xda: {  	s15 =	simm.s32 $0x380;
	[sflag:s0] =	ssyncadd.s32 $0xFFFFFC00  }
0xdb: {  	[tilespmem:s20], [sflag:$0x3] =	stream.indirect.gather [hbm4b:s4+s16], $0x8, s15, s16, $0xb8;
	[tilespmem:$0x1FCC0] =	vst v63  }
0xdc: {  	_ =	swait.ge [sflag:s5], $0x400  }
0xdd: {  	[sflag:s5] =	ssyncset.done $0x0  }
0xde: {  	s23 =	simm.s32 $0x400;
	[sflag:s5] =	ssyncadd.s32 $0xFFFFFC00  }
0xdf: {  	[tilespmem:s22], [sflag:$0x4] =	stream.indirect.gather [hbm4b:s4+s16], $0x8, s23, s16, $0xb8;
	[tilespmem:$0x1FCC0] =	vst v63  }
0xe0: {  	_ =	swait.ge [sflag:s6], $0x400  }
0xe1: {  	[sflag:s6] =	ssyncset.done $0x0  }
0xe2: {  	s15 =	simm.s32 $0x480;
	s23 =	simm.s32 $0xA00;
	[sflag:s6] =	ssyncadd.s32 $0xFFFFFC00  }
.LBB2_4:
0xe3: {  	[tilespmem:s24], [sflag:$0x5] =	stream.indirect.gather [hbm4b:s4+s16], $0x8, s15, s16, $0xb8;
	[tilespmem:$0x1FCC0] =	vst v63  }
0xe4: {  	s8 =	smov.u32 s23  }
0xe5: {  	p0 =	sne.s32 s23, $0x2F800;
	s23 =	sadd.s32 $0xA00, s23;
	_ =	swait.ge [sflag:s25], $0x400  }
0xe6: {  	s15 =	sshra.s32 s8, $0x2;
	[sflag:s25] =	ssyncset.done $0x0  }
0xe7: {  	s8 =	sadd.s32 $0xC380, s15;
	[sflag:s25] =	ssyncadd.s32 $0xFFFFFC00  }
0xe8: {  	[spmem:s2] =	stream.indirect.scatter.add.f32 [tilespmem:s17], [sflag:$0x6], $0x8, s8, s16, $0xb8;
	[tilespmem:$0x1FCC0] =	vst v63  }
0xe9: {  	_ =	swait.ge [sflag:s26], $0x400  }
0xea: {  	[sflag:s26] =	ssyncset.done $0x0  }
0xeb: {  	s8 =	sadd.s32 $0xC400, s15;
	[sflag:s26] =	ssyncadd.s32 $0xFFFFFC00  }
0xec: {  	[spmem:s2] =	stream.indirect.scatter.add.f32 [tilespmem:s18], [sflag:$0x7], $0x8, s8, s16, $0xb8;
	[tilespmem:$0x1FCC0] =	vst v63  }
0xed: {  	_ =	swait.ge [sflag:s28], $0x400  }
0xee: {  	[sflag:s28] =	ssyncset.done $0x0  }
0xef: {  	s8 =	sadd.s32 $0xC480, s15;
	[sflag:s28] =	ssyncadd.s32 $0xFFFFFC00  }
0xf0: {  	[spmem:s2] =	stream.indirect.scatter.add.f32 [tilespmem:s20], [sflag:$0x8], $0x8, s8, s16, $0xb8;
	[tilespmem:$0x1FCC0] =	vst v63  }
0xf1: {  	_ =	swait.ge [sflag:s29], $0x400  }
0xf2: {  	[sflag:s29] =	ssyncset.done $0x0  }
0xf3: {  	s8 =	sadd.s32 $0xC500, s15;
	[sflag:s29] =	ssyncadd.s32 $0xFFFFFC00  }
0xf4: {  	[spmem:s2] =	stream.indirect.scatter.add.f32 [tilespmem:s22], [sflag:$0x9], $0x8, s8, s16, $0xb8;
	[tilespmem:$0x1FCC0] =	vst v63  }
0xf5: {  	_ =	swait.ge [sflag:s30], $0x400  }
0xf6: {  	[sflag:s30] =	ssyncset.done $0x0  }
0xf7: {  	s8 =	sadd.s32 $0xC580, s15;
	[sflag:s30] =	ssyncadd.s32 $0xFFFFFC00  }
0xf8: {  	[spmem:s2] =	stream.indirect.scatter.add.f32 [tilespmem:s24], [sflag:$0xA], $0x8, s8, s16, $0xb8;
	[tilespmem:$0x1FCC0] =	vst v63  }
0xf9: {  	_ =	swait.ge [sflag:s31], $0x400  }
0xfa: {  	[sflag:s31] =	ssyncset.done $0x0  }
0xfb: {  	s8 =	sadd.s32 $0x280, s15;
	[sflag:s31] =	ssyncadd.s32 $0xFFFFFC00  }
0xfc: {  	[tilespmem:s17], [sflag:$0x1] =	stream.indirect.gather [hbm4b:s4+s16], $0x8, s8, s16, $0xb8;
	[tilespmem:$0x1FCC0] =	vst v63  }
0xfd: {  	_ =	swait.ge [sflag:s1], $0x400  }
0xfe: {  	[sflag:s1] =	ssyncset.done $0x0  }
0xff: {  	s8 =	sadd.s32 $0x300, s15;
	[sflag:s1] =	ssyncadd.s32 $0xFFFFFC00  }
0x100: {  	[tilespmem:s18], [sflag:$0x2] =	stream.indirect.gather [hbm4b:s4+s16], $0x8, s8, s16, $0xb8;
	[tilespmem:$0x1FCC0] =	vst v63  }
0x101: {  	_ =	swait.ge [sflag:s0], $0x400  }
0x102: {  	[sflag:s0] =	ssyncset.done $0x0  }
0x103: {  	s8 =	sadd.s32 $0x380, s15;
	[sflag:s0] =	ssyncadd.s32 $0xFFFFFC00  }
0x104: {  	[tilespmem:s20], [sflag:$0x3] =	stream.indirect.gather [hbm4b:s4+s16], $0x8, s8, s16, $0xb8;
	[tilespmem:$0x1FCC0] =	vst v63  }
0x105: {  	_ =	swait.ge [sflag:s5], $0x400  }
0x106: {  	[sflag:s5] =	ssyncset.done $0x0  }
.Ltmp1:
0x107: {  	s8 =	sadd.s32 $0x400, s15;
	[sflag:s5] =	ssyncadd.s32 $0xFFFFFC00;
	(pc) =	sbr.rel @p0 .LBB2_4-.Ltmp1, $4  }
0x108: {  	[tilespmem:s22], [sflag:$0x4] =	stream.indirect.gather [hbm4b:s4+s16], $0x8, s8, s16, $0xb8;
	[tilespmem:$0x1FCC0] =	vst v63  }
0x109: {  	_ =	swait.ge [sflag:s6], $0x400  }
0x10a: {  	[sflag:s6] =	ssyncset.done $0x0  }
0x10b: {  	s15 =	sadd.s32 $0x480, s15;
	[sflag:s6] =	ssyncadd.s32 $0xFFFFFC00  }
0x10c: {  	[tilespmem:s24], [sflag:$0x5] =	stream.indirect.gather [hbm4b:s4+s16], $0x8, s15, s16, $0xb8;
	[tilespmem:$0x1FCC0] =	vst v63  }
0x10d: {  	_ =	swait.ge [sflag:s25], $0x400  }
0x10e: {  	[sflag:s25] =	ssyncset.done $0x0  }
0x10f: {  	s8 =	simm.s32 $0x18400;
	[sflag:s25] =	ssyncadd.s32 $0xFFFFFC00  }
0x110: {  	[spmem:s2] =	stream.indirect.scatter.add.f32 [tilespmem:s17], [sflag:$0x6], $0x8, s8, s16, $0xb8;
	[tilespmem:$0x1FCC0] =	vst v63  }
0x111: {  	_ =	swait.ge [sflag:s26], $0x400  }
0x112: {  	[sflag:s26] =	ssyncset.done $0x0  }
0x113: {  	s23 =	simm.s32 $0x18480;
	[sflag:s26] =	ssyncadd.s32 $0xFFFFFC00  }
0x114: {  	[spmem:s2] =	stream.indirect.scatter.add.f32 [tilespmem:s18], [sflag:$0x7], $0x8, s23, s16, $0xb8;
	[tilespmem:$0x1FCC0] =	vst v63  }
0x115: {  	_ =	swait.ge [sflag:s28], $0x400  }
0x116: {  	[sflag:s28] =	ssyncset.done $0x0  }
0x117: {  	[sflag:s28] =	ssyncadd.s32 $0xFFFFFC00  }
0x118: {  	[spmem:s2] =	stream.indirect.scatter.add.f32 [tilespmem:s20], [sflag:$0x8], $0x8, s9, s16, $0xb8;
	[tilespmem:$0x1FCC0] =	vst v63  }
0x119: {  	_ =	swait.ge [sflag:s29], $0x400  }
0x11a: {  	[sflag:s29] =	ssyncset.done $0x0  }
0x11b: {  	[sflag:s29] =	ssyncadd.s32 $0xFFFFFC00  }
0x11c: {  	[spmem:s2] =	stream.indirect.scatter.add.f32 [tilespmem:s22], [sflag:$0x9], $0x8, s10, s16, $0xb8;
	[tilespmem:$0x1FCC0] =	vst v63  }
0x11d: {  	_ =	swait.ge [sflag:s30], $0x400  }
0x11e: {  	[sflag:s30] =	ssyncset.done $0x0  }
0x11f: {  	[sflag:s30] =	ssyncadd.s32 $0xFFFFFC00  }
0x120: {  	[spmem:s2] =	stream.indirect.scatter.add.f32 [tilespmem:s24], [sflag:$0xA], $0x8, s11, s16, $0xb8;
	[tilespmem:$0x1FCC0] =	vst v63  }
0x121: {  	_ =	swait.ge [sflag:s31], $0x400  }
0x122: {  	[sflag:s31] =	ssyncset.done $0x0  }
0x123: {  	[sflag:s31] =	ssyncadd.s32 $0xFFFFFC00  }
0x124: {  	[tilespmem:s17], [sflag:$0x1] =	stream.indirect.gather [hbm4b:s4+s16], $0x8, s19, s16, $0xb8;
	[tilespmem:$0x1FCC0] =	vst v63  }
0x125: {  	_ =	swait.ge [sflag:s1], $0x400  }
0x126: {  	[sflag:s1] =	ssyncset.done $0x0  }
0x127: {  	[sflag:s1] =	ssyncadd.s32 $0xFFFFFC00  }
0x128: {  	_ =	swait.ge [sflag:s0], $0x400  }
0x129: {  	[sflag:s0] =	ssyncset.done $0x0  }
0x12a: {  	[sflag:s0] =	ssyncadd.s32 $0xFFFFFC00  }
0x12b: {  	_ =	swait.ge [sflag:s5], $0x400  }
0x12c: {  	[sflag:s5] =	ssyncset.done $0x0  }
0x12d: {  	[sflag:s5] =	ssyncadd.s32 $0xFFFFFC00  }
0x12e: {  	_ =	swait.ge [sflag:s6], $0x400  }
0x12f: {  	[sflag:s6] =	ssyncset.done $0x0  }
0x130: {  	[sflag:s6] =	ssyncadd.s32 $0xFFFFFC00  }
0x131: {  	_ =	swait.ge [sflag:s25], $0x400  }
0x132: {  	[sflag:s25] =	ssyncset.done $0x0  }
0x133: {  	[sflag:s25] =	ssyncadd.s32 $0xFFFFFC00  }
0x134: {  	[spmem:s2] =	stream.indirect.scatter.add.f32 [tilespmem:s17], [sflag:$0xB], $0x8, s12, s16, $0xb8;
	[tilespmem:$0x1FCC0] =	vst v63  }
0x135: {  	_ =	swait.ge [sflag:s14], $0x400  }
0x136: {  	[sflag:s14] =	ssyncset.done $0x0  }
0x137: {  	[sflag:s14] =	ssyncadd.s32 $0xFFFFFC00  }
0x138: {  	[bflag:$0x0] =	sbarrier.arrive $0xFFFF  }
0x139: {  	s15 =	rddreg [dreg:$0x8]  }
0x13a: {  	[hbm:s15], [sflag:s7] =	dma.local [spmem:s13], $0xC38  }
0x13b: {  	_ =	swait.ge [sflag:s14], $0xC38  }
0x13c: {  	s21 =	sadd.s32 $0x1, s21;
	s23 =	rddreg [dreg:$0x9]  }
0x13d: {  	p0 =	sne.s32 s21, s23  }
.Ltmp2:
0x13e: {  	_ = 	snop;
	(pc) =	sbr.rel @p0 .LBB2_1-.Ltmp2, $3  }
0x13f: {  	_ =	sdelay $0x1  }
0x140: {  	[sflag:s14] =	ssyncset.done $0x0  }
0x141: {  	[sflag:s14] =	ssyncadd.s32 $0xFFFFF3C8  }
0x142: {  	_ =	sfence.sel $0x180000  }
0x143: {  	[bflag:$0x0] =	sbarrier.arrive $0xFFFF  }
0x144: {  	_ =	strace $0x9000004A  }
0x145: {  	s0 =	stileid.u32;
	[bflag:$0x2] =	sbarrier.arrive $0xFFFF  }
0x146: {  	p0 =	sne.s32 s0, $0x0;
	s0 =	rddreg [dreg:$0x2]  }
0x147: {  	s0 =	sadd.s32 @!p0 $0x100000, s0  }
0x148: {  	[sflag:s0] =	ssyncadd.tile.s32 @!p0 $0x1;
	_ =	shalt  }
.Lfunc_end2:
_tile_overlayer_lowered:
.L_overlay_start_2:
0x149: {  	(tag) =	ssettag $0x2  }
0x14a: {  	s0 =	rddreg [dreg:$0x0];
	s2 =	stileid.u32  }
0x14b: {  	s1 =	rddreg [dreg:$0x1];
	p0 =	sne.s32 s2, $0x0  }
0x14c: {  	s3 =	rddreg [dreg:$0x2];
	[bflag:$0x3] =	sbarrier.arrive $0xFFFF;
	s2 =	simm.s32 @!p0 $0x1C0B  }
0x14d: {  	[timem:s3], [sflag:s2] =	dma.local @!p0 [hbm:s0], s1  }
0x14e: {  	s0 =	simm.s32 @!p0 $0xB  }
0x14f: {  	_ =	swait.ge @!p0 [sflag:s0], s1  }
0x150: {  	s1 =	ssub.s32 @!p0 $0x0, s1;
	[sflag:s0] =	ssyncset.done @!p0 $0x0  }
0x151: {  	[sflag:s0] =	ssyncadd.s32 @!p0 s1  }
0x152: {  	[bflag:$0x3] =	sbarrier.arrive $0xFFFF  }
0x153: {  	_ =	shalt  }

// kernel: kernel.15.cloned.1.call-start
scs
__scs_entry_jumppad:
0x0: {  	(pc) =	sbr.rel $0x88, $3  }
0x1: {  	(tag) =	ssettag $0x0;
	lr =	simm.s32 $0x1  }
0x2: {  	[smem:$0x3F96] =	sst lr;
	_ =	strace $0xD0000000  }
0x3: {  	_ = 	snop  }
0x4: {  	_ = 	snop  }
0x5: {  	_ = 	snop  }
0x6: {  	_ = 	snop  }
0x7: {  	_ = 	snop  }
__scs_overlays_trampoline_lowered:
0x8: {  	[smem:$0x3FA5] =	sst s0  }
0x9: {  	[smem:$0x3FA6] =	sst s1  }
0xa: {  	[smem:$0x3FA7] =	sst s2  }
0xb: {  	[smem:$0x3FA8] =	sst s3  }
0xc: {  	[smem:$0x3FA9] =	sst s4  }
0xd: {  	[smem:$0x3FAA] =	sst s5  }
0xe: {  	[smem:$0x3FAB] =	sst s6  }
0xf: {  	[smem:$0x3FAC] =	sst s7  }
0x10: {  	[smem:$0x3FAD] =	sst s8  }
0x11: {  	[smem:$0x3FAE] =	sst s9;
	s0 =	simm.s32 @!p0 $0x0  }
0x12: {  	s1 =	sld [smem:$0x3F94];
	s0 =	simm.s32 @p0 $0x1  }
0x13: {  	[smem:$0x3FAF] =	sst s0;
	s0 =	simm.s32 @!p1 $0x0  }
0x14: {  	s2 =	sld [smem:$0x3F93];
	s0 =	simm.s32 @p1 $0x1  }
0x15: {  	[smem:$0x3FB0] =	sst s0;
	s0 =	simm.s32 @!p2 $0x0  }
0x16: {  	s3 =	sld [smem:$0x3FDB];
	s0 =	simm.s32 @p2 $0x1  }
0x17: {  	s4 =	simm.s32 $0x1BF5;
	[smem:$0x3FB2] =	sst s0  }
0x18: {  	s0 =	sld [smem:$0x3F95];
	_ =	swait.ge [sflag:s4], $0x0  }
0x19: {  	s7 =	sld [smem:$0x3F96]  }
0x1a: {  	s8 =	sadd.s32 $0xFFFFE003, lr  }
0x1b: {  	s9 =	sadd.s32 $0xFFFFFEF7, lr;
	s5 =	simm.s32 $0xFFFFFFFF;
	p2 =	slt.u32 s8, $0xFFFFF086  }
0x1c: {  	p1 =	slt.u32 s9, $0xF7A;
	s5 =	simm.s32 @!p2 $0x0  }
0x1d: {  	s5 =	simm.s32 @p1 $0x1;
	p0 =	seq.s32 s7, s2  }
0x1e: {  	s7 =	smul.u32 @!p0 $0xF7A, s2;
	p2 =	seq.s32 @!p0 s5, $0x0  }
0x1f: {  	s9 =	smul.u32 $0xF7A, s1;
	s8 =	simm.s32 @!p0 $0x1BF5;
	p2 =	por !p2, p0  }
0x20: {  	[sflag:s8] =	ssyncset.s32 @!p0 $0xFFFFF086;
	s6 =	sadd.s32 @!p0 s3, s7;
	s7 =	simm.s32 @!p0 $0x108  }
0x21: {  	s3 =	sadd.s32 s3, s9;
	s6 =	sadd.s32 @!p0 $0x88, s6;
	s7 =	simm.s32 @p2 $0x1082  }
0x22: {  	[simem:s7], [sflag:s8] =	dma.local @!p0 [hbm:s6], $0xF7A  }
0x23: {  	s9 =	sor.u32 $0xD0000000, s2;
	s6 =	simm.s32 $0x108;
	_ =	swait.ge @!p0 [sflag:s8], $0x0  }
0x24: {  	s3 =	sadd.s32 $0x88, s3;
	s6 =	simm.s32 @!p1 $0x1082;
	[sflag:s4] =	ssyncset.s32 $0xFFFFF086  }
0x25: {  	[simem:s6], [sflag:s4] =	dma.local [hbm:s3], $0xF7A  }
0x26: {  	[smem:$0x3F96] =	sst s1;
	(tag) =	ssettag s2;
	_ =	strace s9  }
0x27: {  	s1 =	sld [smem:$0x3FA6]  }
0x28: {  	s2 =	sld [smem:$0x3FA7]  }
0x29: {  	s4 =	sld [smem:$0x3FA9]  }
0x2a: {  	p0 =	seq.s32 s5, $0x0;
	s5 =	sld [smem:$0x3FAA]  }
0x2b: {  	s6 =	sld [smem:$0x3FAB]  }
0x2c: {  	s7 =	sld [smem:$0x3FAC]  }
0x2d: {  	s3 =	simm.s32 $0x108;
	s8 =	sld [smem:$0x3FAD]  }
0x2e: {  	s3 =	simm.s32 @!p0 $0x1082;
	s9 =	sld [smem:$0x3FAE]  }
0x2f: {  	lr =	sadd.s32 s0, s3;
	s0 =	sld [smem:$0x3FA5]  }
0x30: {  	s3 =	sld [smem:$0x3FA8]  }
0x31: {  	[smem:$0x3FB1] =	sst s10  }
0x32: {  	s10 =	sld [smem:$0x3FAF];
	_ =	sdelay $0x3  }
0x33: {  	p0 =	seq.s32 s10, $0x1;
	s10 =	sld [smem:$0x3FB1];
	_ =	sdelay $0x3  }
0x34: {  	[smem:$0x3FB1] =	sst s10  }
0x35: {  	s10 =	sld [smem:$0x3FB0];
	_ =	sdelay $0x3  }
0x36: {  	p1 =	seq.s32 s10, $0x1;
	s10 =	sld [smem:$0x3FB1];
	_ =	sdelay $0x3  }
0x37: {  	[smem:$0x3FB1] =	sst s10  }
0x38: {  	s10 =	sld [smem:$0x3FB2]  }
0x39: {  	_ = 	snop;
	(pc) =	sbr.ind lr, $3  }
0x3a: {  	_ = 	snop  }
0x3b: {  	_ = 	snop  }
0x3c: {  	p2 =	seq.s32 s10, $0x1;
	s10 =	sld [smem:$0x3FB1]  }
0x3d: {  	_ =	shalt  }
0x3e: {  	_ =	shalt  }
0x3f: {  	_ =	shalt  }
0x40: {  	_ =	shalt  }
0x41: {  	_ =	shalt  }
0x42: {  	_ =	shalt  }
0x43: {  	_ =	shalt  }
0x44: {  	_ =	shalt  }
0x45: {  	_ =	shalt  }
0x46: {  	_ =	shalt  }
0x47: {  	_ =	shalt  }
0x48: {  	_ =	shalt  }
0x49: {  	_ =	shalt  }
0x4a: {  	_ =	shalt  }
0x4b: {  	_ =	shalt  }
0x4c: {  	_ =	shalt  }
0x4d: {  	_ =	shalt  }
0x4e: {  	_ =	shalt  }
0x4f: {  	_ =	shalt  }
0x50: {  	_ =	shalt  }
0x51: {  	_ =	shalt  }
0x52: {  	_ =	shalt  }
0x53: {  	_ =	shalt  }
0x54: {  	_ =	shalt  }
0x55: {  	_ =	shalt  }
0x56: {  	_ =	shalt  }
0x57: {  	_ =	shalt  }
0x58: {  	_ =	shalt  }
0x59: {  	_ =	shalt  }
0x5a: {  	_ =	shalt  }
0x5b: {  	_ =	shalt  }
0x5c: {  	_ =	shalt  }
0x5d: {  	_ =	shalt  }
0x5e: {  	_ =	shalt  }
0x5f: {  	_ =	shalt  }
0x60: {  	_ =	shalt  }
0x61: {  	_ =	shalt  }
0x62: {  	_ =	shalt  }
0x63: {  	_ =	shalt  }
0x64: {  	_ =	shalt  }
0x65: {  	_ =	shalt  }
0x66: {  	_ =	shalt  }
0x67: {  	_ =	shalt  }
0x68: {  	_ =	shalt  }
0x69: {  	_ =	shalt  }
0x6a: {  	_ =	shalt  }
0x6b: {  	_ =	shalt  }
0x6c: {  	_ =	shalt  }
0x6d: {  	_ =	shalt  }
0x6e: {  	_ =	shalt  }
0x6f: {  	_ =	shalt  }
0x70: {  	_ =	shalt  }
0x71: {  	_ =	shalt  }
0x72: {  	_ =	shalt  }
0x73: {  	_ =	shalt  }
0x74: {  	_ =	shalt  }
0x75: {  	_ =	shalt  }
0x76: {  	_ =	shalt  }
0x77: {  	_ =	shalt  }
0x78: {  	_ =	shalt  }
0x79: {  	_ =	shalt  }
0x7a: {  	_ =	shalt  }
0x7b: {  	_ =	shalt  }
0x7c: {  	_ =	shalt  }
0x7d: {  	_ =	shalt  }
0x7e: {  	_ =	shalt  }
0x7f: {  	_ =	shalt  }
0x80: {  	_ =	shalt  }
0x81: {  	_ =	shalt  }
0x82: {  	_ =	shalt  }
0x83: {  	_ =	shalt  }
0x84: {  	_ =	shalt  }
0x85: {  	_ =	shalt  }
0x86: {  	_ =	shalt  }
0x87: {  	_ =	shalt  }
.Lfunc_end0:
.L_simem_size_0:
called_computation.2_lowered:
.L_overlay_start_0:
0x88: {  	s2 =	sld [smem:$0x3FD9]  }
0x89: {  	s3 =	sld [smem:$0x3FFE];
	_ =	sdelay $0x1  }
0x8a: {  	s1 =	srdreg.scid  }
0x8b: {  	s0 =	sand.u32 $0x1, s1  }
0x8c: {  	s16 =	sshll.u32 s0, $0xA;
	s2 =	sadd.s32 s3, s2  }
0x8d: {  	s2 =	sadd.s32 s2, s16  }
0x8e: {  	[smem:$0x3FBD] =	sst s2  }
0x8f: {  	_ = 	snop  }
0x90: {  	(tm) =	ssettm $0x1  }
0x91: {  	s17 =	sld [smem:$0x3FFB];
	_ =	sdelay $0x3  }
0x92: {  	_ =	strace s17  }
0x93: {  	s2 =	sld [smem:$0x3FFC];
	_ =	sdelay $0x3  }
0x94: {  	_ =	strace s2  }
0x95: {  	s2 =	sld [smem:$0x3FFD];
	_ =	sdelay $0x3  }
0x96: {  	_ =	strace s2  }
0x97: {  	_ =	strace $0x8FFFFFFF  }
0x98: {  	s18 =	sld [smem:$0x3FDB];
	_ =	sdelay $0x1  }
0x99: {  	s19 =	simm.s32 $_scs_section_size  }
0x9a: {  	s4 =	simm.s32 $_size__tile_overlayer_lowered;
	s5 =	simm.s32 $_tile_overlayer_lowered  }
0x9b: {  	s22 =	simm.s32 $0x1BFF;
	s21 =	sshll.u32 s5, $0x1;
	s2 =	sadd.s32 s19, s18  }
0x9c: {  	s6 =	simm.s32 $0x0;
	s20 =	sshll.u32 s4, $0x1;
	s4 =	sadd.s32 s21, s2  }
0x9d: {  	[timem:s6], [sflag:s22] =	dma.local [hbm:s4], s20  }
0x9e: {  	_ =	swait.ge [sflag:s22], s20  }
0x9f: {  	s3 =	ssub.s32 $0x0, s20;
	[sflag:s22] =	ssyncset.done $0x0  }
0xa0: {  	[sflag:s22] =	ssyncadd.s32 s3;
	_ =	sdelay $0x1  }
0xa1: {  	s23 =	simm.s32 $0x1B8B  }
0xa2: {  	_ =	swait.ge [sflag:s23], $0x1  }
0xa3: {  	[sflag:s23] =	ssyncset.done $0x0  }
0xa4: {  	s25 =	simm.s32 $0x1B8E;
	s24 =	sld [smem:$0x3FFE];
	[sflag:s23] =	ssyncadd.s32 $0xFFFFFFFF  }
0xa5: {  	s26 =	simm.s32 $execute0_lowered;
	[smem:$0x3FD2] =	sst s25  }
0xa6: {  	s4 =	sshll.u32 s26, $0x1;
	_ =	strace $0x8000004C;
	[dreg:$0x1] =	wrdreg $0xFFFFFFFF  }
0xa7: {  	s28 =	simm.s32 $_size_execute0_lowered;
	s2 =	sadd.s32 s2, s4;
	[dreg:$0x0] =	wrdreg $0x0  }
0xa8: {  	s4 =	sshll.u32 s28, $0x1;
	[dreg:$0x2] =	wrdreg s2  }
0xa9: {  	[dreg:$0x3] =	wrdreg s4  }
0xaa: {  	[dreg:$0x4] =	wrdreg $0xC0  }
0xab: {  	_ =	task [dreg:s6], $0x5FFFF  }
0xac: {  	[dreg:$0x1] =	wrdreg $0xFFFFFFFF  }
0xad: {  	[dreg:$0x0] =	wrdreg $0x60  }
0xae: {  	[dreg:$0x2] =	wrdreg s24  }
0xaf: {  	[dreg:$0x3] =	wrdreg $0x19B000  }
0xb0: {  	[dreg:$0x4] =	wrdreg $0x9  }
0xb1: {  	_ =	task.clear_ibuf [dreg:s6], $0x5FFFF;
	_ =	strace $0x9000004C  }
0xb2: {  	s29 =	simm.s32 $0x9;
	_ =	strace $0x8000004E  }
0xb3: {  	_ =	swait.ge [sflag:s29], $0x1  }
0xb4: {  	[sflag:s29] =	ssyncadd.s32 $0xFFFFFFFF  }
0xb5: {  	_ =	strace $0x9000004E  }
0xb6: {  	_ =	sfence  }
0xb7: {  	s30 =	sld [smem:$0x0];
	_ =	sdelay $0x2  }
0xb8: {  	s31 =	sshll.u32 s1, $0xD;
	s1 =	sshrl.u32 s1, $0x2  }
0xb9: {  	s3 =	sand.u32 $0x4000, s31;
	s1 =	sadd.s32 s1, s30  }
0xba: {  	s0 =	sor.u32 s3, s0;
	s1 =	sshll.u32 s1, $0x11  }
0xbb: {  	s0 =	sor.u32 s1, s0  }
0xbc: {  	s0 =	sadd.s32 $0x8F2B, s0  }
0xbd: {  	[sflag:s0] =	ssyncadd.remote.s32 $0x1  }
0xbe: {  	_ =	sfence.sel $0xFFFF  }
0xbf: {  	[dreg:$0x0] =	wrdreg $0xFFFFFFFF;
	(pc) =	sbr.abs _section_cstart, $3  }
0xc0: {  	[dreg:$0x1] =	wrdreg $0xFFFFFFFF  }
0xc1: {  	_ =	task.clear_ibuf [dreg:s6], $0x2FFFF;
	_ =	strace $0x9FFFFFFF  }
0xc2: {  	(tm) =	ssettm $0x7FFFFFFF  }
0xc3: {  	_ =	shalt  }
tec
execute0_lowered:
.L_overlay_start_1:
0x0: {  	(tag) =	ssettag $0x1  }
0x1: {  	s0 =	rddreg [dreg:$0x0];
	s10 =	stileid.u32  }
0x2: {  	s1 =	srdreg.scid;
	s2 =	rddreg [dreg:$0x1];
	s3 =	simm.s32 $0x0  }
0x3: {  	s14 =	simm.s32 $0xB;
	s16 =	simm.s32 $0x80;
	s17 =	simm.s32 $0x18700  }
0x4: {  	s18 =	simm.s32 $0x18B00;
	s28 =	simm.s32 $0x3;
	s29 =	simm.s32 $0x4  }
0x5: {  	s30 =	simm.s32 $0x5;
	s31 =	simm.s32 $0x6;
	s19 =	simm.s32 $0xC300  }
0x6: {  	s12 =	simm.s32 $0x18680;
	s5 =	smul.u32 $0x18700, s10;
	s1 =	sand.u32 $0x1, s1  }
0x7: {  	[smem:$0x7FF] =	sst s3;
	s7 =	smul.u32 $0x61C0, s10;
	s4 =	sadd.s32 $0x2400, s0  }
0x8: {  	s11 =	sadd.s32 $0x1AC00, s0;
	s23 =	sshll.u32 s10, $0x6;
	s6 =	smul.u32 $0x187000, s1  }
0x9: {  	s10 =	simm.s32 $0x18580;
	_ =	strace $0x8000004D;
	s9 =	smul.u32 $0x61C00, s1  }
0xa: {  	s1 =	ssub.s32 $0x2, s1;
	[dreg:$0x3] =	wrdreg s11;
	s11 =	simm.s32 $0x18600  }
0xb: {  	s8 =	sshrl.u32 s5, $0x3;
	s21 =	sshrl.u32 s1, $0x1;
	s22 =	sadd.s32 s7, s2  }
0xc: {  	s8 =	sadd.s32 s8, s0;
	s5 =	sadd.s32 s5, s6;
	s20 =	sadd.s32 s7, s9  }
0xd: {  	s1 =	ssub.s32 s1, s21;
	s7 =	sor.u32 $0x1C0B, s23;
	s13 =	sshrl.u32 s22, $0x3  }
0xe: {  	s22 =	simm.s32 $0x19300;
	s9 =	simm.s32 $0x18500;
	s21 =	simm.s32 $0x0  }
0xf: {  	s5 =	sshrl.u32 s5, $0x3;
	s6 =	sshrl.u32 s20, $0x3;
	s24 =	sadd.s32 $0x221E00, s8  }
0x10: {  	s8 =	sadd.s32 $0x223670, s8;
	s26 =	smax.u32 s1, $0x1;
	[dreg:$0x4] =	wrdreg s24  }
0x11: {  	s20 =	simm.s32 $0x18F00;
	s5 =	sadd.s32 s5, s0;
	[dreg:$0x6] =	wrdreg s8  }
0x12: {  	s1 =	simm.s32 $0x7;
	[dreg:$0x9] =	wrdreg s26;
	s25 =	sadd.s32 $0x39800, s5  }
0x13: {  	s0 =	sadd.s32 s6, s0;
	s5 =	sadd.s32 $0x3B070, s5;
	[dreg:$0x5] =	wrdreg s25  }
0x14: {  	s24 =	simm.s32 $0x19700;
	s0 =	sadd.s32 $0x1BA00, s0;
	[dreg:$0x7] =	wrdreg s5  }
0x15: {  	s26 =	simm.s32 $0x2;
	s6 =	simm.s32 $0xA;
	[dreg:$0x8] =	wrdreg s0  }
0x16: {  	s25 =	simm.s32 $0x1;
	s0 =	simm.s32 $0x8;
	s5 =	simm.s32 $0x9  }
.LBB2_1:
0x17: {  	s8 =	rddreg [dreg:$0x3]  }
0x18: {  	[spmem:s13], [sflag:s7] =	dma.local [hbm:s8], $0xC38  }
0x19: {  	_ =	swait.ge [sflag:s14], $0xC38  }
0x1a: {  	[sflag:s14] =	ssyncset.done $0x0  }
0x1b: {  	[sflag:s14] =	ssyncadd.s32 $0xFFFFF3C8  }
0x1c: {  	[bflag:$0x0] =	sbarrier.arrive $0xFFFF  }
0x1d: {  	s15 =	rddreg [dreg:$0x4]  }
0x1e: {  	[tilespmem:s3], [sflag:$0xB] =	stream.linear.gather [hbm4b:s15+s3], $0xC380, $0x38;
	[tilespmem:$0x1FCC0] =	vst v63  }
0x1f: {  	_ =	swait.ge [sflag:s14], $0xC380  }
0x20: {  	[sflag:s14] =	ssyncset.done $0x0  }
0x21: {  	s15 =	simm.s32 $0xC380;
	s23 =	rddreg [dreg:$0x5];
	[sflag:s14] =	ssyncadd.s32 $0xFFFF3C80  }
0x22: {  	[tilespmem:s15], [sflag:$0xB] =	stream.linear.gather [hbm4b:s23+s3], $0xC380, $0x38;
	[tilespmem:$0x1FCC0] =	vst v63  }
0x23: {  	_ =	swait.ge [sflag:s14], $0xC380  }
0x24: {  	[sflag:s14] =	ssyncset.done $0x0  }
0x25: {  	[sflag:s14] =	ssyncadd.s32 $0xFFFF3C80  }
0x26: {  	[tilespmem:s17], [sflag:$0x1] =	stream.indirect.gather [hbm4b:s4+s16], $0x8, s3, s16, $0xb8;
	[tilespmem:$0x1FCC0] =	vst v63  }
0x27: {  	_ = 	snop  }
0x28: {  	[tilespmem:s18], [sflag:$0x2] =	stream.indirect.gather [hbm4b:s4+s16], $0x8, s16, s16, $0xb8;
	[tilespmem:$0x1FCC0] =	vst v63  }
0x29: {  	s15 =	simm.s32 $0x100  }
0x2a: {  	[tilespmem:s20], [sflag:$0x3] =	stream.indirect.gather [hbm4b:s4+s16], $0x8, s15, s16, $0xb8;
	[tilespmem:$0x1FCC0] =	vst v63  }
0x2b: {  	s23 =	simm.s32 $0x180  }
0x2c: {  	[tilespmem:s22], [sflag:$0x4] =	stream.indirect.gather [hbm4b:s4+s16], $0x8, s23, s16, $0xb8;
	[tilespmem:$0x1FCC0] =	vst v63  }
0x2d: {  	s15 =	simm.s32 $0x200  }
0x2e: {  	[tilespmem:s24], [sflag:$0x5] =	stream.indirect.gather [hbm4b:s4+s16], $0x8, s15, s16, $0xb8;
	[tilespmem:$0x1FCC0] =	vst v63  }
0x2f: {  	_ =	swait.ge [sflag:s25], $0x400  }
0x30: {  	[sflag:s25] =	ssyncset.done $0x0  }
0x31: {  	s23 =	simm.s32 $0xC380;
	[sflag:s25] =	ssyncadd.s32 $0xFFFFFC00  }
0x32: {  	[spmem:s2] =	stream.indirect.scatter.add.f32 [tilespmem:s17], [sflag:$0x6], $0x8, s23, s16, $0xb8;
	[tilespmem:$0x1FCC0] =	vst v63  }
0x33: {  	_ =	swait.ge [sflag:s26], $0x400  }
0x34: {  	[sflag:s26] =	ssyncset.done $0x0  }
0x35: {  	s8 =	simm.s32 $0xC400;
	[sflag:s26] =	ssyncadd.s32 $0xFFFFFC00  }
0x36: {  	[spmem:s2] =	stream.indirect.scatter.add.f32 [tilespmem:s18], [sflag:$0x7], $0x8, s8, s16, $0xb8;
	[tilespmem:$0x1FCC0] =	vst v63  }
0x37: {  	_ =	swait.ge [sflag:s28], $0x400  }
0x38: {  	[sflag:s28] =	ssyncset.done $0x0  }
0x39: {  	s23 =	simm.s32 $0xC480;
	[sflag:s28] =	ssyncadd.s32 $0xFFFFFC00  }
0x3a: {  	[spmem:s2] =	stream.indirect.scatter.add.f32 [tilespmem:s20], [sflag:$0x8], $0x8, s23, s16, $0xb8;
	[tilespmem:$0x1FCC0] =	vst v63  }
0x3b: {  	_ =	swait.ge [sflag:s29], $0x400  }
0x3c: {  	[sflag:s29] =	ssyncset.done $0x0  }
0x3d: {  	s8 =	simm.s32 $0xC500;
	[sflag:s29] =	ssyncadd.s32 $0xFFFFFC00  }
0x3e: {  	[spmem:s2] =	stream.indirect.scatter.add.f32 [tilespmem:s22], [sflag:$0x9], $0x8, s8, s16, $0xb8;
	[tilespmem:$0x1FCC0] =	vst v63  }
0x3f: {  	_ =	swait.ge [sflag:s30], $0x400  }
0x40: {  	[sflag:s30] =	ssyncset.done $0x0  }
0x41: {  	s23 =	simm.s32 $0xC580;
	[sflag:s30] =	ssyncadd.s32 $0xFFFFFC00  }
0x42: {  	[spmem:s2] =	stream.indirect.scatter.add.f32 [tilespmem:s24], [sflag:$0xA], $0x8, s23, s16, $0xb8;
	[tilespmem:$0x1FCC0] =	vst v63  }
0x43: {  	_ =	swait.ge [sflag:s31], $0x400  }
0x44: {  	[sflag:s31] =	ssyncset.done $0x0  }
0x45: {  	s8 =	simm.s32 $0x280;
	[sflag:s31] =	ssyncadd.s32 $0xFFFFFC00  }
0x46: {  	[tilespmem:s17], [sflag:$0x1] =	stream.indirect.gather [hbm4b:s4+s16], $0x8, s8, s16, $0xb8;
	[tilespmem:$0x1FCC0] =	vst v63  }
0x47: {  	_ =	swait.ge [sflag:s1], $0x400  }
0x48: {  	[sflag:s1] =	ssyncset.done $0x0  }
0x49: {  	s23 =	simm.s32 $0x300;
	[sflag:s1] =	ssyncadd.s32 $0xFFFFFC00  }
0x4a: {  	[tilespmem:s18], [sflag:$0x2] =	stream.indirect.gather [hbm4b:s4+s16], $0x8, s23, s16, $0xb8;
	[tilespmem:$0x1FCC0] =	vst v63  }
0x4b: {  	_ =	swait.ge [sflag:s0], $0x400  }
0x4c: {  	[sflag:s0] =	ssyncset.done $0x0  }
0x4d: {  	s8 =	simm.s32 $0x380;
	[sflag:s0] =	ssyncadd.s32 $0xFFFFFC00  }
0x4e: {  	[tilespmem:s20], [sflag:$0x3] =	stream.indirect.gather [hbm4b:s4+s16], $0x8, s8, s16, $0xb8;
	[tilespmem:$0x1FCC0] =	vst v63  }
0x4f: {  	_ =	swait.ge [sflag:s5], $0x400  }
0x50: {  	[sflag:s5] =	ssyncset.done $0x0  }
0x51: {  	s23 =	simm.s32 $0x400;
	[sflag:s5] =	ssyncadd.s32 $0xFFFFFC00  }
0x52: {  	[tilespmem:s22], [sflag:$0x4] =	stream.indirect.gather [hbm4b:s4+s16], $0x8, s23, s16, $0xb8;
	[tilespmem:$0x1FCC0] =	vst v63  }
0x53: {  	_ =	swait.ge [sflag:s6], $0x400  }
0x54: {  	[sflag:s6] =	ssyncset.done $0x0  }
0x55: {  	s15 =	simm.s32 $0x480;
	s23 =	simm.s32 $0xA00;
	[sflag:s6] =	ssyncadd.s32 $0xFFFFFC00  }
.LBB2_2:
0x56: {  	[tilespmem:s24], [sflag:$0x5] =	stream.indirect.gather [hbm4b:s4+s16], $0x8, s15, s16, $0xb8;
	[tilespmem:$0x1FCC0] =	vst v63  }
0x57: {  	s15 =	smov.u32 s23  }
0x58: {  	p0 =	sne.s32 s23, $0x2F800;
	s23 =	sadd.s32 $0xA00, s23;
	_ =	swait.ge [sflag:s25], $0x400  }
0x59: {  	s15 =	sshra.s32 s15, $0x2;
	[sflag:s25] =	ssyncset.done $0x0  }
0x5a: {  	s8 =	sadd.s32 $0xC380, s15;
	[sflag:s25] =	ssyncadd.s32 $0xFFFFFC00  }
0x5b: {  	[spmem:s2] =	stream.indirect.scatter.add.f32 [tilespmem:s17], [sflag:$0x6], $0x8, s8, s16, $0xb8;
	[tilespmem:$0x1FCC0] =	vst v63  }
0x5c: {  	_ =	swait.ge [sflag:s26], $0x400  }
0x5d: {  	[sflag:s26] =	ssyncset.done $0x0  }
0x5e: {  	s8 =	sadd.s32 $0xC400, s15;
	[sflag:s26] =	ssyncadd.s32 $0xFFFFFC00  }
0x5f: {  	[spmem:s2] =	stream.indirect.scatter.add.f32 [tilespmem:s18], [sflag:$0x7], $0x8, s8, s16, $0xb8;
	[tilespmem:$0x1FCC0] =	vst v63  }
0x60: {  	_ =	swait.ge [sflag:s28], $0x400  }
0x61: {  	[sflag:s28] =	ssyncset.done $0x0  }
0x62: {  	s8 =	sadd.s32 $0xC480, s15;
	[sflag:s28] =	ssyncadd.s32 $0xFFFFFC00  }
0x63: {  	[spmem:s2] =	stream.indirect.scatter.add.f32 [tilespmem:s20], [sflag:$0x8], $0x8, s8, s16, $0xb8;
	[tilespmem:$0x1FCC0] =	vst v63  }
0x64: {  	_ =	swait.ge [sflag:s29], $0x400  }
0x65: {  	[sflag:s29] =	ssyncset.done $0x0  }
0x66: {  	s8 =	sadd.s32 $0xC500, s15;
	[sflag:s29] =	ssyncadd.s32 $0xFFFFFC00  }
0x67: {  	[spmem:s2] =	stream.indirect.scatter.add.f32 [tilespmem:s22], [sflag:$0x9], $0x8, s8, s16, $0xb8;
	[tilespmem:$0x1FCC0] =	vst v63  }
0x68: {  	_ =	swait.ge [sflag:s30], $0x400  }
0x69: {  	[sflag:s30] =	ssyncset.done $0x0  }
0x6a: {  	s8 =	sadd.s32 $0xC580, s15;
	[sflag:s30] =	ssyncadd.s32 $0xFFFFFC00  }
0x6b: {  	[spmem:s2] =	stream.indirect.scatter.add.f32 [tilespmem:s24], [sflag:$0xA], $0x8, s8, s16, $0xb8;
	[tilespmem:$0x1FCC0] =	vst v63  }
0x6c: {  	_ =	swait.ge [sflag:s31], $0x400  }
0x6d: {  	[sflag:s31] =	ssyncset.done $0x0  }
0x6e: {  	s8 =	sadd.s32 $0x280, s15;
	[sflag:s31] =	ssyncadd.s32 $0xFFFFFC00  }
0x6f: {  	[tilespmem:s17], [sflag:$0x1] =	stream.indirect.gather [hbm4b:s4+s16], $0x8, s8, s16, $0xb8;
	[tilespmem:$0x1FCC0] =	vst v63  }
0x70: {  	_ =	swait.ge [sflag:s1], $0x400  }
0x71: {  	[sflag:s1] =	ssyncset.done $0x0  }
0x72: {  	s8 =	sadd.s32 $0x300, s15;
	[sflag:s1] =	ssyncadd.s32 $0xFFFFFC00  }
0x73: {  	[tilespmem:s18], [sflag:$0x2] =	stream.indirect.gather [hbm4b:s4+s16], $0x8, s8, s16, $0xb8;
	[tilespmem:$0x1FCC0] =	vst v63  }
0x74: {  	_ =	swait.ge [sflag:s0], $0x400  }
0x75: {  	[sflag:s0] =	ssyncset.done $0x0  }
0x76: {  	s8 =	sadd.s32 $0x380, s15;
	[sflag:s0] =	ssyncadd.s32 $0xFFFFFC00  }
0x77: {  	[tilespmem:s20], [sflag:$0x3] =	stream.indirect.gather [hbm4b:s4+s16], $0x8, s8, s16, $0xb8;
	[tilespmem:$0x1FCC0] =	vst v63  }
0x78: {  	_ =	swait.ge [sflag:s5], $0x400  }
0x79: {  	[sflag:s5] =	ssyncset.done $0x0  }
.Ltmp0:
0x7a: {  	s8 =	sadd.s32 $0x400, s15;
	[sflag:s5] =	ssyncadd.s32 $0xFFFFFC00;
	(pc) =	sbr.rel @p0 .LBB2_2-.Ltmp0, $4  }
0x7b: {  	[tilespmem:s22], [sflag:$0x4] =	stream.indirect.gather [hbm4b:s4+s16], $0x8, s8, s16, $0xb8;
	[tilespmem:$0x1FCC0] =	vst v63  }
0x7c: {  	_ =	swait.ge [sflag:s6], $0x400  }
0x7d: {  	[sflag:s6] =	ssyncset.done $0x0  }
0x7e: {  	s15 =	sadd.s32 $0x480, s15;
	[sflag:s6] =	ssyncadd.s32 $0xFFFFFC00  }
0x7f: {  	[tilespmem:s24], [sflag:$0x5] =	stream.indirect.gather [hbm4b:s4+s16], $0x8, s15, s16, $0xb8;
	[tilespmem:$0x1FCC0] =	vst v63  }
0x80: {  	_ =	swait.ge [sflag:s25], $0x400  }
0x81: {  	[sflag:s25] =	ssyncset.done $0x0  }
0x82: {  	s8 =	simm.s32 $0x18400;
	[sflag:s25] =	ssyncadd.s32 $0xFFFFFC00  }
0x83: {  	[spmem:s2] =	stream.indirect.scatter.add.f32 [tilespmem:s17], [sflag:$0x6], $0x8, s8, s16, $0xb8;
	[tilespmem:$0x1FCC0] =	vst v63  }
0x84: {  	_ =	swait.ge [sflag:s26], $0x400  }
0x85: {  	[sflag:s26] =	ssyncset.done $0x0  }
0x86: {  	s15 =	simm.s32 $0x18480;
	[sflag:s26] =	ssyncadd.s32 $0xFFFFFC00  }
0x87: {  	[spmem:s2] =	stream.indirect.scatter.add.f32 [tilespmem:s18], [sflag:$0x7], $0x8, s15, s16, $0xb8;
	[tilespmem:$0x1FCC0] =	vst v63  }
0x88: {  	_ =	swait.ge [sflag:s28], $0x400  }
0x89: {  	[sflag:s28] =	ssyncset.done $0x0  }
0x8a: {  	[sflag:s28] =	ssyncadd.s32 $0xFFFFFC00  }
0x8b: {  	[spmem:s2] =	stream.indirect.scatter.add.f32 [tilespmem:s20], [sflag:$0x8], $0x8, s9, s16, $0xb8;
	[tilespmem:$0x1FCC0] =	vst v63  }
0x8c: {  	_ =	swait.ge [sflag:s29], $0x400  }
0x8d: {  	[sflag:s29] =	ssyncset.done $0x0  }
0x8e: {  	[sflag:s29] =	ssyncadd.s32 $0xFFFFFC00  }
0x8f: {  	[spmem:s2] =	stream.indirect.scatter.add.f32 [tilespmem:s22], [sflag:$0x9], $0x8, s10, s16, $0xb8;
	[tilespmem:$0x1FCC0] =	vst v63  }
0x90: {  	_ =	swait.ge [sflag:s30], $0x400  }
0x91: {  	[sflag:s30] =	ssyncset.done $0x0  }
0x92: {  	[sflag:s30] =	ssyncadd.s32 $0xFFFFFC00  }
0x93: {  	[spmem:s2] =	stream.indirect.scatter.add.f32 [tilespmem:s24], [sflag:$0xA], $0x8, s11, s16, $0xb8;
	[tilespmem:$0x1FCC0] =	vst v63  }
0x94: {  	_ =	swait.ge [sflag:s31], $0x400  }
0x95: {  	[sflag:s31] =	ssyncset.done $0x0  }
0x96: {  	[sflag:s31] =	ssyncadd.s32 $0xFFFFFC00  }
0x97: {  	[tilespmem:s17], [sflag:$0x1] =	stream.indirect.gather [hbm4b:s4+s16], $0x8, s19, s16, $0xb8;
	[tilespmem:$0x1FCC0] =	vst v63  }
0x98: {  	_ =	swait.ge [sflag:s1], $0x400  }
0x99: {  	[sflag:s1] =	ssyncset.done $0x0  }
0x9a: {  	[sflag:s1] =	ssyncadd.s32 $0xFFFFFC00  }
0x9b: {  	_ =	swait.ge [sflag:s0], $0x400  }
0x9c: {  	[sflag:s0] =	ssyncset.done $0x0  }
0x9d: {  	[sflag:s0] =	ssyncadd.s32 $0xFFFFFC00  }
0x9e: {  	_ =	swait.ge [sflag:s5], $0x400  }
0x9f: {  	[sflag:s5] =	ssyncset.done $0x0  }
0xa0: {  	[sflag:s5] =	ssyncadd.s32 $0xFFFFFC00  }
0xa1: {  	_ =	swait.ge [sflag:s6], $0x400  }
0xa2: {  	[sflag:s6] =	ssyncset.done $0x0  }
0xa3: {  	[sflag:s6] =	ssyncadd.s32 $0xFFFFFC00  }
0xa4: {  	_ =	swait.ge [sflag:s25], $0x400  }
0xa5: {  	[sflag:s25] =	ssyncset.done $0x0  }
0xa6: {  	[sflag:s25] =	ssyncadd.s32 $0xFFFFFC00  }
0xa7: {  	[spmem:s2] =	stream.indirect.scatter.add.f32 [tilespmem:s17], [sflag:$0xB], $0x8, s12, s16, $0xb8;
	[tilespmem:$0x1FCC0] =	vst v63  }
0xa8: {  	_ =	swait.ge [sflag:s14], $0x400  }
0xa9: {  	[sflag:s14] =	ssyncset.done $0x0  }
0xaa: {  	s8 =	simm.s32 $0x0;
	s23 =	rddreg [dreg:$0x6];
	[sflag:s14] =	ssyncadd.s32 $0xFFFFFC00  }
0xab: {  	[tilespmem:s8], [sflag:$0xB] =	stream.linear.gather [hbm4b:s23+s8], $0xC380, $0x38;
	[tilespmem:$0x1FCC0] =	vst v63  }
0xac: {  	_ =	swait.ge [sflag:s14], $0xC380  }
0xad: {  	[sflag:s14] =	ssyncset.done $0x0  }
0xae: {  	s23 =	simm.s32 $0xC380;
	s15 =	rddreg [dreg:$0x7];
	[sflag:s14] =	ssyncadd.s32 $0xFFFF3C80  }
0xaf: {  	[tilespmem:s23], [sflag:$0xB] =	stream.linear.gather [hbm4b:s15+s8], $0xC380, $0x38;
	[tilespmem:$0x1FCC0] =	vst v63  }
0xb0: {  	_ =	swait.ge [sflag:s14], $0xC380  }
0xb1: {  	[sflag:s14] =	ssyncset.done $0x0  }
0xb2: {  	[sflag:s14] =	ssyncadd.s32 $0xFFFF3C80  }
0xb3: {  	[tilespmem:s17], [sflag:$0x1] =	stream.indirect.gather [hbm4b:s4+s16], $0x8, s8, s16, $0xb8;
	[tilespmem:$0x1FCC0] =	vst v63  }
0xb4: {  	_ = 	snop  }
0xb5: {  	[tilespmem:s18], [sflag:$0x2] =	stream.indirect.gather [hbm4b:s4+s16], $0x8, s16, s16, $0xb8;
	[tilespmem:$0x1FCC0] =	vst v63  }
0xb6: {  	s15 =	simm.s32 $0x100  }
0xb7: {  	[tilespmem:s20], [sflag:$0x3] =	stream.indirect.gather [hbm4b:s4+s16], $0x8, s15, s16, $0xb8;
	[tilespmem:$0x1FCC0] =	vst v63  }
0xb8: {  	s23 =	simm.s32 $0x180  }
0xb9: {  	[tilespmem:s22], [sflag:$0x4] =	stream.indirect.gather [hbm4b:s4+s16], $0x8, s23, s16, $0xb8;
	[tilespmem:$0x1FCC0] =	vst v63  }
0xba: {  	s15 =	simm.s32 $0x200  }
0xbb: {  	[tilespmem:s24], [sflag:$0x5] =	stream.indirect.gather [hbm4b:s4+s16], $0x8, s15, s16, $0xb8;
	[tilespmem:$0x1FCC0] =	vst v63  }
0xbc: {  	_ =	swait.ge [sflag:s25], $0x400  }
0xbd: {  	[sflag:s25] =	ssyncset.done $0x0  }
0xbe: {  	s23 =	simm.s32 $0xC380;
	[sflag:s25] =	ssyncadd.s32 $0xFFFFFC00  }
0xbf: {  	[spmem:s2] =	stream.indirect.scatter.add.f32 [tilespmem:s17], [sflag:$0x6], $0x8, s23, s16, $0xb8;
	[tilespmem:$0x1FCC0] =	vst v63  }
0xc0: {  	_ =	swait.ge [sflag:s26], $0x400  }
0xc1: {  	[sflag:s26] =	ssyncset.done $0x0  }
0xc2: {  	s15 =	simm.s32 $0xC400;
	[sflag:s26] =	ssyncadd.s32 $0xFFFFFC00  }
0xc3: {  	[spmem:s2] =	stream.indirect.scatter.add.f32 [tilespmem:s18], [sflag:$0x7], $0x8, s15, s16, $0xb8;
	[tilespmem:$0x1FCC0] =	vst v63  }
0xc4: {  	_ =	swait.ge [sflag:s28], $0x400  }
0xc5: {  	[sflag:s28] =	ssyncset.done $0x0  }
0xc6: {  	s23 =	simm.s32 $0xC480;
	[sflag:s28] =	ssyncadd.s32 $0xFFFFFC00  }
0xc7: {  	[spmem:s2] =	stream.indirect.scatter.add.f32 [tilespmem:s20], [sflag:$0x8], $0x8, s23, s16, $0xb8;
	[tilespmem:$0x1FCC0] =	vst v63  }
0xc8: {  	_ =	swait.ge [sflag:s29], $0x400  }
0xc9: {  	[sflag:s29] =	ssyncset.done $0x0  }
0xca: {  	s15 =	simm.s32 $0xC500;
	[sflag:s29] =	ssyncadd.s32 $0xFFFFFC00  }
0xcb: {  	[spmem:s2] =	stream.indirect.scatter.add.f32 [tilespmem:s22], [sflag:$0x9], $0x8, s15, s16, $0xb8;
	[tilespmem:$0x1FCC0] =	vst v63  }
0xcc: {  	_ =	swait.ge [sflag:s30], $0x400  }
0xcd: {  	[sflag:s30] =	ssyncset.done $0x0  }
0xce: {  	s23 =	simm.s32 $0xC580;
	[sflag:s30] =	ssyncadd.s32 $0xFFFFFC00  }
0xcf: {  	[spmem:s2] =	stream.indirect.scatter.add.f32 [tilespmem:s24], [sflag:$0xA], $0x8, s23, s16, $0xb8;
	[tilespmem:$0x1FCC0] =	vst v63  }
0xd0: {  	_ =	swait.ge [sflag:s31], $0x400  }
0xd1: {  	[sflag:s31] =	ssyncset.done $0x0  }
0xd2: {  	s15 =	simm.s32 $0x280;
	[sflag:s31] =	ssyncadd.s32 $0xFFFFFC00  }
0xd3: {  	[tilespmem:s17], [sflag:$0x1] =	stream.indirect.gather [hbm4b:s4+s16], $0x8, s15, s16, $0xb8;
	[tilespmem:$0x1FCC0] =	vst v63  }
0xd4: {  	_ =	swait.ge [sflag:s1], $0x400  }
0xd5: {  	[sflag:s1] =	ssyncset.done $0x0  }
0xd6: {  	s23 =	simm.s32 $0x300;
	[sflag:s1] =	ssyncadd.s32 $0xFFFFFC00  }
0xd7: {  	[tilespmem:s18], [sflag:$0x2] =	stream.indirect.gather [hbm4b:s4+s16], $0x8, s23, s16, $0xb8;
	[tilespmem:$0x1FCC0] =	vst v63  }
0xd8: {  	_ =	swait.ge [sflag:s0], $0x400  }
0xd9: {  	[sflag:s0] =	ssyncset.done $0x0  }
0xda: {  	s15 =	simm.s32 $0x380;
	[sflag:s0] =	ssyncadd.s32 $0xFFFFFC00  }
0xdb: {  	[tilespmem:s20], [sflag:$0x3] =	stream.indirect.gather [hbm4b:s4+s16], $0x8, s15, s16, $0xb8;
	[tilespmem:$0x1FCC0] =	vst v63  }
0xdc: {  	_ =	swait.ge [sflag:s5], $0x400  }
0xdd: {  	[sflag:s5] =	ssyncset.done $0x0  }
0xde: {  	s23 =	simm.s32 $0x400;
	[sflag:s5] =	ssyncadd.s32 $0xFFFFFC00  }
0xdf: {  	[tilespmem:s22], [sflag:$0x4] =	stream.indirect.gather [hbm4b:s4+s16], $0x8, s23, s16, $0xb8;
	[tilespmem:$0x1FCC0] =	vst v63  }
0xe0: {  	_ =	swait.ge [sflag:s6], $0x400  }
0xe1: {  	[sflag:s6] =	ssyncset.done $0x0  }
0xe2: {  	s15 =	simm.s32 $0x480;
	s23 =	simm.s32 $0xA00;
	[sflag:s6] =	ssyncadd.s32 $0xFFFFFC00  }
.LBB2_4:
0xe3: {  	[tilespmem:s24], [sflag:$0x5] =	stream.indirect.gather [hbm4b:s4+s16], $0x8, s15, s16, $0xb8;
	[tilespmem:$0x1FCC0] =	vst v63  }
0xe4: {  	s8 =	smov.u32 s23  }
0xe5: {  	p0 =	sne.s32 s23, $0x2F800;
	s23 =	sadd.s32 $0xA00, s23;
	_ =	swait.ge [sflag:s25], $0x400  }
0xe6: {  	s15 =	sshra.s32 s8, $0x2;
	[sflag:s25] =	ssyncset.done $0x0  }
0xe7: {  	s8 =	sadd.s32 $0xC380, s15;
	[sflag:s25] =	ssyncadd.s32 $0xFFFFFC00  }
0xe8: {  	[spmem:s2] =	stream.indirect.scatter.add.f32 [tilespmem:s17], [sflag:$0x6], $0x8, s8, s16, $0xb8;
	[tilespmem:$0x1FCC0] =	vst v63  }
0xe9: {  	_ =	swait.ge [sflag:s26], $0x400  }
0xea: {  	[sflag:s26] =	ssyncset.done $0x0  }
0xeb: {  	s8 =	sadd.s32 $0xC400, s15;
	[sflag:s26] =	ssyncadd.s32 $0xFFFFFC00  }
0xec: {  	[spmem:s2] =	stream.indirect.scatter.add.f32 [tilespmem:s18], [sflag:$0x7], $0x8, s8, s16, $0xb8;
	[tilespmem:$0x1FCC0] =	vst v63  }
0xed: {  	_ =	swait.ge [sflag:s28], $0x400  }
0xee: {  	[sflag:s28] =	ssyncset.done $0x0  }
0xef: {  	s8 =	sadd.s32 $0xC480, s15;
	[sflag:s28] =	ssyncadd.s32 $0xFFFFFC00  }
0xf0: {  	[spmem:s2] =	stream.indirect.scatter.add.f32 [tilespmem:s20], [sflag:$0x8], $0x8, s8, s16, $0xb8;
	[tilespmem:$0x1FCC0] =	vst v63  }
0xf1: {  	_ =	swait.ge [sflag:s29], $0x400  }
0xf2: {  	[sflag:s29] =	ssyncset.done $0x0  }
0xf3: {  	s8 =	sadd.s32 $0xC500, s15;
	[sflag:s29] =	ssyncadd.s32 $0xFFFFFC00  }
0xf4: {  	[spmem:s2] =	stream.indirect.scatter.add.f32 [tilespmem:s22], [sflag:$0x9], $0x8, s8, s16, $0xb8;
	[tilespmem:$0x1FCC0] =	vst v63  }
0xf5: {  	_ =	swait.ge [sflag:s30], $0x400  }
0xf6: {  	[sflag:s30] =	ssyncset.done $0x0  }
0xf7: {  	s8 =	sadd.s32 $0xC580, s15;
	[sflag:s30] =	ssyncadd.s32 $0xFFFFFC00  }
0xf8: {  	[spmem:s2] =	stream.indirect.scatter.add.f32 [tilespmem:s24], [sflag:$0xA], $0x8, s8, s16, $0xb8;
	[tilespmem:$0x1FCC0] =	vst v63  }
0xf9: {  	_ =	swait.ge [sflag:s31], $0x400  }
0xfa: {  	[sflag:s31] =	ssyncset.done $0x0  }
0xfb: {  	s8 =	sadd.s32 $0x280, s15;
	[sflag:s31] =	ssyncadd.s32 $0xFFFFFC00  }
0xfc: {  	[tilespmem:s17], [sflag:$0x1] =	stream.indirect.gather [hbm4b:s4+s16], $0x8, s8, s16, $0xb8;
	[tilespmem:$0x1FCC0] =	vst v63  }
0xfd: {  	_ =	swait.ge [sflag:s1], $0x400  }
0xfe: {  	[sflag:s1] =	ssyncset.done $0x0  }
0xff: {  	s8 =	sadd.s32 $0x300, s15;
	[sflag:s1] =	ssyncadd.s32 $0xFFFFFC00  }
0x100: {  	[tilespmem:s18], [sflag:$0x2] =	stream.indirect.gather [hbm4b:s4+s16], $0x8, s8, s16, $0xb8;
	[tilespmem:$0x1FCC0] =	vst v63  }
0x101: {  	_ =	swait.ge [sflag:s0], $0x400  }
0x102: {  	[sflag:s0] =	ssyncset.done $0x0  }
0x103: {  	s8 =	sadd.s32 $0x380, s15;
	[sflag:s0] =	ssyncadd.s32 $0xFFFFFC00  }
0x104: {  	[tilespmem:s20], [sflag:$0x3] =	stream.indirect.gather [hbm4b:s4+s16], $0x8, s8, s16, $0xb8;
	[tilespmem:$0x1FCC0] =	vst v63  }
0x105: {  	_ =	swait.ge [sflag:s5], $0x400  }
0x106: {  	[sflag:s5] =	ssyncset.done $0x0  }
.Ltmp1:
0x107: {  	s8 =	sadd.s32 $0x400, s15;
	[sflag:s5] =	ssyncadd.s32 $0xFFFFFC00;
	(pc) =	sbr.rel @p0 .LBB2_4-.Ltmp1, $4  }
0x108: {  	[tilespmem:s22], [sflag:$0x4] =	stream.indirect.gather [hbm4b:s4+s16], $0x8, s8, s16, $0xb8;
	[tilespmem:$0x1FCC0] =	vst v63  }
0x109: {  	_ =	swait.ge [sflag:s6], $0x400  }
0x10a: {  	[sflag:s6] =	ssyncset.done $0x0  }
0x10b: {  	s15 =	sadd.s32 $0x480, s15;
	[sflag:s6] =	ssyncadd.s32 $0xFFFFFC00  }
0x10c: {  	[tilespmem:s24], [sflag:$0x5] =	stream.indirect.gather [hbm4b:s4+s16], $0x8, s15, s16, $0xb8;
	[tilespmem:$0x1FCC0] =	vst v63  }
0x10d: {  	_ =	swait.ge [sflag:s25], $0x400  }
0x10e: {  	[sflag:s25] =	ssyncset.done $0x0  }
0x10f: {  	s8 =	simm.s32 $0x18400;
	[sflag:s25] =	ssyncadd.s32 $0xFFFFFC00  }
0x110: {  	[spmem:s2] =	stream.indirect.scatter.add.f32 [tilespmem:s17], [sflag:$0x6], $0x8, s8, s16, $0xb8;
	[tilespmem:$0x1FCC0] =	vst v63  }
0x111: {  	_ =	swait.ge [sflag:s26], $0x400  }
0x112: {  	[sflag:s26] =	ssyncset.done $0x0  }
0x113: {  	s23 =	simm.s32 $0x18480;
	[sflag:s26] =	ssyncadd.s32 $0xFFFFFC00  }
0x114: {  	[spmem:s2] =	stream.indirect.scatter.add.f32 [tilespmem:s18], [sflag:$0x7], $0x8, s23, s16, $0xb8;
	[tilespmem:$0x1FCC0] =	vst v63  }
0x115: {  	_ =	swait.ge [sflag:s28], $0x400  }
0x116: {  	[sflag:s28] =	ssyncset.done $0x0  }
0x117: {  	[sflag:s28] =	ssyncadd.s32 $0xFFFFFC00  }
0x118: {  	[spmem:s2] =	stream.indirect.scatter.add.f32 [tilespmem:s20], [sflag:$0x8], $0x8, s9, s16, $0xb8;
	[tilespmem:$0x1FCC0] =	vst v63  }
0x119: {  	_ =	swait.ge [sflag:s29], $0x400  }
0x11a: {  	[sflag:s29] =	ssyncset.done $0x0  }
0x11b: {  	[sflag:s29] =	ssyncadd.s32 $0xFFFFFC00  }
0x11c: {  	[spmem:s2] =	stream.indirect.scatter.add.f32 [tilespmem:s22], [sflag:$0x9], $0x8, s10, s16, $0xb8;
	[tilespmem:$0x1FCC0] =	vst v63  }
0x11d: {  	_ =	swait.ge [sflag:s30], $0x400  }
0x11e: {  	[sflag:s30] =	ssyncset.done $0x0  }
0x11f: {  	[sflag:s30] =	ssyncadd.s32 $0xFFFFFC00  }
0x120: {  	[spmem:s2] =	stream.indirect.scatter.add.f32 [tilespmem:s24], [sflag:$0xA], $0x8, s11, s16, $0xb8;
	[tilespmem:$0x1FCC0] =	vst v63  }
0x121: {  	_ =	swait.ge [sflag:s31], $0x400  }
0x122: {  	[sflag:s31] =	ssyncset.done $0x0  }
0x123: {  	[sflag:s31] =	ssyncadd.s32 $0xFFFFFC00  }
0x124: {  	[tilespmem:s17], [sflag:$0x1] =	stream.indirect.gather [hbm4b:s4+s16], $0x8, s19, s16, $0xb8;
	[tilespmem:$0x1FCC0] =	vst v63  }
0x125: {  	_ =	swait.ge [sflag:s1], $0x400  }
0x126: {  	[sflag:s1] =	ssyncset.done $0x0  }
0x127: {  	[sflag:s1] =	ssyncadd.s32 $0xFFFFFC00  }
0x128: {  	_ =	swait.ge [sflag:s0], $0x400  }
0x129: {  	[sflag:s0] =	ssyncset.done $0x0  }
0x12a: {  	[sflag:s0] =	ssyncadd.s32 $0xFFFFFC00  }
0x12b: {  	_ =	swait.ge [sflag:s5], $0x400  }
0x12c: {  	[sflag:s5] =	ssyncset.done $0x0  }
0x12d: {  	[sflag:s5] =	ssyncadd.s32 $0xFFFFFC00  }
0x12e: {  	_ =	swait.ge [sflag:s6], $0x400  }
0x12f: {  	[sflag:s6] =	ssyncset.done $0x0  }
0x130: {  	[sflag:s6] =	ssyncadd.s32 $0xFFFFFC00  }
0x131: {  	_ =	swait.ge [sflag:s25], $0x400  }
0x132: {  	[sflag:s25] =	ssyncset.done $0x0  }
0x133: {  	[sflag:s25] =	ssyncadd.s32 $0xFFFFFC00  }
0x134: {  	[spmem:s2] =	stream.indirect.scatter.add.f32 [tilespmem:s17], [sflag:$0xB], $0x8, s12, s16, $0xb8;
	[tilespmem:$0x1FCC0] =	vst v63  }
0x135: {  	_ =	swait.ge [sflag:s14], $0x400  }
0x136: {  	[sflag:s14] =	ssyncset.done $0x0  }
0x137: {  	[sflag:s14] =	ssyncadd.s32 $0xFFFFFC00  }
0x138: {  	[bflag:$0x0] =	sbarrier.arrive $0xFFFF  }
0x139: {  	s15 =	rddreg [dreg:$0x8]  }
0x13a: {  	[hbm:s15], [sflag:s7] =	dma.local [spmem:s13], $0xC38  }
0x13b: {  	_ =	swait.ge [sflag:s14], $0xC38  }
0x13c: {  	s21 =	sadd.s32 $0x1, s21;
	s23 =	rddreg [dreg:$0x9]  }
0x13d: {  	p0 =	sne.s32 s21, s23  }
.Ltmp2:
0x13e: {  	_ = 	snop;
	(pc) =	sbr.rel @p0 .LBB2_1-.Ltmp2, $3  }
0x13f: {  	_ =	sdelay $0x1  }
0x140: {  	[sflag:s14] =	ssyncset.done $0x0  }
0x141: {  	[sflag:s14] =	ssyncadd.s32 $0xFFFFF3C8  }
0x142: {  	_ =	sfence.sel $0x180000  }
0x143: {  	[bflag:$0x0] =	sbarrier.arrive $0xFFFF  }
0x144: {  	_ =	strace $0x9000004D  }
0x145: {  	s0 =	stileid.u32;
	[bflag:$0x2] =	sbarrier.arrive $0xFFFF  }
0x146: {  	p0 =	sne.s32 s0, $0x0;
	s0 =	rddreg [dreg:$0x2]  }
0x147: {  	s0 =	sadd.s32 @!p0 $0x100000, s0  }
0x148: {  	[sflag:s0] =	ssyncadd.tile.s32 @!p0 $0x1;
	_ =	shalt  }
.Lfunc_end2:
_tile_overlayer_lowered:
.L_overlay_start_2:
0x149: {  	(tag) =	ssettag $0x2  }
0x14a: {  	s0 =	rddreg [dreg:$0x0];
	s2 =	stileid.u32  }
0x14b: {  	s1 =	rddreg [dreg:$0x1];
	p0 =	sne.s32 s2, $0x0  }
0x14c: {  	s3 =	rddreg [dreg:$0x2];
	[bflag:$0x3] =	sbarrier.arrive $0xFFFF;
	s2 =	simm.s32 @!p0 $0x1C0B  }
0x14d: {  	[timem:s3], [sflag:s2] =	dma.local @!p0 [hbm:s0], s1  }
0x14e: {  	s0 =	simm.s32 @!p0 $0xB  }
0x14f: {  	_ =	swait.ge @!p0 [sflag:s0], s1  }
0x150: {  	s1 =	ssub.s32 @!p0 $0x0, s1;
	[sflag:s0] =	ssyncset.done @!p0 $0x0  }
0x151: {  	[sflag:s0] =	ssyncadd.s32 @!p0 s1  }
0x152: {  	[bflag:$0x3] =	sbarrier.arrive $0xFFFF  }
0x153: {  	_ =	shalt  }

// kernel: kernel.18.cloned.1.call-start
scs
__scs_entry_jumppad:
0x0: {  	(pc) =	sbr.rel $0x88, $3  }
0x1: {  	(tag) =	ssettag $0x0;
	lr =	simm.s32 $0x1  }
0x2: {  	[smem:$0x3F96] =	sst lr;
	_ =	strace $0xD0000000  }
0x3: {  	_ = 	snop  }
0x4: {  	_ = 	snop  }
0x5: {  	_ = 	snop  }
0x6: {  	_ = 	snop  }
0x7: {  	_ = 	snop  }
__scs_overlays_trampoline_lowered:
0x8: {  	[smem:$0x3FA5] =	sst s0  }
0x9: {  	[smem:$0x3FA6] =	sst s1  }
0xa: {  	[smem:$0x3FA7] =	sst s2  }
0xb: {  	[smem:$0x3FA8] =	sst s3  }
0xc: {  	[smem:$0x3FA9] =	sst s4  }
0xd: {  	[smem:$0x3FAA] =	sst s5  }
0xe: {  	[smem:$0x3FAB] =	sst s6  }
0xf: {  	[smem:$0x3FAC] =	sst s7  }
0x10: {  	[smem:$0x3FAD] =	sst s8  }
0x11: {  	[smem:$0x3FAE] =	sst s9;
	s0 =	simm.s32 @!p0 $0x0  }
0x12: {  	s1 =	sld [smem:$0x3F94];
	s0 =	simm.s32 @p0 $0x1  }
0x13: {  	[smem:$0x3FAF] =	sst s0;
	s0 =	simm.s32 @!p1 $0x0  }
0x14: {  	s2 =	sld [smem:$0x3F93];
	s0 =	simm.s32 @p1 $0x1  }
0x15: {  	[smem:$0x3FB0] =	sst s0;
	s0 =	simm.s32 @!p2 $0x0  }
0x16: {  	s3 =	sld [smem:$0x3FDB];
	s0 =	simm.s32 @p2 $0x1  }
0x17: {  	s4 =	simm.s32 $0x1BF5;
	[smem:$0x3FB2] =	sst s0  }
0x18: {  	s0 =	sld [smem:$0x3F95];
	_ =	swait.ge [sflag:s4], $0x0  }
0x19: {  	s7 =	sld [smem:$0x3F96]  }
0x1a: {  	s8 =	sadd.s32 $0xFFFFE003, lr  }
0x1b: {  	s9 =	sadd.s32 $0xFFFFFEF7, lr;
	s5 =	simm.s32 $0xFFFFFFFF;
	p2 =	slt.u32 s8, $0xFFFFF086  }
0x1c: {  	p1 =	slt.u32 s9, $0xF7A;
	s5 =	simm.s32 @!p2 $0x0  }
0x1d: {  	s5 =	simm.s32 @p1 $0x1;
	p0 =	seq.s32 s7, s2  }
0x1e: {  	s7 =	smul.u32 @!p0 $0xF7A, s2;
	p2 =	seq.s32 @!p0 s5, $0x0  }
0x1f: {  	s9 =	smul.u32 $0xF7A, s1;
	s8 =	simm.s32 @!p0 $0x1BF5;
	p2 =	por !p2, p0  }
0x20: {  	[sflag:s8] =	ssyncset.s32 @!p0 $0xFFFFF086;
	s6 =	sadd.s32 @!p0 s3, s7;
	s7 =	simm.s32 @!p0 $0x108  }
0x21: {  	s3 =	sadd.s32 s3, s9;
	s6 =	sadd.s32 @!p0 $0x88, s6;
	s7 =	simm.s32 @p2 $0x1082  }
0x22: {  	[simem:s7], [sflag:s8] =	dma.local @!p0 [hbm:s6], $0xF7A  }
0x23: {  	s9 =	sor.u32 $0xD0000000, s2;
	s6 =	simm.s32 $0x108;
	_ =	swait.ge @!p0 [sflag:s8], $0x0  }
0x24: {  	s3 =	sadd.s32 $0x88, s3;
	s6 =	simm.s32 @!p1 $0x1082;
	[sflag:s4] =	ssyncset.s32 $0xFFFFF086  }
0x25: {  	[simem:s6], [sflag:s4] =	dma.local [hbm:s3], $0xF7A  }
0x26: {  	[smem:$0x3F96] =	sst s1;
	(tag) =	ssettag s2;
	_ =	strace s9  }
0x27: {  	s1 =	sld [smem:$0x3FA6]  }
0x28: {  	s2 =	sld [smem:$0x3FA7]  }
0x29: {  	s4 =	sld [smem:$0x3FA9]  }
0x2a: {  	p0 =	seq.s32 s5, $0x0;
	s5 =	sld [smem:$0x3FAA]  }
0x2b: {  	s6 =	sld [smem:$0x3FAB]  }
0x2c: {  	s7 =	sld [smem:$0x3FAC]  }
0x2d: {  	s3 =	simm.s32 $0x108;
	s8 =	sld [smem:$0x3FAD]  }
0x2e: {  	s3 =	simm.s32 @!p0 $0x1082;
	s9 =	sld [smem:$0x3FAE]  }
0x2f: {  	lr =	sadd.s32 s0, s3;
	s0 =	sld [smem:$0x3FA5]  }
0x30: {  	s3 =	sld [smem:$0x3FA8]  }
0x31: {  	[smem:$0x3FB1] =	sst s10  }
0x32: {  	s10 =	sld [smem:$0x3FAF];
	_ =	sdelay $0x3  }
0x33: {  	p0 =	seq.s32 s10, $0x1;
	s10 =	sld [smem:$0x3FB1];
	_ =	sdelay $0x3  }
0x34: {  	[smem:$0x3FB1] =	sst s10  }
0x35: {  	s10 =	sld [smem:$0x3FB0];
	_ =	sdelay $0x3  }
0x36: {  	p1 =	seq.s32 s10, $0x1;
	s10 =	sld [smem:$0x3FB1];
	_ =	sdelay $0x3  }
0x37: {  	[smem:$0x3FB1] =	sst s10  }
0x38: {  	s10 =	sld [smem:$0x3FB2]  }
0x39: {  	_ = 	snop;
	(pc) =	sbr.ind lr, $3  }
0x3a: {  	_ = 	snop  }
0x3b: {  	_ = 	snop  }
0x3c: {  	p2 =	seq.s32 s10, $0x1;
	s10 =	sld [smem:$0x3FB1]  }
0x3d: {  	_ =	shalt  }
0x3e: {  	_ =	shalt  }
0x3f: {  	_ =	shalt  }
0x40: {  	_ =	shalt  }
0x41: {  	_ =	shalt  }
0x42: {  	_ =	shalt  }
0x43: {  	_ =	shalt  }
0x44: {  	_ =	shalt  }
0x45: {  	_ =	shalt  }
0x46: {  	_ =	shalt  }
0x47: {  	_ =	shalt  }
0x48: {  	_ =	shalt  }
0x49: {  	_ =	shalt  }
0x4a: {  	_ =	shalt  }
0x4b: {  	_ =	shalt  }
0x4c: {  	_ =	shalt  }
0x4d: {  	_ =	shalt  }
0x4e: {  	_ =	shalt  }
0x4f: {  	_ =	shalt  }
0x50: {  	_ =	shalt  }
0x51: {  	_ =	shalt  }
0x52: {  	_ =	shalt  }
0x53: {  	_ =	shalt  }
0x54: {  	_ =	shalt  }
0x55: {  	_ =	shalt  }
0x56: {  	_ =	shalt  }
0x57: {  	_ =	shalt  }
0x58: {  	_ =	shalt  }
0x59: {  	_ =	shalt  }
0x5a: {  	_ =	shalt  }
0x5b: {  	_ =	shalt  }
0x5c: {  	_ =	shalt  }
0x5d: {  	_ =	shalt  }
0x5e: {  	_ =	shalt  }
0x5f: {  	_ =	shalt  }
0x60: {  	_ =	shalt  }
0x61: {  	_ =	shalt  }
0x62: {  	_ =	shalt  }
0x63: {  	_ =	shalt  }
0x64: {  	_ =	shalt  }
0x65: {  	_ =	shalt  }
0x66: {  	_ =	shalt  }
0x67: {  	_ =	shalt  }
0x68: {  	_ =	shalt  }
0x69: {  	_ =	shalt  }
0x6a: {  	_ =	shalt  }
0x6b: {  	_ =	shalt  }
0x6c: {  	_ =	shalt  }
0x6d: {  	_ =	shalt  }
0x6e: {  	_ =	shalt  }
0x6f: {  	_ =	shalt  }
0x70: {  	_ =	shalt  }
0x71: {  	_ =	shalt  }
0x72: {  	_ =	shalt  }
0x73: {  	_ =	shalt  }
0x74: {  	_ =	shalt  }
0x75: {  	_ =	shalt  }
0x76: {  	_ =	shalt  }
0x77: {  	_ =	shalt  }
0x78: {  	_ =	shalt  }
0x79: {  	_ =	shalt  }
0x7a: {  	_ =	shalt  }
0x7b: {  	_ =	shalt  }
0x7c: {  	_ =	shalt  }
0x7d: {  	_ =	shalt  }
0x7e: {  	_ =	shalt  }
0x7f: {  	_ =	shalt  }
0x80: {  	_ =	shalt  }
0x81: {  	_ =	shalt  }
0x82: {  	_ =	shalt  }
0x83: {  	_ =	shalt  }
0x84: {  	_ =	shalt  }
0x85: {  	_ =	shalt  }
0x86: {  	_ =	shalt  }
0x87: {  	_ =	shalt  }
.Lfunc_end0:
.L_simem_size_0:
called_computation.3_lowered:
.L_overlay_start_0:
0x88: {  	s2 =	sld [smem:$0x3FD9]  }
0x89: {  	s3 =	sld [smem:$0x3FFE];
	_ =	sdelay $0x1  }
0x8a: {  	s1 =	srdreg.scid  }
0x8b: {  	s0 =	sand.u32 $0x1, s1  }
0x8c: {  	s16 =	sshll.u32 s0, $0xA;
	s2 =	sadd.s32 s3, s2  }
0x8d: {  	s2 =	sadd.s32 s2, s16  }
0x8e: {  	[smem:$0x3FBD] =	sst s2  }
0x8f: {  	_ = 	snop  }
0x90: {  	(tm) =	ssettm $0x1  }
0x91: {  	s17 =	sld [smem:$0x3FFB];
	_ =	sdelay $0x3  }
0x92: {  	_ =	strace s17  }
0x93: {  	s2 =	sld [smem:$0x3FFC];
	_ =	sdelay $0x3  }
0x94: {  	_ =	strace s2  }
0x95: {  	s2 =	sld [smem:$0x3FFD];
	_ =	sdelay $0x3  }
0x96: {  	_ =	strace s2  }
0x97: {  	_ =	strace $0x8FFFFFFF  }
0x98: {  	s18 =	sld [smem:$0x3FDB];
	_ =	sdelay $0x1  }
0x99: {  	s19 =	simm.s32 $_scs_section_size  }
0x9a: {  	s4 =	simm.s32 $_size__tile_overlayer_lowered;
	s5 =	simm.s32 $_tile_overlayer_lowered  }
0x9b: {  	s22 =	simm.s32 $0x1BFF;
	s21 =	sshll.u32 s5, $0x1;
	s2 =	sadd.s32 s19, s18  }
0x9c: {  	s6 =	simm.s32 $0x0;
	s20 =	sshll.u32 s4, $0x1;
	s4 =	sadd.s32 s21, s2  }
0x9d: {  	[timem:s6], [sflag:s22] =	dma.local [hbm:s4], s20  }
0x9e: {  	_ =	swait.ge [sflag:s22], s20  }
0x9f: {  	s3 =	ssub.s32 $0x0, s20;
	[sflag:s22] =	ssyncset.done $0x0  }
0xa0: {  	[sflag:s22] =	ssyncadd.s32 s3;
	_ =	sdelay $0x1  }
0xa1: {  	s23 =	simm.s32 $0x1B8B  }
0xa2: {  	_ =	swait.ge [sflag:s23], $0x1  }
0xa3: {  	[sflag:s23] =	ssyncset.done $0x0  }
0xa4: {  	s25 =	simm.s32 $0x1B8E;
	s24 =	sld [smem:$0x3FFE];
	[sflag:s23] =	ssyncadd.s32 $0xFFFFFFFF  }
0xa5: {  	s26 =	simm.s32 $execute0_lowered;
	[smem:$0x3FD2] =	sst s25  }
0xa6: {  	s4 =	sshll.u32 s26, $0x1;
	_ =	strace $0x8000004F;
	[dreg:$0x1] =	wrdreg $0xFFFFFFFF  }
0xa7: {  	s28 =	simm.s32 $_size_execute0_lowered;
	s2 =	sadd.s32 s2, s4;
	[dreg:$0x0] =	wrdreg $0x0  }
0xa8: {  	s4 =	sshll.u32 s28, $0x1;
	[dreg:$0x2] =	wrdreg s2  }
0xa9: {  	[dreg:$0x3] =	wrdreg s4  }
0xaa: {  	[dreg:$0x4] =	wrdreg $0xC0  }
0xab: {  	_ =	task [dreg:s6], $0x5FFFF  }
0xac: {  	[dreg:$0x1] =	wrdreg $0xFFFFFFFF  }
0xad: {  	[dreg:$0x0] =	wrdreg $0x60  }
0xae: {  	[dreg:$0x2] =	wrdreg s24  }
0xaf: {  	[dreg:$0x3] =	wrdreg $0x19B000  }
0xb0: {  	[dreg:$0x4] =	wrdreg $0x9  }
0xb1: {  	_ =	task.clear_ibuf [dreg:s6], $0x5FFFF;
	_ =	strace $0x9000004F  }
0xb2: {  	s29 =	simm.s32 $0x9;
	_ =	strace $0x80000051  }
0xb3: {  	_ =	swait.ge [sflag:s29], $0x1  }
0xb4: {  	[sflag:s29] =	ssyncadd.s32 $0xFFFFFFFF  }
0xb5: {  	_ =	strace $0x90000051  }
0xb6: {  	_ =	sfence  }
0xb7: {  	s30 =	sld [smem:$0x0];
	_ =	sdelay $0x2  }
0xb8: {  	s31 =	sshll.u32 s1, $0xD;
	s1 =	sshrl.u32 s1, $0x2  }
0xb9: {  	s3 =	sand.u32 $0x4000, s31;
	s1 =	sadd.s32 s1, s30  }
0xba: {  	s0 =	sor.u32 s3, s0;
	s1 =	sshll.u32 s1, $0x11  }
0xbb: {  	s0 =	sor.u32 s1, s0  }
0xbc: {  	s0 =	sadd.s32 $0x8F2B, s0  }
0xbd: {  	[sflag:s0] =	ssyncadd.remote.s32 $0x1  }
0xbe: {  	_ =	sfence.sel $0xFFFF  }
0xbf: {  	[dreg:$0x0] =	wrdreg $0xFFFFFFFF;
	(pc) =	sbr.abs _section_cstart, $3  }
0xc0: {  	[dreg:$0x1] =	wrdreg $0xFFFFFFFF  }
0xc1: {  	_ =	task.clear_ibuf [dreg:s6], $0x2FFFF;
	_ =	strace $0x9FFFFFFF  }
0xc2: {  	(tm) =	ssettm $0x7FFFFFFF  }
0xc3: {  	_ =	shalt  }
tec
execute0_lowered:
.L_overlay_start_1:
0x0: {  	(tag) =	ssettag $0x1  }
0x1: {  	s0 =	rddreg [dreg:$0x0];
	s10 =	stileid.u32  }
0x2: {  	s1 =	srdreg.scid;
	s2 =	rddreg [dreg:$0x1];
	s3 =	simm.s32 $0x0  }
0x3: {  	s14 =	simm.s32 $0xB;
	s16 =	simm.s32 $0x80;
	s17 =	simm.s32 $0x18700  }
0x4: {  	s18 =	simm.s32 $0x18B00;
	s28 =	simm.s32 $0x3;
	s29 =	simm.s32 $0x4  }
0x5: {  	s30 =	simm.s32 $0x5;
	s31 =	simm.s32 $0x6;
	s19 =	simm.s32 $0xC300  }
0x6: {  	s12 =	simm.s32 $0x18680;
	s5 =	smul.u32 $0x18700, s10;
	s1 =	sand.u32 $0x1, s1  }
0x7: {  	[smem:$0x7FF] =	sst s3;
	s7 =	smul.u32 $0x61C0, s10;
	s4 =	sadd.s32 $0x252C00, s0  }
0x8: {  	s11 =	sadd.s32 $0x2400, s0;
	s23 =	sshll.u32 s10, $0x6;
	s6 =	smul.u32 $0x187000, s1  }
0x9: {  	s10 =	simm.s32 $0x18580;
	_ =	strace $0x80000050;
	s9 =	smul.u32 $0x61C00, s1  }
0xa: {  	s1 =	ssub.s32 $0x2, s1;
	[dreg:$0x3] =	wrdreg s11;
	s11 =	simm.s32 $0x18600  }
0xb: {  	s8 =	sshrl.u32 s5, $0x3;
	s21 =	sshrl.u32 s1, $0x1;
	s22 =	sadd.s32 s7, s2  }
0xc: {  	s8 =	sadd.s32 s8, s0;
	s5 =	sadd.s32 s5, s6;
	s20 =	sadd.s32 s7, s9  }
0xd: {  	s1 =	ssub.s32 s1, s21;
	s7 =	sor.u32 $0x1C0B, s23;
	s13 =	sshrl.u32 s22, $0x3  }
0xe: {  	s22 =	simm.s32 $0x19300;
	s9 =	simm.s32 $0x18500;
	s21 =	simm.s32 $0x0  }
0xf: {  	s5 =	sshrl.u32 s5, $0x3;
	s6 =	sshrl.u32 s20, $0x3;
	s24 =	sadd.s32 $0x221E00, s8  }
0x10: {  	s8 =	sadd.s32 $0x223670, s8;
	s26 =	smax.u32 s1, $0x1;
	[dreg:$0x4] =	wrdreg s24  }
0x11: {  	s20 =	simm.s32 $0x18F00;
	s5 =	sadd.s32 s5, s0;
	[dreg:$0x6] =	wrdreg s8  }
0x12: {  	s1 =	simm.s32 $0x7;
	[dreg:$0x9] =	wrdreg s26;
	s25 =	sadd.s32 $0x39800, s5  }
0x13: {  	s0 =	sadd.s32 s6, s0;
	s5 =	sadd.s32 $0x3B070, s5;
	[dreg:$0x5] =	wrdreg s25  }
0x14: {  	s24 =	simm.s32 $0x19700;
	s0 =	sadd.s32 $0x3200, s0;
	[dreg:$0x7] =	wrdreg s5  }
0x15: {  	s26 =	simm.s32 $0x2;
	s6 =	simm.s32 $0xA;
	[dreg:$0x8] =	wrdreg s0  }
0x16: {  	s25 =	simm.s32 $0x1;
	s0 =	simm.s32 $0x8;
	s5 =	simm.s32 $0x9  }
.LBB2_1:
0x17: {  	s8 =	rddreg [dreg:$0x3]  }
0x18: {  	[spmem:s13], [sflag:s7] =	dma.local [hbm:s8], $0xC38  }
0x19: {  	_ =	swait.ge [sflag:s14], $0xC38  }
0x1a: {  	[sflag:s14] =	ssyncset.done $0x0  }
0x1b: {  	[sflag:s14] =	ssyncadd.s32 $0xFFFFF3C8  }
0x1c: {  	[bflag:$0x0] =	sbarrier.arrive $0xFFFF  }
0x1d: {  	s15 =	rddreg [dreg:$0x4]  }
0x1e: {  	[tilespmem:s3], [sflag:$0xB] =	stream.linear.gather [hbm4b:s15+s3], $0xC380, $0x38;
	[tilespmem:$0x1FCC0] =	vst v63  }
0x1f: {  	_ =	swait.ge [sflag:s14], $0xC380  }
0x20: {  	[sflag:s14] =	ssyncset.done $0x0  }
0x21: {  	s15 =	simm.s32 $0xC380;
	s23 =	rddreg [dreg:$0x5];
	[sflag:s14] =	ssyncadd.s32 $0xFFFF3C80  }
0x22: {  	[tilespmem:s15], [sflag:$0xB] =	stream.linear.gather [hbm4b:s23+s3], $0xC380, $0x38;
	[tilespmem:$0x1FCC0] =	vst v63  }
0x23: {  	_ =	swait.ge [sflag:s14], $0xC380  }
0x24: {  	[sflag:s14] =	ssyncset.done $0x0  }
0x25: {  	[sflag:s14] =	ssyncadd.s32 $0xFFFF3C80  }
0x26: {  	[tilespmem:s17], [sflag:$0x1] =	stream.indirect.gather [hbm4b:s4+s16], $0x8, s3, s16, $0xb8;
	[tilespmem:$0x1FCC0] =	vst v63  }
0x27: {  	_ = 	snop  }
0x28: {  	[tilespmem:s18], [sflag:$0x2] =	stream.indirect.gather [hbm4b:s4+s16], $0x8, s16, s16, $0xb8;
	[tilespmem:$0x1FCC0] =	vst v63  }
0x29: {  	s15 =	simm.s32 $0x100  }
0x2a: {  	[tilespmem:s20], [sflag:$0x3] =	stream.indirect.gather [hbm4b:s4+s16], $0x8, s15, s16, $0xb8;
	[tilespmem:$0x1FCC0] =	vst v63  }
0x2b: {  	s23 =	simm.s32 $0x180  }
0x2c: {  	[tilespmem:s22], [sflag:$0x4] =	stream.indirect.gather [hbm4b:s4+s16], $0x8, s23, s16, $0xb8;
	[tilespmem:$0x1FCC0] =	vst v63  }
0x2d: {  	s15 =	simm.s32 $0x200  }
0x2e: {  	[tilespmem:s24], [sflag:$0x5] =	stream.indirect.gather [hbm4b:s4+s16], $0x8, s15, s16, $0xb8;
	[tilespmem:$0x1FCC0] =	vst v63  }
0x2f: {  	_ =	swait.ge [sflag:s25], $0x400  }
0x30: {  	[sflag:s25] =	ssyncset.done $0x0  }
0x31: {  	s23 =	simm.s32 $0xC380;
	[sflag:s25] =	ssyncadd.s32 $0xFFFFFC00  }
0x32: {  	[spmem:s2] =	stream.indirect.scatter.add.f32 [tilespmem:s17], [sflag:$0x6], $0x8, s23, s16, $0xb8;
	[tilespmem:$0x1FCC0] =	vst v63  }
0x33: {  	_ =	swait.ge [sflag:s26], $0x400  }
0x34: {  	[sflag:s26] =	ssyncset.done $0x0  }
0x35: {  	s8 =	simm.s32 $0xC400;
	[sflag:s26] =	ssyncadd.s32 $0xFFFFFC00  }
0x36: {  	[spmem:s2] =	stream.indirect.scatter.add.f32 [tilespmem:s18], [sflag:$0x7], $0x8, s8, s16, $0xb8;
	[tilespmem:$0x1FCC0] =	vst v63  }
0x37: {  	_ =	swait.ge [sflag:s28], $0x400  }
0x38: {  	[sflag:s28] =	ssyncset.done $0x0  }
0x39: {  	s23 =	simm.s32 $0xC480;
	[sflag:s28] =	ssyncadd.s32 $0xFFFFFC00  }
0x3a: {  	[spmem:s2] =	stream.indirect.scatter.add.f32 [tilespmem:s20], [sflag:$0x8], $0x8, s23, s16, $0xb8;
	[tilespmem:$0x1FCC0] =	vst v63  }
0x3b: {  	_ =	swait.ge [sflag:s29], $0x400  }
0x3c: {  	[sflag:s29] =	ssyncset.done $0x0  }
0x3d: {  	s8 =	simm.s32 $0xC500;
	[sflag:s29] =	ssyncadd.s32 $0xFFFFFC00  }
0x3e: {  	[spmem:s2] =	stream.indirect.scatter.add.f32 [tilespmem:s22], [sflag:$0x9], $0x8, s8, s16, $0xb8;
	[tilespmem:$0x1FCC0] =	vst v63  }
0x3f: {  	_ =	swait.ge [sflag:s30], $0x400  }
0x40: {  	[sflag:s30] =	ssyncset.done $0x0  }
0x41: {  	s23 =	simm.s32 $0xC580;
	[sflag:s30] =	ssyncadd.s32 $0xFFFFFC00  }
0x42: {  	[spmem:s2] =	stream.indirect.scatter.add.f32 [tilespmem:s24], [sflag:$0xA], $0x8, s23, s16, $0xb8;
	[tilespmem:$0x1FCC0] =	vst v63  }
0x43: {  	_ =	swait.ge [sflag:s31], $0x400  }
0x44: {  	[sflag:s31] =	ssyncset.done $0x0  }
0x45: {  	s8 =	simm.s32 $0x280;
	[sflag:s31] =	ssyncadd.s32 $0xFFFFFC00  }
0x46: {  	[tilespmem:s17], [sflag:$0x1] =	stream.indirect.gather [hbm4b:s4+s16], $0x8, s8, s16, $0xb8;
	[tilespmem:$0x1FCC0] =	vst v63  }
0x47: {  	_ =	swait.ge [sflag:s1], $0x400  }
0x48: {  	[sflag:s1] =	ssyncset.done $0x0  }
0x49: {  	s23 =	simm.s32 $0x300;
	[sflag:s1] =	ssyncadd.s32 $0xFFFFFC00  }
0x4a: {  	[tilespmem:s18], [sflag:$0x2] =	stream.indirect.gather [hbm4b:s4+s16], $0x8, s23, s16, $0xb8;
	[tilespmem:$0x1FCC0] =	vst v63  }
0x4b: {  	_ =	swait.ge [sflag:s0], $0x400  }
0x4c: {  	[sflag:s0] =	ssyncset.done $0x0  }
0x4d: {  	s8 =	simm.s32 $0x380;
	[sflag:s0] =	ssyncadd.s32 $0xFFFFFC00  }
0x4e: {  	[tilespmem:s20], [sflag:$0x3] =	stream.indirect.gather [hbm4b:s4+s16], $0x8, s8, s16, $0xb8;
	[tilespmem:$0x1FCC0] =	vst v63  }
0x4f: {  	_ =	swait.ge [sflag:s5], $0x400  }
0x50: {  	[sflag:s5] =	ssyncset.done $0x0  }
0x51: {  	s23 =	simm.s32 $0x400;
	[sflag:s5] =	ssyncadd.s32 $0xFFFFFC00  }
0x52: {  	[tilespmem:s22], [sflag:$0x4] =	stream.indirect.gather [hbm4b:s4+s16], $0x8, s23, s16, $0xb8;
	[tilespmem:$0x1FCC0] =	vst v63  }
0x53: {  	_ =	swait.ge [sflag:s6], $0x400  }
0x54: {  	[sflag:s6] =	ssyncset.done $0x0  }
0x55: {  	s15 =	simm.s32 $0x480;
	s23 =	simm.s32 $0xA00;
	[sflag:s6] =	ssyncadd.s32 $0xFFFFFC00  }
.LBB2_2:
0x56: {  	[tilespmem:s24], [sflag:$0x5] =	stream.indirect.gather [hbm4b:s4+s16], $0x8, s15, s16, $0xb8;
	[tilespmem:$0x1FCC0] =	vst v63  }
0x57: {  	s15 =	smov.u32 s23  }
0x58: {  	p0 =	sne.s32 s23, $0x2F800;
	s23 =	sadd.s32 $0xA00, s23;
	_ =	swait.ge [sflag:s25], $0x400  }
0x59: {  	s15 =	sshra.s32 s15, $0x2;
	[sflag:s25] =	ssyncset.done $0x0  }
0x5a: {  	s8 =	sadd.s32 $0xC380, s15;
	[sflag:s25] =	ssyncadd.s32 $0xFFFFFC00  }
0x5b: {  	[spmem:s2] =	stream.indirect.scatter.add.f32 [tilespmem:s17], [sflag:$0x6], $0x8, s8, s16, $0xb8;
	[tilespmem:$0x1FCC0] =	vst v63  }
0x5c: {  	_ =	swait.ge [sflag:s26], $0x400  }
0x5d: {  	[sflag:s26] =	ssyncset.done $0x0  }
0x5e: {  	s8 =	sadd.s32 $0xC400, s15;
	[sflag:s26] =	ssyncadd.s32 $0xFFFFFC00  }
0x5f: {  	[spmem:s2] =	stream.indirect.scatter.add.f32 [tilespmem:s18], [sflag:$0x7], $0x8, s8, s16, $0xb8;
	[tilespmem:$0x1FCC0] =	vst v63  }
0x60: {  	_ =	swait.ge [sflag:s28], $0x400  }
0x61: {  	[sflag:s28] =	ssyncset.done $0x0  }
0x62: {  	s8 =	sadd.s32 $0xC480, s15;
	[sflag:s28] =	ssyncadd.s32 $0xFFFFFC00  }
0x63: {  	[spmem:s2] =	stream.indirect.scatter.add.f32 [tilespmem:s20], [sflag:$0x8], $0x8, s8, s16, $0xb8;
	[tilespmem:$0x1FCC0] =	vst v63  }
0x64: {  	_ =	swait.ge [sflag:s29], $0x400  }
0x65: {  	[sflag:s29] =	ssyncset.done $0x0  }
0x66: {  	s8 =	sadd.s32 $0xC500, s15;
	[sflag:s29] =	ssyncadd.s32 $0xFFFFFC00  }
0x67: {  	[spmem:s2] =	stream.indirect.scatter.add.f32 [tilespmem:s22], [sflag:$0x9], $0x8, s8, s16, $0xb8;
	[tilespmem:$0x1FCC0] =	vst v63  }
0x68: {  	_ =	swait.ge [sflag:s30], $0x400  }
0x69: {  	[sflag:s30] =	ssyncset.done $0x0  }
0x6a: {  	s8 =	sadd.s32 $0xC580, s15;
	[sflag:s30] =	ssyncadd.s32 $0xFFFFFC00  }
0x6b: {  	[spmem:s2] =	stream.indirect.scatter.add.f32 [tilespmem:s24], [sflag:$0xA], $0x8, s8, s16, $0xb8;
	[tilespmem:$0x1FCC0] =	vst v63  }
0x6c: {  	_ =	swait.ge [sflag:s31], $0x400  }
0x6d: {  	[sflag:s31] =	ssyncset.done $0x0  }
0x6e: {  	s8 =	sadd.s32 $0x280, s15;
	[sflag:s31] =	ssyncadd.s32 $0xFFFFFC00  }
0x6f: {  	[tilespmem:s17], [sflag:$0x1] =	stream.indirect.gather [hbm4b:s4+s16], $0x8, s8, s16, $0xb8;
	[tilespmem:$0x1FCC0] =	vst v63  }
0x70: {  	_ =	swait.ge [sflag:s1], $0x400  }
0x71: {  	[sflag:s1] =	ssyncset.done $0x0  }
0x72: {  	s8 =	sadd.s32 $0x300, s15;
	[sflag:s1] =	ssyncadd.s32 $0xFFFFFC00  }
0x73: {  	[tilespmem:s18], [sflag:$0x2] =	stream.indirect.gather [hbm4b:s4+s16], $0x8, s8, s16, $0xb8;
	[tilespmem:$0x1FCC0] =	vst v63  }
0x74: {  	_ =	swait.ge [sflag:s0], $0x400  }
0x75: {  	[sflag:s0] =	ssyncset.done $0x0  }
0x76: {  	s8 =	sadd.s32 $0x380, s15;
	[sflag:s0] =	ssyncadd.s32 $0xFFFFFC00  }
0x77: {  	[tilespmem:s20], [sflag:$0x3] =	stream.indirect.gather [hbm4b:s4+s16], $0x8, s8, s16, $0xb8;
	[tilespmem:$0x1FCC0] =	vst v63  }
0x78: {  	_ =	swait.ge [sflag:s5], $0x400  }
0x79: {  	[sflag:s5] =	ssyncset.done $0x0  }
.Ltmp0:
0x7a: {  	s8 =	sadd.s32 $0x400, s15;
	[sflag:s5] =	ssyncadd.s32 $0xFFFFFC00;
	(pc) =	sbr.rel @p0 .LBB2_2-.Ltmp0, $4  }
0x7b: {  	[tilespmem:s22], [sflag:$0x4] =	stream.indirect.gather [hbm4b:s4+s16], $0x8, s8, s16, $0xb8;
	[tilespmem:$0x1FCC0] =	vst v63  }
0x7c: {  	_ =	swait.ge [sflag:s6], $0x400  }
0x7d: {  	[sflag:s6] =	ssyncset.done $0x0  }
0x7e: {  	s15 =	sadd.s32 $0x480, s15;
	[sflag:s6] =	ssyncadd.s32 $0xFFFFFC00  }
0x7f: {  	[tilespmem:s24], [sflag:$0x5] =	stream.indirect.gather [hbm4b:s4+s16], $0x8, s15, s16, $0xb8;
	[tilespmem:$0x1FCC0] =	vst v63  }
0x80: {  	_ =	swait.ge [sflag:s25], $0x400  }
0x81: {  	[sflag:s25] =	ssyncset.done $0x0  }
0x82: {  	s8 =	simm.s32 $0x18400;
	[sflag:s25] =	ssyncadd.s32 $0xFFFFFC00  }
0x83: {  	[spmem:s2] =	stream.indirect.scatter.add.f32 [tilespmem:s17], [sflag:$0x6], $0x8, s8, s16, $0xb8;
	[tilespmem:$0x1FCC0] =	vst v63  }
0x84: {  	_ =	swait.ge [sflag:s26], $0x400  }
0x85: {  	[sflag:s26] =	ssyncset.done $0x0  }
0x86: {  	s15 =	simm.s32 $0x18480;
	[sflag:s26] =	ssyncadd.s32 $0xFFFFFC00  }
0x87: {  	[spmem:s2] =	stream.indirect.scatter.add.f32 [tilespmem:s18], [sflag:$0x7], $0x8, s15, s16, $0xb8;
	[tilespmem:$0x1FCC0] =	vst v63  }
0x88: {  	_ =	swait.ge [sflag:s28], $0x400  }
0x89: {  	[sflag:s28] =	ssyncset.done $0x0  }
0x8a: {  	[sflag:s28] =	ssyncadd.s32 $0xFFFFFC00  }
0x8b: {  	[spmem:s2] =	stream.indirect.scatter.add.f32 [tilespmem:s20], [sflag:$0x8], $0x8, s9, s16, $0xb8;
	[tilespmem:$0x1FCC0] =	vst v63  }
0x8c: {  	_ =	swait.ge [sflag:s29], $0x400  }
0x8d: {  	[sflag:s29] =	ssyncset.done $0x0  }
0x8e: {  	[sflag:s29] =	ssyncadd.s32 $0xFFFFFC00  }
0x8f: {  	[spmem:s2] =	stream.indirect.scatter.add.f32 [tilespmem:s22], [sflag:$0x9], $0x8, s10, s16, $0xb8;
	[tilespmem:$0x1FCC0] =	vst v63  }
0x90: {  	_ =	swait.ge [sflag:s30], $0x400  }
0x91: {  	[sflag:s30] =	ssyncset.done $0x0  }
0x92: {  	[sflag:s30] =	ssyncadd.s32 $0xFFFFFC00  }
0x93: {  	[spmem:s2] =	stream.indirect.scatter.add.f32 [tilespmem:s24], [sflag:$0xA], $0x8, s11, s16, $0xb8;
	[tilespmem:$0x1FCC0] =	vst v63  }
0x94: {  	_ =	swait.ge [sflag:s31], $0x400  }
0x95: {  	[sflag:s31] =	ssyncset.done $0x0  }
0x96: {  	[sflag:s31] =	ssyncadd.s32 $0xFFFFFC00  }
0x97: {  	[tilespmem:s17], [sflag:$0x1] =	stream.indirect.gather [hbm4b:s4+s16], $0x8, s19, s16, $0xb8;
	[tilespmem:$0x1FCC0] =	vst v63  }
0x98: {  	_ =	swait.ge [sflag:s1], $0x400  }
0x99: {  	[sflag:s1] =	ssyncset.done $0x0  }
0x9a: {  	[sflag:s1] =	ssyncadd.s32 $0xFFFFFC00  }
0x9b: {  	_ =	swait.ge [sflag:s0], $0x400  }
0x9c: {  	[sflag:s0] =	ssyncset.done $0x0  }
0x9d: {  	[sflag:s0] =	ssyncadd.s32 $0xFFFFFC00  }
0x9e: {  	_ =	swait.ge [sflag:s5], $0x400  }
0x9f: {  	[sflag:s5] =	ssyncset.done $0x0  }
0xa0: {  	[sflag:s5] =	ssyncadd.s32 $0xFFFFFC00  }
0xa1: {  	_ =	swait.ge [sflag:s6], $0x400  }
0xa2: {  	[sflag:s6] =	ssyncset.done $0x0  }
0xa3: {  	[sflag:s6] =	ssyncadd.s32 $0xFFFFFC00  }
0xa4: {  	_ =	swait.ge [sflag:s25], $0x400  }
0xa5: {  	[sflag:s25] =	ssyncset.done $0x0  }
0xa6: {  	[sflag:s25] =	ssyncadd.s32 $0xFFFFFC00  }
0xa7: {  	[spmem:s2] =	stream.indirect.scatter.add.f32 [tilespmem:s17], [sflag:$0xB], $0x8, s12, s16, $0xb8;
	[tilespmem:$0x1FCC0] =	vst v63  }
0xa8: {  	_ =	swait.ge [sflag:s14], $0x400  }
0xa9: {  	[sflag:s14] =	ssyncset.done $0x0  }
0xaa: {  	s8 =	simm.s32 $0x0;
	s23 =	rddreg [dreg:$0x6];
	[sflag:s14] =	ssyncadd.s32 $0xFFFFFC00  }
0xab: {  	[tilespmem:s8], [sflag:$0xB] =	stream.linear.gather [hbm4b:s23+s8], $0xC380, $0x38;
	[tilespmem:$0x1FCC0] =	vst v63  }
0xac: {  	_ =	swait.ge [sflag:s14], $0xC380  }
0xad: {  	[sflag:s14] =	ssyncset.done $0x0  }
0xae: {  	s23 =	simm.s32 $0xC380;
	s15 =	rddreg [dreg:$0x7];
	[sflag:s14] =	ssyncadd.s32 $0xFFFF3C80  }
0xaf: {  	[tilespmem:s23], [sflag:$0xB] =	stream.linear.gather [hbm4b:s15+s8], $0xC380, $0x38;
	[tilespmem:$0x1FCC0] =	vst v63  }
0xb0: {  	_ =	swait.ge [sflag:s14], $0xC380  }
0xb1: {  	[sflag:s14] =	ssyncset.done $0x0  }
0xb2: {  	[sflag:s14] =	ssyncadd.s32 $0xFFFF3C80  }
0xb3: {  	[tilespmem:s17], [sflag:$0x1] =	stream.indirect.gather [hbm4b:s4+s16], $0x8, s8, s16, $0xb8;
	[tilespmem:$0x1FCC0] =	vst v63  }
0xb4: {  	_ = 	snop  }
0xb5: {  	[tilespmem:s18], [sflag:$0x2] =	stream.indirect.gather [hbm4b:s4+s16], $0x8, s16, s16, $0xb8;
	[tilespmem:$0x1FCC0] =	vst v63  }
0xb6: {  	s15 =	simm.s32 $0x100  }
0xb7: {  	[tilespmem:s20], [sflag:$0x3] =	stream.indirect.gather [hbm4b:s4+s16], $0x8, s15, s16, $0xb8;
	[tilespmem:$0x1FCC0] =	vst v63  }
0xb8: {  	s23 =	simm.s32 $0x180  }
0xb9: {  	[tilespmem:s22], [sflag:$0x4] =	stream.indirect.gather [hbm4b:s4+s16], $0x8, s23, s16, $0xb8;
	[tilespmem:$0x1FCC0] =	vst v63  }
0xba: {  	s15 =	simm.s32 $0x200  }
0xbb: {  	[tilespmem:s24], [sflag:$0x5] =	stream.indirect.gather [hbm4b:s4+s16], $0x8, s15, s16, $0xb8;
	[tilespmem:$0x1FCC0] =	vst v63  }
0xbc: {  	_ =	swait.ge [sflag:s25], $0x400  }
0xbd: {  	[sflag:s25] =	ssyncset.done $0x0  }
0xbe: {  	s23 =	simm.s32 $0xC380;
	[sflag:s25] =	ssyncadd.s32 $0xFFFFFC00  }
0xbf: {  	[spmem:s2] =	stream.indirect.scatter.add.f32 [tilespmem:s17], [sflag:$0x6], $0x8, s23, s16, $0xb8;
	[tilespmem:$0x1FCC0] =	vst v63  }
0xc0: {  	_ =	swait.ge [sflag:s26], $0x400  }
0xc1: {  	[sflag:s26] =	ssyncset.done $0x0  }
0xc2: {  	s15 =	simm.s32 $0xC400;
	[sflag:s26] =	ssyncadd.s32 $0xFFFFFC00  }
0xc3: {  	[spmem:s2] =	stream.indirect.scatter.add.f32 [tilespmem:s18], [sflag:$0x7], $0x8, s15, s16, $0xb8;
	[tilespmem:$0x1FCC0] =	vst v63  }
0xc4: {  	_ =	swait.ge [sflag:s28], $0x400  }
0xc5: {  	[sflag:s28] =	ssyncset.done $0x0  }
0xc6: {  	s23 =	simm.s32 $0xC480;
	[sflag:s28] =	ssyncadd.s32 $0xFFFFFC00  }
0xc7: {  	[spmem:s2] =	stream.indirect.scatter.add.f32 [tilespmem:s20], [sflag:$0x8], $0x8, s23, s16, $0xb8;
	[tilespmem:$0x1FCC0] =	vst v63  }
0xc8: {  	_ =	swait.ge [sflag:s29], $0x400  }
0xc9: {  	[sflag:s29] =	ssyncset.done $0x0  }
0xca: {  	s15 =	simm.s32 $0xC500;
	[sflag:s29] =	ssyncadd.s32 $0xFFFFFC00  }
0xcb: {  	[spmem:s2] =	stream.indirect.scatter.add.f32 [tilespmem:s22], [sflag:$0x9], $0x8, s15, s16, $0xb8;
	[tilespmem:$0x1FCC0] =	vst v63  }
0xcc: {  	_ =	swait.ge [sflag:s30], $0x400  }
0xcd: {  	[sflag:s30] =	ssyncset.done $0x0  }
0xce: {  	s23 =	simm.s32 $0xC580;
	[sflag:s30] =	ssyncadd.s32 $0xFFFFFC00  }
0xcf: {  	[spmem:s2] =	stream.indirect.scatter.add.f32 [tilespmem:s24], [sflag:$0xA], $0x8, s23, s16, $0xb8;
	[tilespmem:$0x1FCC0] =	vst v63  }
0xd0: {  	_ =	swait.ge [sflag:s31], $0x400  }
0xd1: {  	[sflag:s31] =	ssyncset.done $0x0  }
0xd2: {  	s15 =	simm.s32 $0x280;
	[sflag:s31] =	ssyncadd.s32 $0xFFFFFC00  }
0xd3: {  	[tilespmem:s17], [sflag:$0x1] =	stream.indirect.gather [hbm4b:s4+s16], $0x8, s15, s16, $0xb8;
	[tilespmem:$0x1FCC0] =	vst v63  }
0xd4: {  	_ =	swait.ge [sflag:s1], $0x400  }
0xd5: {  	[sflag:s1] =	ssyncset.done $0x0  }
0xd6: {  	s23 =	simm.s32 $0x300;
	[sflag:s1] =	ssyncadd.s32 $0xFFFFFC00  }
0xd7: {  	[tilespmem:s18], [sflag:$0x2] =	stream.indirect.gather [hbm4b:s4+s16], $0x8, s23, s16, $0xb8;
	[tilespmem:$0x1FCC0] =	vst v63  }
0xd8: {  	_ =	swait.ge [sflag:s0], $0x400  }
0xd9: {  	[sflag:s0] =	ssyncset.done $0x0  }
0xda: {  	s15 =	simm.s32 $0x380;
	[sflag:s0] =	ssyncadd.s32 $0xFFFFFC00  }
0xdb: {  	[tilespmem:s20], [sflag:$0x3] =	stream.indirect.gather [hbm4b:s4+s16], $0x8, s15, s16, $0xb8;
	[tilespmem:$0x1FCC0] =	vst v63  }
0xdc: {  	_ =	swait.ge [sflag:s5], $0x400  }
0xdd: {  	[sflag:s5] =	ssyncset.done $0x0  }
0xde: {  	s23 =	simm.s32 $0x400;
	[sflag:s5] =	ssyncadd.s32 $0xFFFFFC00  }
0xdf: {  	[tilespmem:s22], [sflag:$0x4] =	stream.indirect.gather [hbm4b:s4+s16], $0x8, s23, s16, $0xb8;
	[tilespmem:$0x1FCC0] =	vst v63  }
0xe0: {  	_ =	swait.ge [sflag:s6], $0x400  }
0xe1: {  	[sflag:s6] =	ssyncset.done $0x0  }
0xe2: {  	s15 =	simm.s32 $0x480;
	s23 =	simm.s32 $0xA00;
	[sflag:s6] =	ssyncadd.s32 $0xFFFFFC00  }
.LBB2_4:
0xe3: {  	[tilespmem:s24], [sflag:$0x5] =	stream.indirect.gather [hbm4b:s4+s16], $0x8, s15, s16, $0xb8;
	[tilespmem:$0x1FCC0] =	vst v63  }
0xe4: {  	s8 =	smov.u32 s23  }
0xe5: {  	p0 =	sne.s32 s23, $0x2F800;
	s23 =	sadd.s32 $0xA00, s23;
	_ =	swait.ge [sflag:s25], $0x400  }
0xe6: {  	s15 =	sshra.s32 s8, $0x2;
	[sflag:s25] =	ssyncset.done $0x0  }
0xe7: {  	s8 =	sadd.s32 $0xC380, s15;
	[sflag:s25] =	ssyncadd.s32 $0xFFFFFC00  }
0xe8: {  	[spmem:s2] =	stream.indirect.scatter.add.f32 [tilespmem:s17], [sflag:$0x6], $0x8, s8, s16, $0xb8;
	[tilespmem:$0x1FCC0] =	vst v63  }
0xe9: {  	_ =	swait.ge [sflag:s26], $0x400  }
0xea: {  	[sflag:s26] =	ssyncset.done $0x0  }
0xeb: {  	s8 =	sadd.s32 $0xC400, s15;
	[sflag:s26] =	ssyncadd.s32 $0xFFFFFC00  }
0xec: {  	[spmem:s2] =	stream.indirect.scatter.add.f32 [tilespmem:s18], [sflag:$0x7], $0x8, s8, s16, $0xb8;
	[tilespmem:$0x1FCC0] =	vst v63  }
0xed: {  	_ =	swait.ge [sflag:s28], $0x400  }
0xee: {  	[sflag:s28] =	ssyncset.done $0x0  }
0xef: {  	s8 =	sadd.s32 $0xC480, s15;
	[sflag:s28] =	ssyncadd.s32 $0xFFFFFC00  }
0xf0: {  	[spmem:s2] =	stream.indirect.scatter.add.f32 [tilespmem:s20], [sflag:$0x8], $0x8, s8, s16, $0xb8;
	[tilespmem:$0x1FCC0] =	vst v63  }
0xf1: {  	_ =	swait.ge [sflag:s29], $0x400  }
0xf2: {  	[sflag:s29] =	ssyncset.done $0x0  }
0xf3: {  	s8 =	sadd.s32 $0xC500, s15;
	[sflag:s29] =	ssyncadd.s32 $0xFFFFFC00  }
0xf4: {  	[spmem:s2] =	stream.indirect.scatter.add.f32 [tilespmem:s22], [sflag:$0x9], $0x8, s8, s16, $0xb8;
	[tilespmem:$0x1FCC0] =	vst v63  }
0xf5: {  	_ =	swait.ge [sflag:s30], $0x400  }
0xf6: {  	[sflag:s30] =	ssyncset.done $0x0  }
0xf7: {  	s8 =	sadd.s32 $0xC580, s15;
	[sflag:s30] =	ssyncadd.s32 $0xFFFFFC00  }
0xf8: {  	[spmem:s2] =	stream.indirect.scatter.add.f32 [tilespmem:s24], [sflag:$0xA], $0x8, s8, s16, $0xb8;
	[tilespmem:$0x1FCC0] =	vst v63  }
0xf9: {  	_ =	swait.ge [sflag:s31], $0x400  }
0xfa: {  	[sflag:s31] =	ssyncset.done $0x0  }
0xfb: {  	s8 =	sadd.s32 $0x280, s15;
	[sflag:s31] =	ssyncadd.s32 $0xFFFFFC00  }
0xfc: {  	[tilespmem:s17], [sflag:$0x1] =	stream.indirect.gather [hbm4b:s4+s16], $0x8, s8, s16, $0xb8;
	[tilespmem:$0x1FCC0] =	vst v63  }
0xfd: {  	_ =	swait.ge [sflag:s1], $0x400  }
0xfe: {  	[sflag:s1] =	ssyncset.done $0x0  }
0xff: {  	s8 =	sadd.s32 $0x300, s15;
	[sflag:s1] =	ssyncadd.s32 $0xFFFFFC00  }
0x100: {  	[tilespmem:s18], [sflag:$0x2] =	stream.indirect.gather [hbm4b:s4+s16], $0x8, s8, s16, $0xb8;
	[tilespmem:$0x1FCC0] =	vst v63  }
0x101: {  	_ =	swait.ge [sflag:s0], $0x400  }
0x102: {  	[sflag:s0] =	ssyncset.done $0x0  }
0x103: {  	s8 =	sadd.s32 $0x380, s15;
	[sflag:s0] =	ssyncadd.s32 $0xFFFFFC00  }
0x104: {  	[tilespmem:s20], [sflag:$0x3] =	stream.indirect.gather [hbm4b:s4+s16], $0x8, s8, s16, $0xb8;
	[tilespmem:$0x1FCC0] =	vst v63  }
0x105: {  	_ =	swait.ge [sflag:s5], $0x400  }
0x106: {  	[sflag:s5] =	ssyncset.done $0x0  }
.Ltmp1:
0x107: {  	s8 =	sadd.s32 $0x400, s15;
	[sflag:s5] =	ssyncadd.s32 $0xFFFFFC00;
	(pc) =	sbr.rel @p0 .LBB2_4-.Ltmp1, $4  }
0x108: {  	[tilespmem:s22], [sflag:$0x4] =	stream.indirect.gather [hbm4b:s4+s16], $0x8, s8, s16, $0xb8;
	[tilespmem:$0x1FCC0] =	vst v63  }
0x109: {  	_ =	swait.ge [sflag:s6], $0x400  }
0x10a: {  	[sflag:s6] =	ssyncset.done $0x0  }
0x10b: {  	s15 =	sadd.s32 $0x480, s15;
	[sflag:s6] =	ssyncadd.s32 $0xFFFFFC00  }
0x10c: {  	[tilespmem:s24], [sflag:$0x5] =	stream.indirect.gather [hbm4b:s4+s16], $0x8, s15, s16, $0xb8;
	[tilespmem:$0x1FCC0] =	vst v63  }
0x10d: {  	_ =	swait.ge [sflag:s25], $0x400  }
0x10e: {  	[sflag:s25] =	ssyncset.done $0x0  }
0x10f: {  	s8 =	simm.s32 $0x18400;
	[sflag:s25] =	ssyncadd.s32 $0xFFFFFC00  }
0x110: {  	[spmem:s2] =	stream.indirect.scatter.add.f32 [tilespmem:s17], [sflag:$0x6], $0x8, s8, s16, $0xb8;
	[tilespmem:$0x1FCC0] =	vst v63  }
0x111: {  	_ =	swait.ge [sflag:s26], $0x400  }
0x112: {  	[sflag:s26] =	ssyncset.done $0x0  }
0x113: {  	s23 =	simm.s32 $0x18480;
	[sflag:s26] =	ssyncadd.s32 $0xFFFFFC00  }
0x114: {  	[spmem:s2] =	stream.indirect.scatter.add.f32 [tilespmem:s18], [sflag:$0x7], $0x8, s23, s16, $0xb8;
	[tilespmem:$0x1FCC0] =	vst v63  }
0x115: {  	_ =	swait.ge [sflag:s28], $0x400  }
0x116: {  	[sflag:s28] =	ssyncset.done $0x0  }
0x117: {  	[sflag:s28] =	ssyncadd.s32 $0xFFFFFC00  }
0x118: {  	[spmem:s2] =	stream.indirect.scatter.add.f32 [tilespmem:s20], [sflag:$0x8], $0x8, s9, s16, $0xb8;
	[tilespmem:$0x1FCC0] =	vst v63  }
0x119: {  	_ =	swait.ge [sflag:s29], $0x400  }
0x11a: {  	[sflag:s29] =	ssyncset.done $0x0  }
0x11b: {  	[sflag:s29] =	ssyncadd.s32 $0xFFFFFC00  }
0x11c: {  	[spmem:s2] =	stream.indirect.scatter.add.f32 [tilespmem:s22], [sflag:$0x9], $0x8, s10, s16, $0xb8;
	[tilespmem:$0x1FCC0] =	vst v63  }
0x11d: {  	_ =	swait.ge [sflag:s30], $0x400  }
0x11e: {  	[sflag:s30] =	ssyncset.done $0x0  }
0x11f: {  	[sflag:s30] =	ssyncadd.s32 $0xFFFFFC00  }
0x120: {  	[spmem:s2] =	stream.indirect.scatter.add.f32 [tilespmem:s24], [sflag:$0xA], $0x8, s11, s16, $0xb8;
	[tilespmem:$0x1FCC0] =	vst v63  }
0x121: {  	_ =	swait.ge [sflag:s31], $0x400  }
0x122: {  	[sflag:s31] =	ssyncset.done $0x0  }
0x123: {  	[sflag:s31] =	ssyncadd.s32 $0xFFFFFC00  }
0x124: {  	[tilespmem:s17], [sflag:$0x1] =	stream.indirect.gather [hbm4b:s4+s16], $0x8, s19, s16, $0xb8;
	[tilespmem:$0x1FCC0] =	vst v63  }
0x125: {  	_ =	swait.ge [sflag:s1], $0x400  }
0x126: {  	[sflag:s1] =	ssyncset.done $0x0  }
0x127: {  	[sflag:s1] =	ssyncadd.s32 $0xFFFFFC00  }
0x128: {  	_ =	swait.ge [sflag:s0], $0x400  }
0x129: {  	[sflag:s0] =	ssyncset.done $0x0  }
0x12a: {  	[sflag:s0] =	ssyncadd.s32 $0xFFFFFC00  }
0x12b: {  	_ =	swait.ge [sflag:s5], $0x400  }
0x12c: {  	[sflag:s5] =	ssyncset.done $0x0  }
0x12d: {  	[sflag:s5] =	ssyncadd.s32 $0xFFFFFC00  }
0x12e: {  	_ =	swait.ge [sflag:s6], $0x400  }
0x12f: {  	[sflag:s6] =	ssyncset.done $0x0  }
0x130: {  	[sflag:s6] =	ssyncadd.s32 $0xFFFFFC00  }
0x131: {  	_ =	swait.ge [sflag:s25], $0x400  }
0x132: {  	[sflag:s25] =	ssyncset.done $0x0  }
0x133: {  	[sflag:s25] =	ssyncadd.s32 $0xFFFFFC00  }
0x134: {  	[spmem:s2] =	stream.indirect.scatter.add.f32 [tilespmem:s17], [sflag:$0xB], $0x8, s12, s16, $0xb8;
	[tilespmem:$0x1FCC0] =	vst v63  }
0x135: {  	_ =	swait.ge [sflag:s14], $0x400  }
0x136: {  	[sflag:s14] =	ssyncset.done $0x0  }
0x137: {  	[sflag:s14] =	ssyncadd.s32 $0xFFFFFC00  }
0x138: {  	[bflag:$0x0] =	sbarrier.arrive $0xFFFF  }
0x139: {  	s15 =	rddreg [dreg:$0x8]  }
0x13a: {  	[hbm:s15], [sflag:s7] =	dma.local [spmem:s13], $0xC38  }
0x13b: {  	_ =	swait.ge [sflag:s14], $0xC38  }
0x13c: {  	s21 =	sadd.s32 $0x1, s21;
	s23 =	rddreg [dreg:$0x9]  }
0x13d: {  	p0 =	sne.s32 s21, s23  }
.Ltmp2:
0x13e: {  	_ = 	snop;
	(pc) =	sbr.rel @p0 .LBB2_1-.Ltmp2, $3  }
0x13f: {  	_ =	sdelay $0x1  }
0x140: {  	[sflag:s14] =	ssyncset.done $0x0  }
0x141: {  	[sflag:s14] =	ssyncadd.s32 $0xFFFFF3C8  }
0x142: {  	_ =	sfence.sel $0x180000  }
0x143: {  	[bflag:$0x0] =	sbarrier.arrive $0xFFFF  }
0x144: {  	_ =	strace $0x90000050  }
0x145: {  	s0 =	stileid.u32;
	[bflag:$0x2] =	sbarrier.arrive $0xFFFF  }
0x146: {  	p0 =	sne.s32 s0, $0x0;
	s0 =	rddreg [dreg:$0x2]  }
0x147: {  	s0 =	sadd.s32 @!p0 $0x100000, s0  }
0x148: {  	[sflag:s0] =	ssyncadd.tile.s32 @!p0 $0x1;
	_ =	shalt  }
.Lfunc_end2:
_tile_overlayer_lowered:
.L_overlay_start_2:
0x149: {  	(tag) =	ssettag $0x2  }
0x14a: {  	s0 =	rddreg [dreg:$0x0];
	s2 =	stileid.u32  }
0x14b: {  	s1 =	rddreg [dreg:$0x1];
	p0 =	sne.s32 s2, $0x0  }
0x14c: {  	s3 =	rddreg [dreg:$0x2];
	[bflag:$0x3] =	sbarrier.arrive $0xFFFF;
	s2 =	simm.s32 @!p0 $0x1C0B  }
0x14d: {  	[timem:s3], [sflag:s2] =	dma.local @!p0 [hbm:s0], s1  }
0x14e: {  	s0 =	simm.s32 @!p0 $0xB  }
0x14f: {  	_ =	swait.ge @!p0 [sflag:s0], s1  }
0x150: {  	s1 =	ssub.s32 @!p0 $0x0, s1;
	[sflag:s0] =	ssyncset.done @!p0 $0x0  }
0x151: {  	[sflag:s0] =	ssyncadd.s32 @!p0 s1  }
0x152: {  	[bflag:$0x3] =	sbarrier.arrive $0xFFFF  }
0x153: {  	_ =	shalt  }

// kernel: kernel.9.cloned.1.call-start
scs
__scs_entry_jumppad:
0x0: {  	(pc) =	sbr.rel $0x88, $3  }
0x1: {  	(tag) =	ssettag $0x0;
	lr =	simm.s32 $0x1  }
0x2: {  	[smem:$0x3F96] =	sst lr;
	_ =	strace $0xD0000000  }
0x3: {  	_ = 	snop  }
0x4: {  	_ = 	snop  }
0x5: {  	_ = 	snop  }
0x6: {  	_ = 	snop  }
0x7: {  	_ = 	snop  }
__scs_overlays_trampoline_lowered:
0x8: {  	[smem:$0x3FA5] =	sst s0  }
0x9: {  	[smem:$0x3FA6] =	sst s1  }
0xa: {  	[smem:$0x3FA7] =	sst s2  }
0xb: {  	[smem:$0x3FA8] =	sst s3  }
0xc: {  	[smem:$0x3FA9] =	sst s4  }
0xd: {  	[smem:$0x3FAA] =	sst s5  }
0xe: {  	[smem:$0x3FAB] =	sst s6  }
0xf: {  	[smem:$0x3FAC] =	sst s7  }
0x10: {  	[smem:$0x3FAD] =	sst s8  }
0x11: {  	[smem:$0x3FAE] =	sst s9;
	s0 =	simm.s32 @!p0 $0x0  }
0x12: {  	s1 =	sld [smem:$0x3F94];
	s0 =	simm.s32 @p0 $0x1  }
0x13: {  	[smem:$0x3FAF] =	sst s0;
	s0 =	simm.s32 @!p1 $0x0  }
0x14: {  	s2 =	sld [smem:$0x3F93];
	s0 =	simm.s32 @p1 $0x1  }
0x15: {  	[smem:$0x3FB0] =	sst s0;
	s0 =	simm.s32 @!p2 $0x0  }
0x16: {  	s3 =	sld [smem:$0x3FDB];
	s0 =	simm.s32 @p2 $0x1  }
0x17: {  	s4 =	simm.s32 $0x1BF5;
	[smem:$0x3FB2] =	sst s0  }
0x18: {  	s0 =	sld [smem:$0x3F95];
	_ =	swait.ge [sflag:s4], $0x0  }
0x19: {  	s7 =	sld [smem:$0x3F96]  }
0x1a: {  	s8 =	sadd.s32 $0xFFFFE003, lr  }
0x1b: {  	s9 =	sadd.s32 $0xFFFFFEF7, lr;
	s5 =	simm.s32 $0xFFFFFFFF;
	p2 =	slt.u32 s8, $0xFFFFF086  }
0x1c: {  	p1 =	slt.u32 s9, $0xF7A;
	s5 =	simm.s32 @!p2 $0x0  }
0x1d: {  	s5 =	simm.s32 @p1 $0x1;
	p0 =	seq.s32 s7, s2  }
0x1e: {  	s7 =	smul.u32 @!p0 $0xF7A, s2;
	p2 =	seq.s32 @!p0 s5, $0x0  }
0x1f: {  	s9 =	smul.u32 $0xF7A, s1;
	s8 =	simm.s32 @!p0 $0x1BF5;
	p2 =	por !p2, p0  }
0x20: {  	[sflag:s8] =	ssyncset.s32 @!p0 $0xFFFFF086;
	s6 =	sadd.s32 @!p0 s3, s7;
	s7 =	simm.s32 @!p0 $0x108  }
0x21: {  	s3 =	sadd.s32 s3, s9;
	s6 =	sadd.s32 @!p0 $0x88, s6;
	s7 =	simm.s32 @p2 $0x1082  }
0x22: {  	[simem:s7], [sflag:s8] =	dma.local @!p0 [hbm:s6], $0xF7A  }
0x23: {  	s9 =	sor.u32 $0xD0000000, s2;
	s6 =	simm.s32 $0x108;
	_ =	swait.ge @!p0 [sflag:s8], $0x0  }
0x24: {  	s3 =	sadd.s32 $0x88, s3;
	s6 =	simm.s32 @!p1 $0x1082;
	[sflag:s4] =	ssyncset.s32 $0xFFFFF086  }
0x25: {  	[simem:s6], [sflag:s4] =	dma.local [hbm:s3], $0xF7A  }
0x26: {  	[smem:$0x3F96] =	sst s1;
	(tag) =	ssettag s2;
	_ =	strace s9  }
0x27: {  	s1 =	sld [smem:$0x3FA6]  }
0x28: {  	s2 =	sld [smem:$0x3FA7]  }
0x29: {  	s4 =	sld [smem:$0x3FA9]  }
0x2a: {  	p0 =	seq.s32 s5, $0x0;
	s5 =	sld [smem:$0x3FAA]  }
0x2b: {  	s6 =	sld [smem:$0x3FAB]  }
0x2c: {  	s7 =	sld [smem:$0x3FAC]  }
0x2d: {  	s3 =	simm.s32 $0x108;
	s8 =	sld [smem:$0x3FAD]  }
0x2e: {  	s3 =	simm.s32 @!p0 $0x1082;
	s9 =	sld [smem:$0x3FAE]  }
0x2f: {  	lr =	sadd.s32 s0, s3;
	s0 =	sld [smem:$0x3FA5]  }
0x30: {  	s3 =	sld [smem:$0x3FA8]  }
0x31: {  	[smem:$0x3FB1] =	sst s10  }
0x32: {  	s10 =	sld [smem:$0x3FAF];
	_ =	sdelay $0x3  }
0x33: {  	p0 =	seq.s32 s10, $0x1;
	s10 =	sld [smem:$0x3FB1];
	_ =	sdelay $0x3  }
0x34: {  	[smem:$0x3FB1] =	sst s10  }
0x35: {  	s10 =	sld [smem:$0x3FB0];
	_ =	sdelay $0x3  }
0x36: {  	p1 =	seq.s32 s10, $0x1;
	s10 =	sld [smem:$0x3FB1];
	_ =	sdelay $0x3  }
0x37: {  	[smem:$0x3FB1] =	sst s10  }
0x38: {  	s10 =	sld [smem:$0x3FB2]  }
0x39: {  	_ = 	snop;
	(pc) =	sbr.ind lr, $3  }
0x3a: {  	_ = 	snop  }
0x3b: {  	_ = 	snop  }
0x3c: {  	p2 =	seq.s32 s10, $0x1;
	s10 =	sld [smem:$0x3FB1]  }
0x3d: {  	_ =	shalt  }
0x3e: {  	_ =	shalt  }
0x3f: {  	_ =	shalt  }
0x40: {  	_ =	shalt  }
0x41: {  	_ =	shalt  }
0x42: {  	_ =	shalt  }
0x43: {  	_ =	shalt  }
0x44: {  	_ =	shalt  }
0x45: {  	_ =	shalt  }
0x46: {  	_ =	shalt  }
0x47: {  	_ =	shalt  }
0x48: {  	_ =	shalt  }
0x49: {  	_ =	shalt  }
0x4a: {  	_ =	shalt  }
0x4b: {  	_ =	shalt  }
0x4c: {  	_ =	shalt  }
0x4d: {  	_ =	shalt  }
0x4e: {  	_ =	shalt  }
0x4f: {  	_ =	shalt  }
0x50: {  	_ =	shalt  }
0x51: {  	_ =	shalt  }
0x52: {  	_ =	shalt  }
0x53: {  	_ =	shalt  }
0x54: {  	_ =	shalt  }
0x55: {  	_ =	shalt  }
0x56: {  	_ =	shalt  }
0x57: {  	_ =	shalt  }
0x58: {  	_ =	shalt  }
0x59: {  	_ =	shalt  }
0x5a: {  	_ =	shalt  }
0x5b: {  	_ =	shalt  }
0x5c: {  	_ =	shalt  }
0x5d: {  	_ =	shalt  }
0x5e: {  	_ =	shalt  }
0x5f: {  	_ =	shalt  }
0x60: {  	_ =	shalt  }
0x61: {  	_ =	shalt  }
0x62: {  	_ =	shalt  }
0x63: {  	_ =	shalt  }
0x64: {  	_ =	shalt  }
0x65: {  	_ =	shalt  }
0x66: {  	_ =	shalt  }
0x67: {  	_ =	shalt  }
0x68: {  	_ =	shalt  }
0x69: {  	_ =	shalt  }
0x6a: {  	_ =	shalt  }
0x6b: {  	_ =	shalt  }
0x6c: {  	_ =	shalt  }
0x6d: {  	_ =	shalt  }
0x6e: {  	_ =	shalt  }
0x6f: {  	_ =	shalt  }
0x70: {  	_ =	shalt  }
0x71: {  	_ =	shalt  }
0x72: {  	_ =	shalt  }
0x73: {  	_ =	shalt  }
0x74: {  	_ =	shalt  }
0x75: {  	_ =	shalt  }
0x76: {  	_ =	shalt  }
0x77: {  	_ =	shalt  }
0x78: {  	_ =	shalt  }
0x79: {  	_ =	shalt  }
0x7a: {  	_ =	shalt  }
0x7b: {  	_ =	shalt  }
0x7c: {  	_ =	shalt  }
0x7d: {  	_ =	shalt  }
0x7e: {  	_ =	shalt  }
0x7f: {  	_ =	shalt  }
0x80: {  	_ =	shalt  }
0x81: {  	_ =	shalt  }
0x82: {  	_ =	shalt  }
0x83: {  	_ =	shalt  }
0x84: {  	_ =	shalt  }
0x85: {  	_ =	shalt  }
0x86: {  	_ =	shalt  }
0x87: {  	_ =	shalt  }
.Lfunc_end0:
.L_simem_size_0:
called_computation_lowered:
.L_overlay_start_0:
0x88: {  	s2 =	sld [smem:$0x3FD9]  }
0x89: {  	s3 =	sld [smem:$0x3FFE];
	_ =	sdelay $0x1  }
0x8a: {  	s1 =	srdreg.scid  }
0x8b: {  	s0 =	sand.u32 $0x1, s1  }
0x8c: {  	s17 =	sshll.u32 s0, $0xA;
	s2 =	sadd.s32 s3, s2  }
0x8d: {  	s2 =	sadd.s32 s2, s17  }
0x8e: {  	[smem:$0x3FBD] =	sst s2  }
0x8f: {  	_ = 	snop  }
0x90: {  	s2 =	sld [smem:$0x3FD0];
	(tm) =	ssettm $0x1  }
0x91: {  	s18 =	sld [smem:$0x3FFB];
	_ =	sdelay $0x3  }
0x92: {  	_ =	strace s18  }
0x93: {  	s3 =	sld [smem:$0x3FFC];
	_ =	sdelay $0x3  }
0x94: {  	_ =	strace s3  }
0x95: {  	s3 =	sld [smem:$0x3FFD];
	_ =	sdelay $0x3  }
0x96: {  	_ =	strace s3  }
0x97: {  	_ =	strace $0x8FFFFFFF  }
0x98: {  	s19 =	sld [smem:$0x3FDB];
	_ =	sdelay $0x1  }
0x99: {  	s4 =	simm.s32 $_scs_section_size  }
0x9a: {  	s5 =	simm.s32 $_size__tile_overlayer_lowered;
	s6 =	simm.s32 $_tile_overlayer_lowered  }
0x9b: {  	s22 =	simm.s32 $0x1BFF;
	s21 =	sshll.u32 s6, $0x1;
	s3 =	sadd.s32 s4, s19  }
0x9c: {  	s7 =	simm.s32 $0x0;
	s20 =	sshll.u32 s5, $0x1;
	s5 =	sadd.s32 s21, s3  }
0x9d: {  	[timem:s7], [sflag:s22] =	dma.local [hbm:s5], s20  }
0x9e: {  	_ =	swait.ge [sflag:s22], s20  }
0x9f: {  	s4 =	ssub.s32 $0x0, s20;
	[sflag:s22] =	ssyncset.done $0x0  }
0xa0: {  	[sflag:s22] =	ssyncadd.s32 s4;
	_ =	sdelay $0x1  }
0xa1: {  	s23 =	simm.s32 $0x1B8B  }
0xa2: {  	_ =	swait.ge [sflag:s23], $0x1  }
0xa3: {  	[sflag:s23] =	ssyncset.done $0x0  }
0xa4: {  	s25 =	simm.s32 $0x1B8E;
	s24 =	sld [smem:$0x3FFE];
	[sflag:s23] =	ssyncadd.s32 $0xFFFFFFFF  }
0xa5: {  	s26 =	simm.s32 $execute0_lowered;
	[smem:$0x3FD2] =	sst s25  }
0xa6: {  	s5 =	sshll.u32 s26, $0x1;
	_ =	strace $0x80000046;
	[dreg:$0x1] =	wrdreg $0xFFFFFFFF  }
0xa7: {  	s28 =	simm.s32 $_size_execute0_lowered;
	s3 =	sadd.s32 s3, s5;
	[dreg:$0x0] =	wrdreg $0x0  }
0xa8: {  	s5 =	sshll.u32 s28, $0x1;
	[dreg:$0x2] =	wrdreg s3  }
0xa9: {  	[dreg:$0x3] =	wrdreg s5  }
0xaa: {  	[dreg:$0x4] =	wrdreg $0xC0  }
0xab: {  	_ =	task [dreg:s7], $0x5FFFF  }
0xac: {  	[dreg:$0x1] =	wrdreg $0xFFFFFFFF  }
0xad: {  	[dreg:$0x0] =	wrdreg $0x60  }
0xae: {  	[dreg:$0x2] =	wrdreg s24  }
0xaf: {  	[dreg:$0x3] =	wrdreg s2  }
0xb0: {  	[dreg:$0x4] =	wrdreg $0xC4000  }
0xb1: {  	[dreg:$0x5] =	wrdreg $0x9  }
0xb2: {  	_ =	task.clear_ibuf [dreg:s7], $0x6FFFF;
	_ =	strace $0x90000046  }
0xb3: {  	s29 =	simm.s32 $0x9;
	_ =	strace $0x80000048  }
0xb4: {  	_ =	swait.ge [sflag:s29], $0x1  }
0xb5: {  	[sflag:s29] =	ssyncadd.s32 $0xFFFFFFFF  }
0xb6: {  	_ =	strace $0x90000048  }
0xb7: {  	_ =	sfence  }
0xb8: {  	s30 =	sld [smem:$0x0];
	_ =	sdelay $0x2  }
0xb9: {  	s31 =	sshll.u32 s1, $0xD;
	s1 =	sshrl.u32 s1, $0x2  }
0xba: {  	s3 =	sand.u32 $0x4000, s31;
	s1 =	sadd.s32 s1, s30  }
0xbb: {  	s0 =	sor.u32 s3, s0;
	s1 =	sshll.u32 s1, $0x11  }
0xbc: {  	s0 =	sor.u32 s1, s0  }
0xbd: {  	s0 =	sadd.s32 $0x8F2B, s0  }
0xbe: {  	[sflag:s0] =	ssyncadd.remote.s32 $0x1  }
0xbf: {  	_ =	sfence.sel $0xFFFF  }
0xc0: {  	[dreg:$0x0] =	wrdreg $0xFFFFFFFF;
	(pc) =	sbr.abs _section_cstart, $3  }
0xc1: {  	[dreg:$0x1] =	wrdreg $0xFFFFFFFF  }
0xc2: {  	_ =	task.clear_ibuf [dreg:s7], $0x2FFFF;
	_ =	strace $0x9FFFFFFF  }
0xc3: {  	(tm) =	ssettm $0x7FFFFFFF  }
tec
execute0_lowered:
.L_overlay_start_1:
0x0: {  	(tag) =	ssettag $0x1  }
0x1: {  	s6 =	rddreg [dreg:$0x0]  }
0x2: {  	s2 =	rddreg [dreg:$0x1]  }
0x3: {  	s3 =	rddreg [dreg:$0x2]  }
0x4: {  	s0 =	srdreg.scid;
	s1 =	rddreg [dreg:$0x3]  }
0x5: {  	s4 =	simm.s32 $0x0;
	s12 =	simm.s32 $0xC380;
	s13 =	simm.s32 $0x80  }
0x6: {  	s14 =	simm.s32 $0x1;
	s15 =	simm.s32 $0x2;
	s5 =	sand.u32 $0x1, s0  }
0x7: {  	s16 =	simm.s32 $0x3;
	s0 =	stileid.u32;
	s7 =	smul.u32 $0xC3800, s5  }
0x8: {  	s17 =	simm.s32 $0x4;
	s18 =	simm.s32 $0x5;
	s8 =	smul.u32 $0xC380, s0  }
0x9: {  	s19 =	simm.s32 $0xC300;
	[smem:$0x7FF] =	sst s4;
	s9 =	smul.u32 $0x1870, s0  }
0xa: {  	s20 =	simm.s32 $0x0;
	s10 =	smul.u32 $0x18700, s5;
	_ =	strace $0x80000047  }
0xb: {  	s29 =	ssub.s32 $0x2, s5;
	s5 =	sadd.s32 $0x33200, s6;
	s31 =	sshll.u32 s0, $0x6  }
0xc: {  	s30 =	sshrl.u32 s29, $0x1;
	s7 =	sadd.s32 s8, s7;
	s28 =	sadd.s32 s9, s10  }
0xd: {  	s10 =	ssub.s32 s29, s30;
	s11 =	sadd.s32 s9, s3;
	s7 =	sshrl.u32 s7, $0x3  }
0xe: {  	s8 =	sshrl.u32 s28, $0x3;
	s9 =	smax.u32 s10, $0x1;
	s10 =	sshrl.u32 s11, $0x3  }
0xf: {  	s11 =	simm.s32 $0x6;
	s7 =	sadd.s32 s7, s6;
	s8 =	sadd.s32 s8, s6  }
0x10: {  	s6 =	sor.u32 $0x1C06, s31;
	s7 =	sadd.s32 $0x2400, s7;
	s8 =	sadd.s32 $0x33600, s8  }
.LBB2_1:
0x11: {  	[spmem:s10], [sflag:s6] =	dma.local [hbm:s5], $0x30E  }
0x12: {  	_ =	swait.ge [sflag:s11], $0x30E  }
0x13: {  	[sflag:s11] =	ssyncset.done $0x0  }
0x14: {  	[sflag:s11] =	ssyncadd.s32 $0xFFFFFCF2  }
0x15: {  	[tilespmem:s12], [sflag:$0x6] =	stream.linear.gather [hbm4b:s2+s4], $0x80, $0x38;
	[tilespmem:$0xDC70] =	vst v63  }
0x16: {  	_ =	swait.ge [sflag:s11], $0x80  }
0x17: {  	[sflag:s11] =	ssyncset.done $0x0  }
0x18: {  	[sflag:s11] =	ssyncadd.s32 $0xFFFFFF80  }
0x19: {  	[tilespmem:s4], [sflag:$0x6] =	stream.linear.gather [hbm4b:s7+s4], $0xC380, $0x38;
	[tilespmem:$0xDC70] =	vst v63  }
0x1a: {  	_ =	swait.ge [sflag:s11], $0xC380  }
0x1b: {  	[sflag:s11] =	ssyncset.done $0x0  }
0x1c: {  	[sflag:s11] =	ssyncadd.s32 $0xFFFF3C80  }
0x1d: {  	s21 =	simm.s32 $0x0;
	[bflag:$0x0] =	sbarrier.arrive $0xFFFF  }
0x1e: {  	[spmem:s3] =	stream.indirect.scatter.add.f32 [tilespmem:s12], [sflag:$0x1], $0x1, s21, s13, $0xb8;
	[tilespmem:$0xDC70] =	vst v63  }
0x1f: {  	s28 =	simm.s32 $0x80  }
0x20: {  	[spmem:s3] =	stream.indirect.scatter.add.f32 [tilespmem:s12], [sflag:$0x2], $0x1, s28, s13, $0xb8;
	[tilespmem:$0xDC70] =	vst v63  }
0x21: {  	s29 =	simm.s32 $0x100  }
0x22: {  	[spmem:s3] =	stream.indirect.scatter.add.f32 [tilespmem:s12], [sflag:$0x3], $0x1, s29, s13, $0xb8;
	[tilespmem:$0xDC70] =	vst v63  }
0x23: {  	s30 =	simm.s32 $0x180  }
0x24: {  	[spmem:s3] =	stream.indirect.scatter.add.f32 [tilespmem:s12], [sflag:$0x4], $0x1, s30, s13, $0xb8;
	[tilespmem:$0xDC70] =	vst v63  }
0x25: {  	s31 =	simm.s32 $0x200  }
0x26: {  	[spmem:s3] =	stream.indirect.scatter.add.f32 [tilespmem:s12], [sflag:$0x5], $0x1, s31, s13, $0xb8;
	[tilespmem:$0xDC70] =	vst v63  }
0x27: {  	_ =	swait.ge [sflag:s14], $0x80  }
0x28: {  	[sflag:s14] =	ssyncset.done $0x0  }
0x29: {  	[sflag:s14] =	ssyncadd.s32 $0xFFFFFF80  }
0x2a: {  	_ =	swait.ge [sflag:s15], $0x80  }
0x2b: {  	[sflag:s15] =	ssyncset.done $0x0  }
0x2c: {  	[sflag:s15] =	ssyncadd.s32 $0xFFFFFF80  }
0x2d: {  	_ =	swait.ge [sflag:s16], $0x80  }
0x2e: {  	[sflag:s16] =	ssyncset.done $0x0  }
0x2f: {  	[sflag:s16] =	ssyncadd.s32 $0xFFFFFF80  }
0x30: {  	_ =	swait.ge [sflag:s17], $0x80  }
0x31: {  	[sflag:s17] =	ssyncset.done $0x0  }
0x32: {  	[sflag:s17] =	ssyncadd.s32 $0xFFFFFF80  }
0x33: {  	_ =	swait.ge [sflag:s18], $0x80  }
0x34: {  	s22 =	simm.s32 $0x1400;
	s21 =	simm.s32 $0xA00;
	[sflag:s18] =	ssyncset.done $0x0  }
.LBB2_2:
0x35: {  	s23 =	sshra.s32 s21, $0x2  }
0x36: {  	[sflag:s18] =	ssyncadd.s32 $0xFFFFFF80;
	s21 =	smov.u32 s22;
	s24 =	sadd.s32 $0xA00, s22  }
0x37: {  	[spmem:s3] =	stream.indirect.scatter.add.f32 [tilespmem:s12], [sflag:$0x1], $0x1, s23, s13, $0xb8;
	[tilespmem:$0xDC70] =	vst v63  }
0x38: {  	p0 =	sne.s32 s22, $0x30200;
	s22 =	sadd.s32 $0x80, s23  }
0x39: {  	[spmem:s3] =	stream.indirect.scatter.add.f32 [tilespmem:s12], [sflag:$0x2], $0x1, s22, s13, $0xb8;
	[tilespmem:$0xDC70] =	vst v63  }
0x3a: {  	s22 =	sadd.s32 $0x100, s23  }
0x3b: {  	[spmem:s3] =	stream.indirect.scatter.add.f32 [tilespmem:s12], [sflag:$0x3], $0x1, s22, s13, $0xb8;
	[tilespmem:$0xDC70] =	vst v63  }
0x3c: {  	s22 =	sadd.s32 $0x180, s23  }
0x3d: {  	[spmem:s3] =	stream.indirect.scatter.add.f32 [tilespmem:s12], [sflag:$0x4], $0x1, s22, s13, $0xb8;
	[tilespmem:$0xDC70] =	vst v63  }
0x3e: {  	s22 =	sadd.s32 $0x200, s23  }
0x3f: {  	[spmem:s3] =	stream.indirect.scatter.add.f32 [tilespmem:s12], [sflag:$0x5], $0x1, s22, s13, $0xb8;
	[tilespmem:$0xDC70] =	vst v63  }
0x40: {  	_ =	swait.ge [sflag:s14], $0x80  }
0x41: {  	[sflag:s14] =	ssyncset.done $0x0  }
0x42: {  	[sflag:s14] =	ssyncadd.s32 $0xFFFFFF80  }
0x43: {  	_ =	swait.ge [sflag:s15], $0x80  }
0x44: {  	[sflag:s15] =	ssyncset.done $0x0  }
0x45: {  	[sflag:s15] =	ssyncadd.s32 $0xFFFFFF80  }
0x46: {  	_ =	swait.ge [sflag:s16], $0x80  }
0x47: {  	[sflag:s16] =	ssyncset.done $0x0  }
0x48: {  	[sflag:s16] =	ssyncadd.s32 $0xFFFFFF80  }
.Ltmp0:
0x49: {  	_ =	swait.ge [sflag:s17], $0x80;
	(pc) =	sbr.rel @p0 .LBB2_2-.Ltmp0, $4  }
0x4a: {  	[sflag:s17] =	ssyncset.done $0x0  }
0x4b: {  	[sflag:s17] =	ssyncadd.s32 $0xFFFFFF80  }
0x4c: {  	_ =	swait.ge [sflag:s18], $0x80  }
0x4d: {  	s22 =	smov.u32 s24;
	[sflag:s18] =	ssyncset.done $0x0  }
0x4e: {  	s21 =	sshra.s32 s21, $0x2;
	[sflag:s18] =	ssyncadd.s32 $0xFFFFFF80  }
0x4f: {  	[spmem:s3] =	stream.indirect.scatter.add.f32 [tilespmem:s12], [sflag:$0x1], $0x1, s21, s13, $0xb8;
	[tilespmem:$0xDC70] =	vst v63  }
0x50: {  	s22 =	sadd.s32 $0x80, s21  }
0x51: {  	[spmem:s3] =	stream.indirect.scatter.add.f32 [tilespmem:s12], [sflag:$0x2], $0x1, s22, s13, $0xb8;
	[tilespmem:$0xDC70] =	vst v63  }
0x52: {  	s30 =	sadd.s32 $0x100, s21  }
0x53: {  	[spmem:s3] =	stream.indirect.scatter.add.f32 [tilespmem:s12], [sflag:$0x3], $0x1, s30, s13, $0xb8;
	[tilespmem:$0xDC70] =	vst v63  }
0x54: {  	s31 =	sadd.s32 $0x180, s21  }
0x55: {  	[spmem:s3] =	stream.indirect.scatter.add.f32 [tilespmem:s12], [sflag:$0x4], $0x1, s31, s13, $0xb8;
	[tilespmem:$0xDC70] =	vst v63  }
0x56: {  	s21 =	sadd.s32 $0x200, s21  }
0x57: {  	[spmem:s3] =	stream.indirect.scatter.add.f32 [tilespmem:s12], [sflag:$0x5], $0x1, s21, s13, $0xb8;
	[tilespmem:$0xDC70] =	vst v63  }
0x58: {  	_ =	swait.ge [sflag:s14], $0x80  }
0x59: {  	[sflag:s14] =	ssyncset.done $0x0  }
0x5a: {  	[sflag:s14] =	ssyncadd.s32 $0xFFFFFF80  }
0x5b: {  	_ =	swait.ge [sflag:s15], $0x80  }
0x5c: {  	[sflag:s15] =	ssyncset.done $0x0  }
0x5d: {  	[sflag:s15] =	ssyncadd.s32 $0xFFFFFF80  }
0x5e: {  	_ =	swait.ge [sflag:s16], $0x80  }
0x5f: {  	[sflag:s16] =	ssyncset.done $0x0  }
0x60: {  	[sflag:s16] =	ssyncadd.s32 $0xFFFFFF80  }
0x61: {  	_ =	swait.ge [sflag:s17], $0x80  }
0x62: {  	[sflag:s17] =	ssyncset.done $0x0  }
0x63: {  	[sflag:s17] =	ssyncadd.s32 $0xFFFFFF80  }
0x64: {  	_ =	swait.ge [sflag:s18], $0x80  }
0x65: {  	[sflag:s18] =	ssyncset.done $0x0  }
0x66: {  	[sflag:s18] =	ssyncadd.s32 $0xFFFFFF80  }
0x67: {  	[spmem:s3] =	stream.indirect.scatter.add.f32 [tilespmem:s12], [sflag:$0x6], $0x1, s19, s13, $0xb8;
	[tilespmem:$0xDC70] =	vst v63  }
0x68: {  	_ =	swait.ge [sflag:s11], $0x80  }
0x69: {  	s20 =	sadd.s32 $0x1, s20;
	[sflag:s11] =	ssyncset.done $0x0  }
0x6a: {  	p0 =	sne.s32 s20, s9;
	[sflag:s11] =	ssyncadd.s32 $0xFFFFFF80  }
.Ltmp1:
0x6b: {  	[bflag:$0x0] =	sbarrier.arrive $0xFFFF;
	(pc) =	sbr.rel @p0 .LBB2_1-.Ltmp1, $4  }
0x6c: {  	[hbm:s8], [sflag:s6] =	dma.local [spmem:s10], $0x30E  }
0x6d: {  	_ =	swait.ge [sflag:s11], $0x30E  }
0x6e: {  	[sflag:s11] =	ssyncset.done $0x0  }
0x6f: {  	[sflag:s11] =	ssyncadd.s32 $0xFFFFFCF2  }
0x70: {  	_ =	sfence.sel $0x180000  }
0x71: {  	[bflag:$0x0] =	sbarrier.arrive $0xFFFF  }
0x72: {  	p0 =	sne.s32 s0, $0x0;
	_ =	strace $0x90000047  }
0x73: {  	s0 =	sadd.s32 @!p0 $0x100000, s1;
	[bflag:$0x2] =	sbarrier.arrive $0xFFFF  }
0x74: {  	[sflag:s0] =	ssyncadd.tile.s32 @!p0 $0x1;
	_ =	shalt  }
.Lfunc_end2:
_tile_overlayer_lowered:
.L_overlay_start_2:
0x75: {  	(tag) =	ssettag $0x2  }
0x76: {  	s0 =	rddreg [dreg:$0x0];
	s2 =	stileid.u32  }
0x77: {  	s1 =	rddreg [dreg:$0x1];
	p0 =	sne.s32 s2, $0x0  }
0x78: {  	s3 =	rddreg [dreg:$0x2];
	[bflag:$0x3] =	sbarrier.arrive $0xFFFF;
	s2 =	simm.s32 @!p0 $0x1C06  }
0x79: {  	[timem:s3], [sflag:s2] =	dma.local @!p0 [hbm:s0], s1  }
0x7a: {  	s0 =	simm.s32 @!p0 $0x6  }
0x7b: {  	_ =	swait.ge @!p0 [sflag:s0], s1  }
0x7c: {  	s1 =	ssub.s32 @!p0 $0x0, s1;
	[sflag:s0] =	ssyncset.done @!p0 $0x0  }
0x7d: {  	[sflag:s0] =	ssyncadd.s32 @!p0 s1  }
0x7e: {  	[bflag:$0x3] =	sbarrier.arrive $0xFFFF  }
0x7f: {  	_ =	shalt  }

</sc_bundles>
